<compile_context>
chip_gen: v7x
topology: tpu7x:2x2x1
jax: 0.10.2.dev20260603
libtpu: 0.0.44.dev20260713+nightly
codegen_flags: <defaults>
</compile_context>

<pallas_src>
import functools

import jax
import jax.numpy as jnp
from jax import lax
from jax.experimental import pallas as pl
from jax.experimental.pallas import tpu as pltpu
from jax.experimental.pallas import tpu_sc as plsc

N = 10000
E = 320000
D = 128
NB = 4
DU = 16
NPAD = 10000
NC, NS = 2, 16
NW = NC * NS
EPT = E // NW
C = 125
NCHUNK = EPT // C
RPT = NPAD // NS
BLK = 2000


def _sc_scatter_pass_body(tf, tu, idx4, outf, outu, idxb0, idxb1, idxb2,
                          idxb3, rf0, rf1, ru0, ru1, accf, accu,
                          semi0, semi1, semi2, semi3, semg0, semg1):
    cid = lax.axis_index("c")
    sid = lax.axis_index("s")
    wid = sid * NC + cid
    zbase = sid * RPT

    def zf(i, carry):
        for j in range(D // 16):
            rf0[i, pl.ds(j * 16, 16)] = jnp.zeros((16,), jnp.float32)
        ru0[i, pl.ds(0, 16)] = jnp.zeros((16,), jnp.float32)
        return carry

    lax.fori_loop(0, C, zf, 0)
    for k in range(RPT // C):
        pltpu.sync_copy(rf0, accf.at[pl.ds(zbase + k * C, C)])
        pltpu.sync_copy(ru0, accu.at[pl.ds(zbase + k * C, C)])
    plsc.subcore_barrier()

    idxs = (idxb0, idxb1, idxb2, idxb3)
    semi = (semi0, semi1, semi2, semi3)
    rf = (rf0, rf1)
    ru = (ru0, ru1)
    semg = (semg0, semg1)

    def idx_load(c, q):
        pltpu.async_copy(idx4.at[wid, c], idxs[q], semi[q])

    def idx_wait(c, q):
        pltpu.make_async_copy(idx4.at[wid, c], idxs[q], semi[q]).wait()

    def gather(q, b):
        pltpu.async_copy(tf.at[idxs[q].at[0]], rf[b], semg[b])
        pltpu.async_copy(tu.at[idxs[q].at[0]], ru[b], semg[b])

    def gather_wait(q, b):
        pltpu.make_async_copy(tf.at[idxs[q].at[0]], rf[b], semg[b]).wait()
        pltpu.make_async_copy(tu.at[idxs[q].at[0]], ru[b], semg[b]).wait()

    for c in range(4):
        idx_load(c, c)
    for c in range(2):
        idx_wait(c, c)
        gather(c, c)

    def body(p, carry):
        for u in range(4):
            c = 4 * p + u
            b = u % 2
            gather_wait(u, b)
            pltpu.sync_copy(rf[b], accf.at[idxs[u].at[1]], add=True)
            pltpu.sync_copy(ru[b], accu.at[idxs[u].at[1]], add=True)

            @pl.when(c + 4 < NCHUNK)
            def _():
                idx_load(c + 4, u)

            @pl.when(c + 2 < NCHUNK)
            def _():
                idx_wait(c + 2, (u + 2) % 4)
                gather((u + 2) % 4, b)
        return carry

    lax.fori_loop(0, NCHUNK // 4, body, 0)
    plsc.subcore_barrier()
    obase = cid * NPAD + zbase
    pltpu.sync_copy(accf.at[pl.ds(zbase, RPT)], outf.at[pl.ds(obase, RPT)])
    pltpu.sync_copy(accu.at[pl.ds(zbase, RPT)], outu.at[pl.ds(obase, RPT)])


@functools.cache
def _get_sc_scatter_pass():
    mesh = plsc.VectorSubcoreMesh(
        core_axis_name="c", subcore_axis_name="s",
        num_cores=NC, num_subcores=NS)
    return pl.kernel(
        _sc_scatter_pass_body,
        out_type=(jax.ShapeDtypeStruct((NC * NPAD, D), jnp.float32),
                  jax.ShapeDtypeStruct((NC * NPAD, DU), jnp.float32)),
        mesh=mesh,
        scratch_types=[
            pltpu.VMEM((2, C), jnp.int32),
            pltpu.VMEM((2, C), jnp.int32),
            pltpu.VMEM((2, C), jnp.int32),
            pltpu.VMEM((2, C), jnp.int32),
            pltpu.VMEM((C, D), jnp.float32),
            pltpu.VMEM((C, D), jnp.float32),
            pltpu.VMEM((C, DU), jnp.float32),
            pltpu.VMEM((C, DU), jnp.float32),
            pltpu.VMEM_SHARED((NPAD, D), jnp.float32),
            pltpu.VMEM_SHARED((NPAD, DU), jnp.float32),
            pltpu.SemaphoreType.DMA,
            pltpu.SemaphoreType.DMA,
            pltpu.SemaphoreType.DMA,
            pltpu.SemaphoreType.DMA,
            pltpu.SemaphoreType.DMA,
            pltpu.SemaphoreType.DMA,
        ],
        compiler_params=pltpu.CompilerParams(use_tc_tiling_on_sc=False),
    )


def _combine1_body(sf0, sf1, su0, su1, tf, tu, inv):
    cnt = su0[:, 0:1] + su1[:, 0:1]
    r = 1.0 / jnp.maximum(cnt, 1.0)
    tf[...] = (sf0[...] + sf1[...]) * r
    tu[...] = (su0[...] + su1[...]) * r
    inv[...] = r


_combine1 = pl.pallas_call(
    _combine1_body,
    grid=(NPAD // BLK,),
    in_specs=[
        pl.BlockSpec((BLK, D), lambda b: (b, 0)),
        pl.BlockSpec((BLK, D), lambda b: (NPAD // BLK + b, 0)),
        pl.BlockSpec((BLK, DU), lambda b: (b, 0)),
        pl.BlockSpec((BLK, DU), lambda b: (NPAD // BLK + b, 0)),
    ],
    out_specs=[
        pl.BlockSpec((BLK, D), lambda b: (b, 0)),
        pl.BlockSpec((BLK, DU), lambda b: (b, 0)),
        pl.BlockSpec((BLK, 1), lambda b: (b, 0)),
    ],
    out_shape=[
        jax.ShapeDtypeStruct((NPAD, D), jnp.float32),
        jax.ShapeDtypeStruct((NPAD, DU), jnp.float32),
        jax.ShapeDtypeStruct((NPAD, 1), jnp.float32),
    ],
)


def _combine2_body(sf0, sf1, su0, su1, inv, tf, tu):
    r = inv[...]
    tf[...] = (sf0[...] + sf1[...]) * r
    tu[...] = (su0[...] + su1[...]) * r


_combine2 = pl.pallas_call(
    _combine2_body,
    grid=(NPAD // BLK,),
    in_specs=[
        pl.BlockSpec((BLK, D), lambda b: (b, 0)),
        pl.BlockSpec((BLK, D), lambda b: (NPAD // BLK + b, 0)),
        pl.BlockSpec((BLK, DU), lambda b: (b, 0)),
        pl.BlockSpec((BLK, DU), lambda b: (NPAD // BLK + b, 0)),
        pl.BlockSpec((BLK, 1), lambda b: (b, 0)),
    ],
    out_specs=[
        pl.BlockSpec((BLK, D), lambda b: (b, 0)),
        pl.BlockSpec((BLK, DU), lambda b: (b, 0)),
    ],
    out_shape=[
        jax.ShapeDtypeStruct((NPAD, D), jnp.float32),
        jax.ShapeDtypeStruct((NPAD, DU), jnp.float32),
    ],
)


def _mmt(a, w):
    return lax.dot_general(a, w, (((1,), (1,)), ((), ())),
                           preferred_element_type=jnp.float32)


def _branch(zi, ui, i, bw, bb, n1w, n1b, n2w, n2b, owg):
    if i == 0:
        h = _mmt(zi, bw[i]) + bb[i]
    else:
        h = _mmt(zi, bw[i]) + ui * bb[i]
    h = _mmt(h, n1w[i]) + n1b[i]
    h = jnp.maximum(h, 0.0)
    h = _mmt(h, n2w[i]) + n2b[i]
    return _mmt(h, owg[i])


def _main01_body(x, z1, u1, bw, bb, n1w, n1b, n2w, n2b, owg, ob, o):
    acc = jnp.zeros((BLK, D), jnp.float32) + ob[...]
    acc = acc + _branch(x[...], None, 0, bw, bb, n1w, n1b, n2w, n2b, owg)
    acc = acc + _branch(z1[...], u1[:, 0:1], 1,
                        bw, bb, n1w, n1b, n2w, n2b, owg)
    o[...] = acc


def _main2_body(acc01, z2, u2, bw, bb, n1w, n1b, n2w, n2b, owg, o):
    o[...] = acc01[...] + _branch(z2[...], u2[:, 0:1], 2,
                                  bw, bb, n1w, n1b, n2w, n2b, owg)


def _main3_body(acc012, sf30, sf31, su30, su31, inv,
                bw, bb, n1w, n1b, n2w, n2b, owg, o):
    r = inv[...]
    z3 = (sf30[...] + sf31[...]) * r
    u3 = (su30[:, 0:1] + su31[:, 0:1]) * r
    o[...] = acc012[...] + _branch(z3, u3, 3,
                                   bw, bb, n1w, n1b, n2w, n2b, owg)


def _full(shape):
    nd = len(shape)
    return pl.BlockSpec(shape, lambda b, _n=nd: (0,) * _n)


_W_SPECS = [
    _full((NB, D, D)),
    _full((NB, 1, D)),
    _full((NB, D, D)),
    _full((NB, 1, D)),
    _full((NB, D, D)),
    _full((NB, 1, D)),
    _full((NB, D, D)),
]

_main01 = pl.pallas_call(
    _main01_body,
    grid=(NPAD // BLK,),
    in_specs=[
        pl.BlockSpec((BLK, D), lambda b: (b, 0)),
        pl.BlockSpec((BLK, D), lambda b: (b, 0)),
        pl.BlockSpec((BLK, DU), lambda b: (b, 0)),
    ] + _W_SPECS + [_full((1, D))],
    out_specs=pl.BlockSpec((BLK, D), lambda b: (b, 0)),
    out_shape=jax.ShapeDtypeStruct((NPAD, D), jnp.float32),
)

_main2 = pl.pallas_call(
    _main2_body,
    grid=(NPAD // BLK,),
    in_specs=[
        pl.BlockSpec((BLK, D), lambda b: (b, 0)),
        pl.BlockSpec((BLK, D), lambda b: (b, 0)),
        pl.BlockSpec((BLK, DU), lambda b: (b, 0)),
    ] + _W_SPECS,
    out_specs=pl.BlockSpec((BLK, D), lambda b: (b, 0)),
    out_shape=jax.ShapeDtypeStruct((NPAD, D), jnp.float32),
)

_main3 = pl.pallas_call(
    _main3_body,
    grid=(NPAD // BLK,),
    in_specs=[
        pl.BlockSpec((BLK, D), lambda b: (b, 0)),
        pl.BlockSpec((BLK, D), lambda b: (b, 0)),
        pl.BlockSpec((BLK, D), lambda b: (NPAD // BLK + b, 0)),
        pl.BlockSpec((BLK, DU), lambda b: (b, 0)),
        pl.BlockSpec((BLK, DU), lambda b: (NPAD // BLK + b, 0)),
        pl.BlockSpec((BLK, 1), lambda b: (b, 0)),
    ] + _W_SPECS,
    out_specs=pl.BlockSpec((BLK, D), lambda b: (b, 0)),
    out_shape=jax.ShapeDtypeStruct((NPAD, D), jnp.float32),
)


def kernel(x, edge_index, branch_W, branch_b, nl1_W, nl1_b, nl2_W, nl2_b,
           gates, temperature, out_W, out_b):
    idx4 = edge_index.reshape(2, NW, NCHUNK, C).transpose(1, 2, 0, 3)
    g = jax.nn.softmax(gates / temperature)

    tu1 = jnp.zeros((NPAD, DU), jnp.float32).at[:, 0].set(1.0)

    sc_pass = _get_sc_scatter_pass()
    sf1, su1 = sc_pass(x, tu1, idx4)
    z1, uu1, inv = _combine1(sf1, sf1, su1, su1)
    sf2, su2 = sc_pass(z1, uu1, idx4)
    z2, uu2 = _combine2(sf2, sf2, su2, su2, inv)
    sf3, su3 = sc_pass(z2, uu2, idx4)

    owg = (out_W.reshape(D, NB, D).transpose(1, 0, 2)
           * g[:, None, None]).astype(jnp.float32)
    wargs = (branch_W, branch_b.reshape(NB, 1, D),
             nl1_W, nl1_b.reshape(NB, 1, D),
             nl2_W, nl2_b.reshape(NB, 1, D), owg)
    acc01 = _main01(x, z1, uu1, *wargs, out_b.reshape(1, D))
    acc012 = _main2(acc01, z2, uu2, *wargs)
    out = _main3(acc012, sf3, sf3, su3, su3, inv, *wargs)
    return out

# --- scband reference (transcript-rebuilt; emitter-appended) ---
"""Pipeline reference for scband-dmcu-dae-35347580846308 (READ-ONLY COPY).

The authoritative reference and input builder live on the scoring server;
editing this copy changes nothing except your own understanding.
"""

import jax, jax.numpy as jnp
import numpy as np

N = 10000
E = 320000
DIN = 128
DOUT = 128
NB = 4


def setup_inputs(seed: int = 0) -> dict:
    key = jax.random.key(seed)
    ks = jax.random.split(key, 14)
    x = jax.random.normal(ks[0], (N, DIN), dtype=jnp.float32)
    edge_index = jax.random.randint(ks[1], (2, E), 0, N, dtype=jnp.int32)
    branch_W = jax.random.normal(ks[2], (NB, DOUT, DIN), dtype=jnp.float32) * 0.05
    branch_b = jax.random.normal(ks[3], (NB, DOUT), dtype=jnp.float32) * 0.05
    nl1_W = jax.random.normal(ks[4], (NB, DOUT, DOUT), dtype=jnp.float32) * 0.05
    nl1_b = jax.random.normal(ks[5], (NB, DOUT), dtype=jnp.float32) * 0.05
    nl2_W = jax.random.normal(ks[6], (NB, DOUT, DOUT), dtype=jnp.float32) * 0.05
    nl2_b = jax.random.normal(ks[7], (NB, DOUT), dtype=jnp.float32) * 0.05
    gates = jnp.ones((NB,), dtype=jnp.float32)
    temperature = jnp.array(1.0, dtype=jnp.float32)
    out_W = jax.random.normal(ks[8], (DOUT, DOUT * NB), dtype=jnp.float32) * 0.05
    out_b = jax.random.normal(ks[9], (DOUT,), dtype=jnp.float32) * 0.05
    return {"x": x, "edge_index": edge_index, "branch_W": branch_W,
            "branch_b": branch_b, "nl1_W": nl1_W, "nl1_b": nl1_b,
            "nl2_W": nl2_W, "nl2_b": nl2_b, "gates": gates,
            "temperature": temperature, "out_W": out_W, "out_b": out_b}


def _scatter_mean(h, row, col, n):
    s = jax.ops.segment_sum(h[row], col, num_segments=n)
    cnt = jax.ops.segment_sum(jnp.ones((row.shape[0],), h.dtype), col, num_segments=n)
    return s / jnp.maximum(cnt, 1.0)[:, None]


def reference(x, edge_index, branch_W, branch_b, nl1_W, nl1_b, nl2_W, nl2_b,
              gates, temperature, out_W, out_b):
    row = edge_index[0]
    col = edge_index[1]
    g = jax.nn.softmax(gates / temperature, axis=0)
    branch_outputs = []
    for i in range(NB):
        h = x @ branch_W[i].T + branch_b[i]
        scale = i % 4
        for _ in range(scale):
            h = _scatter_mean(h, row, col, x.shape[0])
        h = h @ nl1_W[i].T + nl1_b[i]
        h = jax.nn.relu(h)
        h = h @ nl2_W[i].T + nl2_b[i]
        h = h * g[i]
        branch_outputs.append(h)
    concat_output = jnp.concatenate(branch_outputs, axis=1)
    output = concat_output @ out_W.T + out_b
    return output

if __name__ == "__main__":
    import jax
    _d = setup_inputs()
    print(jax.jit(kernel)(*tuple(_d.values())))

</pallas_src>

<mosaic_0001>
#map = affine_map<(d0, d1) -> (0, 0)>
#map1 = affine_map<(d0, d1) -> (0, 0, 0, 0)>
module attributes {stable_mosaic.version = 14 : i64} {
  func.func @_sc_scatter_pass_body(%arg0: i32, %arg1: i32, %arg2: memref<10000x128xf32, #tpu.memory_space<hbm>>, %arg3: memref<10000x16xf32, #tpu.memory_space<hbm>>, %arg4: memref<32x80x2x125xi32, #tpu.memory_space<hbm>>, %arg5: memref<20000x128xf32, #tpu.memory_space<hbm>>, %arg6: memref<20000x16xf32, #tpu.memory_space<hbm>>, %arg7: memref<2x125xi32, #tpu.memory_space<vmem>>, %arg8: memref<2x125xi32, #tpu.memory_space<vmem>>, %arg9: memref<2x125xi32, #tpu.memory_space<vmem>>, %arg10: memref<2x125xi32, #tpu.memory_space<vmem>>, %arg11: memref<125x128xf32, #tpu.memory_space<vmem>>, %arg12: memref<125x128xf32, #tpu.memory_space<vmem>>, %arg13: memref<125x16xf32, #tpu.memory_space<vmem>>, %arg14: memref<125x16xf32, #tpu.memory_space<vmem>>, %arg15: memref<10000x128xf32, #tpu.memory_space<vmem_shared>>, %arg16: memref<10000x16xf32, #tpu.memory_space<vmem_shared>>, %arg17: memref<!tpu.dma_semaphore, #tpu.memory_space<semaphore_mem>>, %arg18: memref<!tpu.dma_semaphore, #tpu.memory_space<semaphore_mem>>, %arg19: memref<!tpu.dma_semaphore, #tpu.memory_space<semaphore_mem>>, %arg20: memref<!tpu.dma_semaphore, #tpu.memory_space<semaphore_mem>>, %arg21: memref<!tpu.dma_semaphore, #tpu.memory_space<semaphore_mem>>, %arg22: memref<!tpu.dma_semaphore, #tpu.memory_space<semaphore_mem>>) attributes {dimension_semantics = [#tpu.dimension_semantics<core_parallel>, #tpu.dimension_semantics<subcore_parallel>], iteration_bounds = array<i64: 2, 16>, scalar_prefetch = 0 : i64, scratch_operands = 16 : i64, tpu.core_type = #tpu.core_type<sc_vector_subcore>, window_params = [{transform_indices = #map}, {transform_indices = #map}, {transform_indices = #map1}, {transform_indices = #map}, {transform_indices = #map}]} {
    %mul3A = arith.constant 2 : i32
    %mul3A_0 = arith.muli %arg1, %mul3A : i32
    %add3A = arith.addi %mul3A_0, %arg0 : i32
    %mul3A_1 = arith.constant 625 : i32
    %mul3A_2 = arith.muli %arg1, %mul3A_1 : i32
    %scan3A = arith.constant 0 : i32
    %scan3A_3 = arith.constant 0 : i32
    %scan3A_4 = arith.constant 125 : i32
    %scan3A_5 = arith.addi %scan3A_3, %scan3A_4 : i32
    %scan3A_6 = arith.constant 1 : i32
    scf.for %scan3A_118 = %scan3A_3 to %scan3A_5 step %scan3A_6  : i32 {
      %broadcast_in_dim3A = arith.constant 0.000000e+00 : f32
      %broadcast_in_dim3A_119 = vector.broadcast %broadcast_in_dim3A : f32 to vector<16xf32>
      %swap3A = arith.index_cast %scan3A_118 : i32 to index
      %swap3A_120 = arith.constant 0 : index
      %swap3A_121 = tpu.vector_load %arg11[%swap3A, %swap3A_120] {strides = array<i32>} : memref<125x128xf32, #tpu.memory_space<vmem>>, vector<1x16xf32>,
      %swap3A_122 = vector.shape_cast %swap3A_121 : vector<1x16xf32> to vector<16xf32>
      %swap3A_123 = vector.shape_cast %broadcast_in_dim3A_119 : vector<16xf32> to vector<1x16xf32>
      tpu.vector_store %arg11[%swap3A, %swap3A_120], %swap3A_123 {strides = array<i32>} : memref<125x128xf32, #tpu.memory_space<vmem>>, vector<1x16xf32>,
      %broadcast_in_dim3A_124 = arith.constant 0.000000e+00 : f32
      %broadcast_in_dim3A_125 = vector.broadcast %broadcast_in_dim3A_124 : f32 to vector<16xf32>
      %swap3A_126 = arith.index_cast %scan3A_118 : i32 to index
      %swap3A_127 = arith.constant 16 : index
      %swap3A_128 = tpu.vector_load %arg11[%swap3A_126, %swap3A_127] {strides = array<i32>} : memref<125x128xf32, #tpu.memory_space<vmem>>, vector<1x16xf32>,
      %swap3A_129 = vector.shape_cast %swap3A_128 : vector<1x16xf32> to vector<16xf32>
      %swap3A_130 = vector.shape_cast %broadcast_in_dim3A_125 : vector<16xf32> to vector<1x16xf32>
      tpu.vector_store %arg11[%swap3A_126, %swap3A_127], %swap3A_130 {strides = array<i32>} : memref<125x128xf32, #tpu.memory_space<vmem>>, vector<1x16xf32>,
      %broadcast_in_dim3A_131 = arith.constant 0.000000e+00 : f32
      %broadcast_in_dim3A_132 = vector.broadcast %broadcast_in_dim3A_131 : f32 to vector<16xf32>
      %swap3A_133 = arith.index_cast %scan3A_118 : i32 to index
      %swap3A_134 = arith.constant 32 : index
      %swap3A_135 = tpu.vector_load %arg11[%swap3A_133, %swap3A_134] {strides = array<i32>} : memref<125x128xf32, #tpu.memory_space<vmem>>, vector<1x16xf32>,
      %swap3A_136 = vector.shape_cast %swap3A_135 : vector<1x16xf32> to vector<16xf32>
      %swap3A_137 = vector.shape_cast %broadcast_in_dim3A_132 : vector<16xf32> to vector<1x16xf32>
      tpu.vector_store %arg11[%swap3A_133, %swap3A_134], %swap3A_137 {strides = array<i32>} : memref<125x128xf32, #tpu.memory_space<vmem>>, vector<1x16xf32>,
      %broadcast_in_dim3A_138 = arith.constant 0.000000e+00 : f32
      %broadcast_in_dim3A_139 = vector.broadcast %broadcast_in_dim3A_138 : f32 to vector<16xf32>
      %swap3A_140 = arith.index_cast %scan3A_118 : i32 to index
      %swap3A_141 = arith.constant 48 : index
      %swap3A_142 = tpu.vector_load %arg11[%swap3A_140, %swap3A_141] {strides = array<i32>} : memref<125x128xf32, #tpu.memory_space<vmem>>, vector<1x16xf32>,
      %swap3A_143 = vector.shape_cast %swap3A_142 : vector<1x16xf32> to vector<16xf32>
      %swap3A_144 = vector.shape_cast %broadcast_in_dim3A_139 : vector<16xf32> to vector<1x16xf32>
      tpu.vector_store %arg11[%swap3A_140, %swap3A_141], %swap3A_144 {strides = array<i32>} : memref<125x128xf32, #tpu.memory_space<vmem>>, vector<1x16xf32>,
      %broadcast_in_dim3A_145 = arith.constant 0.000000e+00 : f32
      %broadcast_in_dim3A_146 = vector.broadcast %broadcast_in_dim3A_145 : f32 to vector<16xf32>
      %swap3A_147 = arith.index_cast %scan3A_118 : i32 to index
      %swap3A_148 = arith.constant 64 : index
      %swap3A_149 = tpu.vector_load %arg11[%swap3A_147, %swap3A_148] {strides = array<i32>} : memref<125x128xf32, #tpu.memory_space<vmem>>, vector<1x16xf32>,
      %swap3A_150 = vector.shape_cast %swap3A_149 : vector<1x16xf32> to vector<16xf32>
      %swap3A_151 = vector.shape_cast %broadcast_in_dim3A_146 : vector<16xf32> to vector<1x16xf32>
      tpu.vector_store %arg11[%swap3A_147, %swap3A_148], %swap3A_151 {strides = array<i32>} : memref<125x128xf32, #tpu.memory_space<vmem>>, vector<1x16xf32>,
      %broadcast_in_dim3A_152 = arith.constant 0.000000e+00 : f32
      %broadcast_in_dim3A_153 = vector.broadcast %broadcast_in_dim3A_152 : f32 to vector<16xf32>
      %swap3A_154 = arith.index_cast %scan3A_118 : i32 to index
      %swap3A_155 = arith.constant 80 : index
      %swap3A_156 = tpu.vector_load %arg11[%swap3A_154, %swap3A_155] {strides = array<i32>} : memref<125x128xf32, #tpu.memory_space<vmem>>, vector<1x16xf32>,
      %swap3A_157 = vector.shape_cast %swap3A_156 : vector<1x16xf32> to vector<16xf32>
      %swap3A_158 = vector.shape_cast %broadcast_in_dim3A_153 : vector<16xf32> to vector<1x16xf32>
      tpu.vector_store %arg11[%swap3A_154, %swap3A_155], %swap3A_158 {strides = array<i32>} : memref<125x128xf32, #tpu.memory_space<vmem>>, vector<1x16xf32>,
      %broadcast_in_dim3A_159 = arith.constant 0.000000e+00 : f32
      %broadcast_in_dim3A_160 = vector.broadcast %broadcast_in_dim3A_159 : f32 to vector<16xf32>
      %swap3A_161 = arith.index_cast %scan3A_118 : i32 to index
      %swap3A_162 = arith.constant 96 : index
      %swap3A_163 = tpu.vector_load %arg11[%swap3A_161, %swap3A_162] {strides = array<i32>} : memref<125x128xf32, #tpu.memory_space<vmem>>, vector<1x16xf32>,
      %swap3A_164 = vector.shape_cast %swap3A_163 : vector<1x16xf32> to vector<16xf32>
      %swap3A_165 = vector.shape_cast %broadcast_in_dim3A_160 : vector<16xf32> to vector<1x16xf32>
      tpu.vector_store %arg11[%swap3A_161, %swap3A_162], %swap3A_165 {strides = array<i32>} : memref<125x128xf32, #tpu.memory_space<vmem>>, vector<1x16xf32>,
      %broadcast_in_dim3A_166 = arith.constant 0.000000e+00 : f32
      %broadcast_in_dim3A_167 = vector.broadcast %broadcast_in_dim3A_166 : f32 to vector<16xf32>
      %swap3A_168 = arith.index_cast %scan3A_118 : i32 to index
      %swap3A_169 = arith.constant 112 : index
      %swap3A_170 = tpu.vector_load %arg11[%swap3A_168, %swap3A_169] {strides = array<i32>} : memref<125x128xf32, #tpu.memory_space<vmem>>, vector<1x16xf32>,
      %swap3A_171 = vector.shape_cast %swap3A_170 : vector<1x16xf32> to vector<16xf32>
      %swap3A_172 = vector.shape_cast %broadcast_in_dim3A_167 : vector<16xf32> to vector<1x16xf32>
      tpu.vector_store %arg11[%swap3A_168, %swap3A_169], %swap3A_172 {strides = array<i32>} : memref<125x128xf32, #tpu.memory_space<vmem>>, vector<1x16xf32>,
      %broadcast_in_dim3A_173 = arith.constant 0.000000e+00 : f32
      %broadcast_in_dim3A_174 = vector.broadcast %broadcast_in_dim3A_173 : f32 to vector<16xf32>
      %swap3A_175 = arith.index_cast %scan3A_118 : i32 to index
      %swap3A_176 = arith.constant 0 : index
      %swap3A_177 = tpu.vector_load %arg13[%swap3A_175, %swap3A_176] {strides = array<i32>} : memref<125x16xf32, #tpu.memory_space<vmem>>, vector<1x16xf32>,
      %swap3A_178 = vector.shape_cast %swap3A_177 : vector<1x16xf32> to vector<16xf32>
      %swap3A_179 = vector.shape_cast %broadcast_in_dim3A_174 : vector<16xf32> to vector<1x16xf32>
      tpu.vector_store %arg13[%swap3A_175, %swap3A_176], %swap3A_179 {strides = array<i32>} : memref<125x16xf32, #tpu.memory_space<vmem>>, vector<1x16xf32>,
    }
    %scan3A_7 = arith.constant 125 : i32
    %add3A_8 = arith.constant 0 : i32
    %add3A_9 = arith.addi %mul3A_2, %add3A_8 : i32
    "tpu.region"() ({
      %run_scoped3A = tpu.sem_alloc : memref<!tpu.dma_semaphore, #tpu.memory_space<semaphore_mem>>
      %dma_start3A_118 = arith.constant 0 : i32
      %dma_start3A_119 = tpu.memref_slice %arg15[%add3A_9, %dma_start3A_118] : memref<10000x128xf32, #tpu.memory_space<vmem_shared>> -> memref<125x128xf32, #tpu.memory_space<vmem_shared>>
      %dma_start3A_120 = arith.constant 0 : i32
      %dma_start3A_121 = tpu.memref_slice %arg15[%add3A_9, %dma_start3A_120] : memref<10000x128xf32, #tpu.memory_space<vmem_shared>> -> memref<125x128xf32, #tpu.memory_space<vmem_shared>>
      tpu.enqueue_dma source(%arg11 : memref<125x128xf32, #tpu.memory_space<vmem>>) target(%dma_start3A_121 : memref<125x128xf32, #tpu.memory_space<vmem_shared>>) target_semaphore(%run_scoped3A : memref<!tpu.dma_semaphore, #tpu.memory_space<semaphore_mem>>)
      %dma_wait3A_122 = arith.constant 0 : i32
      %dma_wait3A_123 = tpu.memref_slice %arg15[%add3A_9, %dma_wait3A_122] : memref<10000x128xf32, #tpu.memory_space<vmem_shared>> -> memref<125x128xf32, #tpu.memory_space<vmem_shared>>
      %dma_wait3A_124 = arith.constant 0 : i32
      %dma_wait3A_125 = tpu.memref_slice %arg15[%add3A_9, %dma_wait3A_124] : memref<10000x128xf32, #tpu.memory_space<vmem_shared>> -> memref<125x128xf32, #tpu.memory_space<vmem_shared>>
      tpu.wait_dma2 semaphore(%run_scoped3A : memref<!tpu.dma_semaphore, #tpu.memory_space<semaphore_mem>>) src(%arg11 : memref<125x128xf32, #tpu.memory_space<vmem>>) dst(%dma_wait3A_125 : memref<125x128xf32, #tpu.memory_space<vmem_shared>>)
      tpu.yield
    }) : () -> ()
    %add3A_10 = arith.constant 0 : i32
    %add3A_11 = arith.addi %mul3A_2, %add3A_10 : i32
    "tpu.region"() ({
      %run_scoped3A = tpu.sem_alloc : memref<!tpu.dma_semaphore, #tpu.memory_space<semaphore_mem>>
      %dma_start3A_118 = arith.constant 0 : i32
      %dma_start3A_119 = tpu.memref_slice %arg16[%add3A_11, %dma_start3A_118] : memref<10000x16xf32, #tpu.memory_space<vmem_shared>> -> memref<125x16xf32, #tpu.memory_space<vmem_shared>>
      %dma_start3A_120 = arith.constant 0 : i32
      %dma_start3A_121 = tpu.memref_slice %arg16[%add3A_11, %dma_start3A_120] : memref<10000x16xf32, #tpu.memory_space<vmem_shared>> -> memref<125x16xf32, #tpu.memory_space<vmem_shared>>
      tpu.enqueue_dma source(%arg13 : memref<125x16xf32, #tpu.memory_space<vmem>>) target(%dma_start3A_121 : memref<125x16xf32, #tpu.memory_space<vmem_shared>>) target_semaphore(%run_scoped3A : memref<!tpu.dma_semaphore, #tpu.memory_space<semaphore_mem>>)
      %dma_wait3A_122 = arith.constant 0 : i32
      %dma_wait3A_123 = tpu.memref_slice %arg16[%add3A_11, %dma_wait3A_122] : memref<10000x16xf32, #tpu.memory_space<vmem_shared>> -> memref<125x16xf32, #tpu.memory_space<vmem_shared>>
      %dma_wait3A_124 = arith.constant 0 : i32
      %dma_wait3A_125 = tpu.memref_slice %arg16[%add3A_11, %dma_wait3A_124] : memref<10000x16xf32, #tpu.memory_space<vmem_shared>> -> memref<125x16xf32, #tpu.memory_space<vmem_shared>>
      tpu.wait_dma2 semaphore(%run_scoped3A : memref<!tpu.dma_semaphore, #tpu.memory_space<semaphore_mem>>) src(%arg13 : memref<125x16xf32, #tpu.memory_space<vmem>>) dst(%dma_wait3A_125 : memref<125x16xf32, #tpu.memory_space<vmem_shared>>)
      tpu.yield
    }) : () -> ()
    %add3A_12 = arith.constant 125 : i32
    %add3A_13 = arith.addi %mul3A_2, %add3A_12 : i32
    "tpu.region"() ({
      %run_scoped3A = tpu.sem_alloc : memref<!tpu.dma_semaphore, #tpu.memory_space<semaphore_mem>>
      %dma_start3A_118 = arith.constant 0 : i32
      %dma_start3A_119 = tpu.memref_slice %arg15[%add3A_13, %dma_start3A_118] : memref<10000x128xf32, #tpu.memory_space<vmem_shared>> -> memref<125x128xf32, #tpu.memory_space<vmem_shared>>
      %dma_start3A_120 = arith.constant 0 : i32
      %dma_start3A_121 = tpu.memref_slice %arg15[%add3A_13, %dma_start3A_120] : memref<10000x128xf32, #tpu.memory_space<vmem_shared>> -> memref<125x128xf32, #tpu.memory_space<vmem_shared>>
      tpu.enqueue_dma source(%arg11 : memref<125x128xf32, #tpu.memory_space<vmem>>) target(%dma_start3A_121 : memref<125x128xf32, #tpu.memory_space<vmem_shared>>) target_semaphore(%run_scoped3A : memref<!tpu.dma_semaphore, #tpu.memory_space<semaphore_mem>>)
      %dma_wait3A_122 = arith.constant 0 : i32
      %dma_wait3A_123 = tpu.memref_slice %arg15[%add3A_13, %dma_wait3A_122] : memref<10000x128xf32, #tpu.memory_space<vmem_shared>> -> memref<125x128xf32, #tpu.memory_space<vmem_shared>>
      %dma_wait3A_124 = arith.constant 0 : i32
      %dma_wait3A_125 = tpu.memref_slice %arg15[%add3A_13, %dma_wait3A_124] : memref<10000x128xf32, #tpu.memory_space<vmem_shared>> -> memref<125x128xf32, #tpu.memory_space<vmem_shared>>
      tpu.wait_dma2 semaphore(%run_scoped3A : memref<!tpu.dma_semaphore, #tpu.memory_space<semaphore_mem>>) src(%arg11 : memref<125x128xf32, #tpu.memory_space<vmem>>) dst(%dma_wait3A_125 : memref<125x128xf32, #tpu.memory_space<vmem_shared>>)
      tpu.yield
    }) : () -> ()
    %add3A_14 = arith.constant 125 : i32
    %add3A_15 = arith.addi %mul3A_2, %add3A_14 : i32
    "tpu.region"() ({
      %run_scoped3A = tpu.sem_alloc : memref<!tpu.dma_semaphore, #tpu.memory_space<semaphore_mem>>
      %dma_start3A_118 = arith.constant 0 : i32
      %dma_start3A_119 = tpu.memref_slice %arg16[%add3A_15, %dma_start3A_118] : memref<10000x16xf32, #tpu.memory_space<vmem_shared>> -> memref<125x16xf32, #tpu.memory_space<vmem_shared>>
      %dma_start3A_120 = arith.constant 0 : i32
      %dma_start3A_121 = tpu.memref_slice %arg16[%add3A_15, %dma_start3A_120] : memref<10000x16xf32, #tpu.memory_space<vmem_shared>> -> memref<125x16xf32, #tpu.memory_space<vmem_shared>>
      tpu.enqueue_dma source(%arg13 : memref<125x16xf32, #tpu.memory_space<vmem>>) target(%dma_start3A_121 : memref<125x16xf32, #tpu.memory_space<vmem_shared>>) target_semaphore(%run_scoped3A : memref<!tpu.dma_semaphore, #tpu.memory_space<semaphore_mem>>)
      %dma_wait3A_122 = arith.constant 0 : i32
      %dma_wait3A_123 = tpu.memref_slice %arg16[%add3A_15, %dma_wait3A_122] : memref<10000x16xf32, #tpu.memory_space<vmem_shared>> -> memref<125x16xf32, #tpu.memory_space<vmem_shared>>
      %dma_wait3A_124 = arith.constant 0 : i32
      %dma_wait3A_125 = tpu.memref_slice %arg16[%add3A_15, %dma_wait3A_124] : memref<10000x16xf32, #tpu.memory_space<vmem_shared>> -> memref<125x16xf32, #tpu.memory_space<vmem_shared>>
      tpu.wait_dma2 semaphore(%run_scoped3A : memref<!tpu.dma_semaphore, #tpu.memory_space<semaphore_mem>>) src(%arg13 : memref<125x16xf32, #tpu.memory_space<vmem>>) dst(%dma_wait3A_125 : memref<125x16xf32, #tpu.memory_space<vmem_shared>>)
      tpu.yield
    }) : () -> ()
    %add3A_16 = arith.constant 250 : i32
    %add3A_17 = arith.addi %mul3A_2, %add3A_16 : i32
    "tpu.region"() ({
      %run_scoped3A = tpu.sem_alloc : memref<!tpu.dma_semaphore, #tpu.memory_space<semaphore_mem>>
      %dma_start3A_118 = arith.constant 0 : i32
      %dma_start3A_119 = tpu.memref_slice %arg15[%add3A_17, %dma_start3A_118] : memref<10000x128xf32, #tpu.memory_space<vmem_shared>> -> memref<125x128xf32, #tpu.memory_space<vmem_shared>>
      %dma_start3A_120 = arith.constant 0 : i32
      %dma_start3A_121 = tpu.memref_slice %arg15[%add3A_17, %dma_start3A_120] : memref<10000x128xf32, #tpu.memory_space<vmem_shared>> -> memref<125x128xf32, #tpu.memory_space<vmem_shared>>
      tpu.enqueue_dma source(%arg11 : memref<125x128xf32, #tpu.memory_space<vmem>>) target(%dma_start3A_121 : memref<125x128xf32, #tpu.memory_space<vmem_shared>>) target_semaphore(%run_scoped3A : memref<!tpu.dma_semaphore, #tpu.memory_space<semaphore_mem>>)
      %dma_wait3A_122 = arith.constant 0 : i32
      %dma_wait3A_123 = tpu.memref_slice %arg15[%add3A_17, %dma_wait3A_122] : memref<10000x128xf32, #tpu.memory_space<vmem_shared>> -> memref<125x128xf32, #tpu.memory_space<vmem_shared>>
      %dma_wait3A_124 = arith.constant 0 : i32
      %dma_wait3A_125 = tpu.memref_slice %arg15[%add3A_17, %dma_wait3A_124] : memref<10000x128xf32, #tpu.memory_space<vmem_shared>> -> memref<125x128xf32, #tpu.memory_space<vmem_shared>>
      tpu.wait_dma2 semaphore(%run_scoped3A : memref<!tpu.dma_semaphore, #tpu.memory_space<semaphore_mem>>) src(%arg11 : memref<125x128xf32, #tpu.memory_space<vmem>>) dst(%dma_wait3A_125 : memref<125x128xf32, #tpu.memory_space<vmem_shared>>)
      tpu.yield
    }) : () -> ()
    %add3A_18 = arith.constant 250 : i32
    %add3A_19 = arith.addi %mul3A_2, %add3A_18 : i32
    "tpu.region"() ({
      %run_scoped3A = tpu.sem_alloc : memref<!tpu.dma_semaphore, #tpu.memory_space<semaphore_mem>>
      %dma_start3A_118 = arith.constant 0 : i32
      %dma_start3A_119 = tpu.memref_slice %arg16[%add3A_19, %dma_start3A_118] : memref<10000x16xf32, #tpu.memory_space<vmem_shared>> -> memref<125x16xf32, #tpu.memory_space<vmem_shared>>
      %dma_start3A_120 = arith.constant 0 : i32
      %dma_start3A_121 = tpu.memref_slice %arg16[%add3A_19, %dma_start3A_120] : memref<10000x16xf32, #tpu.memory_space<vmem_shared>> -> memref<125x16xf32, #tpu.memory_space<vmem_shared>>
      tpu.enqueue_dma source(%arg13 : memref<125x16xf32, #tpu.memory_space<vmem>>) target(%dma_start3A_121 : memref<125x16xf32, #tpu.memory_space<vmem_shared>>) target_semaphore(%run_scoped3A : memref<!tpu.dma_semaphore, #tpu.memory_space<semaphore_mem>>)
      %dma_wait3A_122 = arith.constant 0 : i32
      %dma_wait3A_123 = tpu.memref_slice %arg16[%add3A_19, %dma_wait3A_122] : memref<10000x16xf32, #tpu.memory_space<vmem_shared>> -> memref<125x16xf32, #tpu.memory_space<vmem_shared>>
      %dma_wait3A_124 = arith.constant 0 : i32
      %dma_wait3A_125 = tpu.memref_slice %arg16[%add3A_19, %dma_wait3A_124] : memref<10000x16xf32, #tpu.memory_space<vmem_shared>> -> memref<125x16xf32, #tpu.memory_space<vmem_shared>>
      tpu.wait_dma2 semaphore(%run_scoped3A : memref<!tpu.dma_semaphore, #tpu.memory_space<semaphore_mem>>) src(%arg13 : memref<125x16xf32, #tpu.memory_space<vmem>>) dst(%dma_wait3A_125 : memref<125x16xf32, #tpu.memory_space<vmem_shared>>)
      tpu.yield
    }) : () -> ()
    %add3A_20 = arith.constant 375 : i32
    %add3A_21 = arith.addi %mul3A_2, %add3A_20 : i32
    "tpu.region"() ({
      %run_scoped3A = tpu.sem_alloc : memref<!tpu.dma_semaphore, #tpu.memory_space<semaphore_mem>>
      %dma_start3A_118 = arith.constant 0 : i32
      %dma_start3A_119 = tpu.memref_slice %arg15[%add3A_21, %dma_start3A_118] : memref<10000x128xf32, #tpu.memory_space<vmem_shared>> -> memref<125x128xf32, #tpu.memory_space<vmem_shared>>
      %dma_start3A_120 = arith.constant 0 : i32
      %dma_start3A_121 = tpu.memref_slice %arg15[%add3A_21, %dma_start3A_120] : memref<10000x128xf32, #tpu.memory_space<vmem_shared>> -> memref<125x128xf32, #tpu.memory_space<vmem_shared>>
      tpu.enqueue_dma source(%arg11 : memref<125x128xf32, #tpu.memory_space<vmem>>) target(%dma_start3A_121 : memref<125x128xf32, #tpu.memory_space<vmem_shared>>) target_semaphore(%run_scoped3A : memref<!tpu.dma_semaphore, #tpu.memory_space<semaphore_mem>>)
      %dma_wait3A_122 = arith.constant 0 : i32
      %dma_wait3A_123 = tpu.memref_slice %arg15[%add3A_21, %dma_wait3A_122] : memref<10000x128xf32, #tpu.memory_space<vmem_shared>> -> memref<125x128xf32, #tpu.memory_space<vmem_shared>>
      %dma_wait3A_124 = arith.constant 0 : i32
      %dma_wait3A_125 = tpu.memref_slice %arg15[%add3A_21, %dma_wait3A_124] : memref<10000x128xf32, #tpu.memory_space<vmem_shared>> -> memref<125x128xf32, #tpu.memory_space<vmem_shared>>
      tpu.wait_dma2 semaphore(%run_scoped3A : memref<!tpu.dma_semaphore, #tpu.memory_space<semaphore_mem>>) src(%arg11 : memref<125x128xf32, #tpu.memory_space<vmem>>) dst(%dma_wait3A_125 : memref<125x128xf32, #tpu.memory_space<vmem_shared>>)
      tpu.yield
    }) : () -> ()
    %add3A_22 = arith.constant 375 : i32
    %add3A_23 = arith.addi %mul3A_2, %add3A_22 : i32
    "tpu.region"() ({
      %run_scoped3A = tpu.sem_alloc : memref<!tpu.dma_semaphore, #tpu.memory_space<semaphore_mem>>
      %dma_start3A_118 = arith.constant 0 : i32
      %dma_start3A_119 = tpu.memref_slice %arg16[%add3A_23, %dma_start3A_118] : memref<10000x16xf32, #tpu.memory_space<vmem_shared>> -> memref<125x16xf32, #tpu.memory_space<vmem_shared>>
      %dma_start3A_120 = arith.constant 0 : i32
      %dma_start3A_121 = tpu.memref_slice %arg16[%add3A_23, %dma_start3A_120] : memref<10000x16xf32, #tpu.memory_space<vmem_shared>> -> memref<125x16xf32, #tpu.memory_space<vmem_shared>>
      tpu.enqueue_dma source(%arg13 : memref<125x16xf32, #tpu.memory_space<vmem>>) target(%dma_start3A_121 : memref<125x16xf32, #tpu.memory_space<vmem_shared>>) target_semaphore(%run_scoped3A : memref<!tpu.dma_semaphore, #tpu.memory_space<semaphore_mem>>)
      %dma_wait3A_122 = arith.constant 0 : i32
      %dma_wait3A_123 = tpu.memref_slice %arg16[%add3A_23, %dma_wait3A_122] : memref<10000x16xf32, #tpu.memory_space<vmem_shared>> -> memref<125x16xf32, #tpu.memory_space<vmem_shared>>
      %dma_wait3A_124 = arith.constant 0 : i32
      %dma_wait3A_125 = tpu.memref_slice %arg16[%add3A_23, %dma_wait3A_124] : memref<10000x16xf32, #tpu.memory_space<vmem_shared>> -> memref<125x16xf32, #tpu.memory_space<vmem_shared>>
      tpu.wait_dma2 semaphore(%run_scoped3A : memref<!tpu.dma_semaphore, #tpu.memory_space<semaphore_mem>>) src(%arg13 : memref<125x16xf32, #tpu.memory_space<vmem>>) dst(%dma_wait3A_125 : memref<125x16xf32, #tpu.memory_space<vmem_shared>>)
      tpu.yield
    }) : () -> ()
    %add3A_24 = arith.constant 500 : i32
    %add3A_25 = arith.addi %mul3A_2, %add3A_24 : i32
    "tpu.region"() ({
      %run_scoped3A = tpu.sem_alloc : memref<!tpu.dma_semaphore, #tpu.memory_space<semaphore_mem>>
      %dma_start3A_118 = arith.constant 0 : i32
      %dma_start3A_119 = tpu.memref_slice %arg15[%add3A_25, %dma_start3A_118] : memref<10000x128xf32, #tpu.memory_space<vmem_shared>> -> memref<125x128xf32, #tpu.memory_space<vmem_shared>>
      %dma_start3A_120 = arith.constant 0 : i32
      %dma_start3A_121 = tpu.memref_slice %arg15[%add3A_25, %dma_start3A_120] : memref<10000x128xf32, #tpu.memory_space<vmem_shared>> -> memref<125x128xf32, #tpu.memory_space<vmem_shared>>
      tpu.enqueue_dma source(%arg11 : memref<125x128xf32, #tpu.memory_space<vmem>>) target(%dma_start3A_121 : memref<125x128xf32, #tpu.memory_space<vmem_shared>>) target_semaphore(%run_scoped3A : memref<!tpu.dma_semaphore, #tpu.memory_space<semaphore_mem>>)
      %dma_wait3A_122 = arith.constant 0 : i32
      %dma_wait3A_123 = tpu.memref_slice %arg15[%add3A_25, %dma_wait3A_122] : memref<10000x128xf32, #tpu.memory_space<vmem_shared>> -> memref<125x128xf32, #tpu.memory_space<vmem_shared>>
      %dma_wait3A_124 = arith.constant 0 : i32
      %dma_wait3A_125 = tpu.memref_slice %arg15[%add3A_25, %dma_wait3A_124] : memref<10000x128xf32, #tpu.memory_space<vmem_shared>> -> memref<125x128xf32, #tpu.memory_space<vmem_shared>>
      tpu.wait_dma2 semaphore(%run_scoped3A : memref<!tpu.dma_semaphore, #tpu.memory_space<semaphore_mem>>) src(%arg11 : memref<125x128xf32, #tpu.memory_space<vmem>>) dst(%dma_wait3A_125 : memref<125x128xf32, #tpu.memory_space<vmem_shared>>)
      tpu.yield
    }) : () -> ()
    %add3A_26 = arith.constant 500 : i32
    %add3A_27 = arith.addi %mul3A_2, %add3A_26 : i32
    "tpu.region"() ({
      %run_scoped3A = tpu.sem_alloc : memref<!tpu.dma_semaphore, #tpu.memory_space<semaphore_mem>>
      %dma_start3A_118 = arith.constant 0 : i32
      %dma_start3A_119 = tpu.memref_slice %arg16[%add3A_27, %dma_start3A_118] : memref<10000x16xf32, #tpu.memory_space<vmem_shared>> -> memref<125x16xf32, #tpu.memory_space<vmem_shared>>
      %dma_start3A_120 = arith.constant 0 : i32
      %dma_start3A_121 = tpu.memref_slice %arg16[%add3A_27, %dma_start3A_120] : memref<10000x16xf32, #tpu.memory_space<vmem_shared>> -> memref<125x16xf32, #tpu.memory_space<vmem_shared>>
      tpu.enqueue_dma source(%arg13 : memref<125x16xf32, #tpu.memory_space<vmem>>) target(%dma_start3A_121 : memref<125x16xf32, #tpu.memory_space<vmem_shared>>) target_semaphore(%run_scoped3A : memref<!tpu.dma_semaphore, #tpu.memory_space<semaphore_mem>>)
      %dma_wait3A_122 = arith.constant 0 : i32
      %dma_wait3A_123 = tpu.memref_slice %arg16[%add3A_27, %dma_wait3A_122] : memref<10000x16xf32, #tpu.memory_space<vmem_shared>> -> memref<125x16xf32, #tpu.memory_space<vmem_shared>>
      %dma_wait3A_124 = arith.constant 0 : i32
      %dma_wait3A_125 = tpu.memref_slice %arg16[%add3A_27, %dma_wait3A_124] : memref<10000x16xf32, #tpu.memory_space<vmem_shared>> -> memref<125x16xf32, #tpu.memory_space<vmem_shared>>
      tpu.wait_dma2 semaphore(%run_scoped3A : memref<!tpu.dma_semaphore, #tpu.memory_space<semaphore_mem>>) src(%arg13 : memref<125x16xf32, #tpu.memory_space<vmem>>) dst(%dma_wait3A_125 : memref<125x16xf32, #tpu.memory_space<vmem_shared>>)
      tpu.yield
    }) : () -> ()
    %barrier3A = arith.constant 0 : index
    tpu.barrier barrier_id(%barrier3A)
    %dma_start3A = arith.constant 0 : i32
    %dma_start3A_28 = arith.constant 0 : i32
    %dma_start3A_29 = arith.constant 0 : i32
    %dma_start3A_30 = tpu.memref_slice %arg4[%add3A, %dma_start3A, %dma_start3A_28, %dma_start3A_29] : memref<32x80x2x125xi32, #tpu.memory_space<hbm>> -> memref<1x1x2x125xi32, #tpu.memory_space<hbm>>
    %dma_start3A_31 = tpu.memref_squeeze %dma_start3A_30 : memref<1x1x2x125xi32, #tpu.memory_space<hbm>> -> memref<2x125xi32, #tpu.memory_space<hbm>>
    %dma_start3A_32 = arith.constant 0 : i32
    %dma_start3A_33 = arith.constant 0 : i32
    %dma_start3A_34 = tpu.memref_slice %arg4[%add3A, %dma_start3A, %dma_start3A_32, %dma_start3A_33] : memref<32x80x2x125xi32, #tpu.memory_space<hbm>> -> memref<1x1x2x125xi32, #tpu.memory_space<hbm>>
    %dma_start3A_35 = tpu.memref_squeeze %dma_start3A_34 : memref<1x1x2x125xi32, #tpu.memory_space<hbm>> -> memref<2x125xi32, #tpu.memory_space<hbm>>
    tpu.enqueue_dma source(%dma_start3A_35 : memref<2x125xi32, #tpu.memory_space<hbm>>) target(%arg7 : memref<2x125xi32, #tpu.memory_space<vmem>>) target_semaphore(%arg17 : memref<!tpu.dma_semaphore, #tpu.memory_space<semaphore_mem>>)
    %dma_start3A_36 = arith.constant 1 : i32
    %dma_start3A_37 = arith.constant 0 : i32
    %dma_start3A_38 = arith.constant 0 : i32
    %dma_start3A_39 = tpu.memref_slice %arg4[%add3A, %dma_start3A_36, %dma_start3A_37, %dma_start3A_38] : memref<32x80x2x125xi32, #tpu.memory_space<hbm>> -> memref<1x1x2x125xi32, #tpu.memory_space<hbm>>
    %dma_start3A_40 = tpu.memref_squeeze %dma_start3A_39 : memref<1x1x2x125xi32, #tpu.memory_space<hbm>> -> memref<2x125xi32, #tpu.memory_space<hbm>>
    %dma_start3A_41 = arith.constant 0 : i32
    %dma_start3A_42 = arith.constant 0 : i32
    %dma_start3A_43 = tpu.memref_slice %arg4[%add3A, %dma_start3A_36, %dma_start3A_41, %dma_start3A_42] : memref<32x80x2x125xi32, #tpu.memory_space<hbm>> -> memref<1x1x2x125xi32, #tpu.memory_space<hbm>>
    %dma_start3A_44 = tpu.memref_squeeze %dma_start3A_43 : memref<1x1x2x125xi32, #tpu.memory_space<hbm>> -> memref<2x125xi32, #tpu.memory_space<hbm>>
    tpu.enqueue_dma source(%dma_start3A_44 : memref<2x125xi32, #tpu.memory_space<hbm>>) target(%arg8 : memref<2x125xi32, #tpu.memory_space<vmem>>) target_semaphore(%arg18 : memref<!tpu.dma_semaphore, #tpu.memory_space<semaphore_mem>>)
    %dma_start3A_45 = arith.constant 2 : i32
    %dma_start3A_46 = arith.constant 0 : i32
    %dma_start3A_47 = arith.constant 0 : i32
    %dma_start3A_48 = tpu.memref_slice %arg4[%add3A, %dma_start3A_45, %dma_start3A_46, %dma_start3A_47] : memref<32x80x2x125xi32, #tpu.memory_space<hbm>> -> memref<1x1x2x125xi32, #tpu.memory_space<hbm>>
    %dma_start3A_49 = tpu.memref_squeeze %dma_start3A_48 : memref<1x1x2x125xi32, #tpu.memory_space<hbm>> -> memref<2x125xi32, #tpu.memory_space<hbm>>
    %dma_start3A_50 = arith.constant 0 : i32
    %dma_start3A_51 = arith.constant 0 : i32
    %dma_start3A_52 = tpu.memref_slice %arg4[%add3A, %dma_start3A_45, %dma_start3A_50, %dma_start3A_51] : memref<32x80x2x125xi32, #tpu.memory_space<hbm>> -> memref<1x1x2x125xi32, #tpu.memory_space<hbm>>
    %dma_start3A_53 = tpu.memref_squeeze %dma_start3A_52 : memref<1x1x2x125xi32, #tpu.memory_space<hbm>> -> memref<2x125xi32, #tpu.memory_space<hbm>>
    tpu.enqueue_dma source(%dma_start3A_53 : memref<2x125xi32, #tpu.memory_space<hbm>>) target(%arg9 : memref<2x125xi32, #tpu.memory_space<vmem>>) target_semaphore(%arg19 : memref<!tpu.dma_semaphore, #tpu.memory_space<semaphore_mem>>)
    %dma_start3A_54 = arith.constant 3 : i32
    %dma_start3A_55 = arith.constant 0 : i32
    %dma_start3A_56 = arith.constant 0 : i32
    %dma_start3A_57 = tpu.memref_slice %arg4[%add3A, %dma_start3A_54, %dma_start3A_55, %dma_start3A_56] : memref<32x80x2x125xi32, #tpu.memory_space<hbm>> -> memref<1x1x2x125xi32, #tpu.memory_space<hbm>>
    %dma_start3A_58 = tpu.memref_squeeze %dma_start3A_57 : memref<1x1x2x125xi32, #tpu.memory_space<hbm>> -> memref<2x125xi32, #tpu.memory_space<hbm>>
    %dma_start3A_59 = arith.constant 0 : i32
    %dma_start3A_60 = arith.constant 0 : i32
    %dma_start3A_61 = tpu.memref_slice %arg4[%add3A, %dma_start3A_54, %dma_start3A_59, %dma_start3A_60] : memref<32x80x2x125xi32, #tpu.memory_space<hbm>> -> memref<1x1x2x125xi32, #tpu.memory_space<hbm>>
    %dma_start3A_62 = tpu.memref_squeeze %dma_start3A_61 : memref<1x1x2x125xi32, #tpu.memory_space<hbm>> -> memref<2x125xi32, #tpu.memory_space<hbm>>
    tpu.enqueue_dma source(%dma_start3A_62 : memref<2x125xi32, #tpu.memory_space<hbm>>) target(%arg10 : memref<2x125xi32, #tpu.memory_space<vmem>>) target_semaphore(%arg20 : memref<!tpu.dma_semaphore, #tpu.memory_space<semaphore_mem>>)
    %dma_wait3A = arith.constant 0 : i32
    %dma_wait3A_63 = arith.constant 0 : i32
    %dma_wait3A_64 = arith.constant 0 : i32
    %dma_wait3A_65 = tpu.memref_slice %arg4[%add3A, %dma_wait3A, %dma_wait3A_63, %dma_wait3A_64] : memref<32x80x2x125xi32, #tpu.memory_space<hbm>> -> memref<1x1x2x125xi32, #tpu.memory_space<hbm>>
    %dma_wait3A_66 = tpu.memref_squeeze %dma_wait3A_65 : memref<1x1x2x125xi32, #tpu.memory_space<hbm>> -> memref<2x125xi32, #tpu.memory_space<hbm>>
    %dma_wait3A_67 = arith.constant 0 : i32
    %dma_wait3A_68 = arith.constant 0 : i32
    %dma_wait3A_69 = tpu.memref_slice %arg4[%add3A, %dma_wait3A, %dma_wait3A_67, %dma_wait3A_68] : memref<32x80x2x125xi32, #tpu.memory_space<hbm>> -> memref<1x1x2x125xi32, #tpu.memory_space<hbm>>
    %dma_wait3A_70 = tpu.memref_squeeze %dma_wait3A_69 : memref<1x1x2x125xi32, #tpu.memory_space<hbm>> -> memref<2x125xi32, #tpu.memory_space<hbm>>
    tpu.wait_dma2 semaphore(%arg17 : memref<!tpu.dma_semaphore, #tpu.memory_space<semaphore_mem>>) src(%dma_wait3A_70 : memref<2x125xi32, #tpu.memory_space<hbm>>) dst(%arg7 : memref<2x125xi32, #tpu.memory_space<vmem>>)
    %dma_start3A_71 = arith.constant 0 : i32
    %dma_start3A_72 = arith.constant 0 : i32
    %dma_start3A_73 = tpu.memref_slice %arg7[%dma_start3A_71, %dma_start3A_72] : memref<2x125xi32, #tpu.memory_space<vmem>> -> memref<1x125xi32, #tpu.memory_space<vmem>>
    %dma_start3A_74 = tpu.memref_squeeze %dma_start3A_73 : memref<1x125xi32, #tpu.memory_space<vmem>> -> memref<125xi32, #tpu.memory_space<vmem>>
    %dma_start3A_75 = arith.constant 0 : i32
    %dma_start3A_76 = arith.constant 0 : i32
    %dma_start3A_77 = tpu.memref_slice %arg2[%dma_start3A_75, %dma_start3A_76] : memref<10000x128xf32, #tpu.memory_space<hbm>> -> memref<10000x128xf32, #tpu.memory_space<hbm>>
    tpu.enqueue_indirect_dma source(%dma_start3A_77 : memref<10000x128xf32, #tpu.memory_space<hbm>>) target(%arg11 : memref<125x128xf32, #tpu.memory_space<vmem>>) offsets(%dma_start3A_74 : memref<125xi32, #tpu.memory_space<vmem>>) semaphore(%arg21 : memref<!tpu.dma_semaphore, #tpu.memory_space<semaphore_mem>>)
    %dma_start3A_78 = arith.constant 0 : i32
    %dma_start3A_79 = arith.constant 0 : i32
    %dma_start3A_80 = tpu.memref_slice %arg7[%dma_start3A_78, %dma_start3A_79] : memref<2x125xi32, #tpu.memory_space<vmem>> -> memref<1x125xi32, #tpu.memory_space<vmem>>
    %dma_start3A_81 = tpu.memref_squeeze %dma_start3A_80 : memref<1x125xi32, #tpu.memory_space<vmem>> -> memref<125xi32, #tpu.memory_space<vmem>>
    %dma_start3A_82 = arith.constant 0 : i32
    %dma_start3A_83 = arith.constant 0 : i32
    %dma_start3A_84 = tpu.memref_slice %arg3[%dma_start3A_82, %dma_start3A_83] : memref<10000x16xf32, #tpu.memory_space<hbm>> -> memref<10000x16xf32, #tpu.memory_space<hbm>>
    tpu.enqueue_indirect_dma source(%dma_start3A_84 : memref<10000x16xf32, #tpu.memory_space<hbm>>) target(%arg13 : memref<125x16xf32, #tpu.memory_space<vmem>>) offsets(%dma_start3A_81 : memref<125xi32, #tpu.memory_space<vmem>>) semaphore(%arg21 : memref<!tpu.dma_semaphore, #tpu.memory_space<semaphore_mem>>)
    %dma_wait3A_85 = arith.constant 1 : i32
    %dma_wait3A_86 = arith.constant 0 : i32
    %dma_wait3A_87 = arith.constant 0 : i32
    %dma_wait3A_88 = tpu.memref_slice %arg4[%add3A, %dma_wait3A_85, %dma_wait3A_86, %dma_wait3A_87] : memref<32x80x2x125xi32, #tpu.memory_space<hbm>> -> memref<1x1x2x125xi32, #tpu.memory_space<hbm>>
    %dma_wait3A_89 = tpu.memref_squeeze %dma_wait3A_88 : memref<1x1x2x125xi32, #tpu.memory_space<hbm>> -> memref<2x125xi32, #tpu.memory_space<hbm>>
    %dma_wait3A_90 = arith.constant 0 : i32
    %dma_wait3A_91 = arith.constant 0 : i32
    %dma_wait3A_92 = tpu.memref_slice %arg4[%add3A, %dma_wait3A_85, %dma_wait3A_90, %dma_wait3A_91] : memref<32x80x2x125xi32, #tpu.memory_space<hbm>> -> memref<1x1x2x125xi32, #tpu.memory_space<hbm>>
    %dma_wait3A_93 = tpu.memref_squeeze %dma_wait3A_92 : memref<1x1x2x125xi32, #tpu.memory_space<hbm>> -> memref<2x125xi32, #tpu.memory_space<hbm>>
    tpu.wait_dma2 semaphore(%arg18 : memref<!tpu.dma_semaphore, #tpu.memory_space<semaphore_mem>>) src(%dma_wait3A_93 : memref<2x125xi32, #tpu.memory_space<hbm>>) dst(%arg8 : memref<2x125xi32, #tpu.memory_space<vmem>>)
    %dma_start3A_94 = arith.constant 0 : i32
    %dma_start3A_95 = arith.constant 0 : i32
    %dma_start3A_96 = tpu.memref_slice %arg8[%dma_start3A_94, %dma_start3A_95] : memref<2x125xi32, #tpu.memory_space<vmem>> -> memref<1x125xi32, #tpu.memory_space<vmem>>
    %dma_start3A_97 = tpu.memref_squeeze %dma_start3A_96 : memref<1x125xi32, #tpu.memory_space<vmem>> -> memref<125xi32, #tpu.memory_space<vmem>>
    %dma_start3A_98 = arith.constant 0 : i32
    %dma_start3A_99 = arith.constant 0 : i32
    %dma_start3A_100 = tpu.memref_slice %arg2[%dma_start3A_98, %dma_start3A_99] : memref<10000x128xf32, #tpu.memory_space<hbm>> -> memref<10000x128xf32, #tpu.memory_space<hbm>>
    tpu.enqueue_indirect_dma source(%dma_start3A_100 : memref<10000x128xf32, #tpu.memory_space<hbm>>) target(%arg12 : memref<125x128xf32, #tpu.memory_space<vmem>>) offsets(%dma_start3A_97 : memref<125xi32, #tpu.memory_space<vmem>>) semaphore(%arg22 : memref<!tpu.dma_semaphore, #tpu.memory_space<semaphore_mem>>)
    %dma_start3A_101 = arith.constant 0 : i32
    %dma_start3A_102 = arith.constant 0 : i32
    %dma_start3A_103 = tpu.memref_slice %arg8[%dma_start3A_101, %dma_start3A_102] : memref<2x125xi32, #tpu.memory_space<vmem>> -> memref<1x125xi32, #tpu.memory_space<vmem>>
    %dma_start3A_104 = tpu.memref_squeeze %dma_start3A_103 : memref<1x125xi32, #tpu.memory_space<vmem>> -> memref<125xi32, #tpu.memory_space<vmem>>
    %dma_start3A_105 = arith.constant 0 : i32
    %dma_start3A_106 = arith.constant 0 : i32
    %dma_start3A_107 = tpu.memref_slice %arg3[%dma_start3A_105, %dma_start3A_106] : memref<10000x16xf32, #tpu.memory_space<hbm>> -> memref<10000x16xf32, #tpu.memory_space<hbm>>
    tpu.enqueue_indirect_dma source(%dma_start3A_107 : memref<10000x16xf32, #tpu.memory_space<hbm>>) target(%arg14 : memref<125x16xf32, #tpu.memory_space<vmem>>) offsets(%dma_start3A_104 : memref<125xi32, #tpu.memory_space<vmem>>) semaphore(%arg22 : memref<!tpu.dma_semaphore, #tpu.memory_space<semaphore_mem>>)
    %scan3A_108 = arith.constant 0 : i32
    %scan3A_109 = arith.constant 0 : i32
    %scan3A_110 = arith.constant 20 : i32
    %scan3A_111 = arith.addi %scan3A_109, %scan3A_110 : i32
    %scan3A_112 = arith.constant 1 : i32
    scf.for %scan3A_118 = %scan3A_109 to %scan3A_111 step %scan3A_112  : i32 {
      %mul3A_119 = arith.constant 4 : i32
      %mul3A_120 = arith.muli %mul3A_119, %scan3A_118 : i32
      %add3A_121 = arith.constant 0 : i32
      %add3A_122 = arith.addi %mul3A_120, %add3A_121 : i32
      %dma_wait3A_123 = arith.constant 0 : i32
      %dma_wait3A_124 = arith.constant 0 : i32
      %dma_wait3A_125 = tpu.memref_slice %arg7[%dma_wait3A_123, %dma_wait3A_124] : memref<2x125xi32, #tpu.memory_space<vmem>> -> memref<1x125xi32, #tpu.memory_space<vmem>>
      %dma_wait3A_126 = tpu.memref_squeeze %dma_wait3A_125 : memref<1x125xi32, #tpu.memory_space<vmem>> -> memref<125xi32, #tpu.memory_space<vmem>>
      %dma_wait3A_127 = arith.constant 0 : i32
      %dma_wait3A_128 = arith.constant 0 : i32
      %dma_wait3A_129 = tpu.memref_slice %arg2[%dma_wait3A_127, %dma_wait3A_128] : memref<10000x128xf32, #tpu.memory_space<hbm>> -> memref<10000x128xf32, #tpu.memory_space<hbm>>
      tpu.wait_indirect_dma semaphore(%arg21 : memref<!tpu.dma_semaphore, #tpu.memory_space<semaphore_mem>>) src(%dma_wait3A_129 : memref<10000x128xf32, #tpu.memory_space<hbm>>) dst(%arg11 : memref<125x128xf32, #tpu.memory_space<vmem>>)
      %dma_wait3A_130 = arith.constant 0 : i32
      %dma_wait3A_131 = arith.constant 0 : i32
      %dma_wait3A_132 = tpu.memref_slice %arg7[%dma_wait3A_130, %dma_wait3A_131] : memref<2x125xi32, #tpu.memory_space<vmem>> -> memref<1x125xi32, #tpu.memory_space<vmem>>
      %dma_wait3A_133 = tpu.memref_squeeze %dma_wait3A_132 : memref<1x125xi32, #tpu.memory_space<vmem>> -> memref<125xi32, #tpu.memory_space<vmem>>
      %dma_wait3A_134 = arith.constant 0 : i32
      %dma_wait3A_135 = arith.constant 0 : i32
      %dma_wait3A_136 = tpu.memref_slice %arg3[%dma_wait3A_134, %dma_wait3A_135] : memref<10000x16xf32, #tpu.memory_space<hbm>> -> memref<10000x16xf32, #tpu.memory_space<hbm>>
      tpu.wait_indirect_dma semaphore(%arg21 : memref<!tpu.dma_semaphore, #tpu.memory_space<semaphore_mem>>) src(%dma_wait3A_136 : memref<10000x16xf32, #tpu.memory_space<hbm>>) dst(%arg13 : memref<125x16xf32, #tpu.memory_space<vmem>>)
      %run_scoped3A = arith.constant 1 : i32
      "tpu.region"() ({
        %run_scoped3A_251 = tpu.sem_alloc : memref<!tpu.dma_semaphore, #tpu.memory_space<semaphore_mem>>
        %dma_start3A_252 = arith.constant 0 : i32
        %dma_start3A_253 = tpu.memref_slice %arg7[%run_scoped3A, %dma_start3A_252] : memref<2x125xi32, #tpu.memory_space<vmem>> -> memref<1x125xi32, #tpu.memory_space<vmem>>
        %dma_start3A_254 = tpu.memref_squeeze %dma_start3A_253 : memref<1x125xi32, #tpu.memory_space<vmem>> -> memref<125xi32, #tpu.memory_space<vmem>>
        %dma_start3A_255 = arith.constant 0 : i32
        %dma_start3A_256 = arith.constant 0 : i32
        %dma_start3A_257 = tpu.memref_slice %arg15[%dma_start3A_255, %dma_start3A_256] : memref<10000x128xf32, #tpu.memory_space<vmem_shared>> -> memref<10000x128xf32, #tpu.memory_space<vmem_shared>>
        tpu.enqueue_indirect_dma source(%arg11 : memref<125x128xf32, #tpu.memory_space<vmem>>) target(%dma_start3A_257 : memref<10000x128xf32, #tpu.memory_space<vmem_shared>>) offsets(%dma_start3A_254 : memref<125xi32, #tpu.memory_space<vmem>>) semaphore(%run_scoped3A_251 : memref<!tpu.dma_semaphore, #tpu.memory_space<semaphore_mem>>) {add = true}
        %dma_wait3A_258 = arith.constant 0 : i32
        %dma_wait3A_259 = tpu.memref_slice %arg7[%run_scoped3A, %dma_wait3A_258] : memref<2x125xi32, #tpu.memory_space<vmem>> -> memref<1x125xi32, #tpu.memory_space<vmem>>
        %dma_wait3A_260 = tpu.memref_squeeze %dma_wait3A_259 : memref<1x125xi32, #tpu.memory_space<vmem>> -> memref<125xi32, #tpu.memory_space<vmem>>
        %dma_wait3A_261 = arith.constant 0 : i32
        %dma_wait3A_262 = arith.constant 0 : i32
        %dma_wait3A_263 = tpu.memref_slice %arg15[%dma_wait3A_261, %dma_wait3A_262] : memref<10000x128xf32, #tpu.memory_space<vmem_shared>> -> memref<10000x128xf32, #tpu.memory_space<vmem_shared>>
        tpu.wait_indirect_dma semaphore(%run_scoped3A_251 : memref<!tpu.dma_semaphore, #tpu.memory_space<semaphore_mem>>) src(%arg11 : memref<125x128xf32, #tpu.memory_space<vmem>>) dst(%dma_wait3A_263 : memref<10000x128xf32, #tpu.memory_space<vmem_shared>>)
        tpu.yield
      }) : () -> ()
      %run_scoped3A_137 = arith.constant 1 : i32
      "tpu.region"() ({
        %run_scoped3A_251 = tpu.sem_alloc : memref<!tpu.dma_semaphore, #tpu.memory_space<semaphore_mem>>
        %dma_start3A_252 = arith.constant 0 : i32
        %dma_start3A_253 = tpu.memref_slice %arg7[%run_scoped3A_137, %dma_start3A_252] : memref<2x125xi32, #tpu.memory_space<vmem>> -> memref<1x125xi32, #tpu.memory_space<vmem>>
        %dma_start3A_254 = tpu.memref_squeeze %dma_start3A_253 : memref<1x125xi32, #tpu.memory_space<vmem>> -> memref<125xi32, #tpu.memory_space<vmem>>
        %dma_start3A_255 = arith.constant 0 : i32
        %dma_start3A_256 = arith.constant 0 : i32
        %dma_start3A_257 = tpu.memref_slice %arg16[%dma_start3A_255, %dma_start3A_256] : memref<10000x16xf32, #tpu.memory_space<vmem_shared>> -> memref<10000x16xf32, #tpu.memory_space<vmem_shared>>
        tpu.enqueue_indirect_dma source(%arg13 : memref<125x16xf32, #tpu.memory_space<vmem>>) target(%dma_start3A_257 : memref<10000x16xf32, #tpu.memory_space<vmem_shared>>) offsets(%dma_start3A_254 : memref<125xi32, #tpu.memory_space<vmem>>) semaphore(%run_scoped3A_251 : memref<!tpu.dma_semaphore, #tpu.memory_space<semaphore_mem>>) {add = true}
        %dma_wait3A_258 = arith.constant 0 : i32
        %dma_wait3A_259 = tpu.memref_slice %arg7[%run_scoped3A_137, %dma_wait3A_258] : memref<2x125xi32, #tpu.memory_space<vmem>> -> memref<1x125xi32, #tpu.memory_space<vmem>>
        %dma_wait3A_260 = tpu.memref_squeeze %dma_wait3A_259 : memref<1x125xi32, #tpu.memory_space<vmem>> -> memref<125xi32, #tpu.memory_space<vmem>>
        %dma_wait3A_261 = arith.constant 0 : i32
        %dma_wait3A_262 = arith.constant 0 : i32
        %dma_wait3A_263 = tpu.memref_slice %arg16[%dma_wait3A_261, %dma_wait3A_262] : memref<10000x16xf32, #tpu.memory_space<vmem_shared>> -> memref<10000x16xf32, #tpu.memory_space<vmem_shared>>
        tpu.wait_indirect_dma semaphore(%run_scoped3A_251 : memref<!tpu.dma_semaphore, #tpu.memory_space<semaphore_mem>>) src(%arg13 : memref<125x16xf32, #tpu.memory_space<vmem>>) dst(%dma_wait3A_263 : memref<10000x16xf32, #tpu.memory_space<vmem_shared>>)
        tpu.yield
      }) : () -> ()
      %add3A_138 = arith.constant 4 : i32
      %add3A_139 = arith.addi %add3A_122, %add3A_138 : i32
      %lt3A = arith.constant 80 : i32
      %lt3A_140 = arith.cmpi slt, %add3A_139, %lt3A : i32
      %convert_element_type3A = arith.extui %lt3A_140 : i1 to i32
      %cond3A = arith.constant 0 : i32
      %cond3A_141 = arith.cmpi ne, %convert_element_type3A, %cond3A : i32
      scf.if %cond3A_141 {
        %add3A_251 = arith.constant 4 : i32
        %add3A_252 = arith.addi %add3A_122, %add3A_251 : i32
        %dma_start3A_253 = arith.constant 0 : i32
        %dma_start3A_254 = arith.constant 0 : i32
        %dma_start3A_255 = tpu.memref_slice %arg4[%add3A, %add3A_252, %dma_start3A_253, %dma_start3A_254] : memref<32x80x2x125xi32, #tpu.memory_space<hbm>> -> memref<1x1x2x125xi32, #tpu.memory_space<hbm>>
        %dma_start3A_256 = tpu.memref_squeeze %dma_start3A_255 : memref<1x1x2x125xi32, #tpu.memory_space<hbm>> -> memref<2x125xi32, #tpu.memory_space<hbm>>
        %dma_start3A_257 = arith.constant 0 : i32
        %dma_start3A_258 = arith.constant 0 : i32
        %dma_start3A_259 = tpu.memref_slice %arg4[%add3A, %add3A_252, %dma_start3A_257, %dma_start3A_258] : memref<32x80x2x125xi32, #tpu.memory_space<hbm>> -> memref<1x1x2x125xi32, #tpu.memory_space<hbm>>
        %dma_start3A_260 = tpu.memref_squeeze %dma_start3A_259 : memref<1x1x2x125xi32, #tpu.memory_space<hbm>> -> memref<2x125xi32, #tpu.memory_space<hbm>>
        tpu.enqueue_dma source(%dma_start3A_260 : memref<2x125xi32, #tpu.memory_space<hbm>>) target(%arg7 : memref<2x125xi32, #tpu.memory_space<vmem>>) target_semaphore(%arg17 : memref<!tpu.dma_semaphore, #tpu.memory_space<semaphore_mem>>)
      } else {
      }
      %add3A_142 = arith.constant 2 : i32
      %add3A_143 = arith.addi %add3A_122, %add3A_142 : i32
      %lt3A_144 = arith.constant 80 : i32
      %lt3A_145 = arith.cmpi slt, %add3A_143, %lt3A_144 : i32
      %convert_element_type3A_146 = arith.extui %lt3A_145 : i1 to i32
      %cond3A_147 = arith.constant 0 : i32
      %cond3A_148 = arith.cmpi ne, %convert_element_type3A_146, %cond3A_147 : i32
      scf.if %cond3A_148 {
        %add3A_251 = arith.constant 2 : i32
        %add3A_252 = arith.addi %add3A_122, %add3A_251 : i32
        %dma_wait3A_253 = arith.constant 0 : i32
        %dma_wait3A_254 = arith.constant 0 : i32
        %dma_wait3A_255 = tpu.memref_slice %arg4[%add3A, %add3A_252, %dma_wait3A_253, %dma_wait3A_254] : memref<32x80x2x125xi32, #tpu.memory_space<hbm>> -> memref<1x1x2x125xi32, #tpu.memory_space<hbm>>
        %dma_wait3A_256 = tpu.memref_squeeze %dma_wait3A_255 : memref<1x1x2x125xi32, #tpu.memory_space<hbm>> -> memref<2x125xi32, #tpu.memory_space<hbm>>
        %dma_wait3A_257 = arith.constant 0 : i32
        %dma_wait3A_258 = arith.constant 0 : i32
        %dma_wait3A_259 = tpu.memref_slice %arg4[%add3A, %add3A_252, %dma_wait3A_257, %dma_wait3A_258] : memref<32x80x2x125xi32, #tpu.memory_space<hbm>> -> memref<1x1x2x125xi32, #tpu.memory_space<hbm>>
        %dma_wait3A_260 = tpu.memref_squeeze %dma_wait3A_259 : memref<1x1x2x125xi32, #tpu.memory_space<hbm>> -> memref<2x125xi32, #tpu.memory_space<hbm>>
        tpu.wait_dma2 semaphore(%arg19 : memref<!tpu.dma_semaphore, #tpu.memory_space<semaphore_mem>>) src(%dma_wait3A_260 : memref<2x125xi32, #tpu.memory_space<hbm>>) dst(%arg9 : memref<2x125xi32, #tpu.memory_space<vmem>>)
        %dma_start3A_261 = arith.constant 0 : i32
        %dma_start3A_262 = arith.constant 0 : i32
        %dma_start3A_263 = tpu.memref_slice %arg9[%dma_start3A_261, %dma_start3A_262] : memref<2x125xi32, #tpu.memory_space<vmem>> -> memref<1x125xi32, #tpu.memory_space<vmem>>
        %dma_start3A_264 = tpu.memref_squeeze %dma_start3A_263 : memref<1x125xi32, #tpu.memory_space<vmem>> -> memref<125xi32, #tpu.memory_space<vmem>>
        %dma_start3A_265 = arith.constant 0 : i32
        %dma_start3A_266 = arith.constant 0 : i32
        %dma_start3A_267 = tpu.memref_slice %arg2[%dma_start3A_265, %dma_start3A_266] : memref<10000x128xf32, #tpu.memory_space<hbm>> -> memref<10000x128xf32, #tpu.memory_space<hbm>>
        tpu.enqueue_indirect_dma source(%dma_start3A_267 : memref<10000x128xf32, #tpu.memory_space<hbm>>) target(%arg11 : memref<125x128xf32, #tpu.memory_space<vmem>>) offsets(%dma_start3A_264 : memref<125xi32, #tpu.memory_space<vmem>>) semaphore(%arg21 : memref<!tpu.dma_semaphore, #tpu.memory_space<semaphore_mem>>)
        %dma_start3A_268 = arith.constant 0 : i32
        %dma_start3A_269 = arith.constant 0 : i32
        %dma_start3A_270 = tpu.memref_slice %arg9[%dma_start3A_268, %dma_start3A_269] : memref<2x125xi32, #tpu.memory_space<vmem>> -> memref<1x125xi32, #tpu.memory_space<vmem>>
        %dma_start3A_271 = tpu.memref_squeeze %dma_start3A_270 : memref<1x125xi32, #tpu.memory_space<vmem>> -> memref<125xi32, #tpu.memory_space<vmem>>
        %dma_start3A_272 = arith.constant 0 : i32
        %dma_start3A_273 = arith.constant 0 : i32
        %dma_start3A_274 = tpu.memref_slice %arg3[%dma_start3A_272, %dma_start3A_273] : memref<10000x16xf32, #tpu.memory_space<hbm>> -> memref<10000x16xf32, #tpu.memory_space<hbm>>
        tpu.enqueue_indirect_dma source(%dma_start3A_274 : memref<10000x16xf32, #tpu.memory_space<hbm>>) target(%arg13 : memref<125x16xf32, #tpu.memory_space<vmem>>) offsets(%dma_start3A_271 : memref<125xi32, #tpu.memory_space<vmem>>) semaphore(%arg21 : memref<!tpu.dma_semaphore, #tpu.memory_space<semaphore_mem>>)
      } else {
      }
      %mul3A_149 = arith.constant 4 : i32
      %mul3A_150 = arith.muli %mul3A_149, %scan3A_118 : i32
      %add3A_151 = arith.constant 1 : i32
      %add3A_152 = arith.addi %mul3A_150, %add3A_151 : i32
      %dma_wait3A_153 = arith.constant 0 : i32
      %dma_wait3A_154 = arith.constant 0 : i32
      %dma_wait3A_155 = tpu.memref_slice %arg8[%dma_wait3A_153, %dma_wait3A_154] : memref<2x125xi32, #tpu.memory_space<vmem>> -> memref<1x125xi32, #tpu.memory_space<vmem>>
      %dma_wait3A_156 = tpu.memref_squeeze %dma_wait3A_155 : memref<1x125xi32, #tpu.memory_space<vmem>> -> memref<125xi32, #tpu.memory_space<vmem>>
      %dma_wait3A_157 = arith.constant 0 : i32
      %dma_wait3A_158 = arith.constant 0 : i32
      %dma_wait3A_159 = tpu.memref_slice %arg2[%dma_wait3A_157, %dma_wait3A_158] : memref<10000x128xf32, #tpu.memory_space<hbm>> -> memref<10000x128xf32, #tpu.memory_space<hbm>>
      tpu.wait_indirect_dma semaphore(%arg22 : memref<!tpu.dma_semaphore, #tpu.memory_space<semaphore_mem>>) src(%dma_wait3A_159 : memref<10000x128xf32, #tpu.memory_space<hbm>>) dst(%arg12 : memref<125x128xf32, #tpu.memory_space<vmem>>)
      %dma_wait3A_160 = arith.constant 0 : i32
      %dma_wait3A_161 = arith.constant 0 : i32
      %dma_wait3A_162 = tpu.memref_slice %arg8[%dma_wait3A_160, %dma_wait3A_161] : memref<2x125xi32, #tpu.memory_space<vmem>> -> memref<1x125xi32, #tpu.memory_space<vmem>>
      %dma_wait3A_163 = tpu.memref_squeeze %dma_wait3A_162 : memref<1x125xi32, #tpu.memory_space<vmem>> -> memref<125xi32, #tpu.memory_space<vmem>>
      %dma_wait3A_164 = arith.constant 0 : i32
      %dma_wait3A_165 = arith.constant 0 : i32
      %dma_wait3A_166 = tpu.memref_slice %arg3[%dma_wait3A_164, %dma_wait3A_165] : memref<10000x16xf32, #tpu.memory_space<hbm>> -> memref<10000x16xf32, #tpu.memory_space<hbm>>
      tpu.wait_indirect_dma semaphore(%arg22 : memref<!tpu.dma_semaphore, #tpu.memory_space<semaphore_mem>>) src(%dma_wait3A_166 : memref<10000x16xf32, #tpu.memory_space<hbm>>) dst(%arg14 : memref<125x16xf32, #tpu.memory_space<vmem>>)
      %run_scoped3A_167 = arith.constant 1 : i32
      "tpu.region"() ({
        %run_scoped3A_251 = tpu.sem_alloc : memref<!tpu.dma_semaphore, #tpu.memory_space<semaphore_mem>>
        %dma_start3A_252 = arith.constant 0 : i32
        %dma_start3A_253 = tpu.memref_slice %arg8[%run_scoped3A_167, %dma_start3A_252] : memref<2x125xi32, #tpu.memory_space<vmem>> -> memref<1x125xi32, #tpu.memory_space<vmem>>
        %dma_start3A_254 = tpu.memref_squeeze %dma_start3A_253 : memref<1x125xi32, #tpu.memory_space<vmem>> -> memref<125xi32, #tpu.memory_space<vmem>>
        %dma_start3A_255 = arith.constant 0 : i32
        %dma_start3A_256 = arith.constant 0 : i32
        %dma_start3A_257 = tpu.memref_slice %arg15[%dma_start3A_255, %dma_start3A_256] : memref<10000x128xf32, #tpu.memory_space<vmem_shared>> -> memref<10000x128xf32, #tpu.memory_space<vmem_shared>>
        tpu.enqueue_indirect_dma source(%arg12 : memref<125x128xf32, #tpu.memory_space<vmem>>) target(%dma_start3A_257 : memref<10000x128xf32, #tpu.memory_space<vmem_shared>>) offsets(%dma_start3A_254 : memref<125xi32, #tpu.memory_space<vmem>>) semaphore(%run_scoped3A_251 : memref<!tpu.dma_semaphore, #tpu.memory_space<semaphore_mem>>) {add = true}
        %dma_wait3A_258 = arith.constant 0 : i32
        %dma_wait3A_259 = tpu.memref_slice %arg8[%run_scoped3A_167, %dma_wait3A_258] : memref<2x125xi32, #tpu.memory_space<vmem>> -> memref<1x125xi32, #tpu.memory_space<vmem>>
        %dma_wait3A_260 = tpu.memref_squeeze %dma_wait3A_259 : memref<1x125xi32, #tpu.memory_space<vmem>> -> memref<125xi32, #tpu.memory_space<vmem>>
        %dma_wait3A_261 = arith.constant 0 : i32
        %dma_wait3A_262 = arith.constant 0 : i32
        %dma_wait3A_263 = tpu.memref_slice %arg15[%dma_wait3A_261, %dma_wait3A_262] : memref<10000x128xf32, #tpu.memory_space<vmem_shared>> -> memref<10000x128xf32, #tpu.memory_space<vmem_shared>>
        tpu.wait_indirect_dma semaphore(%run_scoped3A_251 : memref<!tpu.dma_semaphore, #tpu.memory_space<semaphore_mem>>) src(%arg12 : memref<125x128xf32, #tpu.memory_space<vmem>>) dst(%dma_wait3A_263 : memref<10000x128xf32, #tpu.memory_space<vmem_shared>>)
        tpu.yield
      }) : () -> ()
      %run_scoped3A_168 = arith.constant 1 : i32
      "tpu.region"() ({
        %run_scoped3A_251 = tpu.sem_alloc : memref<!tpu.dma_semaphore, #tpu.memory_space<semaphore_mem>>
        %dma_start3A_252 = arith.constant 0 : i32
        %dma_start3A_253 = tpu.memref_slice %arg8[%run_scoped3A_168, %dma_start3A_252] : memref<2x125xi32, #tpu.memory_space<vmem>> -> memref<1x125xi32, #tpu.memory_space<vmem>>
        %dma_start3A_254 = tpu.memref_squeeze %dma_start3A_253 : memref<1x125xi32, #tpu.memory_space<vmem>> -> memref<125xi32, #tpu.memory_space<vmem>>
        %dma_start3A_255 = arith.constant 0 : i32
        %dma_start3A_256 = arith.constant 0 : i32
        %dma_start3A_257 = tpu.memref_slice %arg16[%dma_start3A_255, %dma_start3A_256] : memref<10000x16xf32, #tpu.memory_space<vmem_shared>> -> memref<10000x16xf32, #tpu.memory_space<vmem_shared>>
        tpu.enqueue_indirect_dma source(%arg14 : memref<125x16xf32, #tpu.memory_space<vmem>>) target(%dma_start3A_257 : memref<10000x16xf32, #tpu.memory_space<vmem_shared>>) offsets(%dma_start3A_254 : memref<125xi32, #tpu.memory_space<vmem>>) semaphore(%run_scoped3A_251 : memref<!tpu.dma_semaphore, #tpu.memory_space<semaphore_mem>>) {add = true}
        %dma_wait3A_258 = arith.constant 0 : i32
        %dma_wait3A_259 = tpu.memref_slice %arg8[%run_scoped3A_168, %dma_wait3A_258] : memref<2x125xi32, #tpu.memory_space<vmem>> -> memref<1x125xi32, #tpu.memory_space<vmem>>
        %dma_wait3A_260 = tpu.memref_squeeze %dma_wait3A_259 : memref<1x125xi32, #tpu.memory_space<vmem>> -> memref<125xi32, #tpu.memory_space<vmem>>
        %dma_wait3A_261 = arith.constant 0 : i32
        %dma_wait3A_262 = arith.constant 0 : i32
        %dma_wait3A_263 = tpu.memref_slice %arg16[%dma_wait3A_261, %dma_wait3A_262] : memref<10000x16xf32, #tpu.memory_space<vmem_shared>> -> memref<10000x16xf32, #tpu.memory_space<vmem_shared>>
        tpu.wait_indirect_dma semaphore(%run_scoped3A_251 : memref<!tpu.dma_semaphore, #tpu.memory_space<semaphore_mem>>) src(%arg14 : memref<125x16xf32, #tpu.memory_space<vmem>>) dst(%dma_wait3A_263 : memref<10000x16xf32, #tpu.memory_space<vmem_shared>>)
        tpu.yield
      }) : () -> ()
      %add3A_169 = arith.constant 4 : i32
      %add3A_170 = arith.addi %add3A_152, %add3A_169 : i32
      %lt3A_171 = arith.constant 80 : i32
      %lt3A_172 = arith.cmpi slt, %add3A_170, %lt3A_171 : i32
      %convert_element_type3A_173 = arith.extui %lt3A_172 : i1 to i32
      %cond3A_174 = arith.constant 0 : i32
      %cond3A_175 = arith.cmpi ne, %convert_element_type3A_173, %cond3A_174 : i32
      scf.if %cond3A_175 {
        %add3A_251 = arith.constant 4 : i32
        %add3A_252 = arith.addi %add3A_152, %add3A_251 : i32
        %dma_start3A_253 = arith.constant 0 : i32
        %dma_start3A_254 = arith.constant 0 : i32
        %dma_start3A_255 = tpu.memref_slice %arg4[%add3A, %add3A_252, %dma_start3A_253, %dma_start3A_254] : memref<32x80x2x125xi32, #tpu.memory_space<hbm>> -> memref<1x1x2x125xi32, #tpu.memory_space<hbm>>
        %dma_start3A_256 = tpu.memref_squeeze %dma_start3A_255 : memref<1x1x2x125xi32, #tpu.memory_space<hbm>> -> memref<2x125xi32, #tpu.memory_space<hbm>>
        %dma_start3A_257 = arith.constant 0 : i32
        %dma_start3A_258 = arith.constant 0 : i32
        %dma_start3A_259 = tpu.memref_slice %arg4[%add3A, %add3A_252, %dma_start3A_257, %dma_start3A_258] : memref<32x80x2x125xi32, #tpu.memory_space<hbm>> -> memref<1x1x2x125xi32, #tpu.memory_space<hbm>>
        %dma_start3A_260 = tpu.memref_squeeze %dma_start3A_259 : memref<1x1x2x125xi32, #tpu.memory_space<hbm>> -> memref<2x125xi32, #tpu.memory_space<hbm>>
        tpu.enqueue_dma source(%dma_start3A_260 : memref<2x125xi32, #tpu.memory_space<hbm>>) target(%arg8 : memref<2x125xi32, #tpu.memory_space<vmem>>) target_semaphore(%arg18 : memref<!tpu.dma_semaphore, #tpu.memory_space<semaphore_mem>>)
      } else {
      }
      %add3A_176 = arith.constant 2 : i32
      %add3A_177 = arith.addi %add3A_152, %add3A_176 : i32
      %lt3A_178 = arith.constant 80 : i32
      %lt3A_179 = arith.cmpi slt, %add3A_177, %lt3A_178 : i32
      %convert_element_type3A_180 = arith.extui %lt3A_179 : i1 to i32
      %cond3A_181 = arith.constant 0 : i32
      %cond3A_182 = arith.cmpi ne, %convert_element_type3A_180, %cond3A_181 : i32
      scf.if %cond3A_182 {
        %add3A_251 = arith.constant 2 : i32
        %add3A_252 = arith.addi %add3A_152, %add3A_251 : i32
        %dma_wait3A_253 = arith.constant 0 : i32
        %dma_wait3A_254 = arith.constant 0 : i32
        %dma_wait3A_255 = tpu.memref_slice %arg4[%add3A, %add3A_252, %dma_wait3A_253, %dma_wait3A_254] : memref<32x80x2x125xi32, #tpu.memory_space<hbm>> -> memref<1x1x2x125xi32, #tpu.memory_space<hbm>>
        %dma_wait3A_256 = tpu.memref_squeeze %dma_wait3A_255 : memref<1x1x2x125xi32, #tpu.memory_space<hbm>> -> memref<2x125xi32, #tpu.memory_space<hbm>>
        %dma_wait3A_257 = arith.constant 0 : i32
        %dma_wait3A_258 = arith.constant 0 : i32
        %dma_wait3A_259 = tpu.memref_slice %arg4[%add3A, %add3A_252, %dma_wait3A_257, %dma_wait3A_258] : memref<32x80x2x125xi32, #tpu.memory_space<hbm>> -> memref<1x1x2x125xi32, #tpu.memory_space<hbm>>
        %dma_wait3A_260 = tpu.memref_squeeze %dma_wait3A_259 : memref<1x1x2x125xi32, #tpu.memory_space<hbm>> -> memref<2x125xi32, #tpu.memory_space<hbm>>
        tpu.wait_dma2 semaphore(%arg20 : memref<!tpu.dma_semaphore, #tpu.memory_space<semaphore_mem>>) src(%dma_wait3A_260 : memref<2x125xi32, #tpu.memory_space<hbm>>) dst(%arg10 : memref<2x125xi32, #tpu.memory_space<vmem>>)
        %dma_start3A_261 = arith.constant 0 : i32
        %dma_start3A_262 = arith.constant 0 : i32
        %dma_start3A_263 = tpu.memref_slice %arg10[%dma_start3A_261, %dma_start3A_262] : memref<2x125xi32, #tpu.memory_space<vmem>> -> memref<1x125xi32, #tpu.memory_space<vmem>>
        %dma_start3A_264 = tpu.memref_squeeze %dma_start3A_263 : memref<1x125xi32, #tpu.memory_space<vmem>> -> memref<125xi32, #tpu.memory_space<vmem>>
        %dma_start3A_265 = arith.constant 0 : i32
        %dma_start3A_266 = arith.constant 0 : i32
        %dma_start3A_267 = tpu.memref_slice %arg2[%dma_start3A_265, %dma_start3A_266] : memref<10000x128xf32, #tpu.memory_space<hbm>> -> memref<10000x128xf32, #tpu.memory_space<hbm>>
        tpu.enqueue_indirect_dma source(%dma_start3A_267 : memref<10000x128xf32, #tpu.memory_space<hbm>>) target(%arg12 : memref<125x128xf32, #tpu.memory_space<vmem>>) offsets(%dma_start3A_264 : memref<125xi32, #tpu.memory_space<vmem>>) semaphore(%arg22 : memref<!tpu.dma_semaphore, #tpu.memory_space<semaphore_mem>>)
        %dma_start3A_268 = arith.constant 0 : i32
        %dma_start3A_269 = arith.constant 0 : i32
        %dma_start3A_270 = tpu.memref_slice %arg10[%dma_start3A_268, %dma_start3A_269] : memref<2x125xi32, #tpu.memory_space<vmem>> -> memref<1x125xi32, #tpu.memory_space<vmem>>
        %dma_start3A_271 = tpu.memref_squeeze %dma_start3A_270 : memref<1x125xi32, #tpu.memory_space<vmem>> -> memref<125xi32, #tpu.memory_space<vmem>>
        %dma_start3A_272 = arith.constant 0 : i32
        %dma_start3A_273 = arith.constant 0 : i32
        %dma_start3A_274 = tpu.memref_slice %arg3[%dma_start3A_272, %dma_start3A_273] : memref<10000x16xf32, #tpu.memory_space<hbm>> -> memref<10000x16xf32, #tpu.memory_space<hbm>>
        tpu.enqueue_indirect_dma source(%dma_start3A_274 : memref<10000x16xf32, #tpu.memory_space<hbm>>) target(%arg14 : memref<125x16xf32, #tpu.memory_space<vmem>>) offsets(%dma_start3A_271 : memref<125xi32, #tpu.memory_space<vmem>>) semaphore(%arg22 : memref<!tpu.dma_semaphore, #tpu.memory_space<semaphore_mem>>)
      } else {
      }
      %mul3A_183 = arith.constant 4 : i32
      %mul3A_184 = arith.muli %mul3A_183, %scan3A_118 : i32
      %add3A_185 = arith.constant 2 : i32
      %add3A_186 = arith.addi %mul3A_184, %add3A_185 : i32
      %dma_wait3A_187 = arith.constant 0 : i32
      %dma_wait3A_188 = arith.constant 0 : i32
      %dma_wait3A_189 = tpu.memref_slice %arg9[%dma_wait3A_187, %dma_wait3A_188] : memref<2x125xi32, #tpu.memory_space<vmem>> -> memref<1x125xi32, #tpu.memory_space<vmem>>
      %dma_wait3A_190 = tpu.memref_squeeze %dma_wait3A_189 : memref<1x125xi32, #tpu.memory_space<vmem>> -> memref<125xi32, #tpu.memory_space<vmem>>
      %dma_wait3A_191 = arith.constant 0 : i32
      %dma_wait3A_192 = arith.constant 0 : i32
      %dma_wait3A_193 = tpu.memref_slice %arg2[%dma_wait3A_191, %dma_wait3A_192] : memref<10000x128xf32, #tpu.memory_space<hbm>> -> memref<10000x128xf32, #tpu.memory_space<hbm>>
      tpu.wait_indirect_dma semaphore(%arg21 : memref<!tpu.dma_semaphore, #tpu.memory_space<semaphore_mem>>) src(%dma_wait3A_193 : memref<10000x128xf32, #tpu.memory_space<hbm>>) dst(%arg11 : memref<125x128xf32, #tpu.memory_space<vmem>>)
      %dma_wait3A_194 = arith.constant 0 : i32
      %dma_wait3A_195 = arith.constant 0 : i32
      %dma_wait3A_196 = tpu.memref_slice %arg9[%dma_wait3A_194, %dma_wait3A_195] : memref<2x125xi32, #tpu.memory_space<vmem>> -> memref<1x125xi32, #tpu.memory_space<vmem>>
      %dma_wait3A_197 = tpu.memref_squeeze %dma_wait3A_196 : memref<1x125xi32, #tpu.memory_space<vmem>> -> memref<125xi32, #tpu.memory_space<vmem>>
      %dma_wait3A_198 = arith.constant 0 : i32
      %dma_wait3A_199 = arith.constant 0 : i32
      %dma_wait3A_200 = tpu.memref_slice %arg3[%dma_wait3A_198, %dma_wait3A_199] : memref<10000x16xf32, #tpu.memory_space<hbm>> -> memref<10000x16xf32, #tpu.memory_space<hbm>>
      tpu.wait_indirect_dma semaphore(%arg21 : memref<!tpu.dma_semaphore, #tpu.memory_space<semaphore_mem>>) src(%dma_wait3A_200 : memref<10000x16xf32, #tpu.memory_space<hbm>>) dst(%arg13 : memref<125x16xf32, #tpu.memory_space<vmem>>)
      %run_scoped3A_201 = arith.constant 1 : i32
      "tpu.region"() ({
        %run_scoped3A_251 = tpu.sem_alloc : memref<!tpu.dma_semaphore, #tpu.memory_space<semaphore_mem>>
        %dma_start3A_252 = arith.constant 0 : i32
        %dma_start3A_253 = tpu.memref_slice %arg9[%run_scoped3A_201, %dma_start3A_252] : memref<2x125xi32, #tpu.memory_space<vmem>> -> memref<1x125xi32, #tpu.memory_space<vmem>>
        %dma_start3A_254 = tpu.memref_squeeze %dma_start3A_253 : memref<1x125xi32, #tpu.memory_space<vmem>> -> memref<125xi32, #tpu.memory_space<vmem>>
        %dma_start3A_255 = arith.constant 0 : i32
        %dma_start3A_256 = arith.constant 0 : i32
        %dma_start3A_257 = tpu.memref_slice %arg15[%dma_start3A_255, %dma_start3A_256] : memref<10000x128xf32, #tpu.memory_space<vmem_shared>> -> memref<10000x128xf32, #tpu.memory_space<vmem_shared>>
        tpu.enqueue_indirect_dma source(%arg11 : memref<125x128xf32, #tpu.memory_space<vmem>>) target(%dma_start3A_257 : memref<10000x128xf32, #tpu.memory_space<vmem_shared>>) offsets(%dma_start3A_254 : memref<125xi32, #tpu.memory_space<vmem>>) semaphore(%run_scoped3A_251 : memref<!tpu.dma_semaphore, #tpu.memory_space<semaphore_mem>>) {add = true}
        %dma_wait3A_258 = arith.constant 0 : i32
        %dma_wait3A_259 = tpu.memref_slice %arg9[%run_scoped3A_201, %dma_wait3A_258] : memref<2x125xi32, #tpu.memory_space<vmem>> -> memref<1x125xi32, #tpu.memory_space<vmem>>
        %dma_wait3A_260 = tpu.memref_squeeze %dma_wait3A_259 : memref<1x125xi32, #tpu.memory_space<vmem>> -> memref<125xi32, #tpu.memory_space<vmem>>
        %dma_wait3A_261 = arith.constant 0 : i32
        %dma_wait3A_262 = arith.constant 0 : i32
        %dma_wait3A_263 = tpu.memref_slice %arg15[%dma_wait3A_261, %dma_wait3A_262] : memref<10000x128xf32, #tpu.memory_space<vmem_shared>> -> memref<10000x128xf32, #tpu.memory_space<vmem_shared>>
        tpu.wait_indirect_dma semaphore(%run_scoped3A_251 : memref<!tpu.dma_semaphore, #tpu.memory_space<semaphore_mem>>) src(%arg11 : memref<125x128xf32, #tpu.memory_space<vmem>>) dst(%dma_wait3A_263 : memref<10000x128xf32, #tpu.memory_space<vmem_shared>>)
        tpu.yield
      }) : () -> ()
      %run_scoped3A_202 = arith.constant 1 : i32
      "tpu.region"() ({
        %run_scoped3A_251 = tpu.sem_alloc : memref<!tpu.dma_semaphore, #tpu.memory_space<semaphore_mem>>
        %dma_start3A_252 = arith.constant 0 : i32
        %dma_start3A_253 = tpu.memref_slice %arg9[%run_scoped3A_202, %dma_start3A_252] : memref<2x125xi32, #tpu.memory_space<vmem>> -> memref<1x125xi32, #tpu.memory_space<vmem>>
        %dma_start3A_254 = tpu.memref_squeeze %dma_start3A_253 : memref<1x125xi32, #tpu.memory_space<vmem>> -> memref<125xi32, #tpu.memory_space<vmem>>
        %dma_start3A_255 = arith.constant 0 : i32
        %dma_start3A_256 = arith.constant 0 : i32
        %dma_start3A_257 = tpu.memref_slice %arg16[%dma_start3A_255, %dma_start3A_256] : memref<10000x16xf32, #tpu.memory_space<vmem_shared>> -> memref<10000x16xf32, #tpu.memory_space<vmem_shared>>
        tpu.enqueue_indirect_dma source(%arg13 : memref<125x16xf32, #tpu.memory_space<vmem>>) target(%dma_start3A_257 : memref<10000x16xf32, #tpu.memory_space<vmem_shared>>) offsets(%dma_start3A_254 : memref<125xi32, #tpu.memory_space<vmem>>) semaphore(%run_scoped3A_251 : memref<!tpu.dma_semaphore, #tpu.memory_space<semaphore_mem>>) {add = true}
        %dma_wait3A_258 = arith.constant 0 : i32
        %dma_wait3A_259 = tpu.memref_slice %arg9[%run_scoped3A_202, %dma_wait3A_258] : memref<2x125xi32, #tpu.memory_space<vmem>> -> memref<1x125xi32, #tpu.memory_space<vmem>>
        %dma_wait3A_260 = tpu.memref_squeeze %dma_wait3A_259 : memref<1x125xi32, #tpu.memory_space<vmem>> -> memref<125xi32, #tpu.memory_space<vmem>>
        %dma_wait3A_261 = arith.constant 0 : i32
        %dma_wait3A_262 = arith.constant 0 : i32
        %dma_wait3A_263 = tpu.memref_slice %arg16[%dma_wait3A_261, %dma_wait3A_262] : memref<10000x16xf32, #tpu.memory_space<vmem_shared>> -> memref<10000x16xf32, #tpu.memory_space<vmem_shared>>
        tpu.wait_indirect_dma semaphore(%run_scoped3A_251 : memref<!tpu.dma_semaphore, #tpu.memory_space<semaphore_mem>>) src(%arg13 : memref<125x16xf32, #tpu.memory_space<vmem>>) dst(%dma_wait3A_263 : memref<10000x16xf32, #tpu.memory_space<vmem_shared>>)
        tpu.yield
      }) : () -> ()
      %add3A_203 = arith.constant 4 : i32
      %add3A_204 = arith.addi %add3A_186, %add3A_203 : i32
      %lt3A_205 = arith.constant 80 : i32
      %lt3A_206 = arith.cmpi slt, %add3A_204, %lt3A_205 : i32
      %convert_element_type3A_207 = arith.extui %lt3A_206 : i1 to i32
      %cond3A_208 = arith.constant 0 : i32
      %cond3A_209 = arith.cmpi ne, %convert_element_type3A_207, %cond3A_208 : i32
      scf.if %cond3A_209 {
        %add3A_251 = arith.constant 4 : i32
        %add3A_252 = arith.addi %add3A_186, %add3A_251 : i32
        %dma_start3A_253 = arith.constant 0 : i32
        %dma_start3A_254 = arith.constant 0 : i32
        %dma_start3A_255 = tpu.memref_slice %arg4[%add3A, %add3A_252, %dma_start3A_253, %dma_start3A_254] : memref<32x80x2x125xi32, #tpu.memory_space<hbm>> -> memref<1x1x2x125xi32, #tpu.memory_space<hbm>>
        %dma_start3A_256 = tpu.memref_squeeze %dma_start3A_255 : memref<1x1x2x125xi32, #tpu.memory_space<hbm>> -> memref<2x125xi32, #tpu.memory_space<hbm>>
        %dma_start3A_257 = arith.constant 0 : i32
        %dma_start3A_258 = arith.constant 0 : i32
        %dma_start3A_259 = tpu.memref_slice %arg4[%add3A, %add3A_252, %dma_start3A_257, %dma_start3A_258] : memref<32x80x2x125xi32, #tpu.memory_space<hbm>> -> memref<1x1x2x125xi32, #tpu.memory_space<hbm>>
        %dma_start3A_260 = tpu.memref_squeeze %dma_start3A_259 : memref<1x1x2x125xi32, #tpu.memory_space<hbm>> -> memref<2x125xi32, #tpu.memory_space<hbm>>
        tpu.enqueue_dma source(%dma_start3A_260 : memref<2x125xi32, #tpu.memory_space<hbm>>) target(%arg9 : memref<2x125xi32, #tpu.memory_space<vmem>>) target_semaphore(%arg19 : memref<!tpu.dma_semaphore, #tpu.memory_space<semaphore_mem>>)
      } else {
      }
      %add3A_210 = arith.constant 2 : i32
      %add3A_211 = arith.addi %add3A_186, %add3A_210 : i32
      %lt3A_212 = arith.constant 80 : i32
      %lt3A_213 = arith.cmpi slt, %add3A_211, %lt3A_212 : i32
      %convert_element_type3A_214 = arith.extui %lt3A_213 : i1 to i32
      %cond3A_215 = arith.constant 0 : i32
      %cond3A_216 = arith.cmpi ne, %convert_element_type3A_214, %cond3A_215 : i32
      scf.if %cond3A_216 {
        %add3A_251 = arith.constant 2 : i32
        %add3A_252 = arith.addi %add3A_186, %add3A_251 : i32
        %dma_wait3A_253 = arith.constant 0 : i32
        %dma_wait3A_254 = arith.constant 0 : i32
        %dma_wait3A_255 = tpu.memref_slice %arg4[%add3A, %add3A_252, %dma_wait3A_253, %dma_wait3A_254] : memref<32x80x2x125xi32, #tpu.memory_space<hbm>> -> memref<1x1x2x125xi32, #tpu.memory_space<hbm>>
        %dma_wait3A_256 = tpu.memref_squeeze %dma_wait3A_255 : memref<1x1x2x125xi32, #tpu.memory_space<hbm>> -> memref<2x125xi32, #tpu.memory_space<hbm>>
        %dma_wait3A_257 = arith.constant 0 : i32
        %dma_wait3A_258 = arith.constant 0 : i32
        %dma_wait3A_259 = tpu.memref_slice %arg4[%add3A, %add3A_252, %dma_wait3A_257, %dma_wait3A_258] : memref<32x80x2x125xi32, #tpu.memory_space<hbm>> -> memref<1x1x2x125xi32, #tpu.memory_space<hbm>>
        %dma_wait3A_260 = tpu.memref_squeeze %dma_wait3A_259 : memref<1x1x2x125xi32, #tpu.memory_space<hbm>> -> memref<2x125xi32, #tpu.memory_space<hbm>>
        tpu.wait_dma2 semaphore(%arg17 : memref<!tpu.dma_semaphore, #tpu.memory_space<semaphore_mem>>) src(%dma_wait3A_260 : memref<2x125xi32, #tpu.memory_space<hbm>>) dst(%arg7 : memref<2x125xi32, #tpu.memory_space<vmem>>)
        %dma_start3A_261 = arith.constant 0 : i32
        %dma_start3A_262 = arith.constant 0 : i32
        %dma_start3A_263 = tpu.memref_slice %arg7[%dma_start3A_261, %dma_start3A_262] : memref<2x125xi32, #tpu.memory_space<vmem>> -> memref<1x125xi32, #tpu.memory_space<vmem>>
        %dma_start3A_264 = tpu.memref_squeeze %dma_start3A_263 : memref<1x125xi32, #tpu.memory_space<vmem>> -> memref<125xi32, #tpu.memory_space<vmem>>
        %dma_start3A_265 = arith.constant 0 : i32
        %dma_start3A_266 = arith.constant 0 : i32
        %dma_start3A_267 = tpu.memref_slice %arg2[%dma_start3A_265, %dma_start3A_266] : memref<10000x128xf32, #tpu.memory_space<hbm>> -> memref<10000x128xf32, #tpu.memory_space<hbm>>
        tpu.enqueue_indirect_dma source(%dma_start3A_267 : memref<10000x128xf32, #tpu.memory_space<hbm>>) target(%arg11 : memref<125x128xf32, #tpu.memory_space<vmem>>) offsets(%dma_start3A_264 : memref<125xi32, #tpu.memory_space<vmem>>) semaphore(%arg21 : memref<!tpu.dma_semaphore, #tpu.memory_space<semaphore_mem>>)
        %dma_start3A_268 = arith.constant 0 : i32
        %dma_start3A_269 = arith.constant 0 : i32
        %dma_start3A_270 = tpu.memref_slice %arg7[%dma_start3A_268, %dma_start3A_269] : memref<2x125xi32, #tpu.memory_space<vmem>> -> memref<1x125xi32, #tpu.memory_space<vmem>>
        %dma_start3A_271 = tpu.memref_squeeze %dma_start3A_270 : memref<1x125xi32, #tpu.memory_space<vmem>> -> memref<125xi32, #tpu.memory_space<vmem>>
        %dma_start3A_272 = arith.constant 0 : i32
        %dma_start3A_273 = arith.constant 0 : i32
        %dma_start3A_274 = tpu.memref_slice %arg3[%dma_start3A_272, %dma_start3A_273] : memref<10000x16xf32, #tpu.memory_space<hbm>> -> memref<10000x16xf32, #tpu.memory_space<hbm>>
        tpu.enqueue_indirect_dma source(%dma_start3A_274 : memref<10000x16xf32, #tpu.memory_space<hbm>>) target(%arg13 : memref<125x16xf32, #tpu.memory_space<vmem>>) offsets(%dma_start3A_271 : memref<125xi32, #tpu.memory_space<vmem>>) semaphore(%arg21 : memref<!tpu.dma_semaphore, #tpu.memory_space<semaphore_mem>>)
      } else {
      }
      %mul3A_217 = arith.constant 4 : i32
      %mul3A_218 = arith.muli %mul3A_217, %scan3A_118 : i32
      %add3A_219 = arith.constant 3 : i32
      %add3A_220 = arith.addi %mul3A_218, %add3A_219 : i32
      %dma_wait3A_221 = arith.constant 0 : i32
      %dma_wait3A_222 = arith.constant 0 : i32
      %dma_wait3A_223 = tpu.memref_slice %arg10[%dma_wait3A_221, %dma_wait3A_222] : memref<2x125xi32, #tpu.memory_space<vmem>> -> memref<1x125xi32, #tpu.memory_space<vmem>>
      %dma_wait3A_224 = tpu.memref_squeeze %dma_wait3A_223 : memref<1x125xi32, #tpu.memory_space<vmem>> -> memref<125xi32, #tpu.memory_space<vmem>>
      %dma_wait3A_225 = arith.constant 0 : i32
      %dma_wait3A_226 = arith.constant 0 : i32
      %dma_wait3A_227 = tpu.memref_slice %arg2[%dma_wait3A_225, %dma_wait3A_226] : memref<10000x128xf32, #tpu.memory_space<hbm>> -> memref<10000x128xf32, #tpu.memory_space<hbm>>
      tpu.wait_indirect_dma semaphore(%arg22 : memref<!tpu.dma_semaphore, #tpu.memory_space<semaphore_mem>>) src(%dma_wait3A_227 : memref<10000x128xf32, #tpu.memory_space<hbm>>) dst(%arg12 : memref<125x128xf32, #tpu.memory_space<vmem>>)
      %dma_wait3A_228 = arith.constant 0 : i32
      %dma_wait3A_229 = arith.constant 0 : i32
      %dma_wait3A_230 = tpu.memref_slice %arg10[%dma_wait3A_228, %dma_wait3A_229] : memref<2x125xi32, #tpu.memory_space<vmem>> -> memref<1x125xi32, #tpu.memory_space<vmem>>
      %dma_wait3A_231 = tpu.memref_squeeze %dma_wait3A_230 : memref<1x125xi32, #tpu.memory_space<vmem>> -> memref<125xi32, #tpu.memory_space<vmem>>
      %dma_wait3A_232 = arith.constant 0 : i32
      %dma_wait3A_233 = arith.constant 0 : i32
      %dma_wait3A_234 = tpu.memref_slice %arg3[%dma_wait3A_232, %dma_wait3A_233] : memref<10000x16xf32, #tpu.memory_space<hbm>> -> memref<10000x16xf32, #tpu.memory_space<hbm>>
      tpu.wait_indirect_dma semaphore(%arg22 : memref<!tpu.dma_semaphore, #tpu.memory_space<semaphore_mem>>) src(%dma_wait3A_234 : memref<10000x16xf32, #tpu.memory_space<hbm>>) dst(%arg14 : memref<125x16xf32, #tpu.memory_space<vmem>>)
      %run_scoped3A_235 = arith.constant 1 : i32
      "tpu.region"() ({
        %run_scoped3A_251 = tpu.sem_alloc : memref<!tpu.dma_semaphore, #tpu.memory_space<semaphore_mem>>
        %dma_start3A_252 = arith.constant 0 : i32
        %dma_start3A_253 = tpu.memref_slice %arg10[%run_scoped3A_235, %dma_start3A_252] : memref<2x125xi32, #tpu.memory_space<vmem>> -> memref<1x125xi32, #tpu.memory_space<vmem>>
        %dma_start3A_254 = tpu.memref_squeeze %dma_start3A_253 : memref<1x125xi32, #tpu.memory_space<vmem>> -> memref<125xi32, #tpu.memory_space<vmem>>
        %dma_start3A_255 = arith.constant 0 : i32
        %dma_start3A_256 = arith.constant 0 : i32
        %dma_start3A_257 = tpu.memref_slice %arg15[%dma_start3A_255, %dma_start3A_256] : memref<10000x128xf32, #tpu.memory_space<vmem_shared>> -> memref<10000x128xf32, #tpu.memory_space<vmem_shared>>
        tpu.enqueue_indirect_dma source(%arg12 : memref<125x128xf32, #tpu.memory_space<vmem>>) target(%dma_start3A_257 : memref<10000x128xf32, #tpu.memory_space<vmem_shared>>) offsets(%dma_start3A_254 : memref<125xi32, #tpu.memory_space<vmem>>) semaphore(%run_scoped3A_251 : memref<!tpu.dma_semaphore, #tpu.memory_space<semaphore_mem>>) {add = true}
        %dma_wait3A_258 = arith.constant 0 : i32
        %dma_wait3A_259 = tpu.memref_slice %arg10[%run_scoped3A_235, %dma_wait3A_258] : memref<2x125xi32, #tpu.memory_space<vmem>> -> memref<1x125xi32, #tpu.memory_space<vmem>>
        %dma_wait3A_260 = tpu.memref_squeeze %dma_wait3A_259 : memref<1x125xi32, #tpu.memory_space<vmem>> -> memref<125xi32, #tpu.memory_space<vmem>>
        %dma_wait3A_261 = arith.constant 0 : i32
        %dma_wait3A_262 = arith.constant 0 : i32
        %dma_wait3A_263 = tpu.memref_slice %arg15[%dma_wait3A_261, %dma_wait3A_262] : memref<10000x128xf32, #tpu.memory_space<vmem_shared>> -> memref<10000x128xf32, #tpu.memory_space<vmem_shared>>
        tpu.wait_indirect_dma semaphore(%run_scoped3A_251 : memref<!tpu.dma_semaphore, #tpu.memory_space<semaphore_mem>>) src(%arg12 : memref<125x128xf32, #tpu.memory_space<vmem>>) dst(%dma_wait3A_263 : memref<10000x128xf32, #tpu.memory_space<vmem_shared>>)
        tpu.yield
      }) : () -> ()
      %run_scoped3A_236 = arith.constant 1 : i32
      "tpu.region"() ({
        %run_scoped3A_251 = tpu.sem_alloc : memref<!tpu.dma_semaphore, #tpu.memory_space<semaphore_mem>>
        %dma_start3A_252 = arith.constant 0 : i32
        %dma_start3A_253 = tpu.memref_slice %arg10[%run_scoped3A_236, %dma_start3A_252] : memref<2x125xi32, #tpu.memory_space<vmem>> -> memref<1x125xi32, #tpu.memory_space<vmem>>
        %dma_start3A_254 = tpu.memref_squeeze %dma_start3A_253 : memref<1x125xi32, #tpu.memory_space<vmem>> -> memref<125xi32, #tpu.memory_space<vmem>>
        %dma_start3A_255 = arith.constant 0 : i32
        %dma_start3A_256 = arith.constant 0 : i32
        %dma_start3A_257 = tpu.memref_slice %arg16[%dma_start3A_255, %dma_start3A_256] : memref<10000x16xf32, #tpu.memory_space<vmem_shared>> -> memref<10000x16xf32, #tpu.memory_space<vmem_shared>>
        tpu.enqueue_indirect_dma source(%arg14 : memref<125x16xf32, #tpu.memory_space<vmem>>) target(%dma_start3A_257 : memref<10000x16xf32, #tpu.memory_space<vmem_shared>>) offsets(%dma_start3A_254 : memref<125xi32, #tpu.memory_space<vmem>>) semaphore(%run_scoped3A_251 : memref<!tpu.dma_semaphore, #tpu.memory_space<semaphore_mem>>) {add = true}
        %dma_wait3A_258 = arith.constant 0 : i32
        %dma_wait3A_259 = tpu.memref_slice %arg10[%run_scoped3A_236, %dma_wait3A_258] : memref<2x125xi32, #tpu.memory_space<vmem>> -> memref<1x125xi32, #tpu.memory_space<vmem>>
        %dma_wait3A_260 = tpu.memref_squeeze %dma_wait3A_259 : memref<1x125xi32, #tpu.memory_space<vmem>> -> memref<125xi32, #tpu.memory_space<vmem>>
        %dma_wait3A_261 = arith.constant 0 : i32
        %dma_wait3A_262 = arith.constant 0 : i32
        %dma_wait3A_263 = tpu.memref_slice %arg16[%dma_wait3A_261, %dma_wait3A_262] : memref<10000x16xf32, #tpu.memory_space<vmem_shared>> -> memref<10000x16xf32, #tpu.memory_space<vmem_shared>>
        tpu.wait_indirect_dma semaphore(%run_scoped3A_251 : memref<!tpu.dma_semaphore, #tpu.memory_space<semaphore_mem>>) src(%arg14 : memref<125x16xf32, #tpu.memory_space<vmem>>) dst(%dma_wait3A_263 : memref<10000x16xf32, #tpu.memory_space<vmem_shared>>)
        tpu.yield
      }) : () -> ()
      %add3A_237 = arith.constant 4 : i32
      %add3A_238 = arith.addi %add3A_220, %add3A_237 : i32
      %lt3A_239 = arith.constant 80 : i32
      %lt3A_240 = arith.cmpi slt, %add3A_238, %lt3A_239 : i32
      %convert_element_type3A_241 = arith.extui %lt3A_240 : i1 to i32
      %cond3A_242 = arith.constant 0 : i32
      %cond3A_243 = arith.cmpi ne, %convert_element_type3A_241, %cond3A_242 : i32
      scf.if %cond3A_243 {
        %add3A_251 = arith.constant 4 : i32
        %add3A_252 = arith.addi %add3A_220, %add3A_251 : i32
        %dma_start3A_253 = arith.constant 0 : i32
        %dma_start3A_254 = arith.constant 0 : i32
        %dma_start3A_255 = tpu.memref_slice %arg4[%add3A, %add3A_252, %dma_start3A_253, %dma_start3A_254] : memref<32x80x2x125xi32, #tpu.memory_space<hbm>> -> memref<1x1x2x125xi32, #tpu.memory_space<hbm>>
        %dma_start3A_256 = tpu.memref_squeeze %dma_start3A_255 : memref<1x1x2x125xi32, #tpu.memory_space<hbm>> -> memref<2x125xi32, #tpu.memory_space<hbm>>
        %dma_start3A_257 = arith.constant 0 : i32
        %dma_start3A_258 = arith.constant 0 : i32
        %dma_start3A_259 = tpu.memref_slice %arg4[%add3A, %add3A_252, %dma_start3A_257, %dma_start3A_258] : memref<32x80x2x125xi32, #tpu.memory_space<hbm>> -> memref<1x1x2x125xi32, #tpu.memory_space<hbm>>
        %dma_start3A_260 = tpu.memref_squeeze %dma_start3A_259 : memref<1x1x2x125xi32, #tpu.memory_space<hbm>> -> memref<2x125xi32, #tpu.memory_space<hbm>>
        tpu.enqueue_dma source(%dma_start3A_260 : memref<2x125xi32, #tpu.memory_space<hbm>>) target(%arg10 : memref<2x125xi32, #tpu.memory_space<vmem>>) target_semaphore(%arg20 : memref<!tpu.dma_semaphore, #tpu.memory_space<semaphore_mem>>)
      } else {
      }
      %add3A_244 = arith.constant 2 : i32
      %add3A_245 = arith.addi %add3A_220, %add3A_244 : i32
      %lt3A_246 = arith.constant 80 : i32
      %lt3A_247 = arith.cmpi slt, %add3A_245, %lt3A_246 : i32
      %convert_element_type3A_248 = arith.extui %lt3A_247 : i1 to i32
      %cond3A_249 = arith.constant 0 : i32
      %cond3A_250 = arith.cmpi ne, %convert_element_type3A_248, %cond3A_249 : i32
      scf.if %cond3A_250 {
        %add3A_251 = arith.constant 2 : i32
        %add3A_252 = arith.addi %add3A_220, %add3A_251 : i32
        %dma_wait3A_253 = arith.constant 0 : i32
        %dma_wait3A_254 = arith.constant 0 : i32
        %dma_wait3A_255 = tpu.memref_slice %arg4[%add3A, %add3A_252, %dma_wait3A_253, %dma_wait3A_254] : memref<32x80x2x125xi32, #tpu.memory_space<hbm>> -> memref<1x1x2x125xi32, #tpu.memory_space<hbm>>
        %dma_wait3A_256 = tpu.memref_squeeze %dma_wait3A_255 : memref<1x1x2x125xi32, #tpu.memory_space<hbm>> -> memref<2x125xi32, #tpu.memory_space<hbm>>
        %dma_wait3A_257 = arith.constant 0 : i32
        %dma_wait3A_258 = arith.constant 0 : i32
        %dma_wait3A_259 = tpu.memref_slice %arg4[%add3A, %add3A_252, %dma_wait3A_257, %dma_wait3A_258] : memref<32x80x2x125xi32, #tpu.memory_space<hbm>> -> memref<1x1x2x125xi32, #tpu.memory_space<hbm>>
        %dma_wait3A_260 = tpu.memref_squeeze %dma_wait3A_259 : memref<1x1x2x125xi32, #tpu.memory_space<hbm>> -> memref<2x125xi32, #tpu.memory_space<hbm>>
        tpu.wait_dma2 semaphore(%arg18 : memref<!tpu.dma_semaphore, #tpu.memory_space<semaphore_mem>>) src(%dma_wait3A_260 : memref<2x125xi32, #tpu.memory_space<hbm>>) dst(%arg8 : memref<2x125xi32, #tpu.memory_space<vmem>>)
        %dma_start3A_261 = arith.constant 0 : i32
        %dma_start3A_262 = arith.constant 0 : i32
        %dma_start3A_263 = tpu.memref_slice %arg8[%dma_start3A_261, %dma_start3A_262] : memref<2x125xi32, #tpu.memory_space<vmem>> -> memref<1x125xi32, #tpu.memory_space<vmem>>
        %dma_start3A_264 = tpu.memref_squeeze %dma_start3A_263 : memref<1x125xi32, #tpu.memory_space<vmem>> -> memref<125xi32, #tpu.memory_space<vmem>>
        %dma_start3A_265 = arith.constant 0 : i32
        %dma_start3A_266 = arith.constant 0 : i32
        %dma_start3A_267 = tpu.memref_slice %arg2[%dma_start3A_265, %dma_start3A_266] : memref<10000x128xf32, #tpu.memory_space<hbm>> -> memref<10000x128xf32, #tpu.memory_space<hbm>>
        tpu.enqueue_indirect_dma source(%dma_start3A_267 : memref<10000x128xf32, #tpu.memory_space<hbm>>) target(%arg12 : memref<125x128xf32, #tpu.memory_space<vmem>>) offsets(%dma_start3A_264 : memref<125xi32, #tpu.memory_space<vmem>>) semaphore(%arg22 : memref<!tpu.dma_semaphore, #tpu.memory_space<semaphore_mem>>)
        %dma_start3A_268 = arith.constant 0 : i32
        %dma_start3A_269 = arith.constant 0 : i32
        %dma_start3A_270 = tpu.memref_slice %arg8[%dma_start3A_268, %dma_start3A_269] : memref<2x125xi32, #tpu.memory_space<vmem>> -> memref<1x125xi32, #tpu.memory_space<vmem>>
        %dma_start3A_271 = tpu.memref_squeeze %dma_start3A_270 : memref<1x125xi32, #tpu.memory_space<vmem>> -> memref<125xi32, #tpu.memory_space<vmem>>
        %dma_start3A_272 = arith.constant 0 : i32
        %dma_start3A_273 = arith.constant 0 : i32
        %dma_start3A_274 = tpu.memref_slice %arg3[%dma_start3A_272, %dma_start3A_273] : memref<10000x16xf32, #tpu.memory_space<hbm>> -> memref<10000x16xf32, #tpu.memory_space<hbm>>
        tpu.enqueue_indirect_dma source(%dma_start3A_274 : memref<10000x16xf32, #tpu.memory_space<hbm>>) target(%arg14 : memref<125x16xf32, #tpu.memory_space<vmem>>) offsets(%dma_start3A_271 : memref<125xi32, #tpu.memory_space<vmem>>) semaphore(%arg22 : memref<!tpu.dma_semaphore, #tpu.memory_space<semaphore_mem>>)
      } else {
      }
    }
    %scan3A_113 = arith.constant 20 : i32
    %barrier3A_114 = arith.constant 0 : index
    tpu.barrier barrier_id(%barrier3A_114)
    %mul3A_115 = arith.constant 10000 : i32
    %mul3A_116 = arith.muli %arg0, %mul3A_115 : i32
    %add3A_117 = arith.addi %mul3A_116, %mul3A_2 : i32
    "tpu.region"() ({
      %run_scoped3A = tpu.sem_alloc : memref<!tpu.dma_semaphore, #tpu.memory_space<semaphore_mem>>
      %dma_start3A_118 = arith.constant 0 : i32
      %dma_start3A_119 = tpu.memref_slice %arg5[%add3A_117, %dma_start3A_118] : memref<20000x128xf32, #tpu.memory_space<hbm>> -> memref<625x128xf32, #tpu.memory_space<hbm>>
      %dma_start3A_120 = arith.constant 0 : i32
      %dma_start3A_121 = tpu.memref_slice %arg15[%mul3A_2, %dma_start3A_120] : memref<10000x128xf32, #tpu.memory_space<vmem_shared>> -> memref<625x128xf32, #tpu.memory_space<vmem_shared>>
      tpu.enqueue_dma source(%dma_start3A_121 : memref<625x128xf32, #tpu.memory_space<vmem_shared>>) target(%dma_start3A_119 : memref<625x128xf32, #tpu.memory_space<hbm>>) target_semaphore(%run_scoped3A : memref<!tpu.dma_semaphore, #tpu.memory_space<semaphore_mem>>)
      %dma_wait3A_122 = arith.constant 0 : i32
      %dma_wait3A_123 = tpu.memref_slice %arg5[%add3A_117, %dma_wait3A_122] : memref<20000x128xf32, #tpu.memory_space<hbm>> -> memref<625x128xf32, #tpu.memory_space<hbm>>
      %dma_wait3A_124 = arith.constant 0 : i32
      %dma_wait3A_125 = tpu.memref_slice %arg15[%mul3A_2, %dma_wait3A_124] : memref<10000x128xf32, #tpu.memory_space<vmem_shared>> -> memref<625x128xf32, #tpu.memory_space<vmem_shared>>
      tpu.wait_dma2 semaphore(%run_scoped3A : memref<!tpu.dma_semaphore, #tpu.memory_space<semaphore_mem>>) src(%dma_wait3A_125 : memref<625x128xf32, #tpu.memory_space<vmem_shared>>) dst(%dma_wait3A_123 : memref<625x128xf32, #tpu.memory_space<hbm>>)
      tpu.yield
    }) : () -> ()
    "tpu.region"() ({
      %run_scoped3A = tpu.sem_alloc : memref<!tpu.dma_semaphore, #tpu.memory_space<semaphore_mem>>
      %dma_start3A_118 = arith.constant 0 : i32
      %dma_start3A_119 = tpu.memref_slice %arg6[%add3A_117, %dma_start3A_118] : memref<20000x16xf32, #tpu.memory_space<hbm>> -> memref<625x16xf32, #tpu.memory_space<hbm>>
      %dma_start3A_120 = arith.constant 0 : i32
      %dma_start3A_121 = tpu.memref_slice %arg16[%mul3A_2, %dma_start3A_120] : memref<10000x16xf32, #tpu.memory_space<vmem_shared>> -> memref<625x16xf32, #tpu.memory_space<vmem_shared>>
      tpu.enqueue_dma source(%dma_start3A_121 : memref<625x16xf32, #tpu.memory_space<vmem_shared>>) target(%dma_start3A_119 : memref<625x16xf32, #tpu.memory_space<hbm>>) target_semaphore(%run_scoped3A : memref<!tpu.dma_semaphore, #tpu.memory_space<semaphore_mem>>)
      %dma_wait3A_122 = arith.constant 0 : i32
      %dma_wait3A_123 = tpu.memref_slice %arg6[%add3A_117, %dma_wait3A_122] : memref<20000x16xf32, #tpu.memory_space<hbm>> -> memref<625x16xf32, #tpu.memory_space<hbm>>
      %dma_wait3A_124 = arith.constant 0 : i32
      %dma_wait3A_125 = tpu.memref_slice %arg16[%mul3A_2, %dma_wait3A_124] : memref<10000x16xf32, #tpu.memory_space<vmem_shared>> -> memref<625x16xf32, #tpu.memory_space<vmem_shared>>
      tpu.wait_dma2 semaphore(%run_scoped3A : memref<!tpu.dma_semaphore, #tpu.memory_space<semaphore_mem>>) src(%dma_wait3A_125 : memref<625x16xf32, #tpu.memory_space<vmem_shared>>) dst(%dma_wait3A_123 : memref<625x16xf32, #tpu.memory_space<hbm>>)
      tpu.yield
    }) : () -> ()
    return
  }
}

#map = affine_map<(d0, d1) -> (0, 0)>
#map1 = affine_map<(d0, d1) -> (0, 0, 0, 0)>
module attributes {stable_mosaic.version = 14 : i64} {
  func.func @_sc_scatter_pass_body(%arg0: i32, %arg1: i32, %arg2: memref<10000x128xf32, #tpu.memory_space<hbm>>, %arg3: memref<10000x16xf32, #tpu.memory_space<hbm>>, %arg4: memref<32x80x2x125xi32, #tpu.memory_space<hbm>>, %arg5: memref<20000x128xf32, #tpu.memory_space<hbm>>, %arg6: memref<20000x16xf32, #tpu.memory_space<hbm>>, %arg7: memref<2x125xi32, #tpu.memory_space<vmem>>, %arg8: memref<2x125xi32, #tpu.memory_space<vmem>>, %arg9: memref<2x125xi32, #tpu.memory_space<vmem>>, %arg10: memref<2x125xi32, #tpu.memory_space<vmem>>, %arg11: memref<125x128xf32, #tpu.memory_space<vmem>>, %arg12: memref<125x128xf32, #tpu.memory_space<vmem>>, %arg13: memref<125x16xf32, #tpu.memory_space<vmem>>, %arg14: memref<125x16xf32, #tpu.memory_space<vmem>>, %arg15: memref<10000x128xf32, #tpu.memory_space<vmem_shared>>, %arg16: memref<10000x16xf32, #tpu.memory_space<vmem_shared>>, %arg17: memref<!tpu.dma_semaphore, #tpu.memory_space<semaphore_mem>>, %arg18: memref<!tpu.dma_semaphore, #tpu.memory_space<semaphore_mem>>, %arg19: memref<!tpu.dma_semaphore, #tpu.memory_space<semaphore_mem>>, %arg20: memref<!tpu.dma_semaphore, #tpu.memory_space<semaphore_mem>>, %arg21: memref<!tpu.dma_semaphore, #tpu.memory_space<semaphore_mem>>, %arg22: memref<!tpu.dma_semaphore, #tpu.memory_space<semaphore_mem>>) attributes {dimension_semantics = [#tpu.dimension_semantics<core_parallel>, #tpu.dimension_semantics<subcore_parallel>], iteration_bounds = array<i64: 2, 16>, scalar_prefetch = 0 : i64, scratch_operands = 16 : i64, tpu.core_type = #tpu.core_type<sc_vector_subcore>, window_params = [{transform_indices = #map}, {transform_indices = #map}, {transform_indices = #map1}, {transform_indices = #map}, {transform_indices = #map}]} {
    %mul3A = arith.constant 2 : i32
    %mul3A_0 = arith.muli %arg1, %mul3A : i32
    %add3A = arith.addi %mul3A_0, %arg0 : i32
    %mul3A_1 = arith.constant 625 : i32
    %mul3A_2 = arith.muli %arg1, %mul3A_1 : i32
    %scan3A = arith.constant 0 : i32
    %scan3A_3 = arith.constant 0 : i32
    %scan3A_4 = arith.constant 125 : i32
    %scan3A_5 = arith.addi %scan3A_3, %scan3A_4 : i32
    %scan3A_6 = arith.constant 1 : i32
    scf.for %scan3A_118 = %scan3A_3 to %scan3A_5 step %scan3A_6  : i32 {
      %broadcast_in_dim3A = arith.constant 0.000000e+00 : f32
      %broadcast_in_dim3A_119 = vector.broadcast %broadcast_in_dim3A : f32 to vector<16xf32>
      %swap3A = arith.index_cast %scan3A_118 : i32 to index
      %swap3A_120 = arith.constant 0 : index
      %swap3A_121 = tpu.vector_load %arg11[%swap3A, %swap3A_120] {strides = array<i32>} : memref<125x128xf32, #tpu.memory_space<vmem>>, vector<1x16xf32>,
      %swap3A_122 = vector.shape_cast %swap3A_121 : vector<1x16xf32> to vector<16xf32>
      %swap3A_123 = vector.shape_cast %broadcast_in_dim3A_119 : vector<16xf32> to vector<1x16xf32>
      tpu.vector_store %arg11[%swap3A, %swap3A_120], %swap3A_123 {strides = array<i32>} : memref<125x128xf32, #tpu.memory_space<vmem>>, vector<1x16xf32>,
      %broadcast_in_dim3A_124 = arith.constant 0.000000e+00 : f32
      %broadcast_in_dim3A_125 = vector.broadcast %broadcast_in_dim3A_124 : f32 to vector<16xf32>
      %swap3A_126 = arith.index_cast %scan3A_118 : i32 to index
      %swap3A_127 = arith.constant 16 : index
      %swap3A_128 = tpu.vector_load %arg11[%swap3A_126, %swap3A_127] {strides = array<i32>} : memref<125x128xf32, #tpu.memory_space<vmem>>, vector<1x16xf32>,
      %swap3A_129 = vector.shape_cast %swap3A_128 : vector<1x16xf32> to vector<16xf32>
      %swap3A_130 = vector.shape_cast %broadcast_in_dim3A_125 : vector<16xf32> to vector<1x16xf32>
      tpu.vector_store %arg11[%swap3A_126, %swap3A_127], %swap3A_130 {strides = array<i32>} : memref<125x128xf32, #tpu.memory_space<vmem>>, vector<1x16xf32>,
      %broadcast_in_dim3A_131 = arith.constant 0.000000e+00 : f32
      %broadcast_in_dim3A_132 = vector.broadcast %broadcast_in_dim3A_131 : f32 to vector<16xf32>
      %swap3A_133 = arith.index_cast %scan3A_118 : i32 to index
      %swap3A_134 = arith.constant 32 : index
      %swap3A_135 = tpu.vector_load %arg11[%swap3A_133, %swap3A_134] {strides = array<i32>} : memref<125x128xf32, #tpu.memory_space<vmem>>, vector<1x16xf32>,
      %swap3A_136 = vector.shape_cast %swap3A_135 : vector<1x16xf32> to vector<16xf32>
      %swap3A_137 = vector.shape_cast %broadcast_in_dim3A_132 : vector<16xf32> to vector<1x16xf32>
      tpu.vector_store %arg11[%swap3A_133, %swap3A_134], %swap3A_137 {strides = array<i32>} : memref<125x128xf32, #tpu.memory_space<vmem>>, vector<1x16xf32>,
      %broadcast_in_dim3A_138 = arith.constant 0.000000e+00 : f32
      %broadcast_in_dim3A_139 = vector.broadcast %broadcast_in_dim3A_138 : f32 to vector<16xf32>
      %swap3A_140 = arith.index_cast %scan3A_118 : i32 to index
      %swap3A_141 = arith.constant 48 : index
      %swap3A_142 = tpu.vector_load %arg11[%swap3A_140, %swap3A_141] {strides = array<i32>} : memref<125x128xf32, #tpu.memory_space<vmem>>, vector<1x16xf32>,
      %swap3A_143 = vector.shape_cast %swap3A_142 : vector<1x16xf32> to vector<16xf32>
      %swap3A_144 = vector.shape_cast %broadcast_in_dim3A_139 : vector<16xf32> to vector<1x16xf32>
      tpu.vector_store %arg11[%swap3A_140, %swap3A_141], %swap3A_144 {strides = array<i32>} : memref<125x128xf32, #tpu.memory_space<vmem>>, vector<1x16xf32>,
      %broadcast_in_dim3A_145 = arith.constant 0.000000e+00 : f32
      %broadcast_in_dim3A_146 = vector.broadcast %broadcast_in_dim3A_145 : f32 to vector<16xf32>
      %swap3A_147 = arith.index_cast %scan3A_118 : i32 to index
      %swap3A_148 = arith.constant 64 : index
      %swap3A_149 = tpu.vector_load %arg11[%swap3A_147, %swap3A_148] {strides = array<i32>} : memref<125x128xf32, #tpu.memory_space<vmem>>, vector<1x16xf32>,
      %swap3A_150 = vector.shape_cast %swap3A_149 : vector<1x16xf32> to vector<16xf32>
      %swap3A_151 = vector.shape_cast %broadcast_in_dim3A_146 : vector<16xf32> to vector<1x16xf32>
      tpu.vector_store %arg11[%swap3A_147, %swap3A_148], %swap3A_151 {strides = array<i32>} : memref<125x128xf32, #tpu.memory_space<vmem>>, vector<1x16xf32>,
      %broadcast_in_dim3A_152 = arith.constant 0.000000e+00 : f32
      %broadcast_in_dim3A_153 = vector.broadcast %broadcast_in_dim3A_152 : f32 to vector<16xf32>
      %swap3A_154 = arith.index_cast %scan3A_118 : i32 to index
      %swap3A_155 = arith.constant 80 : index
      %swap3A_156 = tpu.vector_load %arg11[%swap3A_154, %swap3A_155] {strides = array<i32>} : memref<125x128xf32, #tpu.memory_space<vmem>>, vector<1x16xf32>,
      %swap3A_157 = vector.shape_cast %swap3A_156 : vector<1x16xf32> to vector<16xf32>
      %swap3A_158 = vector.shape_cast %broadcast_in_dim3A_153 : vector<16xf32> to vector<1x16xf32>
      tpu.vector_store %arg11[%swap3A_154, %swap3A_155], %swap3A_158 {strides = array<i32>} : memref<125x128xf32, #tpu.memory_space<vmem>>, vector<1x16xf32>,
      %broadcast_in_dim3A_159 = arith.constant 0.000000e+00 : f32
      %broadcast_in_dim3A_160 = vector.broadcast %broadcast_in_dim3A_159 : f32 to vector<16xf32>
      %swap3A_161 = arith.index_cast %scan3A_118 : i32 to index
      %swap3A_162 = arith.constant 96 : index
      %swap3A_163 = tpu.vector_load %arg11[%swap3A_161, %swap3A_162] {strides = array<i32>} : memref<125x128xf32, #tpu.memory_space<vmem>>, vector<1x16xf32>,
      %swap3A_164 = vector.shape_cast %swap3A_163 : vector<1x16xf32> to vector<16xf32>
      %swap3A_165 = vector.shape_cast %broadcast_in_dim3A_160 : vector<16xf32> to vector<1x16xf32>
      tpu.vector_store %arg11[%swap3A_161, %swap3A_162], %swap3A_165 {strides = array<i32>} : memref<125x128xf32, #tpu.memory_space<vmem>>, vector<1x16xf32>,
      %broadcast_in_dim3A_166 = arith.constant 0.000000e+00 : f32
      %broadcast_in_dim3A_167 = vector.broadcast %broadcast_in_dim3A_166 : f32 to vector<16xf32>
      %swap3A_168 = arith.index_cast %scan3A_118 : i32 to index
      %swap3A_169 = arith.constant 112 : index
      %swap3A_170 = tpu.vector_load %arg11[%swap3A_168, %swap3A_169] {strides = array<i32>} : memref<125x128xf32, #tpu.memory_space<vmem>>, vector<1x16xf32>,
      %swap3A_171 = vector.shape_cast %swap3A_170 : vector<1x16xf32> to vector<16xf32>
      %swap3A_172 = vector.shape_cast %broadcast_in_dim3A_167 : vector<16xf32> to vector<1x16xf32>
      tpu.vector_store %arg11[%swap3A_168, %swap3A_169], %swap3A_172 {strides = array<i32>} : memref<125x128xf32, #tpu.memory_space<vmem>>, vector<1x16xf32>,
      %broadcast_in_dim3A_173 = arith.constant 0.000000e+00 : f32
      %broadcast_in_dim3A_174 = vector.broadcast %broadcast_in_dim3A_173 : f32 to vector<16xf32>
      %swap3A_175 = arith.index_cast %scan3A_118 : i32 to index
      %swap3A_176 = arith.constant 0 : index
      %swap3A_177 = tpu.vector_load %arg13[%swap3A_175, %swap3A_176] {strides = array<i32>} : memref<125x16xf32, #tpu.memory_space<vmem>>, vector<1x16xf32>,
      %swap3A_178 = vector.shape_cast %swap3A_177 : vector<1x16xf32> to vector<16xf32>
      %swap3A_179 = vector.shape_cast %broadcast_in_dim3A_174 : vector<16xf32> to vector<1x16xf32>
      tpu.vector_store %arg13[%swap3A_175, %swap3A_176], %swap3A_179 {strides = array<i32>} : memref<125x16xf32, #tpu.memory_space<vmem>>, vector<1x16xf32>,
    }
    %scan3A_7 = arith.constant 125 : i32
    %add3A_8 = arith.constant 0 : i32
    %add3A_9 = arith.addi %mul3A_2, %add3A_8 : i32
    "tpu.region"() ({
      %run_scoped3A = tpu.sem_alloc : memref<!tpu.dma_semaphore, #tpu.memory_space<semaphore_mem>>
      %dma_start3A_118 = arith.constant 0 : i32
      %dma_start3A_119 = tpu.memref_slice %arg15[%add3A_9, %dma_start3A_118] : memref<10000x128xf32, #tpu.memory_space<vmem_shared>> -> memref<125x128xf32, #tpu.memory_space<vmem_shared>>
      %dma_start3A_120 = arith.constant 0 : i32
      %dma_start3A_121 = tpu.memref_slice %arg15[%add3A_9, %dma_start3A_120] : memref<10000x128xf32, #tpu.memory_space<vmem_shared>> -> memref<125x128xf32, #tpu.memory_space<vmem_shared>>
      tpu.enqueue_dma source(%arg11 : memref<125x128xf32, #tpu.memory_space<vmem>>) target(%dma_start3A_121 : memref<125x128xf32, #tpu.memory_space<vmem_shared>>) target_semaphore(%run_scoped3A : memref<!tpu.dma_semaphore, #tpu.memory_space<semaphore_mem>>)
      %dma_wait3A_122 = arith.constant 0 : i32
      %dma_wait3A_123 = tpu.memref_slice %arg15[%add3A_9, %dma_wait3A_122] : memref<10000x128xf32, #tpu.memory_space<vmem_shared>> -> memref<125x128xf32, #tpu.memory_space<vmem_shared>>
      %dma_wait3A_124 = arith.constant 0 : i32
      %dma_wait3A_125 = tpu.memref_slice %arg15[%add3A_9, %dma_wait3A_124] : memref<10000x128xf32, #tpu.memory_space<vmem_shared>> -> memref<125x128xf32, #tpu.memory_space<vmem_shared>>
      tpu.wait_dma2 semaphore(%run_scoped3A : memref<!tpu.dma_semaphore, #tpu.memory_space<semaphore_mem>>) src(%arg11 : memref<125x128xf32, #tpu.memory_space<vmem>>) dst(%dma_wait3A_125 : memref<125x128xf32, #tpu.memory_space<vmem_shared>>)
      tpu.yield
    }) : () -> ()
    %add3A_10 = arith.constant 0 : i32
    %add3A_11 = arith.addi %mul3A_2, %add3A_10 : i32
    "tpu.region"() ({
      %run_scoped3A = tpu.sem_alloc : memref<!tpu.dma_semaphore, #tpu.memory_space<semaphore_mem>>
      %dma_start3A_118 = arith.constant 0 : i32
      %dma_start3A_119 = tpu.memref_slice %arg16[%add3A_11, %dma_start3A_118] : memref<10000x16xf32, #tpu.memory_space<vmem_shared>> -> memref<125x16xf32, #tpu.memory_space<vmem_shared>>
      %dma_start3A_120 = arith.constant 0 : i32
      %dma_start3A_121 = tpu.memref_slice %arg16[%add3A_11, %dma_start3A_120] : memref<10000x16xf32, #tpu.memory_space<vmem_shared>> -> memref<125x16xf32, #tpu.memory_space<vmem_shared>>
      tpu.enqueue_dma source(%arg13 : memref<125x16xf32, #tpu.memory_space<vmem>>) target(%dma_start3A_121 : memref<125x16xf32, #tpu.memory_space<vmem_shared>>) target_semaphore(%run_scoped3A : memref<!tpu.dma_semaphore, #tpu.memory_space<semaphore_mem>>)
      %dma_wait3A_122 = arith.constant 0 : i32
      %dma_wait3A_123 = tpu.memref_slice %arg16[%add3A_11, %dma_wait3A_122] : memref<10000x16xf32, #tpu.memory_space<vmem_shared>> -> memref<125x16xf32, #tpu.memory_space<vmem_shared>>
      %dma_wait3A_124 = arith.constant 0 : i32
      %dma_wait3A_125 = tpu.memref_slice %arg16[%add3A_11, %dma_wait3A_124] : memref<10000x16xf32, #tpu.memory_space<vmem_shared>> -> memref<125x16xf32, #tpu.memory_space<vmem_shared>>
      tpu.wait_dma2 semaphore(%run_scoped3A : memref<!tpu.dma_semaphore, #tpu.memory_space<semaphore_mem>>) src(%arg13 : memref<125x16xf32, #tpu.memory_space<vmem>>) dst(%dma_wait3A_125 : memref<125x16xf32, #tpu.memory_space<vmem_shared>>)
      tpu.yield
    }) : () -> ()
    %add3A_12 = arith.constant 125 : i32
    %add3A_13 = arith.addi %mul3A_2, %add3A_12 : i32
    "tpu.region"() ({
      %run_scoped3A = tpu.sem_alloc : memref<!tpu.dma_semaphore, #tpu.memory_space<semaphore_mem>>
      %dma_start3A_118 = arith.constant 0 : i32
      %dma_start3A_119 = tpu.memref_slice %arg15[%add3A_13, %dma_start3A_118] : memref<10000x128xf32, #tpu.memory_space<vmem_shared>> -> memref<125x128xf32, #tpu.memory_space<vmem_shared>>
      %dma_start3A_120 = arith.constant 0 : i32
      %dma_start3A_121 = tpu.memref_slice %arg15[%add3A_13, %dma_start3A_120] : memref<10000x128xf32, #tpu.memory_space<vmem_shared>> -> memref<125x128xf32, #tpu.memory_space<vmem_shared>>
      tpu.enqueue_dma source(%arg11 : memref<125x128xf32, #tpu.memory_space<vmem>>) target(%dma_start3A_121 : memref<125x128xf32, #tpu.memory_space<vmem_shared>>) target_semaphore(%run_scoped3A : memref<!tpu.dma_semaphore, #tpu.memory_space<semaphore_mem>>)
      %dma_wait3A_122 = arith.constant 0 : i32
      %dma_wait3A_123 = tpu.memref_slice %arg15[%add3A_13, %dma_wait3A_122] : memref<10000x128xf32, #tpu.memory_space<vmem_shared>> -> memref<125x128xf32, #tpu.memory_space<vmem_shared>>
      %dma_wait3A_124 = arith.constant 0 : i32
      %dma_wait3A_125 = tpu.memref_slice %arg15[%add3A_13, %dma_wait3A_124] : memref<10000x128xf32, #tpu.memory_space<vmem_shared>> -> memref<125x128xf32, #tpu.memory_space<vmem_shared>>
      tpu.wait_dma2 semaphore(%run_scoped3A : memref<!tpu.dma_semaphore, #tpu.memory_space<semaphore_mem>>) src(%arg11 : memref<125x128xf32, #tpu.memory_space<vmem>>) dst(%dma_wait3A_125 : memref<125x128xf32, #tpu.memory_space<vmem_shared>>)
      tpu.yield
    }) : () -> ()
    %add3A_14 = arith.constant 125 : i32
    %add3A_15 = arith.addi %mul3A_2, %add3A_14 : i32
    "tpu.region"() ({
      %run_scoped3A = tpu.sem_alloc : memref<!tpu.dma_semaphore, #tpu.memory_space<semaphore_mem>>
      %dma_start3A_118 = arith.constant 0 : i32
      %dma_start3A_119 = tpu.memref_slice %arg16[%add3A_15, %dma_start3A_118] : memref<10000x16xf32, #tpu.memory_space<vmem_shared>> -> memref<125x16xf32, #tpu.memory_space<vmem_shared>>
      %dma_start3A_120 = arith.constant 0 : i32
      %dma_start3A_121 = tpu.memref_slice %arg16[%add3A_15, %dma_start3A_120] : memref<10000x16xf32, #tpu.memory_space<vmem_shared>> -> memref<125x16xf32, #tpu.memory_space<vmem_shared>>
      tpu.enqueue_dma source(%arg13 : memref<125x16xf32, #tpu.memory_space<vmem>>) target(%dma_start3A_121 : memref<125x16xf32, #tpu.memory_space<vmem_shared>>) target_semaphore(%run_scoped3A : memref<!tpu.dma_semaphore, #tpu.memory_space<semaphore_mem>>)
      %dma_wait3A_122 = arith.constant 0 : i32
      %dma_wait3A_123 = tpu.memref_slice %arg16[%add3A_15, %dma_wait3A_122] : memref<10000x16xf32, #tpu.memory_space<vmem_shared>> -> memref<125x16xf32, #tpu.memory_space<vmem_shared>>
      %dma_wait3A_124 = arith.constant 0 : i32
      %dma_wait3A_125 = tpu.memref_slice %arg16[%add3A_15, %dma_wait3A_124] : memref<10000x16xf32, #tpu.memory_space<vmem_shared>> -> memref<125x16xf32, #tpu.memory_space<vmem_shared>>
      tpu.wait_dma2 semaphore(%run_scoped3A : memref<!tpu.dma_semaphore, #tpu.memory_space<semaphore_mem>>) src(%arg13 : memref<125x16xf32, #tpu.memory_space<vmem>>) dst(%dma_wait3A_125 : memref<125x16xf32, #tpu.memory_space<vmem_shared>>)
      tpu.yield
    }) : () -> ()
    %add3A_16 = arith.constant 250 : i32
    %add3A_17 = arith.addi %mul3A_2, %add3A_16 : i32
    "tpu.region"() ({
      %run_scoped3A = tpu.sem_alloc : memref<!tpu.dma_semaphore, #tpu.memory_space<semaphore_mem>>
      %dma_start3A_118 = arith.constant 0 : i32
      %dma_start3A_119 = tpu.memref_slice %arg15[%add3A_17, %dma_start3A_118] : memref<10000x128xf32, #tpu.memory_space<vmem_shared>> -> memref<125x128xf32, #tpu.memory_space<vmem_shared>>
      %dma_start3A_120 = arith.constant 0 : i32
      %dma_start3A_121 = tpu.memref_slice %arg15[%add3A_17, %dma_start3A_120] : memref<10000x128xf32, #tpu.memory_space<vmem_shared>> -> memref<125x128xf32, #tpu.memory_space<vmem_shared>>
      tpu.enqueue_dma source(%arg11 : memref<125x128xf32, #tpu.memory_space<vmem>>) target(%dma_start3A_121 : memref<125x128xf32, #tpu.memory_space<vmem_shared>>) target_semaphore(%run_scoped3A : memref<!tpu.dma_semaphore, #tpu.memory_space<semaphore_mem>>)
      %dma_wait3A_122 = arith.constant 0 : i32
      %dma_wait3A_123 = tpu.memref_slice %arg15[%add3A_17, %dma_wait3A_122] : memref<10000x128xf32, #tpu.memory_space<vmem_shared>> -> memref<125x128xf32, #tpu.memory_space<vmem_shared>>
      %dma_wait3A_124 = arith.constant 0 : i32
      %dma_wait3A_125 = tpu.memref_slice %arg15[%add3A_17, %dma_wait3A_124] : memref<10000x128xf32, #tpu.memory_space<vmem_shared>> -> memref<125x128xf32, #tpu.memory_space<vmem_shared>>
      tpu.wait_dma2 semaphore(%run_scoped3A : memref<!tpu.dma_semaphore, #tpu.memory_space<semaphore_mem>>) src(%arg11 : memref<125x128xf32, #tpu.memory_space<vmem>>) dst(%dma_wait3A_125 : memref<125x128xf32, #tpu.memory_space<vmem_shared>>)
      tpu.yield
    }) : () -> ()
    %add3A_18 = arith.constant 250 : i32
    %add3A_19 = arith.addi %mul3A_2, %add3A_18 : i32
    "tpu.region"() ({
      %run_scoped3A = tpu.sem_alloc : memref<!tpu.dma_semaphore, #tpu.memory_space<semaphore_mem>>
      %dma_start3A_118 = arith.constant 0 : i32
      %dma_start3A_119 = tpu.memref_slice %arg16[%add3A_19, %dma_start3A_118] : memref<10000x16xf32, #tpu.memory_space<vmem_shared>> -> memref<125x16xf32, #tpu.memory_space<vmem_shared>>
      %dma_start3A_120 = arith.constant 0 : i32
      %dma_start3A_121 = tpu.memref_slice %arg16[%add3A_19, %dma_start3A_120] : memref<10000x16xf32, #tpu.memory_space<vmem_shared>> -> memref<125x16xf32, #tpu.memory_space<vmem_shared>>
      tpu.enqueue_dma source(%arg13 : memref<125x16xf32, #tpu.memory_space<vmem>>) target(%dma_start3A_121 : memref<125x16xf32, #tpu.memory_space<vmem_shared>>) target_semaphore(%run_scoped3A : memref<!tpu.dma_semaphore, #tpu.memory_space<semaphore_mem>>)
      %dma_wait3A_122 = arith.constant 0 : i32
      %dma_wait3A_123 = tpu.memref_slice %arg16[%add3A_19, %dma_wait3A_122] : memref<10000x16xf32, #tpu.memory_space<vmem_shared>> -> memref<125x16xf32, #tpu.memory_space<vmem_shared>>
      %dma_wait3A_124 = arith.constant 0 : i32
      %dma_wait3A_125 = tpu.memref_slice %arg16[%add3A_19, %dma_wait3A_124] : memref<10000x16xf32, #tpu.memory_space<vmem_shared>> -> memref<125x16xf32, #tpu.memory_space<vmem_shared>>
      tpu.wait_dma2 semaphore(%run_scoped3A : memref<!tpu.dma_semaphore, #tpu.memory_space<semaphore_mem>>) src(%arg13 : memref<125x16xf32, #tpu.memory_space<vmem>>) dst(%dma_wait3A_125 : memref<125x16xf32, #tpu.memory_space<vmem_shared>>)
      tpu.yield
    }) : () -> ()
    %add3A_20 = arith.constant 375 : i32
    %add3A_21 = arith.addi %mul3A_2, %add3A_20 : i32
    "tpu.region"() ({
      %run_scoped3A = tpu.sem_alloc : memref<!tpu.dma_semaphore, #tpu.memory_space<semaphore_mem>>
      %dma_start3A_118 = arith.constant 0 : i32
      %dma_start3A_119 = tpu.memref_slice %arg15[%add3A_21, %dma_start3A_118] : memref<10000x128xf32, #tpu.memory_space<vmem_shared>> -> memref<125x128xf32, #tpu.memory_space<vmem_shared>>
      %dma_start3A_120 = arith.constant 0 : i32
      %dma_start3A_121 = tpu.memref_slice %arg15[%add3A_21, %dma_start3A_120] : memref<10000x128xf32, #tpu.memory_space<vmem_shared>> -> memref<125x128xf32, #tpu.memory_space<vmem_shared>>
      tpu.enqueue_dma source(%arg11 : memref<125x128xf32, #tpu.memory_space<vmem>>) target(%dma_start3A_121 : memref<125x128xf32, #tpu.memory_space<vmem_shared>>) target_semaphore(%run_scoped3A : memref<!tpu.dma_semaphore, #tpu.memory_space<semaphore_mem>>)
      %dma_wait3A_122 = arith.constant 0 : i32
      %dma_wait3A_123 = tpu.memref_slice %arg15[%add3A_21, %dma_wait3A_122] : memref<10000x128xf32, #tpu.memory_space<vmem_shared>> -> memref<125x128xf32, #tpu.memory_space<vmem_shared>>
      %dma_wait3A_124 = arith.constant 0 : i32
      %dma_wait3A_125 = tpu.memref_slice %arg15[%add3A_21, %dma_wait3A_124] : memref<10000x128xf32, #tpu.memory_space<vmem_shared>> -> memref<125x128xf32, #tpu.memory_space<vmem_shared>>
      tpu.wait_dma2 semaphore(%run_scoped3A : memref<!tpu.dma_semaphore, #tpu.memory_space<semaphore_mem>>) src(%arg11 : memref<125x128xf32, #tpu.memory_space<vmem>>) dst(%dma_wait3A_125 : memref<125x128xf32, #tpu.memory_space<vmem_shared>>)
      tpu.yield
    }) : () -> ()
    %add3A_22 = arith.constant 375 : i32
    %add3A_23 = arith.addi %mul3A_2, %add3A_22 : i32
    "tpu.region"() ({
      %run_scoped3A = tpu.sem_alloc : memref<!tpu.dma_semaphore, #tpu.memory_space<semaphore_mem>>
      %dma_start3A_118 = arith.constant 0 : i32
      %dma_start3A_119 = tpu.memref_slice %arg16[%add3A_23, %dma_start3A_118] : memref<10000x16xf32, #tpu.memory_space<vmem_shared>> -> memref<125x16xf32, #tpu.memory_space<vmem_shared>>
      %dma_start3A_120 = arith.constant 0 : i32
      %dma_start3A_121 = tpu.memref_slice %arg16[%add3A_23, %dma_start3A_120] : memref<10000x16xf32, #tpu.memory_space<vmem_shared>> -> memref<125x16xf32, #tpu.memory_space<vmem_shared>>
      tpu.enqueue_dma source(%arg13 : memref<125x16xf32, #tpu.memory_space<vmem>>) target(%dma_start3A_121 : memref<125x16xf32, #tpu.memory_space<vmem_shared>>) target_semaphore(%run_scoped3A : memref<!tpu.dma_semaphore, #tpu.memory_space<semaphore_mem>>)
      %dma_wait3A_122 = arith.constant 0 : i32
      %dma_wait3A_123 = tpu.memref_slice %arg16[%add3A_23, %dma_wait3A_122] : memref<10000x16xf32, #tpu.memory_space<vmem_shared>> -> memref<125x16xf32, #tpu.memory_space<vmem_shared>>
      %dma_wait3A_124 = arith.constant 0 : i32
      %dma_wait3A_125 = tpu.memref_slice %arg16[%add3A_23, %dma_wait3A_124] : memref<10000x16xf32, #tpu.memory_space<vmem_shared>> -> memref<125x16xf32, #tpu.memory_space<vmem_shared>>
      tpu.wait_dma2 semaphore(%run_scoped3A : memref<!tpu.dma_semaphore, #tpu.memory_space<semaphore_mem>>) src(%arg13 : memref<125x16xf32, #tpu.memory_space<vmem>>) dst(%dma_wait3A_125 : memref<125x16xf32, #tpu.memory_space<vmem_shared>>)
      tpu.yield
    }) : () -> ()
    %add3A_24 = arith.constant 500 : i32
    %add3A_25 = arith.addi %mul3A_2, %add3A_24 : i32
    "tpu.region"() ({
      %run_scoped3A = tpu.sem_alloc : memref<!tpu.dma_semaphore, #tpu.memory_space<semaphore_mem>>
      %dma_start3A_118 = arith.constant 0 : i32
      %dma_start3A_119 = tpu.memref_slice %arg15[%add3A_25, %dma_start3A_118] : memref<10000x128xf32, #tpu.memory_space<vmem_shared>> -> memref<125x128xf32, #tpu.memory_space<vmem_shared>>
      %dma_start3A_120 = arith.constant 0 : i32
      %dma_start3A_121 = tpu.memref_slice %arg15[%add3A_25, %dma_start3A_120] : memref<10000x128xf32, #tpu.memory_space<vmem_shared>> -> memref<125x128xf32, #tpu.memory_space<vmem_shared>>
      tpu.enqueue_dma source(%arg11 : memref<125x128xf32, #tpu.memory_space<vmem>>) target(%dma_start3A_121 : memref<125x128xf32, #tpu.memory_space<vmem_shared>>) target_semaphore(%run_scoped3A : memref<!tpu.dma_semaphore, #tpu.memory_space<semaphore_mem>>)
      %dma_wait3A_122 = arith.constant 0 : i32
      %dma_wait3A_123 = tpu.memref_slice %arg15[%add3A_25, %dma_wait3A_122] : memref<10000x128xf32, #tpu.memory_space<vmem_shared>> -> memref<125x128xf32, #tpu.memory_space<vmem_shared>>
      %dma_wait3A_124 = arith.constant 0 : i32
      %dma_wait3A_125 = tpu.memref_slice %arg15[%add3A_25, %dma_wait3A_124] : memref<10000x128xf32, #tpu.memory_space<vmem_shared>> -> memref<125x128xf32, #tpu.memory_space<vmem_shared>>
      tpu.wait_dma2 semaphore(%run_scoped3A : memref<!tpu.dma_semaphore, #tpu.memory_space<semaphore_mem>>) src(%arg11 : memref<125x128xf32, #tpu.memory_space<vmem>>) dst(%dma_wait3A_125 : memref<125x128xf32, #tpu.memory_space<vmem_shared>>)
      tpu.yield
    }) : () -> ()
    %add3A_26 = arith.constant 500 : i32
    %add3A_27 = arith.addi %mul3A_2, %add3A_26 : i32
    "tpu.region"() ({
      %run_scoped3A = tpu.sem_alloc : memref<!tpu.dma_semaphore, #tpu.memory_space<semaphore_mem>>
      %dma_start3A_118 = arith.constant 0 : i32
      %dma_start3A_119 = tpu.memref_slice %arg16[%add3A_27, %dma_start3A_118] : memref<10000x16xf32, #tpu.memory_space<vmem_shared>> -> memref<125x16xf32, #tpu.memory_space<vmem_shared>>
      %dma_start3A_120 = arith.constant 0 : i32
      %dma_start3A_121 = tpu.memref_slice %arg16[%add3A_27, %dma_start3A_120] : memref<10000x16xf32, #tpu.memory_space<vmem_shared>> -> memref<125x16xf32, #tpu.memory_space<vmem_shared>>
      tpu.enqueue_dma source(%arg13 : memref<125x16xf32, #tpu.memory_space<vmem>>) target(%dma_start3A_121 : memref<125x16xf32, #tpu.memory_space<vmem_shared>>) target_semaphore(%run_scoped3A : memref<!tpu.dma_semaphore, #tpu.memory_space<semaphore_mem>>)
      %dma_wait3A_122 = arith.constant 0 : i32
      %dma_wait3A_123 = tpu.memref_slice %arg16[%add3A_27, %dma_wait3A_122] : memref<10000x16xf32, #tpu.memory_space<vmem_shared>> -> memref<125x16xf32, #tpu.memory_space<vmem_shared>>
      %dma_wait3A_124 = arith.constant 0 : i32
      %dma_wait3A_125 = tpu.memref_slice %arg16[%add3A_27, %dma_wait3A_124] : memref<10000x16xf32, #tpu.memory_space<vmem_shared>> -> memref<125x16xf32, #tpu.memory_space<vmem_shared>>
      tpu.wait_dma2 semaphore(%run_scoped3A : memref<!tpu.dma_semaphore, #tpu.memory_space<semaphore_mem>>) src(%arg13 : memref<125x16xf32, #tpu.memory_space<vmem>>) dst(%dma_wait3A_125 : memref<125x16xf32, #tpu.memory_space<vmem_shared>>)
      tpu.yield
    }) : () -> ()
    %barrier3A = arith.constant 0 : index
    tpu.barrier barrier_id(%barrier3A)
    %dma_start3A = arith.constant 0 : i32
    %dma_start3A_28 = arith.constant 0 : i32
    %dma_start3A_29 = arith.constant 0 : i32
    %dma_start3A_30 = tpu.memref_slice %arg4[%add3A, %dma_start3A, %dma_start3A_28, %dma_start3A_29] : memref<32x80x2x125xi32, #tpu.memory_space<hbm>> -> memref<1x1x2x125xi32, #tpu.memory_space<hbm>>
    %dma_start3A_31 = tpu.memref_squeeze %dma_start3A_30 : memref<1x1x2x125xi32, #tpu.memory_space<hbm>> -> memref<2x125xi32, #tpu.memory_space<hbm>>
    %dma_start3A_32 = arith.constant 0 : i32
    %dma_start3A_33 = arith.constant 0 : i32
    %dma_start3A_34 = tpu.memref_slice %arg4[%add3A, %dma_start3A, %dma_start3A_32, %dma_start3A_33] : memref<32x80x2x125xi32, #tpu.memory_space<hbm>> -> memref<1x1x2x125xi32, #tpu.memory_space<hbm>>
    %dma_start3A_35 = tpu.memref_squeeze %dma_start3A_34 : memref<1x1x2x125xi32, #tpu.memory_space<hbm>> -> memref<2x125xi32, #tpu.memory_space<hbm>>
    tpu.enqueue_dma source(%dma_start3A_35 : memref<2x125xi32, #tpu.memory_space<hbm>>) target(%arg7 : memref<2x125xi32, #tpu.memory_space<vmem>>) target_semaphore(%arg17 : memref<!tpu.dma_semaphore, #tpu.memory_space<semaphore_mem>>)
    %dma_start3A_36 = arith.constant 1 : i32
    %dma_start3A_37 = arith.constant 0 : i32
    %dma_start3A_38 = arith.constant 0 : i32
    %dma_start3A_39 = tpu.memref_slice %arg4[%add3A, %dma_start3A_36, %dma_start3A_37, %dma_start3A_38] : memref<32x80x2x125xi32, #tpu.memory_space<hbm>> -> memref<1x1x2x125xi32, #tpu.memory_space<hbm>>
    %dma_start3A_40 = tpu.memref_squeeze %dma_start3A_39 : memref<1x1x2x125xi32, #tpu.memory_space<hbm>> -> memref<2x125xi32, #tpu.memory_space<hbm>>
    %dma_start3A_41 = arith.constant 0 : i32
    %dma_start3A_42 = arith.constant 0 : i32
    %dma_start3A_43 = tpu.memref_slice %arg4[%add3A, %dma_start3A_36, %dma_start3A_41, %dma_start3A_42] : memref<32x80x2x125xi32, #tpu.memory_space<hbm>> -> memref<1x1x2x125xi32, #tpu.memory_space<hbm>>
    %dma_start3A_44 = tpu.memref_squeeze %dma_start3A_43 : memref<1x1x2x125xi32, #tpu.memory_space<hbm>> -> memref<2x125xi32, #tpu.memory_space<hbm>>
    tpu.enqueue_dma source(%dma_start3A_44 : memref<2x125xi32, #tpu.memory_space<hbm>>) target(%arg8 : memref<2x125xi32, #tpu.memory_space<vmem>>) target_semaphore(%arg18 : memref<!tpu.dma_semaphore, #tpu.memory_space<semaphore_mem>>)
    %dma_start3A_45 = arith.constant 2 : i32
    %dma_start3A_46 = arith.constant 0 : i32
    %dma_start3A_47 = arith.constant 0 : i32
    %dma_start3A_48 = tpu.memref_slice %arg4[%add3A, %dma_start3A_45, %dma_start3A_46, %dma_start3A_47] : memref<32x80x2x125xi32, #tpu.memory_space<hbm>> -> memref<1x1x2x125xi32, #tpu.memory_space<hbm>>
    %dma_start3A_49 = tpu.memref_squeeze %dma_start3A_48 : memref<1x1x2x125xi32, #tpu.memory_space<hbm>> -> memref<2x125xi32, #tpu.memory_space<hbm>>
    %dma_start3A_50 = arith.constant 0 : i32
    %dma_start3A_51 = arith.constant 0 : i32
    %dma_start3A_52 = tpu.memref_slice %arg4[%add3A, %dma_start3A_45, %dma_start3A_50, %dma_start3A_51] : memref<32x80x2x125xi32, #tpu.memory_space<hbm>> -> memref<1x1x2x125xi32, #tpu.memory_space<hbm>>
    %dma_start3A_53 = tpu.memref_squeeze %dma_start3A_52 : memref<1x1x2x125xi32, #tpu.memory_space<hbm>> -> memref<2x125xi32, #tpu.memory_space<hbm>>
    tpu.enqueue_dma source(%dma_start3A_53 : memref<2x125xi32, #tpu.memory_space<hbm>>) target(%arg9 : memref<2x125xi32, #tpu.memory_space<vmem>>) target_semaphore(%arg19 : memref<!tpu.dma_semaphore, #tpu.memory_space<semaphore_mem>>)
    %dma_start3A_54 = arith.constant 3 : i32
    %dma_start3A_55 = arith.constant 0 : i32
    %dma_start3A_56 = arith.constant 0 : i32
    %dma_start3A_57 = tpu.memref_slice %arg4[%add3A, %dma_start3A_54, %dma_start3A_55, %dma_start3A_56] : memref<32x80x2x125xi32, #tpu.memory_space<hbm>> -> memref<1x1x2x125xi32, #tpu.memory_space<hbm>>
    %dma_start3A_58 = tpu.memref_squeeze %dma_start3A_57 : memref<1x1x2x125xi32, #tpu.memory_space<hbm>> -> memref<2x125xi32, #tpu.memory_space<hbm>>
    %dma_start3A_59 = arith.constant 0 : i32
    %dma_start3A_60 = arith.constant 0 : i32
    %dma_start3A_61 = tpu.memref_slice %arg4[%add3A, %dma_start3A_54, %dma_start3A_59, %dma_start3A_60] : memref<32x80x2x125xi32, #tpu.memory_space<hbm>> -> memref<1x1x2x125xi32, #tpu.memory_space<hbm>>
    %dma_start3A_62 = tpu.memref_squeeze %dma_start3A_61 : memref<1x1x2x125xi32, #tpu.memory_space<hbm>> -> memref<2x125xi32, #tpu.memory_space<hbm>>
    tpu.enqueue_dma source(%dma_start3A_62 : memref<2x125xi32, #tpu.memory_space<hbm>>) target(%arg10 : memref<2x125xi32, #tpu.memory_space<vmem>>) target_semaphore(%arg20 : memref<!tpu.dma_semaphore, #tpu.memory_space<semaphore_mem>>)
    %dma_wait3A = arith.constant 0 : i32
    %dma_wait3A_63 = arith.constant 0 : i32
    %dma_wait3A_64 = arith.constant 0 : i32
    %dma_wait3A_65 = tpu.memref_slice %arg4[%add3A, %dma_wait3A, %dma_wait3A_63, %dma_wait3A_64] : memref<32x80x2x125xi32, #tpu.memory_space<hbm>> -> memref<1x1x2x125xi32, #tpu.memory_space<hbm>>
    %dma_wait3A_66 = tpu.memref_squeeze %dma_wait3A_65 : memref<1x1x2x125xi32, #tpu.memory_space<hbm>> -> memref<2x125xi32, #tpu.memory_space<hbm>>
    %dma_wait3A_67 = arith.constant 0 : i32
    %dma_wait3A_68 = arith.constant 0 : i32
    %dma_wait3A_69 = tpu.memref_slice %arg4[%add3A, %dma_wait3A, %dma_wait3A_67, %dma_wait3A_68] : memref<32x80x2x125xi32, #tpu.memory_space<hbm>> -> memref<1x1x2x125xi32, #tpu.memory_space<hbm>>
    %dma_wait3A_70 = tpu.memref_squeeze %dma_wait3A_69 : memref<1x1x2x125xi32, #tpu.memory_space<hbm>> -> memref<2x125xi32, #tpu.memory_space<hbm>>
    tpu.wait_dma2 semaphore(%arg17 : memref<!tpu.dma_semaphore, #tpu.memory_space<semaphore_mem>>) src(%dma_wait3A_70 : memref<2x125xi32, #tpu.memory_space<hbm>>) dst(%arg7 : memref<2x125xi32, #tpu.memory_space<vmem>>)
    %dma_start3A_71 = arith.constant 0 : i32
    %dma_start3A_72 = arith.constant 0 : i32
    %dma_start3A_73 = tpu.memref_slice %arg7[%dma_start3A_71, %dma_start3A_72] : memref<2x125xi32, #tpu.memory_space<vmem>> -> memref<1x125xi32, #tpu.memory_space<vmem>>
    %dma_start3A_74 = tpu.memref_squeeze %dma_start3A_73 : memref<1x125xi32, #tpu.memory_space<vmem>> -> memref<125xi32, #tpu.memory_space<vmem>>
    %dma_start3A_75 = arith.constant 0 : i32
    %dma_start3A_76 = arith.constant 0 : i32
    %dma_start3A_77 = tpu.memref_slice %arg2[%dma_start3A_75, %dma_start3A_76] : memref<10000x128xf32, #tpu.memory_space<hbm>> -> memref<10000x128xf32, #tpu.memory_space<hbm>>
    tpu.enqueue_indirect_dma source(%dma_start3A_77 : memref<10000x128xf32, #tpu.memory_space<hbm>>) target(%arg11 : memref<125x128xf32, #tpu.memory_space<vmem>>) offsets(%dma_start3A_74 : memref<125xi32, #tpu.memory_space<vmem>>) semaphore(%arg21 : memref<!tpu.dma_semaphore, #tpu.memory_space<semaphore_mem>>)
    %dma_start3A_78 = arith.constant 0 : i32
    %dma_start3A_79 = arith.constant 0 : i32
    %dma_start3A_80 = tpu.memref_slice %arg7[%dma_start3A_78, %dma_start3A_79] : memref<2x125xi32, #tpu.memory_space<vmem>> -> memref<1x125xi32, #tpu.memory_space<vmem>>
    %dma_start3A_81 = tpu.memref_squeeze %dma_start3A_80 : memref<1x125xi32, #tpu.memory_space<vmem>> -> memref<125xi32, #tpu.memory_space<vmem>>
    %dma_start3A_82 = arith.constant 0 : i32
    %dma_start3A_83 = arith.constant 0 : i32
    %dma_start3A_84 = tpu.memref_slice %arg3[%dma_start3A_82, %dma_start3A_83] : memref<10000x16xf32, #tpu.memory_space<hbm>> -> memref<10000x16xf32, #tpu.memory_space<hbm>>
    tpu.enqueue_indirect_dma source(%dma_start3A_84 : memref<10000x16xf32, #tpu.memory_space<hbm>>) target(%arg13 : memref<125x16xf32, #tpu.memory_space<vmem>>) offsets(%dma_start3A_81 : memref<125xi32, #tpu.memory_space<vmem>>) semaphore(%arg21 : memref<!tpu.dma_semaphore, #tpu.memory_space<semaphore_mem>>)
    %dma_wait3A_85 = arith.constant 1 : i32
    %dma_wait3A_86 = arith.constant 0 : i32
    %dma_wait3A_87 = arith.constant 0 : i32
    %dma_wait3A_88 = tpu.memref_slice %arg4[%add3A, %dma_wait3A_85, %dma_wait3A_86, %dma_wait3A_87] : memref<32x80x2x125xi32, #tpu.memory_space<hbm>> -> memref<1x1x2x125xi32, #tpu.memory_space<hbm>>
    %dma_wait3A_89 = tpu.memref_squeeze %dma_wait3A_88 : memref<1x1x2x125xi32, #tpu.memory_space<hbm>> -> memref<2x125xi32, #tpu.memory_space<hbm>>
    %dma_wait3A_90 = arith.constant 0 : i32
    %dma_wait3A_91 = arith.constant 0 : i32
    %dma_wait3A_92 = tpu.memref_slice %arg4[%add3A, %dma_wait3A_85, %dma_wait3A_90, %dma_wait3A_91] : memref<32x80x2x125xi32, #tpu.memory_space<hbm>> -> memref<1x1x2x125xi32, #tpu.memory_space<hbm>>
    %dma_wait3A_93 = tpu.memref_squeeze %dma_wait3A_92 : memref<1x1x2x125xi32, #tpu.memory_space<hbm>> -> memref<2x125xi32, #tpu.memory_space<hbm>>
    tpu.wait_dma2 semaphore(%arg18 : memref<!tpu.dma_semaphore, #tpu.memory_space<semaphore_mem>>) src(%dma_wait3A_93 : memref<2x125xi32, #tpu.memory_space<hbm>>) dst(%arg8 : memref<2x125xi32, #tpu.memory_space<vmem>>)
    %dma_start3A_94 = arith.constant 0 : i32
    %dma_start3A_95 = arith.constant 0 : i32
    %dma_start3A_96 = tpu.memref_slice %arg8[%dma_start3A_94, %dma_start3A_95] : memref<2x125xi32, #tpu.memory_space<vmem>> -> memref<1x125xi32, #tpu.memory_space<vmem>>
    %dma_start3A_97 = tpu.memref_squeeze %dma_start3A_96 : memref<1x125xi32, #tpu.memory_space<vmem>> -> memref<125xi32, #tpu.memory_space<vmem>>
    %dma_start3A_98 = arith.constant 0 : i32
    %dma_start3A_99 = arith.constant 0 : i32
    %dma_start3A_100 = tpu.memref_slice %arg2[%dma_start3A_98, %dma_start3A_99] : memref<10000x128xf32, #tpu.memory_space<hbm>> -> memref<10000x128xf32, #tpu.memory_space<hbm>>
    tpu.enqueue_indirect_dma source(%dma_start3A_100 : memref<10000x128xf32, #tpu.memory_space<hbm>>) target(%arg12 : memref<125x128xf32, #tpu.memory_space<vmem>>) offsets(%dma_start3A_97 : memref<125xi32, #tpu.memory_space<vmem>>) semaphore(%arg22 : memref<!tpu.dma_semaphore, #tpu.memory_space<semaphore_mem>>)
    %dma_start3A_101 = arith.constant 0 : i32
    %dma_start3A_102 = arith.constant 0 : i32
    %dma_start3A_103 = tpu.memref_slice %arg8[%dma_start3A_101, %dma_start3A_102] : memref<2x125xi32, #tpu.memory_space<vmem>> -> memref<1x125xi32, #tpu.memory_space<vmem>>
    %dma_start3A_104 = tpu.memref_squeeze %dma_start3A_103 : memref<1x125xi32, #tpu.memory_space<vmem>> -> memref<125xi32, #tpu.memory_space<vmem>>
    %dma_start3A_105 = arith.constant 0 : i32
    %dma_start3A_106 = arith.constant 0 : i32
    %dma_start3A_107 = tpu.memref_slice %arg3[%dma_start3A_105, %dma_start3A_106] : memref<10000x16xf32, #tpu.memory_space<hbm>> -> memref<10000x16xf32, #tpu.memory_space<hbm>>
    tpu.enqueue_indirect_dma source(%dma_start3A_107 : memref<10000x16xf32, #tpu.memory_space<hbm>>) target(%arg14 : memref<125x16xf32, #tpu.memory_space<vmem>>) offsets(%dma_start3A_104 : memref<125xi32, #tpu.memory_space<vmem>>) semaphore(%arg22 : memref<!tpu.dma_semaphore, #tpu.memory_space<semaphore_mem>>)
    %scan3A_108 = arith.constant 0 : i32
    %scan3A_109 = arith.constant 0 : i32
    %scan3A_110 = arith.constant 20 : i32
    %scan3A_111 = arith.addi %scan3A_109, %scan3A_110 : i32
    %scan3A_112 = arith.constant 1 : i32
    scf.for %scan3A_118 = %scan3A_109 to %scan3A_111 step %scan3A_112  : i32 {
      %mul3A_119 = arith.constant 4 : i32
      %mul3A_120 = arith.muli %mul3A_119, %scan3A_118 : i32
      %add3A_121 = arith.constant 0 : i32
      %add3A_122 = arith.addi %mul3A_120, %add3A_121 : i32
      %dma_wait3A_123 = arith.constant 0 : i32
      %dma_wait3A_124 = arith.constant 0 : i32
      %dma_wait3A_125 = tpu.memref_slice %arg7[%dma_wait3A_123, %dma_wait3A_124] : memref<2x125xi32, #tpu.memory_space<vmem>> -> memref<1x125xi32, #tpu.memory_space<vmem>>
      %dma_wait3A_126 = tpu.memref_squeeze %dma_wait3A_125 : memref<1x125xi32, #tpu.memory_space<vmem>> -> memref<125xi32, #tpu.memory_space<vmem>>
      %dma_wait3A_127 = arith.constant 0 : i32
      %dma_wait3A_128 = arith.constant 0 : i32
      %dma_wait3A_129 = tpu.memref_slice %arg2[%dma_wait3A_127, %dma_wait3A_128] : memref<10000x128xf32, #tpu.memory_space<hbm>> -> memref<10000x128xf32, #tpu.memory_space<hbm>>
      tpu.wait_indirect_dma semaphore(%arg21 : memref<!tpu.dma_semaphore, #tpu.memory_space<semaphore_mem>>) src(%dma_wait3A_129 : memref<10000x128xf32, #tpu.memory_space<hbm>>) dst(%arg11 : memref<125x128xf32, #tpu.memory_space<vmem>>)
      %dma_wait3A_130 = arith.constant 0 : i32
      %dma_wait3A_131 = arith.constant 0 : i32
      %dma_wait3A_132 = tpu.memref_slice %arg7[%dma_wait3A_130, %dma_wait3A_131] : memref<2x125xi32, #tpu.memory_space<vmem>> -> memref<1x125xi32, #tpu.memory_space<vmem>>
      %dma_wait3A_133 = tpu.memref_squeeze %dma_wait3A_132 : memref<1x125xi32, #tpu.memory_space<vmem>> -> memref<125xi32, #tpu.memory_space<vmem>>
      %dma_wait3A_134 = arith.constant 0 : i32
      %dma_wait3A_135 = arith.constant 0 : i32
      %dma_wait3A_136 = tpu.memref_slice %arg3[%dma_wait3A_134, %dma_wait3A_135] : memref<10000x16xf32, #tpu.memory_space<hbm>> -> memref<10000x16xf32, #tpu.memory_space<hbm>>
      tpu.wait_indirect_dma semaphore(%arg21 : memref<!tpu.dma_semaphore, #tpu.memory_space<semaphore_mem>>) src(%dma_wait3A_136 : memref<10000x16xf32, #tpu.memory_space<hbm>>) dst(%arg13 : memref<125x16xf32, #tpu.memory_space<vmem>>)
      %run_scoped3A = arith.constant 1 : i32
      "tpu.region"() ({
        %run_scoped3A_251 = tpu.sem_alloc : memref<!tpu.dma_semaphore, #tpu.memory_space<semaphore_mem>>
        %dma_start3A_252 = arith.constant 0 : i32
        %dma_start3A_253 = tpu.memref_slice %arg7[%run_scoped3A, %dma_start3A_252] : memref<2x125xi32, #tpu.memory_space<vmem>> -> memref<1x125xi32, #tpu.memory_space<vmem>>
        %dma_start3A_254 = tpu.memref_squeeze %dma_start3A_253 : memref<1x125xi32, #tpu.memory_space<vmem>> -> memref<125xi32, #tpu.memory_space<vmem>>
        %dma_start3A_255 = arith.constant 0 : i32
        %dma_start3A_256 = arith.constant 0 : i32
        %dma_start3A_257 = tpu.memref_slice %arg15[%dma_start3A_255, %dma_start3A_256] : memref<10000x128xf32, #tpu.memory_space<vmem_shared>> -> memref<10000x128xf32, #tpu.memory_space<vmem_shared>>
        tpu.enqueue_indirect_dma source(%arg11 : memref<125x128xf32, #tpu.memory_space<vmem>>) target(%dma_start3A_257 : memref<10000x128xf32, #tpu.memory_space<vmem_shared>>) offsets(%dma_start3A_254 : memref<125xi32, #tpu.memory_space<vmem>>) semaphore(%run_scoped3A_251 : memref<!tpu.dma_semaphore, #tpu.memory_space<semaphore_mem>>) {add = true}
        %dma_wait3A_258 = arith.constant 0 : i32
        %dma_wait3A_259 = tpu.memref_slice %arg7[%run_scoped3A, %dma_wait3A_258] : memref<2x125xi32, #tpu.memory_space<vmem>> -> memref<1x125xi32, #tpu.memory_space<vmem>>
        %dma_wait3A_260 = tpu.memref_squeeze %dma_wait3A_259 : memref<1x125xi32, #tpu.memory_space<vmem>> -> memref<125xi32, #tpu.memory_space<vmem>>
        %dma_wait3A_261 = arith.constant 0 : i32
        %dma_wait3A_262 = arith.constant 0 : i32
        %dma_wait3A_263 = tpu.memref_slice %arg15[%dma_wait3A_261, %dma_wait3A_262] : memref<10000x128xf32, #tpu.memory_space<vmem_shared>> -> memref<10000x128xf32, #tpu.memory_space<vmem_shared>>
        tpu.wait_indirect_dma semaphore(%run_scoped3A_251 : memref<!tpu.dma_semaphore, #tpu.memory_space<semaphore_mem>>) src(%arg11 : memref<125x128xf32, #tpu.memory_space<vmem>>) dst(%dma_wait3A_263 : memref<10000x128xf32, #tpu.memory_space<vmem_shared>>)
        tpu.yield
      }) : () -> ()
      %run_scoped3A_137 = arith.constant 1 : i32
      "tpu.region"() ({
        %run_scoped3A_251 = tpu.sem_alloc : memref<!tpu.dma_semaphore, #tpu.memory_space<semaphore_mem>>
        %dma_start3A_252 = arith.constant 0 : i32
        %dma_start3A_253 = tpu.memref_slice %arg7[%run_scoped3A_137, %dma_start3A_252] : memref<2x125xi32, #tpu.memory_space<vmem>> -> memref<1x125xi32, #tpu.memory_space<vmem>>
        %dma_start3A_254 = tpu.memref_squeeze %dma_start3A_253 : memref<1x125xi32, #tpu.memory_space<vmem>> -> memref<125xi32, #tpu.memory_space<vmem>>
        %dma_start3A_255 = arith.constant 0 : i32
        %dma_start3A_256 = arith.constant 0 : i32
        %dma_start3A_257 = tpu.memref_slice %arg16[%dma_start3A_255, %dma_start3A_256] : memref<10000x16xf32, #tpu.memory_space<vmem_shared>> -> memref<10000x16xf32, #tpu.memory_space<vmem_shared>>
        tpu.enqueue_indirect_dma source(%arg13 : memref<125x16xf32, #tpu.memory_space<vmem>>) target(%dma_start3A_257 : memref<10000x16xf32, #tpu.memory_space<vmem_shared>>) offsets(%dma_start3A_254 : memref<125xi32, #tpu.memory_space<vmem>>) semaphore(%run_scoped3A_251 : memref<!tpu.dma_semaphore, #tpu.memory_space<semaphore_mem>>) {add = true}
        %dma_wait3A_258 = arith.constant 0 : i32
        %dma_wait3A_259 = tpu.memref_slice %arg7[%run_scoped3A_137, %dma_wait3A_258] : memref<2x125xi32, #tpu.memory_space<vmem>> -> memref<1x125xi32, #tpu.memory_space<vmem>>
        %dma_wait3A_260 = tpu.memref_squeeze %dma_wait3A_259 : memref<1x125xi32, #tpu.memory_space<vmem>> -> memref<125xi32, #tpu.memory_space<vmem>>
        %dma_wait3A_261 = arith.constant 0 : i32
        %dma_wait3A_262 = arith.constant 0 : i32
        %dma_wait3A_263 = tpu.memref_slice %arg16[%dma_wait3A_261, %dma_wait3A_262] : memref<10000x16xf32, #tpu.memory_space<vmem_shared>> -> memref<10000x16xf32, #tpu.memory_space<vmem_shared>>
        tpu.wait_indirect_dma semaphore(%run_scoped3A_251 : memref<!tpu.dma_semaphore, #tpu.memory_space<semaphore_mem>>) src(%arg13 : memref<125x16xf32, #tpu.memory_space<vmem>>) dst(%dma_wait3A_263 : memref<10000x16xf32, #tpu.memory_space<vmem_shared>>)
        tpu.yield
      }) : () -> ()
      %add3A_138 = arith.constant 4 : i32
      %add3A_139 = arith.addi %add3A_122, %add3A_138 : i32
      %lt3A = arith.constant 80 : i32
      %lt3A_140 = arith.cmpi slt, %add3A_139, %lt3A : i32
      %convert_element_type3A = arith.extui %lt3A_140 : i1 to i32
      %cond3A = arith.constant 0 : i32
      %cond3A_141 = arith.cmpi ne, %convert_element_type3A, %cond3A : i32
      scf.if %cond3A_141 {
        %add3A_251 = arith.constant 4 : i32
        %add3A_252 = arith.addi %add3A_122, %add3A_251 : i32
        %dma_start3A_253 = arith.constant 0 : i32
        %dma_start3A_254 = arith.constant 0 : i32
        %dma_start3A_255 = tpu.memref_slice %arg4[%add3A, %add3A_252, %dma_start3A_253, %dma_start3A_254] : memref<32x80x2x125xi32, #tpu.memory_space<hbm>> -> memref<1x1x2x125xi32, #tpu.memory_space<hbm>>
        %dma_start3A_256 = tpu.memref_squeeze %dma_start3A_255 : memref<1x1x2x125xi32, #tpu.memory_space<hbm>> -> memref<2x125xi32, #tpu.memory_space<hbm>>
        %dma_start3A_257 = arith.constant 0 : i32
        %dma_start3A_258 = arith.constant 0 : i32
        %dma_start3A_259 = tpu.memref_slice %arg4[%add3A, %add3A_252, %dma_start3A_257, %dma_start3A_258] : memref<32x80x2x125xi32, #tpu.memory_space<hbm>> -> memref<1x1x2x125xi32, #tpu.memory_space<hbm>>
        %dma_start3A_260 = tpu.memref_squeeze %dma_start3A_259 : memref<1x1x2x125xi32, #tpu.memory_space<hbm>> -> memref<2x125xi32, #tpu.memory_space<hbm>>
        tpu.enqueue_dma source(%dma_start3A_260 : memref<2x125xi32, #tpu.memory_space<hbm>>) target(%arg7 : memref<2x125xi32, #tpu.memory_space<vmem>>) target_semaphore(%arg17 : memref<!tpu.dma_semaphore, #tpu.memory_space<semaphore_mem>>)
      } else {
      }
      %add3A_142 = arith.constant 2 : i32
      %add3A_143 = arith.addi %add3A_122, %add3A_142 : i32
      %lt3A_144 = arith.constant 80 : i32
      %lt3A_145 = arith.cmpi slt, %add3A_143, %lt3A_144 : i32
      %convert_element_type3A_146 = arith.extui %lt3A_145 : i1 to i32
      %cond3A_147 = arith.constant 0 : i32
      %cond3A_148 = arith.cmpi ne, %convert_element_type3A_146, %cond3A_147 : i32
      scf.if %cond3A_148 {
        %add3A_251 = arith.constant 2 : i32
        %add3A_252 = arith.addi %add3A_122, %add3A_251 : i32
        %dma_wait3A_253 = arith.constant 0 : i32
        %dma_wait3A_254 = arith.constant 0 : i32
        %dma_wait3A_255 = tpu.memref_slice %arg4[%add3A, %add3A_252, %dma_wait3A_253, %dma_wait3A_254] : memref<32x80x2x125xi32, #tpu.memory_space<hbm>> -> memref<1x1x2x125xi32, #tpu.memory_space<hbm>>
        %dma_wait3A_256 = tpu.memref_squeeze %dma_wait3A_255 : memref<1x1x2x125xi32, #tpu.memory_space<hbm>> -> memref<2x125xi32, #tpu.memory_space<hbm>>
        %dma_wait3A_257 = arith.constant 0 : i32
        %dma_wait3A_258 = arith.constant 0 : i32
        %dma_wait3A_259 = tpu.memref_slice %arg4[%add3A, %add3A_252, %dma_wait3A_257, %dma_wait3A_258] : memref<32x80x2x125xi32, #tpu.memory_space<hbm>> -> memref<1x1x2x125xi32, #tpu.memory_space<hbm>>
        %dma_wait3A_260 = tpu.memref_squeeze %dma_wait3A_259 : memref<1x1x2x125xi32, #tpu.memory_space<hbm>> -> memref<2x125xi32, #tpu.memory_space<hbm>>
        tpu.wait_dma2 semaphore(%arg19 : memref<!tpu.dma_semaphore, #tpu.memory_space<semaphore_mem>>) src(%dma_wait3A_260 : memref<2x125xi32, #tpu.memory_space<hbm>>) dst(%arg9 : memref<2x125xi32, #tpu.memory_space<vmem>>)
        %dma_start3A_261 = arith.constant 0 : i32
        %dma_start3A_262 = arith.constant 0 : i32
        %dma_start3A_263 = tpu.memref_slice %arg9[%dma_start3A_261, %dma_start3A_262] : memref<2x125xi32, #tpu.memory_space<vmem>> -> memref<1x125xi32, #tpu.memory_space<vmem>>
        %dma_start3A_264 = tpu.memref_squeeze %dma_start3A_263 : memref<1x125xi32, #tpu.memory_space<vmem>> -> memref<125xi32, #tpu.memory_space<vmem>>
        %dma_start3A_265 = arith.constant 0 : i32
        %dma_start3A_266 = arith.constant 0 : i32
        %dma_start3A_267 = tpu.memref_slice %arg2[%dma_start3A_265, %dma_start3A_266] : memref<10000x128xf32, #tpu.memory_space<hbm>> -> memref<10000x128xf32, #tpu.memory_space<hbm>>
        tpu.enqueue_indirect_dma source(%dma_start3A_267 : memref<10000x128xf32, #tpu.memory_space<hbm>>) target(%arg11 : memref<125x128xf32, #tpu.memory_space<vmem>>) offsets(%dma_start3A_264 : memref<125xi32, #tpu.memory_space<vmem>>) semaphore(%arg21 : memref<!tpu.dma_semaphore, #tpu.memory_space<semaphore_mem>>)
        %dma_start3A_268 = arith.constant 0 : i32
        %dma_start3A_269 = arith.constant 0 : i32
        %dma_start3A_270 = tpu.memref_slice %arg9[%dma_start3A_268, %dma_start3A_269] : memref<2x125xi32, #tpu.memory_space<vmem>> -> memref<1x125xi32, #tpu.memory_space<vmem>>
        %dma_start3A_271 = tpu.memref_squeeze %dma_start3A_270 : memref<1x125xi32, #tpu.memory_space<vmem>> -> memref<125xi32, #tpu.memory_space<vmem>>
        %dma_start3A_272 = arith.constant 0 : i32
        %dma_start3A_273 = arith.constant 0 : i32
        %dma_start3A_274 = tpu.memref_slice %arg3[%dma_start3A_272, %dma_start3A_273] : memref<10000x16xf32, #tpu.memory_space<hbm>> -> memref<10000x16xf32, #tpu.memory_space<hbm>>
        tpu.enqueue_indirect_dma source(%dma_start3A_274 : memref<10000x16xf32, #tpu.memory_space<hbm>>) target(%arg13 : memref<125x16xf32, #tpu.memory_space<vmem>>) offsets(%dma_start3A_271 : memref<125xi32, #tpu.memory_space<vmem>>) semaphore(%arg21 : memref<!tpu.dma_semaphore, #tpu.memory_space<semaphore_mem>>)
      } else {
      }
      %mul3A_149 = arith.constant 4 : i32
      %mul3A_150 = arith.muli %mul3A_149, %scan3A_118 : i32
      %add3A_151 = arith.constant 1 : i32
      %add3A_152 = arith.addi %mul3A_150, %add3A_151 : i32
      %dma_wait3A_153 = arith.constant 0 : i32
      %dma_wait3A_154 = arith.constant 0 : i32
      %dma_wait3A_155 = tpu.memref_slice %arg8[%dma_wait3A_153, %dma_wait3A_154] : memref<2x125xi32, #tpu.memory_space<vmem>> -> memref<1x125xi32, #tpu.memory_space<vmem>>
      %dma_wait3A_156 = tpu.memref_squeeze %dma_wait3A_155 : memref<1x125xi32, #tpu.memory_space<vmem>> -> memref<125xi32, #tpu.memory_space<vmem>>
      %dma_wait3A_157 = arith.constant 0 : i32
      %dma_wait3A_158 = arith.constant 0 : i32
      %dma_wait3A_159 = tpu.memref_slice %arg2[%dma_wait3A_157, %dma_wait3A_158] : memref<10000x128xf32, #tpu.memory_space<hbm>> -> memref<10000x128xf32, #tpu.memory_space<hbm>>
      tpu.wait_indirect_dma semaphore(%arg22 : memref<!tpu.dma_semaphore, #tpu.memory_space<semaphore_mem>>) src(%dma_wait3A_159 : memref<10000x128xf32, #tpu.memory_space<hbm>>) dst(%arg12 : memref<125x128xf32, #tpu.memory_space<vmem>>)
      %dma_wait3A_160 = arith.constant 0 : i32
      %dma_wait3A_161 = arith.constant 0 : i32
      %dma_wait3A_162 = tpu.memref_slice %arg8[%dma_wait3A_160, %dma_wait3A_161] : memref<2x125xi32, #tpu.memory_space<vmem>> -> memref<1x125xi32, #tpu.memory_space<vmem>>
      %dma_wait3A_163 = tpu.memref_squeeze %dma_wait3A_162 : memref<1x125xi32, #tpu.memory_space<vmem>> -> memref<125xi32, #tpu.memory_space<vmem>>
      %dma_wait3A_164 = arith.constant 0 : i32
      %dma_wait3A_165 = arith.constant 0 : i32
      %dma_wait3A_166 = tpu.memref_slice %arg3[%dma_wait3A_164, %dma_wait3A_165] : memref<10000x16xf32, #tpu.memory_space<hbm>> -> memref<10000x16xf32, #tpu.memory_space<hbm>>
      tpu.wait_indirect_dma semaphore(%arg22 : memref<!tpu.dma_semaphore, #tpu.memory_space<semaphore_mem>>) src(%dma_wait3A_166 : memref<10000x16xf32, #tpu.memory_space<hbm>>) dst(%arg14 : memref<125x16xf32, #tpu.memory_space<vmem>>)
      %run_scoped3A_167 = arith.constant 1 : i32
      "tpu.region"() ({
        %run_scoped3A_251 = tpu.sem_alloc : memref<!tpu.dma_semaphore, #tpu.memory_space<semaphore_mem>>
        %dma_start3A_252 = arith.constant 0 : i32
        %dma_start3A_253 = tpu.memref_slice %arg8[%run_scoped3A_167, %dma_start3A_252] : memref<2x125xi32, #tpu.memory_space<vmem>> -> memref<1x125xi32, #tpu.memory_space<vmem>>
        %dma_start3A_254 = tpu.memref_squeeze %dma_start3A_253 : memref<1x125xi32, #tpu.memory_space<vmem>> -> memref<125xi32, #tpu.memory_space<vmem>>
        %dma_start3A_255 = arith.constant 0 : i32
        %dma_start3A_256 = arith.constant 0 : i32
        %dma_start3A_257 = tpu.memref_slice %arg15[%dma_start3A_255, %dma_start3A_256] : memref<10000x128xf32, #tpu.memory_space<vmem_shared>> -> memref<10000x128xf32, #tpu.memory_space<vmem_shared>>
        tpu.enqueue_indirect_dma source(%arg12 : memref<125x128xf32, #tpu.memory_space<vmem>>) target(%dma_start3A_257 : memref<10000x128xf32, #tpu.memory_space<vmem_shared>>) offsets(%dma_start3A_254 : memref<125xi32, #tpu.memory_space<vmem>>) semaphore(%run_scoped3A_251 : memref<!tpu.dma_semaphore, #tpu.memory_space<semaphore_mem>>) {add = true}
        %dma_wait3A_258 = arith.constant 0 : i32
        %dma_wait3A_259 = tpu.memref_slice %arg8[%run_scoped3A_167, %dma_wait3A_258] : memref<2x125xi32, #tpu.memory_space<vmem>> -> memref<1x125xi32, #tpu.memory_space<vmem>>
        %dma_wait3A_260 = tpu.memref_squeeze %dma_wait3A_259 : memref<1x125xi32, #tpu.memory_space<vmem>> -> memref<125xi32, #tpu.memory_space<vmem>>
        %dma_wait3A_261 = arith.constant 0 : i32
        %dma_wait3A_262 = arith.constant 0 : i32
        %dma_wait3A_263 = tpu.memref_slice %arg15[%dma_wait3A_261, %dma_wait3A_262] : memref<10000x128xf32, #tpu.memory_space<vmem_shared>> -> memref<10000x128xf32, #tpu.memory_space<vmem_shared>>
        tpu.wait_indirect_dma semaphore(%run_scoped3A_251 : memref<!tpu.dma_semaphore, #tpu.memory_space<semaphore_mem>>) src(%arg12 : memref<125x128xf32, #tpu.memory_space<vmem>>) dst(%dma_wait3A_263 : memref<10000x128xf32, #tpu.memory_space<vmem_shared>>)
        tpu.yield
      }) : () -> ()
      %run_scoped3A_168 = arith.constant 1 : i32
      "tpu.region"() ({
        %run_scoped3A_251 = tpu.sem_alloc : memref<!tpu.dma_semaphore, #tpu.memory_space<semaphore_mem>>
        %dma_start3A_252 = arith.constant 0 : i32
        %dma_start3A_253 = tpu.memref_slice %arg8[%run_scoped3A_168, %dma_start3A_252] : memref<2x125xi32, #tpu.memory_space<vmem>> -> memref<1x125xi32, #tpu.memory_space<vmem>>
        %dma_start3A_254 = tpu.memref_squeeze %dma_start3A_253 : memref<1x125xi32, #tpu.memory_space<vmem>> -> memref<125xi32, #tpu.memory_space<vmem>>
        %dma_start3A_255 = arith.constant 0 : i32
        %dma_start3A_256 = arith.constant 0 : i32
        %dma_start3A_257 = tpu.memref_slice %arg16[%dma_start3A_255, %dma_start3A_256] : memref<10000x16xf32, #tpu.memory_space<vmem_shared>> -> memref<10000x16xf32, #tpu.memory_space<vmem_shared>>
        tpu.enqueue_indirect_dma source(%arg14 : memref<125x16xf32, #tpu.memory_space<vmem>>) target(%dma_start3A_257 : memref<10000x16xf32, #tpu.memory_space<vmem_shared>>) offsets(%dma_start3A_254 : memref<125xi32, #tpu.memory_space<vmem>>) semaphore(%run_scoped3A_251 : memref<!tpu.dma_semaphore, #tpu.memory_space<semaphore_mem>>) {add = true}
        %dma_wait3A_258 = arith.constant 0 : i32
        %dma_wait3A_259 = tpu.memref_slice %arg8[%run_scoped3A_168, %dma_wait3A_258] : memref<2x125xi32, #tpu.memory_space<vmem>> -> memref<1x125xi32, #tpu.memory_space<vmem>>
        %dma_wait3A_260 = tpu.memref_squeeze %dma_wait3A_259 : memref<1x125xi32, #tpu.memory_space<vmem>> -> memref<125xi32, #tpu.memory_space<vmem>>
        %dma_wait3A_261 = arith.constant 0 : i32
        %dma_wait3A_262 = arith.constant 0 : i32
        %dma_wait3A_263 = tpu.memref_slice %arg16[%dma_wait3A_261, %dma_wait3A_262] : memref<10000x16xf32, #tpu.memory_space<vmem_shared>> -> memref<10000x16xf32, #tpu.memory_space<vmem_shared>>
        tpu.wait_indirect_dma semaphore(%run_scoped3A_251 : memref<!tpu.dma_semaphore, #tpu.memory_space<semaphore_mem>>) src(%arg14 : memref<125x16xf32, #tpu.memory_space<vmem>>) dst(%dma_wait3A_263 : memref<10000x16xf32, #tpu.memory_space<vmem_shared>>)
        tpu.yield
      }) : () -> ()
      %add3A_169 = arith.constant 4 : i32
      %add3A_170 = arith.addi %add3A_152, %add3A_169 : i32
      %lt3A_171 = arith.constant 80 : i32
      %lt3A_172 = arith.cmpi slt, %add3A_170, %lt3A_171 : i32
      %convert_element_type3A_173 = arith.extui %lt3A_172 : i1 to i32
      %cond3A_174 = arith.constant 0 : i32
      %cond3A_175 = arith.cmpi ne, %convert_element_type3A_173, %cond3A_174 : i32
      scf.if %cond3A_175 {
        %add3A_251 = arith.constant 4 : i32
        %add3A_252 = arith.addi %add3A_152, %add3A_251 : i32
        %dma_start3A_253 = arith.constant 0 : i32
        %dma_start3A_254 = arith.constant 0 : i32
        %dma_start3A_255 = tpu.memref_slice %arg4[%add3A, %add3A_252, %dma_start3A_253, %dma_start3A_254] : memref<32x80x2x125xi32, #tpu.memory_space<hbm>> -> memref<1x1x2x125xi32, #tpu.memory_space<hbm>>
        %dma_start3A_256 = tpu.memref_squeeze %dma_start3A_255 : memref<1x1x2x125xi32, #tpu.memory_space<hbm>> -> memref<2x125xi32, #tpu.memory_space<hbm>>
        %dma_start3A_257 = arith.constant 0 : i32
        %dma_start3A_258 = arith.constant 0 : i32
        %dma_start3A_259 = tpu.memref_slice %arg4[%add3A, %add3A_252, %dma_start3A_257, %dma_start3A_258] : memref<32x80x2x125xi32, #tpu.memory_space<hbm>> -> memref<1x1x2x125xi32, #tpu.memory_space<hbm>>
        %dma_start3A_260 = tpu.memref_squeeze %dma_start3A_259 : memref<1x1x2x125xi32, #tpu.memory_space<hbm>> -> memref<2x125xi32, #tpu.memory_space<hbm>>
        tpu.enqueue_dma source(%dma_start3A_260 : memref<2x125xi32, #tpu.memory_space<hbm>>) target(%arg8 : memref<2x125xi32, #tpu.memory_space<vmem>>) target_semaphore(%arg18 : memref<!tpu.dma_semaphore, #tpu.memory_space<semaphore_mem>>)
      } else {
      }
      %add3A_176 = arith.constant 2 : i32
      %add3A_177 = arith.addi %add3A_152, %add3A_176 : i32
      %lt3A_178 = arith.constant 80 : i32
      %lt3A_179 = arith.cmpi slt, %add3A_177, %lt3A_178 : i32
      %convert_element_type3A_180 = arith.extui %lt3A_179 : i1 to i32
      %cond3A_181 = arith.constant 0 : i32
      %cond3A_182 = arith.cmpi ne, %convert_element_type3A_180, %cond3A_181 : i32
      scf.if %cond3A_182 {
        %add3A_251 = arith.constant 2 : i32
        %add3A_252 = arith.addi %add3A_152, %add3A_251 : i32
        %dma_wait3A_253 = arith.constant 0 : i32
        %dma_wait3A_254 = arith.constant 0 : i32
        %dma_wait3A_255 = tpu.memref_slice %arg4[%add3A, %add3A_252, %dma_wait3A_253, %dma_wait3A_254] : memref<32x80x2x125xi32, #tpu.memory_space<hbm>> -> memref<1x1x2x125xi32, #tpu.memory_space<hbm>>
        %dma_wait3A_256 = tpu.memref_squeeze %dma_wait3A_255 : memref<1x1x2x125xi32, #tpu.memory_space<hbm>> -> memref<2x125xi32, #tpu.memory_space<hbm>>
        %dma_wait3A_257 = arith.constant 0 : i32
        %dma_wait3A_258 = arith.constant 0 : i32
        %dma_wait3A_259 = tpu.memref_slice %arg4[%add3A, %add3A_252, %dma_wait3A_257, %dma_wait3A_258] : memref<32x80x2x125xi32, #tpu.memory_space<hbm>> -> memref<1x1x2x125xi32, #tpu.memory_space<hbm>>
        %dma_wait3A_260 = tpu.memref_squeeze %dma_wait3A_259 : memref<1x1x2x125xi32, #tpu.memory_space<hbm>> -> memref<2x125xi32, #tpu.memory_space<hbm>>
        tpu.wait_dma2 semaphore(%arg20 : memref<!tpu.dma_semaphore, #tpu.memory_space<semaphore_mem>>) src(%dma_wait3A_260 : memref<2x125xi32, #tpu.memory_space<hbm>>) dst(%arg10 : memref<2x125xi32, #tpu.memory_space<vmem>>)
        %dma_start3A_261 = arith.constant 0 : i32
        %dma_start3A_262 = arith.constant 0 : i32
        %dma_start3A_263 = tpu.memref_slice %arg10[%dma_start3A_261, %dma_start3A_262] : memref<2x125xi32, #tpu.memory_space<vmem>> -> memref<1x125xi32, #tpu.memory_space<vmem>>
        %dma_start3A_264 = tpu.memref_squeeze %dma_start3A_263 : memref<1x125xi32, #tpu.memory_space<vmem>> -> memref<125xi32, #tpu.memory_space<vmem>>
        %dma_start3A_265 = arith.constant 0 : i32
        %dma_start3A_266 = arith.constant 0 : i32
        %dma_start3A_267 = tpu.memref_slice %arg2[%dma_start3A_265, %dma_start3A_266] : memref<10000x128xf32, #tpu.memory_space<hbm>> -> memref<10000x128xf32, #tpu.memory_space<hbm>>
        tpu.enqueue_indirect_dma source(%dma_start3A_267 : memref<10000x128xf32, #tpu.memory_space<hbm>>) target(%arg12 : memref<125x128xf32, #tpu.memory_space<vmem>>) offsets(%dma_start3A_264 : memref<125xi32, #tpu.memory_space<vmem>>) semaphore(%arg22 : memref<!tpu.dma_semaphore, #tpu.memory_space<semaphore_mem>>)
        %dma_start3A_268 = arith.constant 0 : i32
        %dma_start3A_269 = arith.constant 0 : i32
        %dma_start3A_270 = tpu.memref_slice %arg10[%dma_start3A_268, %dma_start3A_269] : memref<2x125xi32, #tpu.memory_space<vmem>> -> memref<1x125xi32, #tpu.memory_space<vmem>>
        %dma_start3A_271 = tpu.memref_squeeze %dma_start3A_270 : memref<1x125xi32, #tpu.memory_space<vmem>> -> memref<125xi32, #tpu.memory_space<vmem>>
        %dma_start3A_272 = arith.constant 0 : i32
        %dma_start3A_273 = arith.constant 0 : i32
        %dma_start3A_274 = tpu.memref_slice %arg3[%dma_start3A_272, %dma_start3A_273] : memref<10000x16xf32, #tpu.memory_space<hbm>> -> memref<10000x16xf32, #tpu.memory_space<hbm>>
        tpu.enqueue_indirect_dma source(%dma_start3A_274 : memref<10000x16xf32, #tpu.memory_space<hbm>>) target(%arg14 : memref<125x16xf32, #tpu.memory_space<vmem>>) offsets(%dma_start3A_271 : memref<125xi32, #tpu.memory_space<vmem>>) semaphore(%arg22 : memref<!tpu.dma_semaphore, #tpu.memory_space<semaphore_mem>>)
      } else {
      }
      %mul3A_183 = arith.constant 4 : i32
      %mul3A_184 = arith.muli %mul3A_183, %scan3A_118 : i32
      %add3A_185 = arith.constant 2 : i32
      %add3A_186 = arith.addi %mul3A_184, %add3A_185 : i32
      %dma_wait3A_187 = arith.constant 0 : i32
      %dma_wait3A_188 = arith.constant 0 : i32
      %dma_wait3A_189 = tpu.memref_slice %arg9[%dma_wait3A_187, %dma_wait3A_188] : memref<2x125xi32, #tpu.memory_space<vmem>> -> memref<1x125xi32, #tpu.memory_space<vmem>>
      %dma_wait3A_190 = tpu.memref_squeeze %dma_wait3A_189 : memref<1x125xi32, #tpu.memory_space<vmem>> -> memref<125xi32, #tpu.memory_space<vmem>>
      %dma_wait3A_191 = arith.constant 0 : i32
      %dma_wait3A_192 = arith.constant 0 : i32
      %dma_wait3A_193 = tpu.memref_slice %arg2[%dma_wait3A_191, %dma_wait3A_192] : memref<10000x128xf32, #tpu.memory_space<hbm>> -> memref<10000x128xf32, #tpu.memory_space<hbm>>
      tpu.wait_indirect_dma semaphore(%arg21 : memref<!tpu.dma_semaphore, #tpu.memory_space<semaphore_mem>>) src(%dma_wait3A_193 : memref<10000x128xf32, #tpu.memory_space<hbm>>) dst(%arg11 : memref<125x128xf32, #tpu.memory_space<vmem>>)
      %dma_wait3A_194 = arith.constant 0 : i32
      %dma_wait3A_195 = arith.constant 0 : i32
      %dma_wait3A_196 = tpu.memref_slice %arg9[%dma_wait3A_194, %dma_wait3A_195] : memref<2x125xi32, #tpu.memory_space<vmem>> -> memref<1x125xi32, #tpu.memory_space<vmem>>
      %dma_wait3A_197 = tpu.memref_squeeze %dma_wait3A_196 : memref<1x125xi32, #tpu.memory_space<vmem>> -> memref<125xi32, #tpu.memory_space<vmem>>
      %dma_wait3A_198 = arith.constant 0 : i32
      %dma_wait3A_199 = arith.constant 0 : i32
      %dma_wait3A_200 = tpu.memref_slice %arg3[%dma_wait3A_198, %dma_wait3A_199] : memref<10000x16xf32, #tpu.memory_space<hbm>> -> memref<10000x16xf32, #tpu.memory_space<hbm>>
      tpu.wait_indirect_dma semaphore(%arg21 : memref<!tpu.dma_semaphore, #tpu.memory_space<semaphore_mem>>) src(%dma_wait3A_200 : memref<10000x16xf32, #tpu.memory_space<hbm>>) dst(%arg13 : memref<125x16xf32, #tpu.memory_space<vmem>>)
      %run_scoped3A_201 = arith.constant 1 : i32
      "tpu.region"() ({
        %run_scoped3A_251 = tpu.sem_alloc : memref<!tpu.dma_semaphore, #tpu.memory_space<semaphore_mem>>
        %dma_start3A_252 = arith.constant 0 : i32
        %dma_start3A_253 = tpu.memref_slice %arg9[%run_scoped3A_201, %dma_start3A_252] : memref<2x125xi32, #tpu.memory_space<vmem>> -> memref<1x125xi32, #tpu.memory_space<vmem>>
        %dma_start3A_254 = tpu.memref_squeeze %dma_start3A_253 : memref<1x125xi32, #tpu.memory_space<vmem>> -> memref<125xi32, #tpu.memory_space<vmem>>
        %dma_start3A_255 = arith.constant 0 : i32
        %dma_start3A_256 = arith.constant 0 : i32
        %dma_start3A_257 = tpu.memref_slice %arg15[%dma_start3A_255, %dma_start3A_256] : memref<10000x128xf32, #tpu.memory_space<vmem_shared>> -> memref<10000x128xf32, #tpu.memory_space<vmem_shared>>
        tpu.enqueue_indirect_dma source(%arg11 : memref<125x128xf32, #tpu.memory_space<vmem>>) target(%dma_start3A_257 : memref<10000x128xf32, #tpu.memory_space<vmem_shared>>) offsets(%dma_start3A_254 : memref<125xi32, #tpu.memory_space<vmem>>) semaphore(%run_scoped3A_251 : memref<!tpu.dma_semaphore, #tpu.memory_space<semaphore_mem>>) {add = true}
        %dma_wait3A_258 = arith.constant 0 : i32
        %dma_wait3A_259 = tpu.memref_slice %arg9[%run_scoped3A_201, %dma_wait3A_258] : memref<2x125xi32, #tpu.memory_space<vmem>> -> memref<1x125xi32, #tpu.memory_space<vmem>>
        %dma_wait3A_260 = tpu.memref_squeeze %dma_wait3A_259 : memref<1x125xi32, #tpu.memory_space<vmem>> -> memref<125xi32, #tpu.memory_space<vmem>>
        %dma_wait3A_261 = arith.constant 0 : i32
        %dma_wait3A_262 = arith.constant 0 : i32
        %dma_wait3A_263 = tpu.memref_slice %arg15[%dma_wait3A_261, %dma_wait3A_262] : memref<10000x128xf32, #tpu.memory_space<vmem_shared>> -> memref<10000x128xf32, #tpu.memory_space<vmem_shared>>
        tpu.wait_indirect_dma semaphore(%run_scoped3A_251 : memref<!tpu.dma_semaphore, #tpu.memory_space<semaphore_mem>>) src(%arg11 : memref<125x128xf32, #tpu.memory_space<vmem>>) dst(%dma_wait3A_263 : memref<10000x128xf32, #tpu.memory_space<vmem_shared>>)
        tpu.yield
      }) : () -> ()
      %run_scoped3A_202 = arith.constant 1 : i32
      "tpu.region"() ({
        %run_scoped3A_251 = tpu.sem_alloc : memref<!tpu.dma_semaphore, #tpu.memory_space<semaphore_mem>>
        %dma_start3A_252 = arith.constant 0 : i32
        %dma_start3A_253 = tpu.memref_slice %arg9[%run_scoped3A_202, %dma_start3A_252] : memref<2x125xi32, #tpu.memory_space<vmem>> -> memref<1x125xi32, #tpu.memory_space<vmem>>
        %dma_start3A_254 = tpu.memref_squeeze %dma_start3A_253 : memref<1x125xi32, #tpu.memory_space<vmem>> -> memref<125xi32, #tpu.memory_space<vmem>>
        %dma_start3A_255 = arith.constant 0 : i32
        %dma_start3A_256 = arith.constant 0 : i32
        %dma_start3A_257 = tpu.memref_slice %arg16[%dma_start3A_255, %dma_start3A_256] : memref<10000x16xf32, #tpu.memory_space<vmem_shared>> -> memref<10000x16xf32, #tpu.memory_space<vmem_shared>>
        tpu.enqueue_indirect_dma source(%arg13 : memref<125x16xf32, #tpu.memory_space<vmem>>) target(%dma_start3A_257 : memref<10000x16xf32, #tpu.memory_space<vmem_shared>>) offsets(%dma_start3A_254 : memref<125xi32, #tpu.memory_space<vmem>>) semaphore(%run_scoped3A_251 : memref<!tpu.dma_semaphore, #tpu.memory_space<semaphore_mem>>) {add = true}
        %dma_wait3A_258 = arith.constant 0 : i32
        %dma_wait3A_259 = tpu.memref_slice %arg9[%run_scoped3A_202, %dma_wait3A_258] : memref<2x125xi32, #tpu.memory_space<vmem>> -> memref<1x125xi32, #tpu.memory_space<vmem>>
        %dma_wait3A_260 = tpu.memref_squeeze %dma_wait3A_259 : memref<1x125xi32, #tpu.memory_space<vmem>> -> memref<125xi32, #tpu.memory_space<vmem>>
        %dma_wait3A_261 = arith.constant 0 : i32
        %dma_wait3A_262 = arith.constant 0 : i32
        %dma_wait3A_263 = tpu.memref_slice %arg16[%dma_wait3A_261, %dma_wait3A_262] : memref<10000x16xf32, #tpu.memory_space<vmem_shared>> -> memref<10000x16xf32, #tpu.memory_space<vmem_shared>>
        tpu.wait_indirect_dma semaphore(%run_scoped3A_251 : memref<!tpu.dma_semaphore, #tpu.memory_space<semaphore_mem>>) src(%arg13 : memref<125x16xf32, #tpu.memory_space<vmem>>) dst(%dma_wait3A_263 : memref<10000x16xf32, #tpu.memory_space<vmem_shared>>)
        tpu.yield
      }) : () -> ()
      %add3A_203 = arith.constant 4 : i32
      %add3A_204 = arith.addi %add3A_186, %add3A_203 : i32
      %lt3A_205 = arith.constant 80 : i32
      %lt3A_206 = arith.cmpi slt, %add3A_204, %lt3A_205 : i32
      %convert_element_type3A_207 = arith.extui %lt3A_206 : i1 to i32
      %cond3A_208 = arith.constant 0 : i32
      %cond3A_209 = arith.cmpi ne, %convert_element_type3A_207, %cond3A_208 : i32
      scf.if %cond3A_209 {
        %add3A_251 = arith.constant 4 : i32
        %add3A_252 = arith.addi %add3A_186, %add3A_251 : i32
        %dma_start3A_253 = arith.constant 0 : i32
        %dma_start3A_254 = arith.constant 0 : i32
        %dma_start3A_255 = tpu.memref_slice %arg4[%add3A, %add3A_252, %dma_start3A_253, %dma_start3A_254] : memref<32x80x2x125xi32, #tpu.memory_space<hbm>> -> memref<1x1x2x125xi32, #tpu.memory_space<hbm>>
        %dma_start3A_256 = tpu.memref_squeeze %dma_start3A_255 : memref<1x1x2x125xi32, #tpu.memory_space<hbm>> -> memref<2x125xi32, #tpu.memory_space<hbm>>
        %dma_start3A_257 = arith.constant 0 : i32
        %dma_start3A_258 = arith.constant 0 : i32
        %dma_start3A_259 = tpu.memref_slice %arg4[%add3A, %add3A_252, %dma_start3A_257, %dma_start3A_258] : memref<32x80x2x125xi32, #tpu.memory_space<hbm>> -> memref<1x1x2x125xi32, #tpu.memory_space<hbm>>
        %dma_start3A_260 = tpu.memref_squeeze %dma_start3A_259 : memref<1x1x2x125xi32, #tpu.memory_space<hbm>> -> memref<2x125xi32, #tpu.memory_space<hbm>>
        tpu.enqueue_dma source(%dma_start3A_260 : memref<2x125xi32, #tpu.memory_space<hbm>>) target(%arg9 : memref<2x125xi32, #tpu.memory_space<vmem>>) target_semaphore(%arg19 : memref<!tpu.dma_semaphore, #tpu.memory_space<semaphore_mem>>)
      } else {
      }
      %add3A_210 = arith.constant 2 : i32
      %add3A_211 = arith.addi %add3A_186, %add3A_210 : i32
      %lt3A_212 = arith.constant 80 : i32
      %lt3A_213 = arith.cmpi slt, %add3A_211, %lt3A_212 : i32
      %convert_element_type3A_214 = arith.extui %lt3A_213 : i1 to i32
      %cond3A_215 = arith.constant 0 : i32
      %cond3A_216 = arith.cmpi ne, %convert_element_type3A_214, %cond3A_215 : i32
      scf.if %cond3A_216 {
        %add3A_251 = arith.constant 2 : i32
        %add3A_252 = arith.addi %add3A_186, %add3A_251 : i32
        %dma_wait3A_253 = arith.constant 0 : i32
        %dma_wait3A_254 = arith.constant 0 : i32
        %dma_wait3A_255 = tpu.memref_slice %arg4[%add3A, %add3A_252, %dma_wait3A_253, %dma_wait3A_254] : memref<32x80x2x125xi32, #tpu.memory_space<hbm>> -> memref<1x1x2x125xi32, #tpu.memory_space<hbm>>
        %dma_wait3A_256 = tpu.memref_squeeze %dma_wait3A_255 : memref<1x1x2x125xi32, #tpu.memory_space<hbm>> -> memref<2x125xi32, #tpu.memory_space<hbm>>
        %dma_wait3A_257 = arith.constant 0 : i32
        %dma_wait3A_258 = arith.constant 0 : i32
        %dma_wait3A_259 = tpu.memref_slice %arg4[%add3A, %add3A_252, %dma_wait3A_257, %dma_wait3A_258] : memref<32x80x2x125xi32, #tpu.memory_space<hbm>> -> memref<1x1x2x125xi32, #tpu.memory_space<hbm>>
        %dma_wait3A_260 = tpu.memref_squeeze %dma_wait3A_259 : memref<1x1x2x125xi32, #tpu.memory_space<hbm>> -> memref<2x125xi32, #tpu.memory_space<hbm>>
        tpu.wait_dma2 semaphore(%arg17 : memref<!tpu.dma_semaphore, #tpu.memory_space<semaphore_mem>>) src(%dma_wait3A_260 : memref<2x125xi32, #tpu.memory_space<hbm>>) dst(%arg7 : memref<2x125xi32, #tpu.memory_space<vmem>>)
        %dma_start3A_261 = arith.constant 0 : i32
        %dma_start3A_262 = arith.constant 0 : i32
        %dma_start3A_263 = tpu.memref_slice %arg7[%dma_start3A_261, %dma_start3A_262] : memref<2x125xi32, #tpu.memory_space<vmem>> -> memref<1x125xi32, #tpu.memory_space<vmem>>
        %dma_start3A_264 = tpu.memref_squeeze %dma_start3A_263 : memref<1x125xi32, #tpu.memory_space<vmem>> -> memref<125xi32, #tpu.memory_space<vmem>>
        %dma_start3A_265 = arith.constant 0 : i32
        %dma_start3A_266 = arith.constant 0 : i32
        %dma_start3A_267 = tpu.memref_slice %arg2[%dma_start3A_265, %dma_start3A_266] : memref<10000x128xf32, #tpu.memory_space<hbm>> -> memref<10000x128xf32, #tpu.memory_space<hbm>>
        tpu.enqueue_indirect_dma source(%dma_start3A_267 : memref<10000x128xf32, #tpu.memory_space<hbm>>) target(%arg11 : memref<125x128xf32, #tpu.memory_space<vmem>>) offsets(%dma_start3A_264 : memref<125xi32, #tpu.memory_space<vmem>>) semaphore(%arg21 : memref<!tpu.dma_semaphore, #tpu.memory_space<semaphore_mem>>)
        %dma_start3A_268 = arith.constant 0 : i32
        %dma_start3A_269 = arith.constant 0 : i32
        %dma_start3A_270 = tpu.memref_slice %arg7[%dma_start3A_268, %dma_start3A_269] : memref<2x125xi32, #tpu.memory_space<vmem>> -> memref<1x125xi32, #tpu.memory_space<vmem>>
        %dma_start3A_271 = tpu.memref_squeeze %dma_start3A_270 : memref<1x125xi32, #tpu.memory_space<vmem>> -> memref<125xi32, #tpu.memory_space<vmem>>
        %dma_start3A_272 = arith.constant 0 : i32
        %dma_start3A_273 = arith.constant 0 : i32
        %dma_start3A_274 = tpu.memref_slice %arg3[%dma_start3A_272, %dma_start3A_273] : memref<10000x16xf32, #tpu.memory_space<hbm>> -> memref<10000x16xf32, #tpu.memory_space<hbm>>
        tpu.enqueue_indirect_dma source(%dma_start3A_274 : memref<10000x16xf32, #tpu.memory_space<hbm>>) target(%arg13 : memref<125x16xf32, #tpu.memory_space<vmem>>) offsets(%dma_start3A_271 : memref<125xi32, #tpu.memory_space<vmem>>) semaphore(%arg21 : memref<!tpu.dma_semaphore, #tpu.memory_space<semaphore_mem>>)
      } else {
      }
      %mul3A_217 = arith.constant 4 : i32
      %mul3A_218 = arith.muli %mul3A_217, %scan3A_118 : i32
      %add3A_219 = arith.constant 3 : i32
      %add3A_220 = arith.addi %mul3A_218, %add3A_219 : i32
      %dma_wait3A_221 = arith.constant 0 : i32
      %dma_wait3A_222 = arith.constant 0 : i32
      %dma_wait3A_223 = tpu.memref_slice %arg10[%dma_wait3A_221, %dma_wait3A_222] : memref<2x125xi32, #tpu.memory_space<vmem>> -> memref<1x125xi32, #tpu.memory_space<vmem>>
      %dma_wait3A_224 = tpu.memref_squeeze %dma_wait3A_223 : memref<1x125xi32, #tpu.memory_space<vmem>> -> memref<125xi32, #tpu.memory_space<vmem>>
      %dma_wait3A_225 = arith.constant 0 : i32
      %dma_wait3A_226 = arith.constant 0 : i32
      %dma_wait3A_227 = tpu.memref_slice %arg2[%dma_wait3A_225, %dma_wait3A_226] : memref<10000x128xf32, #tpu.memory_space<hbm>> -> memref<10000x128xf32, #tpu.memory_space<hbm>>
      tpu.wait_indirect_dma semaphore(%arg22 : memref<!tpu.dma_semaphore, #tpu.memory_space<semaphore_mem>>) src(%dma_wait3A_227 : memref<10000x128xf32, #tpu.memory_space<hbm>>) dst(%arg12 : memref<125x128xf32, #tpu.memory_space<vmem>>)
      %dma_wait3A_228 = arith.constant 0 : i32
      %dma_wait3A_229 = arith.constant 0 : i32
      %dma_wait3A_230 = tpu.memref_slice %arg10[%dma_wait3A_228, %dma_wait3A_229] : memref<2x125xi32, #tpu.memory_space<vmem>> -> memref<1x125xi32, #tpu.memory_space<vmem>>
      %dma_wait3A_231 = tpu.memref_squeeze %dma_wait3A_230 : memref<1x125xi32, #tpu.memory_space<vmem>> -> memref<125xi32, #tpu.memory_space<vmem>>
      %dma_wait3A_232 = arith.constant 0 : i32
      %dma_wait3A_233 = arith.constant 0 : i32
      %dma_wait3A_234 = tpu.memref_slice %arg3[%dma_wait3A_232, %dma_wait3A_233] : memref<10000x16xf32, #tpu.memory_space<hbm>> -> memref<10000x16xf32, #tpu.memory_space<hbm>>
      tpu.wait_indirect_dma semaphore(%arg22 : memref<!tpu.dma_semaphore, #tpu.memory_space<semaphore_mem>>) src(%dma_wait3A_234 : memref<10000x16xf32, #tpu.memory_space<hbm>>) dst(%arg14 : memref<125x16xf32, #tpu.memory_space<vmem>>)
      %run_scoped3A_235 = arith.constant 1 : i32
      "tpu.region"() ({
        %run_scoped3A_251 = tpu.sem_alloc : memref<!tpu.dma_semaphore, #tpu.memory_space<semaphore_mem>>
        %dma_start3A_252 = arith.constant 0 : i32
        %dma_start3A_253 = tpu.memref_slice %arg10[%run_scoped3A_235, %dma_start3A_252] : memref<2x125xi32, #tpu.memory_space<vmem>> -> memref<1x125xi32, #tpu.memory_space<vmem>>
        %dma_start3A_254 = tpu.memref_squeeze %dma_start3A_253 : memref<1x125xi32, #tpu.memory_space<vmem>> -> memref<125xi32, #tpu.memory_space<vmem>>
        %dma_start3A_255 = arith.constant 0 : i32
        %dma_start3A_256 = arith.constant 0 : i32
        %dma_start3A_257 = tpu.memref_slice %arg15[%dma_start3A_255, %dma_start3A_256] : memref<10000x128xf32, #tpu.memory_space<vmem_shared>> -> memref<10000x128xf32, #tpu.memory_space<vmem_shared>>
        tpu.enqueue_indirect_dma source(%arg12 : memref<125x128xf32, #tpu.memory_space<vmem>>) target(%dma_start3A_257 : memref<10000x128xf32, #tpu.memory_space<vmem_shared>>) offsets(%dma_start3A_254 : memref<125xi32, #tpu.memory_space<vmem>>) semaphore(%run_scoped3A_251 : memref<!tpu.dma_semaphore, #tpu.memory_space<semaphore_mem>>) {add = true}
        %dma_wait3A_258 = arith.constant 0 : i32
        %dma_wait3A_259 = tpu.memref_slice %arg10[%run_scoped3A_235, %dma_wait3A_258] : memref<2x125xi32, #tpu.memory_space<vmem>> -> memref<1x125xi32, #tpu.memory_space<vmem>>
        %dma_wait3A_260 = tpu.memref_squeeze %dma_wait3A_259 : memref<1x125xi32, #tpu.memory_space<vmem>> -> memref<125xi32, #tpu.memory_space<vmem>>
        %dma_wait3A_261 = arith.constant 0 : i32
        %dma_wait3A_262 = arith.constant 0 : i32
        %dma_wait3A_263 = tpu.memref_slice %arg15[%dma_wait3A_261, %dma_wait3A_262] : memref<10000x128xf32, #tpu.memory_space<vmem_shared>> -> memref<10000x128xf32, #tpu.memory_space<vmem_shared>>
        tpu.wait_indirect_dma semaphore(%run_scoped3A_251 : memref<!tpu.dma_semaphore, #tpu.memory_space<semaphore_mem>>) src(%arg12 : memref<125x128xf32, #tpu.memory_space<vmem>>) dst(%dma_wait3A_263 : memref<10000x128xf32, #tpu.memory_space<vmem_shared>>)
        tpu.yield
      }) : () -> ()
      %run_scoped3A_236 = arith.constant 1 : i32
      "tpu.region"() ({
        %run_scoped3A_251 = tpu.sem_alloc : memref<!tpu.dma_semaphore, #tpu.memory_space<semaphore_mem>>
        %dma_start3A_252 = arith.constant 0 : i32
        %dma_start3A_253 = tpu.memref_slice %arg10[%run_scoped3A_236, %dma_start3A_252] : memref<2x125xi32, #tpu.memory_space<vmem>> -> memref<1x125xi32, #tpu.memory_space<vmem>>
        %dma_start3A_254 = tpu.memref_squeeze %dma_start3A_253 : memref<1x125xi32, #tpu.memory_space<vmem>> -> memref<125xi32, #tpu.memory_space<vmem>>
        %dma_start3A_255 = arith.constant 0 : i32
        %dma_start3A_256 = arith.constant 0 : i32
        %dma_start3A_257 = tpu.memref_slice %arg16[%dma_start3A_255, %dma_start3A_256] : memref<10000x16xf32, #tpu.memory_space<vmem_shared>> -> memref<10000x16xf32, #tpu.memory_space<vmem_shared>>
        tpu.enqueue_indirect_dma source(%arg14 : memref<125x16xf32, #tpu.memory_space<vmem>>) target(%dma_start3A_257 : memref<10000x16xf32, #tpu.memory_space<vmem_shared>>) offsets(%dma_start3A_254 : memref<125xi32, #tpu.memory_space<vmem>>) semaphore(%run_scoped3A_251 : memref<!tpu.dma_semaphore, #tpu.memory_space<semaphore_mem>>) {add = true}
        %dma_wait3A_258 = arith.constant 0 : i32
        %dma_wait3A_259 = tpu.memref_slice %arg10[%run_scoped3A_236, %dma_wait3A_258] : memref<2x125xi32, #tpu.memory_space<vmem>> -> memref<1x125xi32, #tpu.memory_space<vmem>>
        %dma_wait3A_260 = tpu.memref_squeeze %dma_wait3A_259 : memref<1x125xi32, #tpu.memory_space<vmem>> -> memref<125xi32, #tpu.memory_space<vmem>>
        %dma_wait3A_261 = arith.constant 0 : i32
        %dma_wait3A_262 = arith.constant 0 : i32
        %dma_wait3A_263 = tpu.memref_slice %arg16[%dma_wait3A_261, %dma_wait3A_262] : memref<10000x16xf32, #tpu.memory_space<vmem_shared>> -> memref<10000x16xf32, #tpu.memory_space<vmem_shared>>
        tpu.wait_indirect_dma semaphore(%run_scoped3A_251 : memref<!tpu.dma_semaphore, #tpu.memory_space<semaphore_mem>>) src(%arg14 : memref<125x16xf32, #tpu.memory_space<vmem>>) dst(%dma_wait3A_263 : memref<10000x16xf32, #tpu.memory_space<vmem_shared>>)
        tpu.yield
      }) : () -> ()
      %add3A_237 = arith.constant 4 : i32
      %add3A_238 = arith.addi %add3A_220, %add3A_237 : i32
      %lt3A_239 = arith.constant 80 : i32
      %lt3A_240 = arith.cmpi slt, %add3A_238, %lt3A_239 : i32
      %convert_element_type3A_241 = arith.extui %lt3A_240 : i1 to i32
      %cond3A_242 = arith.constant 0 : i32
      %cond3A_243 = arith.cmpi ne, %convert_element_type3A_241, %cond3A_242 : i32
      scf.if %cond3A_243 {
        %add3A_251 = arith.constant 4 : i32
        %add3A_252 = arith.addi %add3A_220, %add3A_251 : i32
        %dma_start3A_253 = arith.constant 0 : i32
        %dma_start3A_254 = arith.constant 0 : i32
        %dma_start3A_255 = tpu.memref_slice %arg4[%add3A, %add3A_252, %dma_start3A_253, %dma_start3A_254] : memref<32x80x2x125xi32, #tpu.memory_space<hbm>> -> memref<1x1x2x125xi32, #tpu.memory_space<hbm>>
        %dma_start3A_256 = tpu.memref_squeeze %dma_start3A_255 : memref<1x1x2x125xi32, #tpu.memory_space<hbm>> -> memref<2x125xi32, #tpu.memory_space<hbm>>
        %dma_start3A_257 = arith.constant 0 : i32
        %dma_start3A_258 = arith.constant 0 : i32
        %dma_start3A_259 = tpu.memref_slice %arg4[%add3A, %add3A_252, %dma_start3A_257, %dma_start3A_258] : memref<32x80x2x125xi32, #tpu.memory_space<hbm>> -> memref<1x1x2x125xi32, #tpu.memory_space<hbm>>
        %dma_start3A_260 = tpu.memref_squeeze %dma_start3A_259 : memref<1x1x2x125xi32, #tpu.memory_space<hbm>> -> memref<2x125xi32, #tpu.memory_space<hbm>>
        tpu.enqueue_dma source(%dma_start3A_260 : memref<2x125xi32, #tpu.memory_space<hbm>>) target(%arg10 : memref<2x125xi32, #tpu.memory_space<vmem>>) target_semaphore(%arg20 : memref<!tpu.dma_semaphore, #tpu.memory_space<semaphore_mem>>)
      } else {
      }
      %add3A_244 = arith.constant 2 : i32
      %add3A_245 = arith.addi %add3A_220, %add3A_244 : i32
      %lt3A_246 = arith.constant 80 : i32
      %lt3A_247 = arith.cmpi slt, %add3A_245, %lt3A_246 : i32
      %convert_element_type3A_248 = arith.extui %lt3A_247 : i1 to i32
      %cond3A_249 = arith.constant 0 : i32
      %cond3A_250 = arith.cmpi ne, %convert_element_type3A_248, %cond3A_249 : i32
      scf.if %cond3A_250 {
        %add3A_251 = arith.constant 2 : i32
        %add3A_252 = arith.addi %add3A_220, %add3A_251 : i32
        %dma_wait3A_253 = arith.constant 0 : i32
        %dma_wait3A_254 = arith.constant 0 : i32
        %dma_wait3A_255 = tpu.memref_slice %arg4[%add3A, %add3A_252, %dma_wait3A_253, %dma_wait3A_254] : memref<32x80x2x125xi32, #tpu.memory_space<hbm>> -> memref<1x1x2x125xi32, #tpu.memory_space<hbm>>
        %dma_wait3A_256 = tpu.memref_squeeze %dma_wait3A_255 : memref<1x1x2x125xi32, #tpu.memory_space<hbm>> -> memref<2x125xi32, #tpu.memory_space<hbm>>
        %dma_wait3A_257 = arith.constant 0 : i32
        %dma_wait3A_258 = arith.constant 0 : i32
        %dma_wait3A_259 = tpu.memref_slice %arg4[%add3A, %add3A_252, %dma_wait3A_257, %dma_wait3A_258] : memref<32x80x2x125xi32, #tpu.memory_space<hbm>> -> memref<1x1x2x125xi32, #tpu.memory_space<hbm>>
        %dma_wait3A_260 = tpu.memref_squeeze %dma_wait3A_259 : memref<1x1x2x125xi32, #tpu.memory_space<hbm>> -> memref<2x125xi32, #tpu.memory_space<hbm>>
        tpu.wait_dma2 semaphore(%arg18 : memref<!tpu.dma_semaphore, #tpu.memory_space<semaphore_mem>>) src(%dma_wait3A_260 : memref<2x125xi32, #tpu.memory_space<hbm>>) dst(%arg8 : memref<2x125xi32, #tpu.memory_space<vmem>>)
        %dma_start3A_261 = arith.constant 0 : i32
        %dma_start3A_262 = arith.constant 0 : i32
        %dma_start3A_263 = tpu.memref_slice %arg8[%dma_start3A_261, %dma_start3A_262] : memref<2x125xi32, #tpu.memory_space<vmem>> -> memref<1x125xi32, #tpu.memory_space<vmem>>
        %dma_start3A_264 = tpu.memref_squeeze %dma_start3A_263 : memref<1x125xi32, #tpu.memory_space<vmem>> -> memref<125xi32, #tpu.memory_space<vmem>>
        %dma_start3A_265 = arith.constant 0 : i32
        %dma_start3A_266 = arith.constant 0 : i32
        %dma_start3A_267 = tpu.memref_slice %arg2[%dma_start3A_265, %dma_start3A_266] : memref<10000x128xf32, #tpu.memory_space<hbm>> -> memref<10000x128xf32, #tpu.memory_space<hbm>>
        tpu.enqueue_indirect_dma source(%dma_start3A_267 : memref<10000x128xf32, #tpu.memory_space<hbm>>) target(%arg12 : memref<125x128xf32, #tpu.memory_space<vmem>>) offsets(%dma_start3A_264 : memref<125xi32, #tpu.memory_space<vmem>>) semaphore(%arg22 : memref<!tpu.dma_semaphore, #tpu.memory_space<semaphore_mem>>)
        %dma_start3A_268 = arith.constant 0 : i32
        %dma_start3A_269 = arith.constant 0 : i32
        %dma_start3A_270 = tpu.memref_slice %arg8[%dma_start3A_268, %dma_start3A_269] : memref<2x125xi32, #tpu.memory_space<vmem>> -> memref<1x125xi32, #tpu.memory_space<vmem>>
        %dma_start3A_271 = tpu.memref_squeeze %dma_start3A_270 : memref<1x125xi32, #tpu.memory_space<vmem>> -> memref<125xi32, #tpu.memory_space<vmem>>
        %dma_start3A_272 = arith.constant 0 : i32
        %dma_start3A_273 = arith.constant 0 : i32
        %dma_start3A_274 = tpu.memref_slice %arg3[%dma_start3A_272, %dma_start3A_273] : memref<10000x16xf32, #tpu.memory_space<hbm>> -> memref<10000x16xf32, #tpu.memory_space<hbm>>
        tpu.enqueue_indirect_dma source(%dma_start3A_274 : memref<10000x16xf32, #tpu.memory_space<hbm>>) target(%arg14 : memref<125x16xf32, #tpu.memory_space<vmem>>) offsets(%dma_start3A_271 : memref<125xi32, #tpu.memory_space<vmem>>) semaphore(%arg22 : memref<!tpu.dma_semaphore, #tpu.memory_space<semaphore_mem>>)
      } else {
      }
    }
    %scan3A_113 = arith.constant 20 : i32
    %barrier3A_114 = arith.constant 0 : index
    tpu.barrier barrier_id(%barrier3A_114)
    %mul3A_115 = arith.constant 10000 : i32
    %mul3A_116 = arith.muli %arg0, %mul3A_115 : i32
    %add3A_117 = arith.addi %mul3A_116, %mul3A_2 : i32
    "tpu.region"() ({
      %run_scoped3A = tpu.sem_alloc : memref<!tpu.dma_semaphore, #tpu.memory_space<semaphore_mem>>
      %dma_start3A_118 = arith.constant 0 : i32
      %dma_start3A_119 = tpu.memref_slice %arg5[%add3A_117, %dma_start3A_118] : memref<20000x128xf32, #tpu.memory_space<hbm>> -> memref<625x128xf32, #tpu.memory_space<hbm>>
      %dma_start3A_120 = arith.constant 0 : i32
      %dma_start3A_121 = tpu.memref_slice %arg15[%mul3A_2, %dma_start3A_120] : memref<10000x128xf32, #tpu.memory_space<vmem_shared>> -> memref<625x128xf32, #tpu.memory_space<vmem_shared>>
      tpu.enqueue_dma source(%dma_start3A_121 : memref<625x128xf32, #tpu.memory_space<vmem_shared>>) target(%dma_start3A_119 : memref<625x128xf32, #tpu.memory_space<hbm>>) target_semaphore(%run_scoped3A : memref<!tpu.dma_semaphore, #tpu.memory_space<semaphore_mem>>)
      %dma_wait3A_122 = arith.constant 0 : i32
      %dma_wait3A_123 = tpu.memref_slice %arg5[%add3A_117, %dma_wait3A_122] : memref<20000x128xf32, #tpu.memory_space<hbm>> -> memref<625x128xf32, #tpu.memory_space<hbm>>
      %dma_wait3A_124 = arith.constant 0 : i32
      %dma_wait3A_125 = tpu.memref_slice %arg15[%mul3A_2, %dma_wait3A_124] : memref<10000x128xf32, #tpu.memory_space<vmem_shared>> -> memref<625x128xf32, #tpu.memory_space<vmem_shared>>
      tpu.wait_dma2 semaphore(%run_scoped3A : memref<!tpu.dma_semaphore, #tpu.memory_space<semaphore_mem>>) src(%dma_wait3A_125 : memref<625x128xf32, #tpu.memory_space<vmem_shared>>) dst(%dma_wait3A_123 : memref<625x128xf32, #tpu.memory_space<hbm>>)
      tpu.yield
    }) : () -> ()
    "tpu.region"() ({
      %run_scoped3A = tpu.sem_alloc : memref<!tpu.dma_semaphore, #tpu.memory_space<semaphore_mem>>
      %dma_start3A_118 = arith.constant 0 : i32
      %dma_start3A_119 = tpu.memref_slice %arg6[%add3A_117, %dma_start3A_118] : memref<20000x16xf32, #tpu.memory_space<hbm>> -> memref<625x16xf32, #tpu.memory_space<hbm>>
      %dma_start3A_120 = arith.constant 0 : i32
      %dma_start3A_121 = tpu.memref_slice %arg16[%mul3A_2, %dma_start3A_120] : memref<10000x16xf32, #tpu.memory_space<vmem_shared>> -> memref<625x16xf32, #tpu.memory_space<vmem_shared>>
      tpu.enqueue_dma source(%dma_start3A_121 : memref<625x16xf32, #tpu.memory_space<vmem_shared>>) target(%dma_start3A_119 : memref<625x16xf32, #tpu.memory_space<hbm>>) target_semaphore(%run_scoped3A : memref<!tpu.dma_semaphore, #tpu.memory_space<semaphore_mem>>)
      %dma_wait3A_122 = arith.constant 0 : i32
      %dma_wait3A_123 = tpu.memref_slice %arg6[%add3A_117, %dma_wait3A_122] : memref<20000x16xf32, #tpu.memory_space<hbm>> -> memref<625x16xf32, #tpu.memory_space<hbm>>
      %dma_wait3A_124 = arith.constant 0 : i32
      %dma_wait3A_125 = tpu.memref_slice %arg16[%mul3A_2, %dma_wait3A_124] : memref<10000x16xf32, #tpu.memory_space<vmem_shared>> -> memref<625x16xf32, #tpu.memory_space<vmem_shared>>
      tpu.wait_dma2 semaphore(%run_scoped3A : memref<!tpu.dma_semaphore, #tpu.memory_space<semaphore_mem>>) src(%dma_wait3A_125 : memref<625x16xf32, #tpu.memory_space<vmem_shared>>) dst(%dma_wait3A_123 : memref<625x16xf32, #tpu.memory_space<hbm>>)
      tpu.yield
    }) : () -> ()
    return
  }
}

#map = affine_map<(d0, d1) -> (0, 0)>
#map1 = affine_map<(d0, d1) -> (0, 0, 0, 0)>
module attributes {stable_mosaic.version = 14 : i64} {
  func.func @_sc_scatter_pass_body(%arg0: i32, %arg1: i32, %arg2: memref<10000x128xf32, #tpu.memory_space<hbm>>, %arg3: memref<10000x16xf32, #tpu.memory_space<hbm>>, %arg4: memref<32x80x2x125xi32, #tpu.memory_space<hbm>>, %arg5: memref<20000x128xf32, #tpu.memory_space<hbm>>, %arg6: memref<20000x16xf32, #tpu.memory_space<hbm>>, %arg7: memref<2x125xi32, #tpu.memory_space<vmem>>, %arg8: memref<2x125xi32, #tpu.memory_space<vmem>>, %arg9: memref<2x125xi32, #tpu.memory_space<vmem>>, %arg10: memref<2x125xi32, #tpu.memory_space<vmem>>, %arg11: memref<125x128xf32, #tpu.memory_space<vmem>>, %arg12: memref<125x128xf32, #tpu.memory_space<vmem>>, %arg13: memref<125x16xf32, #tpu.memory_space<vmem>>, %arg14: memref<125x16xf32, #tpu.memory_space<vmem>>, %arg15: memref<10000x128xf32, #tpu.memory_space<vmem_shared>>, %arg16: memref<10000x16xf32, #tpu.memory_space<vmem_shared>>, %arg17: memref<!tpu.dma_semaphore, #tpu.memory_space<semaphore_mem>>, %arg18: memref<!tpu.dma_semaphore, #tpu.memory_space<semaphore_mem>>, %arg19: memref<!tpu.dma_semaphore, #tpu.memory_space<semaphore_mem>>, %arg20: memref<!tpu.dma_semaphore, #tpu.memory_space<semaphore_mem>>, %arg21: memref<!tpu.dma_semaphore, #tpu.memory_space<semaphore_mem>>, %arg22: memref<!tpu.dma_semaphore, #tpu.memory_space<semaphore_mem>>) attributes {dimension_semantics = [#tpu.dimension_semantics<core_parallel>, #tpu.dimension_semantics<subcore_parallel>], iteration_bounds = array<i64: 2, 16>, scalar_prefetch = 0 : i64, scratch_operands = 16 : i64, tpu.core_type = #tpu.core_type<sc_vector_subcore>, window_params = [{transform_indices = #map}, {transform_indices = #map}, {transform_indices = #map1}, {transform_indices = #map}, {transform_indices = #map}]} {
    %mul3A = arith.constant 2 : i32
    %mul3A_0 = arith.muli %arg1, %mul3A : i32
    %add3A = arith.addi %mul3A_0, %arg0 : i32
    %mul3A_1 = arith.constant 625 : i32
    %mul3A_2 = arith.muli %arg1, %mul3A_1 : i32
    %scan3A = arith.constant 0 : i32
    %scan3A_3 = arith.constant 0 : i32
    %scan3A_4 = arith.constant 125 : i32
    %scan3A_5 = arith.addi %scan3A_3, %scan3A_4 : i32
    %scan3A_6 = arith.constant 1 : i32
    scf.for %scan3A_118 = %scan3A_3 to %scan3A_5 step %scan3A_6  : i32 {
      %broadcast_in_dim3A = arith.constant 0.000000e+00 : f32
      %broadcast_in_dim3A_119 = vector.broadcast %broadcast_in_dim3A : f32 to vector<16xf32>
      %swap3A = arith.index_cast %scan3A_118 : i32 to index
      %swap3A_120 = arith.constant 0 : index
      %swap3A_121 = tpu.vector_load %arg11[%swap3A, %swap3A_120] {strides = array<i32>} : memref<125x128xf32, #tpu.memory_space<vmem>>, vector<1x16xf32>,
      %swap3A_122 = vector.shape_cast %swap3A_121 : vector<1x16xf32> to vector<16xf32>
      %swap3A_123 = vector.shape_cast %broadcast_in_dim3A_119 : vector<16xf32> to vector<1x16xf32>
      tpu.vector_store %arg11[%swap3A, %swap3A_120], %swap3A_123 {strides = array<i32>} : memref<125x128xf32, #tpu.memory_space<vmem>>, vector<1x16xf32>,
      %broadcast_in_dim3A_124 = arith.constant 0.000000e+00 : f32
      %broadcast_in_dim3A_125 = vector.broadcast %broadcast_in_dim3A_124 : f32 to vector<16xf32>
      %swap3A_126 = arith.index_cast %scan3A_118 : i32 to index
      %swap3A_127 = arith.constant 16 : index
      %swap3A_128 = tpu.vector_load %arg11[%swap3A_126, %swap3A_127] {strides = array<i32>} : memref<125x128xf32, #tpu.memory_space<vmem>>, vector<1x16xf32>,
      %swap3A_129 = vector.shape_cast %swap3A_128 : vector<1x16xf32> to vector<16xf32>
      %swap3A_130 = vector.shape_cast %broadcast_in_dim3A_125 : vector<16xf32> to vector<1x16xf32>
      tpu.vector_store %arg11[%swap3A_126, %swap3A_127], %swap3A_130 {strides = array<i32>} : memref<125x128xf32, #tpu.memory_space<vmem>>, vector<1x16xf32>,
      %broadcast_in_dim3A_131 = arith.constant 0.000000e+00 : f32
      %broadcast_in_dim3A_132 = vector.broadcast %broadcast_in_dim3A_131 : f32 to vector<16xf32>
      %swap3A_133 = arith.index_cast %scan3A_118 : i32 to index
      %swap3A_134 = arith.constant 32 : index
      %swap3A_135 = tpu.vector_load %arg11[%swap3A_133, %swap3A_134] {strides = array<i32>} : memref<125x128xf32, #tpu.memory_space<vmem>>, vector<1x16xf32>,
      %swap3A_136 = vector.shape_cast %swap3A_135 : vector<1x16xf32> to vector<16xf32>
      %swap3A_137 = vector.shape_cast %broadcast_in_dim3A_132 : vector<16xf32> to vector<1x16xf32>
      tpu.vector_store %arg11[%swap3A_133, %swap3A_134], %swap3A_137 {strides = array<i32>} : memref<125x128xf32, #tpu.memory_space<vmem>>, vector<1x16xf32>,
      %broadcast_in_dim3A_138 = arith.constant 0.000000e+00 : f32
      %broadcast_in_dim3A_139 = vector.broadcast %broadcast_in_dim3A_138 : f32 to vector<16xf32>
      %swap3A_140 = arith.index_cast %scan3A_118 : i32 to index
      %swap3A_141 = arith.constant 48 : index
      %swap3A_142 = tpu.vector_load %arg11[%swap3A_140, %swap3A_141] {strides = array<i32>} : memref<125x128xf32, #tpu.memory_space<vmem>>, vector<1x16xf32>,
      %swap3A_143 = vector.shape_cast %swap3A_142 : vector<1x16xf32> to vector<16xf32>
      %swap3A_144 = vector.shape_cast %broadcast_in_dim3A_139 : vector<16xf32> to vector<1x16xf32>
      tpu.vector_store %arg11[%swap3A_140, %swap3A_141], %swap3A_144 {strides = array<i32>} : memref<125x128xf32, #tpu.memory_space<vmem>>, vector<1x16xf32>,
      %broadcast_in_dim3A_145 = arith.constant 0.000000e+00 : f32
      %broadcast_in_dim3A_146 = vector.broadcast %broadcast_in_dim3A_145 : f32 to vector<16xf32>
      %swap3A_147 = arith.index_cast %scan3A_118 : i32 to index
      %swap3A_148 = arith.constant 64 : index
      %swap3A_149 = tpu.vector_load %arg11[%swap3A_147, %swap3A_148] {strides = array<i32>} : memref<125x128xf32, #tpu.memory_space<vmem>>, vector<1x16xf32>,
      %swap3A_150 = vector.shape_cast %swap3A_149 : vector<1x16xf32> to vector<16xf32>
      %swap3A_151 = vector.shape_cast %broadcast_in_dim3A_146 : vector<16xf32> to vector<1x16xf32>
      tpu.vector_store %arg11[%swap3A_147, %swap3A_148], %swap3A_151 {strides = array<i32>} : memref<125x128xf32, #tpu.memory_space<vmem>>, vector<1x16xf32>,
      %broadcast_in_dim3A_152 = arith.constant 0.000000e+00 : f32
      %broadcast_in_dim3A_153 = vector.broadcast %broadcast_in_dim3A_152 : f32 to vector<16xf32>
      %swap3A_154 = arith.index_cast %scan3A_118 : i32 to index
      %swap3A_155 = arith.constant 80 : index
      %swap3A_156 = tpu.vector_load %arg11[%swap3A_154, %swap3A_155] {strides = array<i32>} : memref<125x128xf32, #tpu.memory_space<vmem>>, vector<1x16xf32>,
      %swap3A_157 = vector.shape_cast %swap3A_156 : vector<1x16xf32> to vector<16xf32>
      %swap3A_158 = vector.shape_cast %broadcast_in_dim3A_153 : vector<16xf32> to vector<1x16xf32>
      tpu.vector_store %arg11[%swap3A_154, %swap3A_155], %swap3A_158 {strides = array<i32>} : memref<125x128xf32, #tpu.memory_space<vmem>>, vector<1x16xf32>,
      %broadcast_in_dim3A_159 = arith.constant 0.000000e+00 : f32
      %broadcast_in_dim3A_160 = vector.broadcast %broadcast_in_dim3A_159 : f32 to vector<16xf32>
      %swap3A_161 = arith.index_cast %scan3A_118 : i32 to index
      %swap3A_162 = arith.constant 96 : index
      %swap3A_163 = tpu.vector_load %arg11[%swap3A_161, %swap3A_162] {strides = array<i32>} : memref<125x128xf32, #tpu.memory_space<vmem>>, vector<1x16xf32>,
      %swap3A_164 = vector.shape_cast %swap3A_163 : vector<1x16xf32> to vector<16xf32>
      %swap3A_165 = vector.shape_cast %broadcast_in_dim3A_160 : vector<16xf32> to vector<1x16xf32>
      tpu.vector_store %arg11[%swap3A_161, %swap3A_162], %swap3A_165 {strides = array<i32>} : memref<125x128xf32, #tpu.memory_space<vmem>>, vector<1x16xf32>,
      %broadcast_in_dim3A_166 = arith.constant 0.000000e+00 : f32
      %broadcast_in_dim3A_167 = vector.broadcast %broadcast_in_dim3A_166 : f32 to vector<16xf32>
      %swap3A_168 = arith.index_cast %scan3A_118 : i32 to index
      %swap3A_169 = arith.constant 112 : index
      %swap3A_170 = tpu.vector_load %arg11[%swap3A_168, %swap3A_169] {strides = array<i32>} : memref<125x128xf32, #tpu.memory_space<vmem>>, vector<1x16xf32>,
      %swap3A_171 = vector.shape_cast %swap3A_170 : vector<1x16xf32> to vector<16xf32>
      %swap3A_172 = vector.shape_cast %broadcast_in_dim3A_167 : vector<16xf32> to vector<1x16xf32>
      tpu.vector_store %arg11[%swap3A_168, %swap3A_169], %swap3A_172 {strides = array<i32>} : memref<125x128xf32, #tpu.memory_space<vmem>>, vector<1x16xf32>,
      %broadcast_in_dim3A_173 = arith.constant 0.000000e+00 : f32
      %broadcast_in_dim3A_174 = vector.broadcast %broadcast_in_dim3A_173 : f32 to vector<16xf32>
      %swap3A_175 = arith.index_cast %scan3A_118 : i32 to index
      %swap3A_176 = arith.constant 0 : index
      %swap3A_177 = tpu.vector_load %arg13[%swap3A_175, %swap3A_176] {strides = array<i32>} : memref<125x16xf32, #tpu.memory_space<vmem>>, vector<1x16xf32>,
      %swap3A_178 = vector.shape_cast %swap3A_177 : vector<1x16xf32> to vector<16xf32>
      %swap3A_179 = vector.shape_cast %broadcast_in_dim3A_174 : vector<16xf32> to vector<1x16xf32>
      tpu.vector_store %arg13[%swap3A_175, %swap3A_176], %swap3A_179 {strides = array<i32>} : memref<125x16xf32, #tpu.memory_space<vmem>>, vector<1x16xf32>,
    }
    %scan3A_7 = arith.constant 125 : i32
    %add3A_8 = arith.constant 0 : i32
    %add3A_9 = arith.addi %mul3A_2, %add3A_8 : i32
    "tpu.region"() ({
      %run_scoped3A = tpu.sem_alloc : memref<!tpu.dma_semaphore, #tpu.memory_space<semaphore_mem>>
      %dma_start3A_118 = arith.constant 0 : i32
      %dma_start3A_119 = tpu.memref_slice %arg15[%add3A_9, %dma_start3A_118] : memref<10000x128xf32, #tpu.memory_space<vmem_shared>> -> memref<125x128xf32, #tpu.memory_space<vmem_shared>>
      %dma_start3A_120 = arith.constant 0 : i32
      %dma_start3A_121 = tpu.memref_slice %arg15[%add3A_9, %dma_start3A_120] : memref<10000x128xf32, #tpu.memory_space<vmem_shared>> -> memref<125x128xf32, #tpu.memory_space<vmem_shared>>
      tpu.enqueue_dma source(%arg11 : memref<125x128xf32, #tpu.memory_space<vmem>>) target(%dma_start3A_121 : memref<125x128xf32, #tpu.memory_space<vmem_shared>>) target_semaphore(%run_scoped3A : memref<!tpu.dma_semaphore, #tpu.memory_space<semaphore_mem>>)
      %dma_wait3A_122 = arith.constant 0 : i32
      %dma_wait3A_123 = tpu.memref_slice %arg15[%add3A_9, %dma_wait3A_122] : memref<10000x128xf32, #tpu.memory_space<vmem_shared>> -> memref<125x128xf32, #tpu.memory_space<vmem_shared>>
      %dma_wait3A_124 = arith.constant 0 : i32
      %dma_wait3A_125 = tpu.memref_slice %arg15[%add3A_9, %dma_wait3A_124] : memref<10000x128xf32, #tpu.memory_space<vmem_shared>> -> memref<125x128xf32, #tpu.memory_space<vmem_shared>>
      tpu.wait_dma2 semaphore(%run_scoped3A : memref<!tpu.dma_semaphore, #tpu.memory_space<semaphore_mem>>) src(%arg11 : memref<125x128xf32, #tpu.memory_space<vmem>>) dst(%dma_wait3A_125 : memref<125x128xf32, #tpu.memory_space<vmem_shared>>)
      tpu.yield
    }) : () -> ()
    %add3A_10 = arith.constant 0 : i32
    %add3A_11 = arith.addi %mul3A_2, %add3A_10 : i32
    "tpu.region"() ({
      %run_scoped3A = tpu.sem_alloc : memref<!tpu.dma_semaphore, #tpu.memory_space<semaphore_mem>>
      %dma_start3A_118 = arith.constant 0 : i32
      %dma_start3A_119 = tpu.memref_slice %arg16[%add3A_11, %dma_start3A_118] : memref<10000x16xf32, #tpu.memory_space<vmem_shared>> -> memref<125x16xf32, #tpu.memory_space<vmem_shared>>
      %dma_start3A_120 = arith.constant 0 : i32
      %dma_start3A_121 = tpu.memref_slice %arg16[%add3A_11, %dma_start3A_120] : memref<10000x16xf32, #tpu.memory_space<vmem_shared>> -> memref<125x16xf32, #tpu.memory_space<vmem_shared>>
      tpu.enqueue_dma source(%arg13 : memref<125x16xf32, #tpu.memory_space<vmem>>) target(%dma_start3A_121 : memref<125x16xf32, #tpu.memory_space<vmem_shared>>) target_semaphore(%run_scoped3A : memref<!tpu.dma_semaphore, #tpu.memory_space<semaphore_mem>>)
      %dma_wait3A_122 = arith.constant 0 : i32
      %dma_wait3A_123 = tpu.memref_slice %arg16[%add3A_11, %dma_wait3A_122] : memref<10000x16xf32, #tpu.memory_space<vmem_shared>> -> memref<125x16xf32, #tpu.memory_space<vmem_shared>>
      %dma_wait3A_124 = arith.constant 0 : i32
      %dma_wait3A_125 = tpu.memref_slice %arg16[%add3A_11, %dma_wait3A_124] : memref<10000x16xf32, #tpu.memory_space<vmem_shared>> -> memref<125x16xf32, #tpu.memory_space<vmem_shared>>
      tpu.wait_dma2 semaphore(%run_scoped3A : memref<!tpu.dma_semaphore, #tpu.memory_space<semaphore_mem>>) src(%arg13 : memref<125x16xf32, #tpu.memory_space<vmem>>) dst(%dma_wait3A_125 : memref<125x16xf32, #tpu.memory_space<vmem_shared>>)
      tpu.yield
    }) : () -> ()
    %add3A_12 = arith.constant 125 : i32
    %add3A_13 = arith.addi %mul3A_2, %add3A_12 : i32
    "tpu.region"() ({
      %run_scoped3A = tpu.sem_alloc : memref<!tpu.dma_semaphore, #tpu.memory_space<semaphore_mem>>
      %dma_start3A_118 = arith.constant 0 : i32
      %dma_start3A_119 = tpu.memref_slice %arg15[%add3A_13, %dma_start3A_118] : memref<10000x128xf32, #tpu.memory_space<vmem_shared>> -> memref<125x128xf32, #tpu.memory_space<vmem_shared>>
      %dma_start3A_120 = arith.constant 0 : i32
      %dma_start3A_121 = tpu.memref_slice %arg15[%add3A_13, %dma_start3A_120] : memref<10000x128xf32, #tpu.memory_space<vmem_shared>> -> memref<125x128xf32, #tpu.memory_space<vmem_shared>>
      tpu.enqueue_dma source(%arg11 : memref<125x128xf32, #tpu.memory_space<vmem>>) target(%dma_start3A_121 : memref<125x128xf32, #tpu.memory_space<vmem_shared>>) target_semaphore(%run_scoped3A : memref<!tpu.dma_semaphore, #tpu.memory_space<semaphore_mem>>)
      %dma_wait3A_122 = arith.constant 0 : i32
      %dma_wait3A_123 = tpu.memref_slice %arg15[%add3A_13, %dma_wait3A_122] : memref<10000x128xf32, #tpu.memory_space<vmem_shared>> -> memref<125x128xf32, #tpu.memory_space<vmem_shared>>
      %dma_wait3A_124 = arith.constant 0 : i32
      %dma_wait3A_125 = tpu.memref_slice %arg15[%add3A_13, %dma_wait3A_124] : memref<10000x128xf32, #tpu.memory_space<vmem_shared>> -> memref<125x128xf32, #tpu.memory_space<vmem_shared>>
      tpu.wait_dma2 semaphore(%run_scoped3A : memref<!tpu.dma_semaphore, #tpu.memory_space<semaphore_mem>>) src(%arg11 : memref<125x128xf32, #tpu.memory_space<vmem>>) dst(%dma_wait3A_125 : memref<125x128xf32, #tpu.memory_space<vmem_shared>>)
      tpu.yield
    }) : () -> ()
    %add3A_14 = arith.constant 125 : i32
    %add3A_15 = arith.addi %mul3A_2, %add3A_14 : i32
    "tpu.region"() ({
      %run_scoped3A = tpu.sem_alloc : memref<!tpu.dma_semaphore, #tpu.memory_space<semaphore_mem>>
      %dma_start3A_118 = arith.constant 0 : i32
      %dma_start3A_119 = tpu.memref_slice %arg16[%add3A_15, %dma_start3A_118] : memref<10000x16xf32, #tpu.memory_space<vmem_shared>> -> memref<125x16xf32, #tpu.memory_space<vmem_shared>>
      %dma_start3A_120 = arith.constant 0 : i32
      %dma_start3A_121 = tpu.memref_slice %arg16[%add3A_15, %dma_start3A_120] : memref<10000x16xf32, #tpu.memory_space<vmem_shared>> -> memref<125x16xf32, #tpu.memory_space<vmem_shared>>
      tpu.enqueue_dma source(%arg13 : memref<125x16xf32, #tpu.memory_space<vmem>>) target(%dma_start3A_121 : memref<125x16xf32, #tpu.memory_space<vmem_shared>>) target_semaphore(%run_scoped3A : memref<!tpu.dma_semaphore, #tpu.memory_space<semaphore_mem>>)
      %dma_wait3A_122 = arith.constant 0 : i32
      %dma_wait3A_123 = tpu.memref_slice %arg16[%add3A_15, %dma_wait3A_122] : memref<10000x16xf32, #tpu.memory_space<vmem_shared>> -> memref<125x16xf32, #tpu.memory_space<vmem_shared>>
      %dma_wait3A_124 = arith.constant 0 : i32
      %dma_wait3A_125 = tpu.memref_slice %arg16[%add3A_15, %dma_wait3A_124] : memref<10000x16xf32, #tpu.memory_space<vmem_shared>> -> memref<125x16xf32, #tpu.memory_space<vmem_shared>>
      tpu.wait_dma2 semaphore(%run_scoped3A : memref<!tpu.dma_semaphore, #tpu.memory_space<semaphore_mem>>) src(%arg13 : memref<125x16xf32, #tpu.memory_space<vmem>>) dst(%dma_wait3A_125 : memref<125x16xf32, #tpu.memory_space<vmem_shared>>)
      tpu.yield
    }) : () -> ()
    %add3A_16 = arith.constant 250 : i32
    %add3A_17 = arith.addi %mul3A_2, %add3A_16 : i32
    "tpu.region"() ({
      %run_scoped3A = tpu.sem_alloc : memref<!tpu.dma_semaphore, #tpu.memory_space<semaphore_mem>>
      %dma_start3A_118 = arith.constant 0 : i32
      %dma_start3A_119 = tpu.memref_slice %arg15[%add3A_17, %dma_start3A_118] : memref<10000x128xf32, #tpu.memory_space<vmem_shared>> -> memref<125x128xf32, #tpu.memory_space<vmem_shared>>
      %dma_start3A_120 = arith.constant 0 : i32
      %dma_start3A_121 = tpu.memref_slice %arg15[%add3A_17, %dma_start3A_120] : memref<10000x128xf32, #tpu.memory_space<vmem_shared>> -> memref<125x128xf32, #tpu.memory_space<vmem_shared>>
      tpu.enqueue_dma source(%arg11 : memref<125x128xf32, #tpu.memory_space<vmem>>) target(%dma_start3A_121 : memref<125x128xf32, #tpu.memory_space<vmem_shared>>) target_semaphore(%run_scoped3A : memref<!tpu.dma_semaphore, #tpu.memory_space<semaphore_mem>>)
      %dma_wait3A_122 = arith.constant 0 : i32
      %dma_wait3A_123 = tpu.memref_slice %arg15[%add3A_17, %dma_wait3A_122] : memref<10000x128xf32, #tpu.memory_space<vmem_shared>> -> memref<125x128xf32, #tpu.memory_space<vmem_shared>>
      %dma_wait3A_124 = arith.constant 0 : i32
      %dma_wait3A_125 = tpu.memref_slice %arg15[%add3A_17, %dma_wait3A_124] : memref<10000x128xf32, #tpu.memory_space<vmem_shared>> -> memref<125x128xf32, #tpu.memory_space<vmem_shared>>
      tpu.wait_dma2 semaphore(%run_scoped3A : memref<!tpu.dma_semaphore, #tpu.memory_space<semaphore_mem>>) src(%arg11 : memref<125x128xf32, #tpu.memory_space<vmem>>) dst(%dma_wait3A_125 : memref<125x128xf32, #tpu.memory_space<vmem_shared>>)
      tpu.yield
    }) : () -> ()
    %add3A_18 = arith.constant 250 : i32
    %add3A_19 = arith.addi %mul3A_2, %add3A_18 : i32
    "tpu.region"() ({
      %run_scoped3A = tpu.sem_alloc : memref<!tpu.dma_semaphore, #tpu.memory_space<semaphore_mem>>
      %dma_start3A_118 = arith.constant 0 : i32
      %dma_start3A_119 = tpu.memref_slice %arg16[%add3A_19, %dma_start3A_118] : memref<10000x16xf32, #tpu.memory_space<vmem_shared>> -> memref<125x16xf32, #tpu.memory_space<vmem_shared>>
      %dma_start3A_120 = arith.constant 0 : i32
      %dma_start3A_121 = tpu.memref_slice %arg16[%add3A_19, %dma_start3A_120] : memref<10000x16xf32, #tpu.memory_space<vmem_shared>> -> memref<125x16xf32, #tpu.memory_space<vmem_shared>>
      tpu.enqueue_dma source(%arg13 : memref<125x16xf32, #tpu.memory_space<vmem>>) target(%dma_start3A_121 : memref<125x16xf32, #tpu.memory_space<vmem_shared>>) target_semaphore(%run_scoped3A : memref<!tpu.dma_semaphore, #tpu.memory_space<semaphore_mem>>)
      %dma_wait3A_122 = arith.constant 0 : i32
      %dma_wait3A_123 = tpu.memref_slice %arg16[%add3A_19, %dma_wait3A_122] : memref<10000x16xf32, #tpu.memory_space<vmem_shared>> -> memref<125x16xf32, #tpu.memory_space<vmem_shared>>
      %dma_wait3A_124 = arith.constant 0 : i32
      %dma_wait3A_125 = tpu.memref_slice %arg16[%add3A_19, %dma_wait3A_124] : memref<10000x16xf32, #tpu.memory_space<vmem_shared>> -> memref<125x16xf32, #tpu.memory_space<vmem_shared>>
      tpu.wait_dma2 semaphore(%run_scoped3A : memref<!tpu.dma_semaphore, #tpu.memory_space<semaphore_mem>>) src(%arg13 : memref<125x16xf32, #tpu.memory_space<vmem>>) dst(%dma_wait3A_125 : memref<125x16xf32, #tpu.memory_space<vmem_shared>>)
      tpu.yield
    }) : () -> ()
    %add3A_20 = arith.constant 375 : i32
    %add3A_21 = arith.addi %mul3A_2, %add3A_20 : i32
    "tpu.region"() ({
      %run_scoped3A = tpu.sem_alloc : memref<!tpu.dma_semaphore, #tpu.memory_space<semaphore_mem>>
      %dma_start3A_118 = arith.constant 0 : i32
      %dma_start3A_119 = tpu.memref_slice %arg15[%add3A_21, %dma_start3A_118] : memref<10000x128xf32, #tpu.memory_space<vmem_shared>> -> memref<125x128xf32, #tpu.memory_space<vmem_shared>>
      %dma_start3A_120 = arith.constant 0 : i32
      %dma_start3A_121 = tpu.memref_slice %arg15[%add3A_21, %dma_start3A_120] : memref<10000x128xf32, #tpu.memory_space<vmem_shared>> -> memref<125x128xf32, #tpu.memory_space<vmem_shared>>
      tpu.enqueue_dma source(%arg11 : memref<125x128xf32, #tpu.memory_space<vmem>>) target(%dma_start3A_121 : memref<125x128xf32, #tpu.memory_space<vmem_shared>>) target_semaphore(%run_scoped3A : memref<!tpu.dma_semaphore, #tpu.memory_space<semaphore_mem>>)
      %dma_wait3A_122 = arith.constant 0 : i32
      %dma_wait3A_123 = tpu.memref_slice %arg15[%add3A_21, %dma_wait3A_122] : memref<10000x128xf32, #tpu.memory_space<vmem_shared>> -> memref<125x128xf32, #tpu.memory_space<vmem_shared>>
      %dma_wait3A_124 = arith.constant 0 : i32
      %dma_wait3A_125 = tpu.memref_slice %arg15[%add3A_21, %dma_wait3A_124] : memref<10000x128xf32, #tpu.memory_space<vmem_shared>> -> memref<125x128xf32, #tpu.memory_space<vmem_shared>>
      tpu.wait_dma2 semaphore(%run_scoped3A : memref<!tpu.dma_semaphore, #tpu.memory_space<semaphore_mem>>) src(%arg11 : memref<125x128xf32, #tpu.memory_space<vmem>>) dst(%dma_wait3A_125 : memref<125x128xf32, #tpu.memory_space<vmem_shared>>)
      tpu.yield
    }) : () -> ()
    %add3A_22 = arith.constant 375 : i32
    %add3A_23 = arith.addi %mul3A_2, %add3A_22 : i32
    "tpu.region"() ({
      %run_scoped3A = tpu.sem_alloc : memref<!tpu.dma_semaphore, #tpu.memory_space<semaphore_mem>>
      %dma_start3A_118 = arith.constant 0 : i32
      %dma_start3A_119 = tpu.memref_slice %arg16[%add3A_23, %dma_start3A_118] : memref<10000x16xf32, #tpu.memory_space<vmem_shared>> -> memref<125x16xf32, #tpu.memory_space<vmem_shared>>
      %dma_start3A_120 = arith.constant 0 : i32
      %dma_start3A_121 = tpu.memref_slice %arg16[%add3A_23, %dma_start3A_120] : memref<10000x16xf32, #tpu.memory_space<vmem_shared>> -> memref<125x16xf32, #tpu.memory_space<vmem_shared>>
      tpu.enqueue_dma source(%arg13 : memref<125x16xf32, #tpu.memory_space<vmem>>) target(%dma_start3A_121 : memref<125x16xf32, #tpu.memory_space<vmem_shared>>) target_semaphore(%run_scoped3A : memref<!tpu.dma_semaphore, #tpu.memory_space<semaphore_mem>>)
      %dma_wait3A_122 = arith.constant 0 : i32
      %dma_wait3A_123 = tpu.memref_slice %arg16[%add3A_23, %dma_wait3A_122] : memref<10000x16xf32, #tpu.memory_space<vmem_shared>> -> memref<125x16xf32, #tpu.memory_space<vmem_shared>>
      %dma_wait3A_124 = arith.constant 0 : i32
      %dma_wait3A_125 = tpu.memref_slice %arg16[%add3A_23, %dma_wait3A_124] : memref<10000x16xf32, #tpu.memory_space<vmem_shared>> -> memref<125x16xf32, #tpu.memory_space<vmem_shared>>
      tpu.wait_dma2 semaphore(%run_scoped3A : memref<!tpu.dma_semaphore, #tpu.memory_space<semaphore_mem>>) src(%arg13 : memref<125x16xf32, #tpu.memory_space<vmem>>) dst(%dma_wait3A_125 : memref<125x16xf32, #tpu.memory_space<vmem_shared>>)
      tpu.yield
    }) : () -> ()
    %add3A_24 = arith.constant 500 : i32
    %add3A_25 = arith.addi %mul3A_2, %add3A_24 : i32
    "tpu.region"() ({
      %run_scoped3A = tpu.sem_alloc : memref<!tpu.dma_semaphore, #tpu.memory_space<semaphore_mem>>
      %dma_start3A_118 = arith.constant 0 : i32
      %dma_start3A_119 = tpu.memref_slice %arg15[%add3A_25, %dma_start3A_118] : memref<10000x128xf32, #tpu.memory_space<vmem_shared>> -> memref<125x128xf32, #tpu.memory_space<vmem_shared>>
      %dma_start3A_120 = arith.constant 0 : i32
      %dma_start3A_121 = tpu.memref_slice %arg15[%add3A_25, %dma_start3A_120] : memref<10000x128xf32, #tpu.memory_space<vmem_shared>> -> memref<125x128xf32, #tpu.memory_space<vmem_shared>>
      tpu.enqueue_dma source(%arg11 : memref<125x128xf32, #tpu.memory_space<vmem>>) target(%dma_start3A_121 : memref<125x128xf32, #tpu.memory_space<vmem_shared>>) target_semaphore(%run_scoped3A : memref<!tpu.dma_semaphore, #tpu.memory_space<semaphore_mem>>)
      %dma_wait3A_122 = arith.constant 0 : i32
      %dma_wait3A_123 = tpu.memref_slice %arg15[%add3A_25, %dma_wait3A_122] : memref<10000x128xf32, #tpu.memory_space<vmem_shared>> -> memref<125x128xf32, #tpu.memory_space<vmem_shared>>
      %dma_wait3A_124 = arith.constant 0 : i32
      %dma_wait3A_125 = tpu.memref_slice %arg15[%add3A_25, %dma_wait3A_124] : memref<10000x128xf32, #tpu.memory_space<vmem_shared>> -> memref<125x128xf32, #tpu.memory_space<vmem_shared>>
      tpu.wait_dma2 semaphore(%run_scoped3A : memref<!tpu.dma_semaphore, #tpu.memory_space<semaphore_mem>>) src(%arg11 : memref<125x128xf32, #tpu.memory_space<vmem>>) dst(%dma_wait3A_125 : memref<125x128xf32, #tpu.memory_space<vmem_shared>>)
      tpu.yield
    }) : () -> ()
    %add3A_26 = arith.constant 500 : i32
    %add3A_27 = arith.addi %mul3A_2, %add3A_26 : i32
    "tpu.region"() ({
      %run_scoped3A = tpu.sem_alloc : memref<!tpu.dma_semaphore, #tpu.memory_space<semaphore_mem>>
      %dma_start3A_118 = arith.constant 0 : i32
      %dma_start3A_119 = tpu.memref_slice %arg16[%add3A_27, %dma_start3A_118] : memref<10000x16xf32, #tpu.memory_space<vmem_shared>> -> memref<125x16xf32, #tpu.memory_space<vmem_shared>>
      %dma_start3A_120 = arith.constant 0 : i32
      %dma_start3A_121 = tpu.memref_slice %arg16[%add3A_27, %dma_start3A_120] : memref<10000x16xf32, #tpu.memory_space<vmem_shared>> -> memref<125x16xf32, #tpu.memory_space<vmem_shared>>
      tpu.enqueue_dma source(%arg13 : memref<125x16xf32, #tpu.memory_space<vmem>>) target(%dma_start3A_121 : memref<125x16xf32, #tpu.memory_space<vmem_shared>>) target_semaphore(%run_scoped3A : memref<!tpu.dma_semaphore, #tpu.memory_space<semaphore_mem>>)
      %dma_wait3A_122 = arith.constant 0 : i32
      %dma_wait3A_123 = tpu.memref_slice %arg16[%add3A_27, %dma_wait3A_122] : memref<10000x16xf32, #tpu.memory_space<vmem_shared>> -> memref<125x16xf32, #tpu.memory_space<vmem_shared>>
      %dma_wait3A_124 = arith.constant 0 : i32
      %dma_wait3A_125 = tpu.memref_slice %arg16[%add3A_27, %dma_wait3A_124] : memref<10000x16xf32, #tpu.memory_space<vmem_shared>> -> memref<125x16xf32, #tpu.memory_space<vmem_shared>>
      tpu.wait_dma2 semaphore(%run_scoped3A : memref<!tpu.dma_semaphore, #tpu.memory_space<semaphore_mem>>) src(%arg13 : memref<125x16xf32, #tpu.memory_space<vmem>>) dst(%dma_wait3A_125 : memref<125x16xf32, #tpu.memory_space<vmem_shared>>)
      tpu.yield
    }) : () -> ()
    %barrier3A = arith.constant 0 : index
    tpu.barrier barrier_id(%barrier3A)
    %dma_start3A = arith.constant 0 : i32
    %dma_start3A_28 = arith.constant 0 : i32
    %dma_start3A_29 = arith.constant 0 : i32
    %dma_start3A_30 = tpu.memref_slice %arg4[%add3A, %dma_start3A, %dma_start3A_28, %dma_start3A_29] : memref<32x80x2x125xi32, #tpu.memory_space<hbm>> -> memref<1x1x2x125xi32, #tpu.memory_space<hbm>>
    %dma_start3A_31 = tpu.memref_squeeze %dma_start3A_30 : memref<1x1x2x125xi32, #tpu.memory_space<hbm>> -> memref<2x125xi32, #tpu.memory_space<hbm>>
    %dma_start3A_32 = arith.constant 0 : i32
    %dma_start3A_33 = arith.constant 0 : i32
    %dma_start3A_34 = tpu.memref_slice %arg4[%add3A, %dma_start3A, %dma_start3A_32, %dma_start3A_33] : memref<32x80x2x125xi32, #tpu.memory_space<hbm>> -> memref<1x1x2x125xi32, #tpu.memory_space<hbm>>
    %dma_start3A_35 = tpu.memref_squeeze %dma_start3A_34 : memref<1x1x2x125xi32, #tpu.memory_space<hbm>> -> memref<2x125xi32, #tpu.memory_space<hbm>>
    tpu.enqueue_dma source(%dma_start3A_35 : memref<2x125xi32, #tpu.memory_space<hbm>>) target(%arg7 : memref<2x125xi32, #tpu.memory_space<vmem>>) target_semaphore(%arg17 : memref<!tpu.dma_semaphore, #tpu.memory_space<semaphore_mem>>)
    %dma_start3A_36 = arith.constant 1 : i32
    %dma_start3A_37 = arith.constant 0 : i32
    %dma_start3A_38 = arith.constant 0 : i32
    %dma_start3A_39 = tpu.memref_slice %arg4[%add3A, %dma_start3A_36, %dma_start3A_37, %dma_start3A_38] : memref<32x80x2x125xi32, #tpu.memory_space<hbm>> -> memref<1x1x2x125xi32, #tpu.memory_space<hbm>>
    %dma_start3A_40 = tpu.memref_squeeze %dma_start3A_39 : memref<1x1x2x125xi32, #tpu.memory_space<hbm>> -> memref<2x125xi32, #tpu.memory_space<hbm>>
    %dma_start3A_41 = arith.constant 0 : i32
    %dma_start3A_42 = arith.constant 0 : i32
    %dma_start3A_43 = tpu.memref_slice %arg4[%add3A, %dma_start3A_36, %dma_start3A_41, %dma_start3A_42] : memref<32x80x2x125xi32, #tpu.memory_space<hbm>> -> memref<1x1x2x125xi32, #tpu.memory_space<hbm>>
    %dma_start3A_44 = tpu.memref_squeeze %dma_start3A_43 : memref<1x1x2x125xi32, #tpu.memory_space<hbm>> -> memref<2x125xi32, #tpu.memory_space<hbm>>
    tpu.enqueue_dma source(%dma_start3A_44 : memref<2x125xi32, #tpu.memory_space<hbm>>) target(%arg8 : memref<2x125xi32, #tpu.memory_space<vmem>>) target_semaphore(%arg18 : memref<!tpu.dma_semaphore, #tpu.memory_space<semaphore_mem>>)
    %dma_start3A_45 = arith.constant 2 : i32
    %dma_start3A_46 = arith.constant 0 : i32
    %dma_start3A_47 = arith.constant 0 : i32
    %dma_start3A_48 = tpu.memref_slice %arg4[%add3A, %dma_start3A_45, %dma_start3A_46, %dma_start3A_47] : memref<32x80x2x125xi32, #tpu.memory_space<hbm>> -> memref<1x1x2x125xi32, #tpu.memory_space<hbm>>
    %dma_start3A_49 = tpu.memref_squeeze %dma_start3A_48 : memref<1x1x2x125xi32, #tpu.memory_space<hbm>> -> memref<2x125xi32, #tpu.memory_space<hbm>>
    %dma_start3A_50 = arith.constant 0 : i32
    %dma_start3A_51 = arith.constant 0 : i32
    %dma_start3A_52 = tpu.memref_slice %arg4[%add3A, %dma_start3A_45, %dma_start3A_50, %dma_start3A_51] : memref<32x80x2x125xi32, #tpu.memory_space<hbm>> -> memref<1x1x2x125xi32, #tpu.memory_space<hbm>>
    %dma_start3A_53 = tpu.memref_squeeze %dma_start3A_52 : memref<1x1x2x125xi32, #tpu.memory_space<hbm>> -> memref<2x125xi32, #tpu.memory_space<hbm>>
    tpu.enqueue_dma source(%dma_start3A_53 : memref<2x125xi32, #tpu.memory_space<hbm>>) target(%arg9 : memref<2x125xi32, #tpu.memory_space<vmem>>) target_semaphore(%arg19 : memref<!tpu.dma_semaphore, #tpu.memory_space<semaphore_mem>>)
    %dma_start3A_54 = arith.constant 3 : i32
    %dma_start3A_55 = arith.constant 0 : i32
    %dma_start3A_56 = arith.constant 0 : i32
    %dma_start3A_57 = tpu.memref_slice %arg4[%add3A, %dma_start3A_54, %dma_start3A_55, %dma_start3A_56] : memref<32x80x2x125xi32, #tpu.memory_space<hbm>> -> memref<1x1x2x125xi32, #tpu.memory_space<hbm>>
    %dma_start3A_58 = tpu.memref_squeeze %dma_start3A_57 : memref<1x1x2x125xi32, #tpu.memory_space<hbm>> -> memref<2x125xi32, #tpu.memory_space<hbm>>
    %dma_start3A_59 = arith.constant 0 : i32
    %dma_start3A_60 = arith.constant 0 : i32
    %dma_start3A_61 = tpu.memref_slice %arg4[%add3A, %dma_start3A_54, %dma_start3A_59, %dma_start3A_60] : memref<32x80x2x125xi32, #tpu.memory_space<hbm>> -> memref<1x1x2x125xi32, #tpu.memory_space<hbm>>
    %dma_start3A_62 = tpu.memref_squeeze %dma_start3A_61 : memref<1x1x2x125xi32, #tpu.memory_space<hbm>> -> memref<2x125xi32, #tpu.memory_space<hbm>>
    tpu.enqueue_dma source(%dma_start3A_62 : memref<2x125xi32, #tpu.memory_space<hbm>>) target(%arg10 : memref<2x125xi32, #tpu.memory_space<vmem>>) target_semaphore(%arg20 : memref<!tpu.dma_semaphore, #tpu.memory_space<semaphore_mem>>)
    %dma_wait3A = arith.constant 0 : i32
    %dma_wait3A_63 = arith.constant 0 : i32
    %dma_wait3A_64 = arith.constant 0 : i32
    %dma_wait3A_65 = tpu.memref_slice %arg4[%add3A, %dma_wait3A, %dma_wait3A_63, %dma_wait3A_64] : memref<32x80x2x125xi32, #tpu.memory_space<hbm>> -> memref<1x1x2x125xi32, #tpu.memory_space<hbm>>
    %dma_wait3A_66 = tpu.memref_squeeze %dma_wait3A_65 : memref<1x1x2x125xi32, #tpu.memory_space<hbm>> -> memref<2x125xi32, #tpu.memory_space<hbm>>
    %dma_wait3A_67 = arith.constant 0 : i32
    %dma_wait3A_68 = arith.constant 0 : i32
    %dma_wait3A_69 = tpu.memref_slice %arg4[%add3A, %dma_wait3A, %dma_wait3A_67, %dma_wait3A_68] : memref<32x80x2x125xi32, #tpu.memory_space<hbm>> -> memref<1x1x2x125xi32, #tpu.memory_space<hbm>>
    %dma_wait3A_70 = tpu.memref_squeeze %dma_wait3A_69 : memref<1x1x2x125xi32, #tpu.memory_space<hbm>> -> memref<2x125xi32, #tpu.memory_space<hbm>>
    tpu.wait_dma2 semaphore(%arg17 : memref<!tpu.dma_semaphore, #tpu.memory_space<semaphore_mem>>) src(%dma_wait3A_70 : memref<2x125xi32, #tpu.memory_space<hbm>>) dst(%arg7 : memref<2x125xi32, #tpu.memory_space<vmem>>)
    %dma_start3A_71 = arith.constant 0 : i32
    %dma_start3A_72 = arith.constant 0 : i32
    %dma_start3A_73 = tpu.memref_slice %arg7[%dma_start3A_71, %dma_start3A_72] : memref<2x125xi32, #tpu.memory_space<vmem>> -> memref<1x125xi32, #tpu.memory_space<vmem>>
    %dma_start3A_74 = tpu.memref_squeeze %dma_start3A_73 : memref<1x125xi32, #tpu.memory_space<vmem>> -> memref<125xi32, #tpu.memory_space<vmem>>
    %dma_start3A_75 = arith.constant 0 : i32
    %dma_start3A_76 = arith.constant 0 : i32
    %dma_start3A_77 = tpu.memref_slice %arg2[%dma_start3A_75, %dma_start3A_76] : memref<10000x128xf32, #tpu.memory_space<hbm>> -> memref<10000x128xf32, #tpu.memory_space<hbm>>
    tpu.enqueue_indirect_dma source(%dma_start3A_77 : memref<10000x128xf32, #tpu.memory_space<hbm>>) target(%arg11 : memref<125x128xf32, #tpu.memory_space<vmem>>) offsets(%dma_start3A_74 : memref<125xi32, #tpu.memory_space<vmem>>) semaphore(%arg21 : memref<!tpu.dma_semaphore, #tpu.memory_space<semaphore_mem>>)
    %dma_start3A_78 = arith.constant 0 : i32
    %dma_start3A_79 = arith.constant 0 : i32
    %dma_start3A_80 = tpu.memref_slice %arg7[%dma_start3A_78, %dma_start3A_79] : memref<2x125xi32, #tpu.memory_space<vmem>> -> memref<1x125xi32, #tpu.memory_space<vmem>>
    %dma_start3A_81 = tpu.memref_squeeze %dma_start3A_80 : memref<1x125xi32, #tpu.memory_space<vmem>> -> memref<125xi32, #tpu.memory_space<vmem>>
    %dma_start3A_82 = arith.constant 0 : i32
    %dma_start3A_83 = arith.constant 0 : i32
    %dma_start3A_84 = tpu.memref_slice %arg3[%dma_start3A_82, %dma_start3A_83] : memref<10000x16xf32, #tpu.memory_space<hbm>> -> memref<10000x16xf32, #tpu.memory_space<hbm>>
    tpu.enqueue_indirect_dma source(%dma_start3A_84 : memref<10000x16xf32, #tpu.memory_space<hbm>>) target(%arg13 : memref<125x16xf32, #tpu.memory_space<vmem>>) offsets(%dma_start3A_81 : memref<125xi32, #tpu.memory_space<vmem>>) semaphore(%arg21 : memref<!tpu.dma_semaphore, #tpu.memory_space<semaphore_mem>>)
    %dma_wait3A_85 = arith.constant 1 : i32
    %dma_wait3A_86 = arith.constant 0 : i32
    %dma_wait3A_87 = arith.constant 0 : i32
    %dma_wait3A_88 = tpu.memref_slice %arg4[%add3A, %dma_wait3A_85, %dma_wait3A_86, %dma_wait3A_87] : memref<32x80x2x125xi32, #tpu.memory_space<hbm>> -> memref<1x1x2x125xi32, #tpu.memory_space<hbm>>
    %dma_wait3A_89 = tpu.memref_squeeze %dma_wait3A_88 : memref<1x1x2x125xi32, #tpu.memory_space<hbm>> -> memref<2x125xi32, #tpu.memory_space<hbm>>
    %dma_wait3A_90 = arith.constant 0 : i32
    %dma_wait3A_91 = arith.constant 0 : i32
    %dma_wait3A_92 = tpu.memref_slice %arg4[%add3A, %dma_wait3A_85, %dma_wait3A_90, %dma_wait3A_91] : memref<32x80x2x125xi32, #tpu.memory_space<hbm>> -> memref<1x1x2x125xi32, #tpu.memory_space<hbm>>
    %dma_wait3A_93 = tpu.memref_squeeze %dma_wait3A_92 : memref<1x1x2x125xi32, #tpu.memory_space<hbm>> -> memref<2x125xi32, #tpu.memory_space<hbm>>
    tpu.wait_dma2 semaphore(%arg18 : memref<!tpu.dma_semaphore, #tpu.memory_space<semaphore_mem>>) src(%dma_wait3A_93 : memref<2x125xi32, #tpu.memory_space<hbm>>) dst(%arg8 : memref<2x125xi32, #tpu.memory_space<vmem>>)
    %dma_start3A_94 = arith.constant 0 : i32
    %dma_start3A_95 = arith.constant 0 : i32
    %dma_start3A_96 = tpu.memref_slice %arg8[%dma_start3A_94, %dma_start3A_95] : memref<2x125xi32, #tpu.memory_space<vmem>> -> memref<1x125xi32, #tpu.memory_space<vmem>>
    %dma_start3A_97 = tpu.memref_squeeze %dma_start3A_96 : memref<1x125xi32, #tpu.memory_space<vmem>> -> memref<125xi32, #tpu.memory_space<vmem>>
    %dma_start3A_98 = arith.constant 0 : i32
    %dma_start3A_99 = arith.constant 0 : i32
    %dma_start3A_100 = tpu.memref_slice %arg2[%dma_start3A_98, %dma_start3A_99] : memref<10000x128xf32, #tpu.memory_space<hbm>> -> memref<10000x128xf32, #tpu.memory_space<hbm>>
    tpu.enqueue_indirect_dma source(%dma_start3A_100 : memref<10000x128xf32, #tpu.memory_space<hbm>>) target(%arg12 : memref<125x128xf32, #tpu.memory_space<vmem>>) offsets(%dma_start3A_97 : memref<125xi32, #tpu.memory_space<vmem>>) semaphore(%arg22 : memref<!tpu.dma_semaphore, #tpu.memory_space<semaphore_mem>>)
    %dma_start3A_101 = arith.constant 0 : i32
    %dma_start3A_102 = arith.constant 0 : i32
    %dma_start3A_103 = tpu.memref_slice %arg8[%dma_start3A_101, %dma_start3A_102] : memref<2x125xi32, #tpu.memory_space<vmem>> -> memref<1x125xi32, #tpu.memory_space<vmem>>
    %dma_start3A_104 = tpu.memref_squeeze %dma_start3A_103 : memref<1x125xi32, #tpu.memory_space<vmem>> -> memref<125xi32, #tpu.memory_space<vmem>>
    %dma_start3A_105 = arith.constant 0 : i32
    %dma_start3A_106 = arith.constant 0 : i32
    %dma_start3A_107 = tpu.memref_slice %arg3[%dma_start3A_105, %dma_start3A_106] : memref<10000x16xf32, #tpu.memory_space<hbm>> -> memref<10000x16xf32, #tpu.memory_space<hbm>>
    tpu.enqueue_indirect_dma source(%dma_start3A_107 : memref<10000x16xf32, #tpu.memory_space<hbm>>) target(%arg14 : memref<125x16xf32, #tpu.memory_space<vmem>>) offsets(%dma_start3A_104 : memref<125xi32, #tpu.memory_space<vmem>>) semaphore(%arg22 : memref<!tpu.dma_semaphore, #tpu.memory_space<semaphore_mem>>)
    %scan3A_108 = arith.constant 0 : i32
    %scan3A_109 = arith.constant 0 : i32
    %scan3A_110 = arith.constant 20 : i32
    %scan3A_111 = arith.addi %scan3A_109, %scan3A_110 : i32
    %scan3A_112 = arith.constant 1 : i32
    scf.for %scan3A_118 = %scan3A_109 to %scan3A_111 step %scan3A_112  : i32 {
      %mul3A_119 = arith.constant 4 : i32
      %mul3A_120 = arith.muli %mul3A_119, %scan3A_118 : i32
      %add3A_121 = arith.constant 0 : i32
      %add3A_122 = arith.addi %mul3A_120, %add3A_121 : i32
      %dma_wait3A_123 = arith.constant 0 : i32
      %dma_wait3A_124 = arith.constant 0 : i32
      %dma_wait3A_125 = tpu.memref_slice %arg7[%dma_wait3A_123, %dma_wait3A_124] : memref<2x125xi32, #tpu.memory_space<vmem>> -> memref<1x125xi32, #tpu.memory_space<vmem>>
      %dma_wait3A_126 = tpu.memref_squeeze %dma_wait3A_125 : memref<1x125xi32, #tpu.memory_space<vmem>> -> memref<125xi32, #tpu.memory_space<vmem>>
      %dma_wait3A_127 = arith.constant 0 : i32
      %dma_wait3A_128 = arith.constant 0 : i32
      %dma_wait3A_129 = tpu.memref_slice %arg2[%dma_wait3A_127, %dma_wait3A_128] : memref<10000x128xf32, #tpu.memory_space<hbm>> -> memref<10000x128xf32, #tpu.memory_space<hbm>>
      tpu.wait_indirect_dma semaphore(%arg21 : memref<!tpu.dma_semaphore, #tpu.memory_space<semaphore_mem>>) src(%dma_wait3A_129 : memref<10000x128xf32, #tpu.memory_space<hbm>>) dst(%arg11 : memref<125x128xf32, #tpu.memory_space<vmem>>)
      %dma_wait3A_130 = arith.constant 0 : i32
      %dma_wait3A_131 = arith.constant 0 : i32
      %dma_wait3A_132 = tpu.memref_slice %arg7[%dma_wait3A_130, %dma_wait3A_131] : memref<2x125xi32, #tpu.memory_space<vmem>> -> memref<1x125xi32, #tpu.memory_space<vmem>>
      %dma_wait3A_133 = tpu.memref_squeeze %dma_wait3A_132 : memref<1x125xi32, #tpu.memory_space<vmem>> -> memref<125xi32, #tpu.memory_space<vmem>>
      %dma_wait3A_134 = arith.constant 0 : i32
      %dma_wait3A_135 = arith.constant 0 : i32
      %dma_wait3A_136 = tpu.memref_slice %arg3[%dma_wait3A_134, %dma_wait3A_135] : memref<10000x16xf32, #tpu.memory_space<hbm>> -> memref<10000x16xf32, #tpu.memory_space<hbm>>
      tpu.wait_indirect_dma semaphore(%arg21 : memref<!tpu.dma_semaphore, #tpu.memory_space<semaphore_mem>>) src(%dma_wait3A_136 : memref<10000x16xf32, #tpu.memory_space<hbm>>) dst(%arg13 : memref<125x16xf32, #tpu.memory_space<vmem>>)
      %run_scoped3A = arith.constant 1 : i32
      "tpu.region"() ({
        %run_scoped3A_251 = tpu.sem_alloc : memref<!tpu.dma_semaphore, #tpu.memory_space<semaphore_mem>>
        %dma_start3A_252 = arith.constant 0 : i32
        %dma_start3A_253 = tpu.memref_slice %arg7[%run_scoped3A, %dma_start3A_252] : memref<2x125xi32, #tpu.memory_space<vmem>> -> memref<1x125xi32, #tpu.memory_space<vmem>>
        %dma_start3A_254 = tpu.memref_squeeze %dma_start3A_253 : memref<1x125xi32, #tpu.memory_space<vmem>> -> memref<125xi32, #tpu.memory_space<vmem>>
        %dma_start3A_255 = arith.constant 0 : i32
        %dma_start3A_256 = arith.constant 0 : i32
        %dma_start3A_257 = tpu.memref_slice %arg15[%dma_start3A_255, %dma_start3A_256] : memref<10000x128xf32, #tpu.memory_space<vmem_shared>> -> memref<10000x128xf32, #tpu.memory_space<vmem_shared>>
        tpu.enqueue_indirect_dma source(%arg11 : memref<125x128xf32, #tpu.memory_space<vmem>>) target(%dma_start3A_257 : memref<10000x128xf32, #tpu.memory_space<vmem_shared>>) offsets(%dma_start3A_254 : memref<125xi32, #tpu.memory_space<vmem>>) semaphore(%run_scoped3A_251 : memref<!tpu.dma_semaphore, #tpu.memory_space<semaphore_mem>>) {add = true}
        %dma_wait3A_258 = arith.constant 0 : i32
        %dma_wait3A_259 = tpu.memref_slice %arg7[%run_scoped3A, %dma_wait3A_258] : memref<2x125xi32, #tpu.memory_space<vmem>> -> memref<1x125xi32, #tpu.memory_space<vmem>>
        %dma_wait3A_260 = tpu.memref_squeeze %dma_wait3A_259 : memref<1x125xi32, #tpu.memory_space<vmem>> -> memref<125xi32, #tpu.memory_space<vmem>>
        %dma_wait3A_261 = arith.constant 0 : i32
        %dma_wait3A_262 = arith.constant 0 : i32
        %dma_wait3A_263 = tpu.memref_slice %arg15[%dma_wait3A_261, %dma_wait3A_262] : memref<10000x128xf32, #tpu.memory_space<vmem_shared>> -> memref<10000x128xf32, #tpu.memory_space<vmem_shared>>
        tpu.wait_indirect_dma semaphore(%run_scoped3A_251 : memref<!tpu.dma_semaphore, #tpu.memory_space<semaphore_mem>>) src(%arg11 : memref<125x128xf32, #tpu.memory_space<vmem>>) dst(%dma_wait3A_263 : memref<10000x128xf32, #tpu.memory_space<vmem_shared>>)
        tpu.yield
      }) : () -> ()
      %run_scoped3A_137 = arith.constant 1 : i32
      "tpu.region"() ({
        %run_scoped3A_251 = tpu.sem_alloc : memref<!tpu.dma_semaphore, #tpu.memory_space<semaphore_mem>>
        %dma_start3A_252 = arith.constant 0 : i32
        %dma_start3A_253 = tpu.memref_slice %arg7[%run_scoped3A_137, %dma_start3A_252] : memref<2x125xi32, #tpu.memory_space<vmem>> -> memref<1x125xi32, #tpu.memory_space<vmem>>
        %dma_start3A_254 = tpu.memref_squeeze %dma_start3A_253 : memref<1x125xi32, #tpu.memory_space<vmem>> -> memref<125xi32, #tpu.memory_space<vmem>>
        %dma_start3A_255 = arith.constant 0 : i32
        %dma_start3A_256 = arith.constant 0 : i32
        %dma_start3A_257 = tpu.memref_slice %arg16[%dma_start3A_255, %dma_start3A_256] : memref<10000x16xf32, #tpu.memory_space<vmem_shared>> -> memref<10000x16xf32, #tpu.memory_space<vmem_shared>>
        tpu.enqueue_indirect_dma source(%arg13 : memref<125x16xf32, #tpu.memory_space<vmem>>) target(%dma_start3A_257 : memref<10000x16xf32, #tpu.memory_space<vmem_shared>>) offsets(%dma_start3A_254 : memref<125xi32, #tpu.memory_space<vmem>>) semaphore(%run_scoped3A_251 : memref<!tpu.dma_semaphore, #tpu.memory_space<semaphore_mem>>) {add = true}
        %dma_wait3A_258 = arith.constant 0 : i32
        %dma_wait3A_259 = tpu.memref_slice %arg7[%run_scoped3A_137, %dma_wait3A_258] : memref<2x125xi32, #tpu.memory_space<vmem>> -> memref<1x125xi32, #tpu.memory_space<vmem>>
        %dma_wait3A_260 = tpu.memref_squeeze %dma_wait3A_259 : memref<1x125xi32, #tpu.memory_space<vmem>> -> memref<125xi32, #tpu.memory_space<vmem>>
        %dma_wait3A_261 = arith.constant 0 : i32
        %dma_wait3A_262 = arith.constant 0 : i32
        %dma_wait3A_263 = tpu.memref_slice %arg16[%dma_wait3A_261, %dma_wait3A_262] : memref<10000x16xf32, #tpu.memory_space<vmem_shared>> -> memref<10000x16xf32, #tpu.memory_space<vmem_shared>>
        tpu.wait_indirect_dma semaphore(%run_scoped3A_251 : memref<!tpu.dma_semaphore, #tpu.memory_space<semaphore_mem>>) src(%arg13 : memref<125x16xf32, #tpu.memory_space<vmem>>) dst(%dma_wait3A_263 : memref<10000x16xf32, #tpu.memory_space<vmem_shared>>)
        tpu.yield
      }) : () -> ()
      %add3A_138 = arith.constant 4 : i32
      %add3A_139 = arith.addi %add3A_122, %add3A_138 : i32
      %lt3A = arith.constant 80 : i32
      %lt3A_140 = arith.cmpi slt, %add3A_139, %lt3A : i32
      %convert_element_type3A = arith.extui %lt3A_140 : i1 to i32
      %cond3A = arith.constant 0 : i32
      %cond3A_141 = arith.cmpi ne, %convert_element_type3A, %cond3A : i32
      scf.if %cond3A_141 {
        %add3A_251 = arith.constant 4 : i32
        %add3A_252 = arith.addi %add3A_122, %add3A_251 : i32
        %dma_start3A_253 = arith.constant 0 : i32
        %dma_start3A_254 = arith.constant 0 : i32
        %dma_start3A_255 = tpu.memref_slice %arg4[%add3A, %add3A_252, %dma_start3A_253, %dma_start3A_254] : memref<32x80x2x125xi32, #tpu.memory_space<hbm>> -> memref<1x1x2x125xi32, #tpu.memory_space<hbm>>
        %dma_start3A_256 = tpu.memref_squeeze %dma_start3A_255 : memref<1x1x2x125xi32, #tpu.memory_space<hbm>> -> memref<2x125xi32, #tpu.memory_space<hbm>>
        %dma_start3A_257 = arith.constant 0 : i32
        %dma_start3A_258 = arith.constant 0 : i32
        %dma_start3A_259 = tpu.memref_slice %arg4[%add3A, %add3A_252, %dma_start3A_257, %dma_start3A_258] : memref<32x80x2x125xi32, #tpu.memory_space<hbm>> -> memref<1x1x2x125xi32, #tpu.memory_space<hbm>>
        %dma_start3A_260 = tpu.memref_squeeze %dma_start3A_259 : memref<1x1x2x125xi32, #tpu.memory_space<hbm>> -> memref<2x125xi32, #tpu.memory_space<hbm>>
        tpu.enqueue_dma source(%dma_start3A_260 : memref<2x125xi32, #tpu.memory_space<hbm>>) target(%arg7 : memref<2x125xi32, #tpu.memory_space<vmem>>) target_semaphore(%arg17 : memref<!tpu.dma_semaphore, #tpu.memory_space<semaphore_mem>>)
      } else {
      }
      %add3A_142 = arith.constant 2 : i32
      %add3A_143 = arith.addi %add3A_122, %add3A_142 : i32
      %lt3A_144 = arith.constant 80 : i32
      %lt3A_145 = arith.cmpi slt, %add3A_143, %lt3A_144 : i32
      %convert_element_type3A_146 = arith.extui %lt3A_145 : i1 to i32
      %cond3A_147 = arith.constant 0 : i32
      %cond3A_148 = arith.cmpi ne, %convert_element_type3A_146, %cond3A_147 : i32
      scf.if %cond3A_148 {
        %add3A_251 = arith.constant 2 : i32
        %add3A_252 = arith.addi %add3A_122, %add3A_251 : i32
        %dma_wait3A_253 = arith.constant 0 : i32
        %dma_wait3A_254 = arith.constant 0 : i32
        %dma_wait3A_255 = tpu.memref_slice %arg4[%add3A, %add3A_252, %dma_wait3A_253, %dma_wait3A_254] : memref<32x80x2x125xi32, #tpu.memory_space<hbm>> -> memref<1x1x2x125xi32, #tpu.memory_space<hbm>>
        %dma_wait3A_256 = tpu.memref_squeeze %dma_wait3A_255 : memref<1x1x2x125xi32, #tpu.memory_space<hbm>> -> memref<2x125xi32, #tpu.memory_space<hbm>>
        %dma_wait3A_257 = arith.constant 0 : i32
        %dma_wait3A_258 = arith.constant 0 : i32
        %dma_wait3A_259 = tpu.memref_slice %arg4[%add3A, %add3A_252, %dma_wait3A_257, %dma_wait3A_258] : memref<32x80x2x125xi32, #tpu.memory_space<hbm>> -> memref<1x1x2x125xi32, #tpu.memory_space<hbm>>
        %dma_wait3A_260 = tpu.memref_squeeze %dma_wait3A_259 : memref<1x1x2x125xi32, #tpu.memory_space<hbm>> -> memref<2x125xi32, #tpu.memory_space<hbm>>
        tpu.wait_dma2 semaphore(%arg19 : memref<!tpu.dma_semaphore, #tpu.memory_space<semaphore_mem>>) src(%dma_wait3A_260 : memref<2x125xi32, #tpu.memory_space<hbm>>) dst(%arg9 : memref<2x125xi32, #tpu.memory_space<vmem>>)
        %dma_start3A_261 = arith.constant 0 : i32
        %dma_start3A_262 = arith.constant 0 : i32
        %dma_start3A_263 = tpu.memref_slice %arg9[%dma_start3A_261, %dma_start3A_262] : memref<2x125xi32, #tpu.memory_space<vmem>> -> memref<1x125xi32, #tpu.memory_space<vmem>>
        %dma_start3A_264 = tpu.memref_squeeze %dma_start3A_263 : memref<1x125xi32, #tpu.memory_space<vmem>> -> memref<125xi32, #tpu.memory_space<vmem>>
        %dma_start3A_265 = arith.constant 0 : i32
        %dma_start3A_266 = arith.constant 0 : i32
        %dma_start3A_267 = tpu.memref_slice %arg2[%dma_start3A_265, %dma_start3A_266] : memref<10000x128xf32, #tpu.memory_space<hbm>> -> memref<10000x128xf32, #tpu.memory_space<hbm>>
        tpu.enqueue_indirect_dma source(%dma_start3A_267 : memref<10000x128xf32, #tpu.memory_space<hbm>>) target(%arg11 : memref<125x128xf32, #tpu.memory_space<vmem>>) offsets(%dma_start3A_264 : memref<125xi32, #tpu.memory_space<vmem>>) semaphore(%arg21 : memref<!tpu.dma_semaphore, #tpu.memory_space<semaphore_mem>>)
        %dma_start3A_268 = arith.constant 0 : i32
        %dma_start3A_269 = arith.constant 0 : i32
        %dma_start3A_270 = tpu.memref_slice %arg9[%dma_start3A_268, %dma_start3A_269] : memref<2x125xi32, #tpu.memory_space<vmem>> -> memref<1x125xi32, #tpu.memory_space<vmem>>
        %dma_start3A_271 = tpu.memref_squeeze %dma_start3A_270 : memref<1x125xi32, #tpu.memory_space<vmem>> -> memref<125xi32, #tpu.memory_space<vmem>>
        %dma_start3A_272 = arith.constant 0 : i32
        %dma_start3A_273 = arith.constant 0 : i32
        %dma_start3A_274 = tpu.memref_slice %arg3[%dma_start3A_272, %dma_start3A_273] : memref<10000x16xf32, #tpu.memory_space<hbm>> -> memref<10000x16xf32, #tpu.memory_space<hbm>>
        tpu.enqueue_indirect_dma source(%dma_start3A_274 : memref<10000x16xf32, #tpu.memory_space<hbm>>) target(%arg13 : memref<125x16xf32, #tpu.memory_space<vmem>>) offsets(%dma_start3A_271 : memref<125xi32, #tpu.memory_space<vmem>>) semaphore(%arg21 : memref<!tpu.dma_semaphore, #tpu.memory_space<semaphore_mem>>)
      } else {
      }
      %mul3A_149 = arith.constant 4 : i32
      %mul3A_150 = arith.muli %mul3A_149, %scan3A_118 : i32
      %add3A_151 = arith.constant 1 : i32
      %add3A_152 = arith.addi %mul3A_150, %add3A_151 : i32
      %dma_wait3A_153 = arith.constant 0 : i32
      %dma_wait3A_154 = arith.constant 0 : i32
      %dma_wait3A_155 = tpu.memref_slice %arg8[%dma_wait3A_153, %dma_wait3A_154] : memref<2x125xi32, #tpu.memory_space<vmem>> -> memref<1x125xi32, #tpu.memory_space<vmem>>
      %dma_wait3A_156 = tpu.memref_squeeze %dma_wait3A_155 : memref<1x125xi32, #tpu.memory_space<vmem>> -> memref<125xi32, #tpu.memory_space<vmem>>
      %dma_wait3A_157 = arith.constant 0 : i32
      %dma_wait3A_158 = arith.constant 0 : i32
      %dma_wait3A_159 = tpu.memref_slice %arg2[%dma_wait3A_157, %dma_wait3A_158] : memref<10000x128xf32, #tpu.memory_space<hbm>> -> memref<10000x128xf32, #tpu.memory_space<hbm>>
      tpu.wait_indirect_dma semaphore(%arg22 : memref<!tpu.dma_semaphore, #tpu.memory_space<semaphore_mem>>) src(%dma_wait3A_159 : memref<10000x128xf32, #tpu.memory_space<hbm>>) dst(%arg12 : memref<125x128xf32, #tpu.memory_space<vmem>>)
      %dma_wait3A_160 = arith.constant 0 : i32
      %dma_wait3A_161 = arith.constant 0 : i32
      %dma_wait3A_162 = tpu.memref_slice %arg8[%dma_wait3A_160, %dma_wait3A_161] : memref<2x125xi32, #tpu.memory_space<vmem>> -> memref<1x125xi32, #tpu.memory_space<vmem>>
      %dma_wait3A_163 = tpu.memref_squeeze %dma_wait3A_162 : memref<1x125xi32, #tpu.memory_space<vmem>> -> memref<125xi32, #tpu.memory_space<vmem>>
      %dma_wait3A_164 = arith.constant 0 : i32
      %dma_wait3A_165 = arith.constant 0 : i32
      %dma_wait3A_166 = tpu.memref_slice %arg3[%dma_wait3A_164, %dma_wait3A_165] : memref<10000x16xf32, #tpu.memory_space<hbm>> -> memref<10000x16xf32, #tpu.memory_space<hbm>>
      tpu.wait_indirect_dma semaphore(%arg22 : memref<!tpu.dma_semaphore, #tpu.memory_space<semaphore_mem>>) src(%dma_wait3A_166 : memref<10000x16xf32, #tpu.memory_space<hbm>>) dst(%arg14 : memref<125x16xf32, #tpu.memory_space<vmem>>)
      %run_scoped3A_167 = arith.constant 1 : i32
      "tpu.region"() ({
        %run_scoped3A_251 = tpu.sem_alloc : memref<!tpu.dma_semaphore, #tpu.memory_space<semaphore_mem>>
        %dma_start3A_252 = arith.constant 0 : i32
        %dma_start3A_253 = tpu.memref_slice %arg8[%run_scoped3A_167, %dma_start3A_252] : memref<2x125xi32, #tpu.memory_space<vmem>> -> memref<1x125xi32, #tpu.memory_space<vmem>>
        %dma_start3A_254 = tpu.memref_squeeze %dma_start3A_253 : memref<1x125xi32, #tpu.memory_space<vmem>> -> memref<125xi32, #tpu.memory_space<vmem>>
        %dma_start3A_255 = arith.constant 0 : i32
        %dma_start3A_256 = arith.constant 0 : i32
        %dma_start3A_257 = tpu.memref_slice %arg15[%dma_start3A_255, %dma_start3A_256] : memref<10000x128xf32, #tpu.memory_space<vmem_shared>> -> memref<10000x128xf32, #tpu.memory_space<vmem_shared>>
        tpu.enqueue_indirect_dma source(%arg12 : memref<125x128xf32, #tpu.memory_space<vmem>>) target(%dma_start3A_257 : memref<10000x128xf32, #tpu.memory_space<vmem_shared>>) offsets(%dma_start3A_254 : memref<125xi32, #tpu.memory_space<vmem>>) semaphore(%run_scoped3A_251 : memref<!tpu.dma_semaphore, #tpu.memory_space<semaphore_mem>>) {add = true}
        %dma_wait3A_258 = arith.constant 0 : i32
        %dma_wait3A_259 = tpu.memref_slice %arg8[%run_scoped3A_167, %dma_wait3A_258] : memref<2x125xi32, #tpu.memory_space<vmem>> -> memref<1x125xi32, #tpu.memory_space<vmem>>
        %dma_wait3A_260 = tpu.memref_squeeze %dma_wait3A_259 : memref<1x125xi32, #tpu.memory_space<vmem>> -> memref<125xi32, #tpu.memory_space<vmem>>
        %dma_wait3A_261 = arith.constant 0 : i32
        %dma_wait3A_262 = arith.constant 0 : i32
        %dma_wait3A_263 = tpu.memref_slice %arg15[%dma_wait3A_261, %dma_wait3A_262] : memref<10000x128xf32, #tpu.memory_space<vmem_shared>> -> memref<10000x128xf32, #tpu.memory_space<vmem_shared>>
        tpu.wait_indirect_dma semaphore(%run_scoped3A_251 : memref<!tpu.dma_semaphore, #tpu.memory_space<semaphore_mem>>) src(%arg12 : memref<125x128xf32, #tpu.memory_space<vmem>>) dst(%dma_wait3A_263 : memref<10000x128xf32, #tpu.memory_space<vmem_shared>>)
        tpu.yield
      }) : () -> ()
      %run_scoped3A_168 = arith.constant 1 : i32
      "tpu.region"() ({
        %run_scoped3A_251 = tpu.sem_alloc : memref<!tpu.dma_semaphore, #tpu.memory_space<semaphore_mem>>
        %dma_start3A_252 = arith.constant 0 : i32
        %dma_start3A_253 = tpu.memref_slice %arg8[%run_scoped3A_168, %dma_start3A_252] : memref<2x125xi32, #tpu.memory_space<vmem>> -> memref<1x125xi32, #tpu.memory_space<vmem>>
        %dma_start3A_254 = tpu.memref_squeeze %dma_start3A_253 : memref<1x125xi32, #tpu.memory_space<vmem>> -> memref<125xi32, #tpu.memory_space<vmem>>
        %dma_start3A_255 = arith.constant 0 : i32
        %dma_start3A_256 = arith.constant 0 : i32
        %dma_start3A_257 = tpu.memref_slice %arg16[%dma_start3A_255, %dma_start3A_256] : memref<10000x16xf32, #tpu.memory_space<vmem_shared>> -> memref<10000x16xf32, #tpu.memory_space<vmem_shared>>
        tpu.enqueue_indirect_dma source(%arg14 : memref<125x16xf32, #tpu.memory_space<vmem>>) target(%dma_start3A_257 : memref<10000x16xf32, #tpu.memory_space<vmem_shared>>) offsets(%dma_start3A_254 : memref<125xi32, #tpu.memory_space<vmem>>) semaphore(%run_scoped3A_251 : memref<!tpu.dma_semaphore, #tpu.memory_space<semaphore_mem>>) {add = true}
        %dma_wait3A_258 = arith.constant 0 : i32
        %dma_wait3A_259 = tpu.memref_slice %arg8[%run_scoped3A_168, %dma_wait3A_258] : memref<2x125xi32, #tpu.memory_space<vmem>> -> memref<1x125xi32, #tpu.memory_space<vmem>>
        %dma_wait3A_260 = tpu.memref_squeeze %dma_wait3A_259 : memref<1x125xi32, #tpu.memory_space<vmem>> -> memref<125xi32, #tpu.memory_space<vmem>>
        %dma_wait3A_261 = arith.constant 0 : i32
        %dma_wait3A_262 = arith.constant 0 : i32
        %dma_wait3A_263 = tpu.memref_slice %arg16[%dma_wait3A_261, %dma_wait3A_262] : memref<10000x16xf32, #tpu.memory_space<vmem_shared>> -> memref<10000x16xf32, #tpu.memory_space<vmem_shared>>
        tpu.wait_indirect_dma semaphore(%run_scoped3A_251 : memref<!tpu.dma_semaphore, #tpu.memory_space<semaphore_mem>>) src(%arg14 : memref<125x16xf32, #tpu.memory_space<vmem>>) dst(%dma_wait3A_263 : memref<10000x16xf32, #tpu.memory_space<vmem_shared>>)
        tpu.yield
      }) : () -> ()
      %add3A_169 = arith.constant 4 : i32
      %add3A_170 = arith.addi %add3A_152, %add3A_169 : i32
      %lt3A_171 = arith.constant 80 : i32
      %lt3A_172 = arith.cmpi slt, %add3A_170, %lt3A_171 : i32
      %convert_element_type3A_173 = arith.extui %lt3A_172 : i1 to i32
      %cond3A_174 = arith.constant 0 : i32
      %cond3A_175 = arith.cmpi ne, %convert_element_type3A_173, %cond3A_174 : i32
      scf.if %cond3A_175 {
        %add3A_251 = arith.constant 4 : i32
        %add3A_252 = arith.addi %add3A_152, %add3A_251 : i32
        %dma_start3A_253 = arith.constant 0 : i32
        %dma_start3A_254 = arith.constant 0 : i32
        %dma_start3A_255 = tpu.memref_slice %arg4[%add3A, %add3A_252, %dma_start3A_253, %dma_start3A_254] : memref<32x80x2x125xi32, #tpu.memory_space<hbm>> -> memref<1x1x2x125xi32, #tpu.memory_space<hbm>>
        %dma_start3A_256 = tpu.memref_squeeze %dma_start3A_255 : memref<1x1x2x125xi32, #tpu.memory_space<hbm>> -> memref<2x125xi32, #tpu.memory_space<hbm>>
        %dma_start3A_257 = arith.constant 0 : i32
        %dma_start3A_258 = arith.constant 0 : i32
        %dma_start3A_259 = tpu.memref_slice %arg4[%add3A, %add3A_252, %dma_start3A_257, %dma_start3A_258] : memref<32x80x2x125xi32, #tpu.memory_space<hbm>> -> memref<1x1x2x125xi32, #tpu.memory_space<hbm>>
        %dma_start3A_260 = tpu.memref_squeeze %dma_start3A_259 : memref<1x1x2x125xi32, #tpu.memory_space<hbm>> -> memref<2x125xi32, #tpu.memory_space<hbm>>
        tpu.enqueue_dma source(%dma_start3A_260 : memref<2x125xi32, #tpu.memory_space<hbm>>) target(%arg8 : memref<2x125xi32, #tpu.memory_space<vmem>>) target_semaphore(%arg18 : memref<!tpu.dma_semaphore, #tpu.memory_space<semaphore_mem>>)
      } else {
      }
      %add3A_176 = arith.constant 2 : i32
      %add3A_177 = arith.addi %add3A_152, %add3A_176 : i32
      %lt3A_178 = arith.constant 80 : i32
      %lt3A_179 = arith.cmpi slt, %add3A_177, %lt3A_178 : i32
      %convert_element_type3A_180 = arith.extui %lt3A_179 : i1 to i32
      %cond3A_181 = arith.constant 0 : i32
      %cond3A_182 = arith.cmpi ne, %convert_element_type3A_180, %cond3A_181 : i32
      scf.if %cond3A_182 {
        %add3A_251 = arith.constant 2 : i32
        %add3A_252 = arith.addi %add3A_152, %add3A_251 : i32
        %dma_wait3A_253 = arith.constant 0 : i32
        %dma_wait3A_254 = arith.constant 0 : i32
        %dma_wait3A_255 = tpu.memref_slice %arg4[%add3A, %add3A_252, %dma_wait3A_253, %dma_wait3A_254] : memref<32x80x2x125xi32, #tpu.memory_space<hbm>> -> memref<1x1x2x125xi32, #tpu.memory_space<hbm>>
        %dma_wait3A_256 = tpu.memref_squeeze %dma_wait3A_255 : memref<1x1x2x125xi32, #tpu.memory_space<hbm>> -> memref<2x125xi32, #tpu.memory_space<hbm>>
        %dma_wait3A_257 = arith.constant 0 : i32
        %dma_wait3A_258 = arith.constant 0 : i32
        %dma_wait3A_259 = tpu.memref_slice %arg4[%add3A, %add3A_252, %dma_wait3A_257, %dma_wait3A_258] : memref<32x80x2x125xi32, #tpu.memory_space<hbm>> -> memref<1x1x2x125xi32, #tpu.memory_space<hbm>>
        %dma_wait3A_260 = tpu.memref_squeeze %dma_wait3A_259 : memref<1x1x2x125xi32, #tpu.memory_space<hbm>> -> memref<2x125xi32, #tpu.memory_space<hbm>>
        tpu.wait_dma2 semaphore(%arg20 : memref<!tpu.dma_semaphore, #tpu.memory_space<semaphore_mem>>) src(%dma_wait3A_260 : memref<2x125xi32, #tpu.memory_space<hbm>>) dst(%arg10 : memref<2x125xi32, #tpu.memory_space<vmem>>)
        %dma_start3A_261 = arith.constant 0 : i32
        %dma_start3A_262 = arith.constant 0 : i32
        %dma_start3A_263 = tpu.memref_slice %arg10[%dma_start3A_261, %dma_start3A_262] : memref<2x125xi32, #tpu.memory_space<vmem>> -> memref<1x125xi32, #tpu.memory_space<vmem>>
        %dma_start3A_264 = tpu.memref_squeeze %dma_start3A_263 : memref<1x125xi32, #tpu.memory_space<vmem>> -> memref<125xi32, #tpu.memory_space<vmem>>
        %dma_start3A_265 = arith.constant 0 : i32
        %dma_start3A_266 = arith.constant 0 : i32
        %dma_start3A_267 = tpu.memref_slice %arg2[%dma_start3A_265, %dma_start3A_266] : memref<10000x128xf32, #tpu.memory_space<hbm>> -> memref<10000x128xf32, #tpu.memory_space<hbm>>
        tpu.enqueue_indirect_dma source(%dma_start3A_267 : memref<10000x128xf32, #tpu.memory_space<hbm>>) target(%arg12 : memref<125x128xf32, #tpu.memory_space<vmem>>) offsets(%dma_start3A_264 : memref<125xi32, #tpu.memory_space<vmem>>) semaphore(%arg22 : memref<!tpu.dma_semaphore, #tpu.memory_space<semaphore_mem>>)
        %dma_start3A_268 = arith.constant 0 : i32
        %dma_start3A_269 = arith.constant 0 : i32
        %dma_start3A_270 = tpu.memref_slice %arg10[%dma_start3A_268, %dma_start3A_269] : memref<2x125xi32, #tpu.memory_space<vmem>> -> memref<1x125xi32, #tpu.memory_space<vmem>>
        %dma_start3A_271 = tpu.memref_squeeze %dma_start3A_270 : memref<1x125xi32, #tpu.memory_space<vmem>> -> memref<125xi32, #tpu.memory_space<vmem>>
        %dma_start3A_272 = arith.constant 0 : i32
        %dma_start3A_273 = arith.constant 0 : i32
        %dma_start3A_274 = tpu.memref_slice %arg3[%dma_start3A_272, %dma_start3A_273] : memref<10000x16xf32, #tpu.memory_space<hbm>> -> memref<10000x16xf32, #tpu.memory_space<hbm>>
        tpu.enqueue_indirect_dma source(%dma_start3A_274 : memref<10000x16xf32, #tpu.memory_space<hbm>>) target(%arg14 : memref<125x16xf32, #tpu.memory_space<vmem>>) offsets(%dma_start3A_271 : memref<125xi32, #tpu.memory_space<vmem>>) semaphore(%arg22 : memref<!tpu.dma_semaphore, #tpu.memory_space<semaphore_mem>>)
      } else {
      }
      %mul3A_183 = arith.constant 4 : i32
      %mul3A_184 = arith.muli %mul3A_183, %scan3A_118 : i32
      %add3A_185 = arith.constant 2 : i32
      %add3A_186 = arith.addi %mul3A_184, %add3A_185 : i32
      %dma_wait3A_187 = arith.constant 0 : i32
      %dma_wait3A_188 = arith.constant 0 : i32
      %dma_wait3A_189 = tpu.memref_slice %arg9[%dma_wait3A_187, %dma_wait3A_188] : memref<2x125xi32, #tpu.memory_space<vmem>> -> memref<1x125xi32, #tpu.memory_space<vmem>>
      %dma_wait3A_190 = tpu.memref_squeeze %dma_wait3A_189 : memref<1x125xi32, #tpu.memory_space<vmem>> -> memref<125xi32, #tpu.memory_space<vmem>>
      %dma_wait3A_191 = arith.constant 0 : i32
      %dma_wait3A_192 = arith.constant 0 : i32
      %dma_wait3A_193 = tpu.memref_slice %arg2[%dma_wait3A_191, %dma_wait3A_192] : memref<10000x128xf32, #tpu.memory_space<hbm>> -> memref<10000x128xf32, #tpu.memory_space<hbm>>
      tpu.wait_indirect_dma semaphore(%arg21 : memref<!tpu.dma_semaphore, #tpu.memory_space<semaphore_mem>>) src(%dma_wait3A_193 : memref<10000x128xf32, #tpu.memory_space<hbm>>) dst(%arg11 : memref<125x128xf32, #tpu.memory_space<vmem>>)
      %dma_wait3A_194 = arith.constant 0 : i32
      %dma_wait3A_195 = arith.constant 0 : i32
      %dma_wait3A_196 = tpu.memref_slice %arg9[%dma_wait3A_194, %dma_wait3A_195] : memref<2x125xi32, #tpu.memory_space<vmem>> -> memref<1x125xi32, #tpu.memory_space<vmem>>
      %dma_wait3A_197 = tpu.memref_squeeze %dma_wait3A_196 : memref<1x125xi32, #tpu.memory_space<vmem>> -> memref<125xi32, #tpu.memory_space<vmem>>
      %dma_wait3A_198 = arith.constant 0 : i32
      %dma_wait3A_199 = arith.constant 0 : i32
      %dma_wait3A_200 = tpu.memref_slice %arg3[%dma_wait3A_198, %dma_wait3A_199] : memref<10000x16xf32, #tpu.memory_space<hbm>> -> memref<10000x16xf32, #tpu.memory_space<hbm>>
      tpu.wait_indirect_dma semaphore(%arg21 : memref<!tpu.dma_semaphore, #tpu.memory_space<semaphore_mem>>) src(%dma_wait3A_200 : memref<10000x16xf32, #tpu.memory_space<hbm>>) dst(%arg13 : memref<125x16xf32, #tpu.memory_space<vmem>>)
      %run_scoped3A_201 = arith.constant 1 : i32
      "tpu.region"() ({
        %run_scoped3A_251 = tpu.sem_alloc : memref<!tpu.dma_semaphore, #tpu.memory_space<semaphore_mem>>
        %dma_start3A_252 = arith.constant 0 : i32
        %dma_start3A_253 = tpu.memref_slice %arg9[%run_scoped3A_201, %dma_start3A_252] : memref<2x125xi32, #tpu.memory_space<vmem>> -> memref<1x125xi32, #tpu.memory_space<vmem>>
        %dma_start3A_254 = tpu.memref_squeeze %dma_start3A_253 : memref<1x125xi32, #tpu.memory_space<vmem>> -> memref<125xi32, #tpu.memory_space<vmem>>
        %dma_start3A_255 = arith.constant 0 : i32
        %dma_start3A_256 = arith.constant 0 : i32
        %dma_start3A_257 = tpu.memref_slice %arg15[%dma_start3A_255, %dma_start3A_256] : memref<10000x128xf32, #tpu.memory_space<vmem_shared>> -> memref<10000x128xf32, #tpu.memory_space<vmem_shared>>
        tpu.enqueue_indirect_dma source(%arg11 : memref<125x128xf32, #tpu.memory_space<vmem>>) target(%dma_start3A_257 : memref<10000x128xf32, #tpu.memory_space<vmem_shared>>) offsets(%dma_start3A_254 : memref<125xi32, #tpu.memory_space<vmem>>) semaphore(%run_scoped3A_251 : memref<!tpu.dma_semaphore, #tpu.memory_space<semaphore_mem>>) {add = true}
        %dma_wait3A_258 = arith.constant 0 : i32
        %dma_wait3A_259 = tpu.memref_slice %arg9[%run_scoped3A_201, %dma_wait3A_258] : memref<2x125xi32, #tpu.memory_space<vmem>> -> memref<1x125xi32, #tpu.memory_space<vmem>>
        %dma_wait3A_260 = tpu.memref_squeeze %dma_wait3A_259 : memref<1x125xi32, #tpu.memory_space<vmem>> -> memref<125xi32, #tpu.memory_space<vmem>>
        %dma_wait3A_261 = arith.constant 0 : i32
        %dma_wait3A_262 = arith.constant 0 : i32
        %dma_wait3A_263 = tpu.memref_slice %arg15[%dma_wait3A_261, %dma_wait3A_262] : memref<10000x128xf32, #tpu.memory_space<vmem_shared>> -> memref<10000x128xf32, #tpu.memory_space<vmem_shared>>
        tpu.wait_indirect_dma semaphore(%run_scoped3A_251 : memref<!tpu.dma_semaphore, #tpu.memory_space<semaphore_mem>>) src(%arg11 : memref<125x128xf32, #tpu.memory_space<vmem>>) dst(%dma_wait3A_263 : memref<10000x128xf32, #tpu.memory_space<vmem_shared>>)
        tpu.yield
      }) : () -> ()
      %run_scoped3A_202 = arith.constant 1 : i32
      "tpu.region"() ({
        %run_scoped3A_251 = tpu.sem_alloc : memref<!tpu.dma_semaphore, #tpu.memory_space<semaphore_mem>>
        %dma_start3A_252 = arith.constant 0 : i32
        %dma_start3A_253 = tpu.memref_slice %arg9[%run_scoped3A_202, %dma_start3A_252] : memref<2x125xi32, #tpu.memory_space<vmem>> -> memref<1x125xi32, #tpu.memory_space<vmem>>
        %dma_start3A_254 = tpu.memref_squeeze %dma_start3A_253 : memref<1x125xi32, #tpu.memory_space<vmem>> -> memref<125xi32, #tpu.memory_space<vmem>>
        %dma_start3A_255 = arith.constant 0 : i32
        %dma_start3A_256 = arith.constant 0 : i32
        %dma_start3A_257 = tpu.memref_slice %arg16[%dma_start3A_255, %dma_start3A_256] : memref<10000x16xf32, #tpu.memory_space<vmem_shared>> -> memref<10000x16xf32, #tpu.memory_space<vmem_shared>>
        tpu.enqueue_indirect_dma source(%arg13 : memref<125x16xf32, #tpu.memory_space<vmem>>) target(%dma_start3A_257 : memref<10000x16xf32, #tpu.memory_space<vmem_shared>>) offsets(%dma_start3A_254 : memref<125xi32, #tpu.memory_space<vmem>>) semaphore(%run_scoped3A_251 : memref<!tpu.dma_semaphore, #tpu.memory_space<semaphore_mem>>) {add = true}
        %dma_wait3A_258 = arith.constant 0 : i32
        %dma_wait3A_259 = tpu.memref_slice %arg9[%run_scoped3A_202, %dma_wait3A_258] : memref<2x125xi32, #tpu.memory_space<vmem>> -> memref<1x125xi32, #tpu.memory_space<vmem>>
        %dma_wait3A_260 = tpu.memref_squeeze %dma_wait3A_259 : memref<1x125xi32, #tpu.memory_space<vmem>> -> memref<125xi32, #tpu.memory_space<vmem>>
        %dma_wait3A_261 = arith.constant 0 : i32
        %dma_wait3A_262 = arith.constant 0 : i32
        %dma_wait3A_263 = tpu.memref_slice %arg16[%dma_wait3A_261, %dma_wait3A_262] : memref<10000x16xf32, #tpu.memory_space<vmem_shared>> -> memref<10000x16xf32, #tpu.memory_space<vmem_shared>>
        tpu.wait_indirect_dma semaphore(%run_scoped3A_251 : memref<!tpu.dma_semaphore, #tpu.memory_space<semaphore_mem>>) src(%arg13 : memref<125x16xf32, #tpu.memory_space<vmem>>) dst(%dma_wait3A_263 : memref<10000x16xf32, #tpu.memory_space<vmem_shared>>)
        tpu.yield
      }) : () -> ()
      %add3A_203 = arith.constant 4 : i32
      %add3A_204 = arith.addi %add3A_186, %add3A_203 : i32
      %lt3A_205 = arith.constant 80 : i32
      %lt3A_206 = arith.cmpi slt, %add3A_204, %lt3A_205 : i32
      %convert_element_type3A_207 = arith.extui %lt3A_206 : i1 to i32
      %cond3A_208 = arith.constant 0 : i32
      %cond3A_209 = arith.cmpi ne, %convert_element_type3A_207, %cond3A_208 : i32
      scf.if %cond3A_209 {
        %add3A_251 = arith.constant 4 : i32
        %add3A_252 = arith.addi %add3A_186, %add3A_251 : i32
        %dma_start3A_253 = arith.constant 0 : i32
        %dma_start3A_254 = arith.constant 0 : i32
        %dma_start3A_255 = tpu.memref_slice %arg4[%add3A, %add3A_252, %dma_start3A_253, %dma_start3A_254] : memref<32x80x2x125xi32, #tpu.memory_space<hbm>> -> memref<1x1x2x125xi32, #tpu.memory_space<hbm>>
        %dma_start3A_256 = tpu.memref_squeeze %dma_start3A_255 : memref<1x1x2x125xi32, #tpu.memory_space<hbm>> -> memref<2x125xi32, #tpu.memory_space<hbm>>
        %dma_start3A_257 = arith.constant 0 : i32
        %dma_start3A_258 = arith.constant 0 : i32
        %dma_start3A_259 = tpu.memref_slice %arg4[%add3A, %add3A_252, %dma_start3A_257, %dma_start3A_258] : memref<32x80x2x125xi32, #tpu.memory_space<hbm>> -> memref<1x1x2x125xi32, #tpu.memory_space<hbm>>
        %dma_start3A_260 = tpu.memref_squeeze %dma_start3A_259 : memref<1x1x2x125xi32, #tpu.memory_space<hbm>> -> memref<2x125xi32, #tpu.memory_space<hbm>>
        tpu.enqueue_dma source(%dma_start3A_260 : memref<2x125xi32, #tpu.memory_space<hbm>>) target(%arg9 : memref<2x125xi32, #tpu.memory_space<vmem>>) target_semaphore(%arg19 : memref<!tpu.dma_semaphore, #tpu.memory_space<semaphore_mem>>)
      } else {
      }
      %add3A_210 = arith.constant 2 : i32
      %add3A_211 = arith.addi %add3A_186, %add3A_210 : i32
      %lt3A_212 = arith.constant 80 : i32
      %lt3A_213 = arith.cmpi slt, %add3A_211, %lt3A_212 : i32
      %convert_element_type3A_214 = arith.extui %lt3A_213 : i1 to i32
      %cond3A_215 = arith.constant 0 : i32
      %cond3A_216 = arith.cmpi ne, %convert_element_type3A_214, %cond3A_215 : i32
      scf.if %cond3A_216 {
        %add3A_251 = arith.constant 2 : i32
        %add3A_252 = arith.addi %add3A_186, %add3A_251 : i32
        %dma_wait3A_253 = arith.constant 0 : i32
        %dma_wait3A_254 = arith.constant 0 : i32
        %dma_wait3A_255 = tpu.memref_slice %arg4[%add3A, %add3A_252, %dma_wait3A_253, %dma_wait3A_254] : memref<32x80x2x125xi32, #tpu.memory_space<hbm>> -> memref<1x1x2x125xi32, #tpu.memory_space<hbm>>
        %dma_wait3A_256 = tpu.memref_squeeze %dma_wait3A_255 : memref<1x1x2x125xi32, #tpu.memory_space<hbm>> -> memref<2x125xi32, #tpu.memory_space<hbm>>
        %dma_wait3A_257 = arith.constant 0 : i32
        %dma_wait3A_258 = arith.constant 0 : i32
        %dma_wait3A_259 = tpu.memref_slice %arg4[%add3A, %add3A_252, %dma_wait3A_257, %dma_wait3A_258] : memref<32x80x2x125xi32, #tpu.memory_space<hbm>> -> memref<1x1x2x125xi32, #tpu.memory_space<hbm>>
        %dma_wait3A_260 = tpu.memref_squeeze %dma_wait3A_259 : memref<1x1x2x125xi32, #tpu.memory_space<hbm>> -> memref<2x125xi32, #tpu.memory_space<hbm>>
        tpu.wait_dma2 semaphore(%arg17 : memref<!tpu.dma_semaphore, #tpu.memory_space<semaphore_mem>>) src(%dma_wait3A_260 : memref<2x125xi32, #tpu.memory_space<hbm>>) dst(%arg7 : memref<2x125xi32, #tpu.memory_space<vmem>>)
        %dma_start3A_261 = arith.constant 0 : i32
        %dma_start3A_262 = arith.constant 0 : i32
        %dma_start3A_263 = tpu.memref_slice %arg7[%dma_start3A_261, %dma_start3A_262] : memref<2x125xi32, #tpu.memory_space<vmem>> -> memref<1x125xi32, #tpu.memory_space<vmem>>
        %dma_start3A_264 = tpu.memref_squeeze %dma_start3A_263 : memref<1x125xi32, #tpu.memory_space<vmem>> -> memref<125xi32, #tpu.memory_space<vmem>>
        %dma_start3A_265 = arith.constant 0 : i32
        %dma_start3A_266 = arith.constant 0 : i32
        %dma_start3A_267 = tpu.memref_slice %arg2[%dma_start3A_265, %dma_start3A_266] : memref<10000x128xf32, #tpu.memory_space<hbm>> -> memref<10000x128xf32, #tpu.memory_space<hbm>>
        tpu.enqueue_indirect_dma source(%dma_start3A_267 : memref<10000x128xf32, #tpu.memory_space<hbm>>) target(%arg11 : memref<125x128xf32, #tpu.memory_space<vmem>>) offsets(%dma_start3A_264 : memref<125xi32, #tpu.memory_space<vmem>>) semaphore(%arg21 : memref<!tpu.dma_semaphore, #tpu.memory_space<semaphore_mem>>)
        %dma_start3A_268 = arith.constant 0 : i32
        %dma_start3A_269 = arith.constant 0 : i32
        %dma_start3A_270 = tpu.memref_slice %arg7[%dma_start3A_268, %dma_start3A_269] : memref<2x125xi32, #tpu.memory_space<vmem>> -> memref<1x125xi32, #tpu.memory_space<vmem>>
        %dma_start3A_271 = tpu.memref_squeeze %dma_start3A_270 : memref<1x125xi32, #tpu.memory_space<vmem>> -> memref<125xi32, #tpu.memory_space<vmem>>
        %dma_start3A_272 = arith.constant 0 : i32
        %dma_start3A_273 = arith.constant 0 : i32
        %dma_start3A_274 = tpu.memref_slice %arg3[%dma_start3A_272, %dma_start3A_273] : memref<10000x16xf32, #tpu.memory_space<hbm>> -> memref<10000x16xf32, #tpu.memory_space<hbm>>
        tpu.enqueue_indirect_dma source(%dma_start3A_274 : memref<10000x16xf32, #tpu.memory_space<hbm>>) target(%arg13 : memref<125x16xf32, #tpu.memory_space<vmem>>) offsets(%dma_start3A_271 : memref<125xi32, #tpu.memory_space<vmem>>) semaphore(%arg21 : memref<!tpu.dma_semaphore, #tpu.memory_space<semaphore_mem>>)
      } else {
      }
      %mul3A_217 = arith.constant 4 : i32
      %mul3A_218 = arith.muli %mul3A_217, %scan3A_118 : i32
      %add3A_219 = arith.constant 3 : i32
      %add3A_220 = arith.addi %mul3A_218, %add3A_219 : i32
      %dma_wait3A_221 = arith.constant 0 : i32
      %dma_wait3A_222 = arith.constant 0 : i32
      %dma_wait3A_223 = tpu.memref_slice %arg10[%dma_wait3A_221, %dma_wait3A_222] : memref<2x125xi32, #tpu.memory_space<vmem>> -> memref<1x125xi32, #tpu.memory_space<vmem>>
      %dma_wait3A_224 = tpu.memref_squeeze %dma_wait3A_223 : memref<1x125xi32, #tpu.memory_space<vmem>> -> memref<125xi32, #tpu.memory_space<vmem>>
      %dma_wait3A_225 = arith.constant 0 : i32
      %dma_wait3A_226 = arith.constant 0 : i32
      %dma_wait3A_227 = tpu.memref_slice %arg2[%dma_wait3A_225, %dma_wait3A_226] : memref<10000x128xf32, #tpu.memory_space<hbm>> -> memref<10000x128xf32, #tpu.memory_space<hbm>>
      tpu.wait_indirect_dma semaphore(%arg22 : memref<!tpu.dma_semaphore, #tpu.memory_space<semaphore_mem>>) src(%dma_wait3A_227 : memref<10000x128xf32, #tpu.memory_space<hbm>>) dst(%arg12 : memref<125x128xf32, #tpu.memory_space<vmem>>)
      %dma_wait3A_228 = arith.constant 0 : i32
      %dma_wait3A_229 = arith.constant 0 : i32
      %dma_wait3A_230 = tpu.memref_slice %arg10[%dma_wait3A_228, %dma_wait3A_229] : memref<2x125xi32, #tpu.memory_space<vmem>> -> memref<1x125xi32, #tpu.memory_space<vmem>>
      %dma_wait3A_231 = tpu.memref_squeeze %dma_wait3A_230 : memref<1x125xi32, #tpu.memory_space<vmem>> -> memref<125xi32, #tpu.memory_space<vmem>>
      %dma_wait3A_232 = arith.constant 0 : i32
      %dma_wait3A_233 = arith.constant 0 : i32
      %dma_wait3A_234 = tpu.memref_slice %arg3[%dma_wait3A_232, %dma_wait3A_233] : memref<10000x16xf32, #tpu.memory_space<hbm>> -> memref<10000x16xf32, #tpu.memory_space<hbm>>
      tpu.wait_indirect_dma semaphore(%arg22 : memref<!tpu.dma_semaphore, #tpu.memory_space<semaphore_mem>>) src(%dma_wait3A_234 : memref<10000x16xf32, #tpu.memory_space<hbm>>) dst(%arg14 : memref<125x16xf32, #tpu.memory_space<vmem>>)
      %run_scoped3A_235 = arith.constant 1 : i32
      "tpu.region"() ({
        %run_scoped3A_251 = tpu.sem_alloc : memref<!tpu.dma_semaphore, #tpu.memory_space<semaphore_mem>>
        %dma_start3A_252 = arith.constant 0 : i32
        %dma_start3A_253 = tpu.memref_slice %arg10[%run_scoped3A_235, %dma_start3A_252] : memref<2x125xi32, #tpu.memory_space<vmem>> -> memref<1x125xi32, #tpu.memory_space<vmem>>
        %dma_start3A_254 = tpu.memref_squeeze %dma_start3A_253 : memref<1x125xi32, #tpu.memory_space<vmem>> -> memref<125xi32, #tpu.memory_space<vmem>>
        %dma_start3A_255 = arith.constant 0 : i32
        %dma_start3A_256 = arith.constant 0 : i32
        %dma_start3A_257 = tpu.memref_slice %arg15[%dma_start3A_255, %dma_start3A_256] : memref<10000x128xf32, #tpu.memory_space<vmem_shared>> -> memref<10000x128xf32, #tpu.memory_space<vmem_shared>>
        tpu.enqueue_indirect_dma source(%arg12 : memref<125x128xf32, #tpu.memory_space<vmem>>) target(%dma_start3A_257 : memref<10000x128xf32, #tpu.memory_space<vmem_shared>>) offsets(%dma_start3A_254 : memref<125xi32, #tpu.memory_space<vmem>>) semaphore(%run_scoped3A_251 : memref<!tpu.dma_semaphore, #tpu.memory_space<semaphore_mem>>) {add = true}
        %dma_wait3A_258 = arith.constant 0 : i32
        %dma_wait3A_259 = tpu.memref_slice %arg10[%run_scoped3A_235, %dma_wait3A_258] : memref<2x125xi32, #tpu.memory_space<vmem>> -> memref<1x125xi32, #tpu.memory_space<vmem>>
        %dma_wait3A_260 = tpu.memref_squeeze %dma_wait3A_259 : memref<1x125xi32, #tpu.memory_space<vmem>> -> memref<125xi32, #tpu.memory_space<vmem>>
        %dma_wait3A_261 = arith.constant 0 : i32
        %dma_wait3A_262 = arith.constant 0 : i32
        %dma_wait3A_263 = tpu.memref_slice %arg15[%dma_wait3A_261, %dma_wait3A_262] : memref<10000x128xf32, #tpu.memory_space<vmem_shared>> -> memref<10000x128xf32, #tpu.memory_space<vmem_shared>>
        tpu.wait_indirect_dma semaphore(%run_scoped3A_251 : memref<!tpu.dma_semaphore, #tpu.memory_space<semaphore_mem>>) src(%arg12 : memref<125x128xf32, #tpu.memory_space<vmem>>) dst(%dma_wait3A_263 : memref<10000x128xf32, #tpu.memory_space<vmem_shared>>)
        tpu.yield
      }) : () -> ()
      %run_scoped3A_236 = arith.constant 1 : i32
      "tpu.region"() ({
        %run_scoped3A_251 = tpu.sem_alloc : memref<!tpu.dma_semaphore, #tpu.memory_space<semaphore_mem>>
        %dma_start3A_252 = arith.constant 0 : i32
        %dma_start3A_253 = tpu.memref_slice %arg10[%run_scoped3A_236, %dma_start3A_252] : memref<2x125xi32, #tpu.memory_space<vmem>> -> memref<1x125xi32, #tpu.memory_space<vmem>>
        %dma_start3A_254 = tpu.memref_squeeze %dma_start3A_253 : memref<1x125xi32, #tpu.memory_space<vmem>> -> memref<125xi32, #tpu.memory_space<vmem>>
        %dma_start3A_255 = arith.constant 0 : i32
        %dma_start3A_256 = arith.constant 0 : i32
        %dma_start3A_257 = tpu.memref_slice %arg16[%dma_start3A_255, %dma_start3A_256] : memref<10000x16xf32, #tpu.memory_space<vmem_shared>> -> memref<10000x16xf32, #tpu.memory_space<vmem_shared>>
        tpu.enqueue_indirect_dma source(%arg14 : memref<125x16xf32, #tpu.memory_space<vmem>>) target(%dma_start3A_257 : memref<10000x16xf32, #tpu.memory_space<vmem_shared>>) offsets(%dma_start3A_254 : memref<125xi32, #tpu.memory_space<vmem>>) semaphore(%run_scoped3A_251 : memref<!tpu.dma_semaphore, #tpu.memory_space<semaphore_mem>>) {add = true}
        %dma_wait3A_258 = arith.constant 0 : i32
        %dma_wait3A_259 = tpu.memref_slice %arg10[%run_scoped3A_236, %dma_wait3A_258] : memref<2x125xi32, #tpu.memory_space<vmem>> -> memref<1x125xi32, #tpu.memory_space<vmem>>
        %dma_wait3A_260 = tpu.memref_squeeze %dma_wait3A_259 : memref<1x125xi32, #tpu.memory_space<vmem>> -> memref<125xi32, #tpu.memory_space<vmem>>
        %dma_wait3A_261 = arith.constant 0 : i32
        %dma_wait3A_262 = arith.constant 0 : i32
        %dma_wait3A_263 = tpu.memref_slice %arg16[%dma_wait3A_261, %dma_wait3A_262] : memref<10000x16xf32, #tpu.memory_space<vmem_shared>> -> memref<10000x16xf32, #tpu.memory_space<vmem_shared>>
        tpu.wait_indirect_dma semaphore(%run_scoped3A_251 : memref<!tpu.dma_semaphore, #tpu.memory_space<semaphore_mem>>) src(%arg14 : memref<125x16xf32, #tpu.memory_space<vmem>>) dst(%dma_wait3A_263 : memref<10000x16xf32, #tpu.memory_space<vmem_shared>>)
        tpu.yield
      }) : () -> ()
      %add3A_237 = arith.constant 4 : i32
      %add3A_238 = arith.addi %add3A_220, %add3A_237 : i32
      %lt3A_239 = arith.constant 80 : i32
      %lt3A_240 = arith.cmpi slt, %add3A_238, %lt3A_239 : i32
      %convert_element_type3A_241 = arith.extui %lt3A_240 : i1 to i32
      %cond3A_242 = arith.constant 0 : i32
      %cond3A_243 = arith.cmpi ne, %convert_element_type3A_241, %cond3A_242 : i32
      scf.if %cond3A_243 {
        %add3A_251 = arith.constant 4 : i32
        %add3A_252 = arith.addi %add3A_220, %add3A_251 : i32
        %dma_start3A_253 = arith.constant 0 : i32
        %dma_start3A_254 = arith.constant 0 : i32
        %dma_start3A_255 = tpu.memref_slice %arg4[%add3A, %add3A_252, %dma_start3A_253, %dma_start3A_254] : memref<32x80x2x125xi32, #tpu.memory_space<hbm>> -> memref<1x1x2x125xi32, #tpu.memory_space<hbm>>
        %dma_start3A_256 = tpu.memref_squeeze %dma_start3A_255 : memref<1x1x2x125xi32, #tpu.memory_space<hbm>> -> memref<2x125xi32, #tpu.memory_space<hbm>>
        %dma_start3A_257 = arith.constant 0 : i32
        %dma_start3A_258 = arith.constant 0 : i32
        %dma_start3A_259 = tpu.memref_slice %arg4[%add3A, %add3A_252, %dma_start3A_257, %dma_start3A_258] : memref<32x80x2x125xi32, #tpu.memory_space<hbm>> -> memref<1x1x2x125xi32, #tpu.memory_space<hbm>>
        %dma_start3A_260 = tpu.memref_squeeze %dma_start3A_259 : memref<1x1x2x125xi32, #tpu.memory_space<hbm>> -> memref<2x125xi32, #tpu.memory_space<hbm>>
        tpu.enqueue_dma source(%dma_start3A_260 : memref<2x125xi32, #tpu.memory_space<hbm>>) target(%arg10 : memref<2x125xi32, #tpu.memory_space<vmem>>) target_semaphore(%arg20 : memref<!tpu.dma_semaphore, #tpu.memory_space<semaphore_mem>>)
      } else {
      }
      %add3A_244 = arith.constant 2 : i32
      %add3A_245 = arith.addi %add3A_220, %add3A_244 : i32
      %lt3A_246 = arith.constant 80 : i32
      %lt3A_247 = arith.cmpi slt, %add3A_245, %lt3A_246 : i32
      %convert_element_type3A_248 = arith.extui %lt3A_247 : i1 to i32
      %cond3A_249 = arith.constant 0 : i32
      %cond3A_250 = arith.cmpi ne, %convert_element_type3A_248, %cond3A_249 : i32
      scf.if %cond3A_250 {
        %add3A_251 = arith.constant 2 : i32
        %add3A_252 = arith.addi %add3A_220, %add3A_251 : i32
        %dma_wait3A_253 = arith.constant 0 : i32
        %dma_wait3A_254 = arith.constant 0 : i32
        %dma_wait3A_255 = tpu.memref_slice %arg4[%add3A, %add3A_252, %dma_wait3A_253, %dma_wait3A_254] : memref<32x80x2x125xi32, #tpu.memory_space<hbm>> -> memref<1x1x2x125xi32, #tpu.memory_space<hbm>>
        %dma_wait3A_256 = tpu.memref_squeeze %dma_wait3A_255 : memref<1x1x2x125xi32, #tpu.memory_space<hbm>> -> memref<2x125xi32, #tpu.memory_space<hbm>>
        %dma_wait3A_257 = arith.constant 0 : i32
        %dma_wait3A_258 = arith.constant 0 : i32
        %dma_wait3A_259 = tpu.memref_slice %arg4[%add3A, %add3A_252, %dma_wait3A_257, %dma_wait3A_258] : memref<32x80x2x125xi32, #tpu.memory_space<hbm>> -> memref<1x1x2x125xi32, #tpu.memory_space<hbm>>
        %dma_wait3A_260 = tpu.memref_squeeze %dma_wait3A_259 : memref<1x1x2x125xi32, #tpu.memory_space<hbm>> -> memref<2x125xi32, #tpu.memory_space<hbm>>
        tpu.wait_dma2 semaphore(%arg18 : memref<!tpu.dma_semaphore, #tpu.memory_space<semaphore_mem>>) src(%dma_wait3A_260 : memref<2x125xi32, #tpu.memory_space<hbm>>) dst(%arg8 : memref<2x125xi32, #tpu.memory_space<vmem>>)
        %dma_start3A_261 = arith.constant 0 : i32
        %dma_start3A_262 = arith.constant 0 : i32
        %dma_start3A_263 = tpu.memref_slice %arg8[%dma_start3A_261, %dma_start3A_262] : memref<2x125xi32, #tpu.memory_space<vmem>> -> memref<1x125xi32, #tpu.memory_space<vmem>>
        %dma_start3A_264 = tpu.memref_squeeze %dma_start3A_263 : memref<1x125xi32, #tpu.memory_space<vmem>> -> memref<125xi32, #tpu.memory_space<vmem>>
        %dma_start3A_265 = arith.constant 0 : i32
        %dma_start3A_266 = arith.constant 0 : i32
        %dma_start3A_267 = tpu.memref_slice %arg2[%dma_start3A_265, %dma_start3A_266] : memref<10000x128xf32, #tpu.memory_space<hbm>> -> memref<10000x128xf32, #tpu.memory_space<hbm>>
        tpu.enqueue_indirect_dma source(%dma_start3A_267 : memref<10000x128xf32, #tpu.memory_space<hbm>>) target(%arg12 : memref<125x128xf32, #tpu.memory_space<vmem>>) offsets(%dma_start3A_264 : memref<125xi32, #tpu.memory_space<vmem>>) semaphore(%arg22 : memref<!tpu.dma_semaphore, #tpu.memory_space<semaphore_mem>>)
        %dma_start3A_268 = arith.constant 0 : i32
        %dma_start3A_269 = arith.constant 0 : i32
        %dma_start3A_270 = tpu.memref_slice %arg8[%dma_start3A_268, %dma_start3A_269] : memref<2x125xi32, #tpu.memory_space<vmem>> -> memref<1x125xi32, #tpu.memory_space<vmem>>
        %dma_start3A_271 = tpu.memref_squeeze %dma_start3A_270 : memref<1x125xi32, #tpu.memory_space<vmem>> -> memref<125xi32, #tpu.memory_space<vmem>>
        %dma_start3A_272 = arith.constant 0 : i32
        %dma_start3A_273 = arith.constant 0 : i32
        %dma_start3A_274 = tpu.memref_slice %arg3[%dma_start3A_272, %dma_start3A_273] : memref<10000x16xf32, #tpu.memory_space<hbm>> -> memref<10000x16xf32, #tpu.memory_space<hbm>>
        tpu.enqueue_indirect_dma source(%dma_start3A_274 : memref<10000x16xf32, #tpu.memory_space<hbm>>) target(%arg14 : memref<125x16xf32, #tpu.memory_space<vmem>>) offsets(%dma_start3A_271 : memref<125xi32, #tpu.memory_space<vmem>>) semaphore(%arg22 : memref<!tpu.dma_semaphore, #tpu.memory_space<semaphore_mem>>)
      } else {
      }
    }
    %scan3A_113 = arith.constant 20 : i32
    %barrier3A_114 = arith.constant 0 : index
    tpu.barrier barrier_id(%barrier3A_114)
    %mul3A_115 = arith.constant 10000 : i32
    %mul3A_116 = arith.muli %arg0, %mul3A_115 : i32
    %add3A_117 = arith.addi %mul3A_116, %mul3A_2 : i32
    "tpu.region"() ({
      %run_scoped3A = tpu.sem_alloc : memref<!tpu.dma_semaphore, #tpu.memory_space<semaphore_mem>>
      %dma_start3A_118 = arith.constant 0 : i32
      %dma_start3A_119 = tpu.memref_slice %arg5[%add3A_117, %dma_start3A_118] : memref<20000x128xf32, #tpu.memory_space<hbm>> -> memref<625x128xf32, #tpu.memory_space<hbm>>
      %dma_start3A_120 = arith.constant 0 : i32
      %dma_start3A_121 = tpu.memref_slice %arg15[%mul3A_2, %dma_start3A_120] : memref<10000x128xf32, #tpu.memory_space<vmem_shared>> -> memref<625x128xf32, #tpu.memory_space<vmem_shared>>
      tpu.enqueue_dma source(%dma_start3A_121 : memref<625x128xf32, #tpu.memory_space<vmem_shared>>) target(%dma_start3A_119 : memref<625x128xf32, #tpu.memory_space<hbm>>) target_semaphore(%run_scoped3A : memref<!tpu.dma_semaphore, #tpu.memory_space<semaphore_mem>>)
      %dma_wait3A_122 = arith.constant 0 : i32
      %dma_wait3A_123 = tpu.memref_slice %arg5[%add3A_117, %dma_wait3A_122] : memref<20000x128xf32, #tpu.memory_space<hbm>> -> memref<625x128xf32, #tpu.memory_space<hbm>>
      %dma_wait3A_124 = arith.constant 0 : i32
      %dma_wait3A_125 = tpu.memref_slice %arg15[%mul3A_2, %dma_wait3A_124] : memref<10000x128xf32, #tpu.memory_space<vmem_shared>> -> memref<625x128xf32, #tpu.memory_space<vmem_shared>>
      tpu.wait_dma2 semaphore(%run_scoped3A : memref<!tpu.dma_semaphore, #tpu.memory_space<semaphore_mem>>) src(%dma_wait3A_125 : memref<625x128xf32, #tpu.memory_space<vmem_shared>>) dst(%dma_wait3A_123 : memref<625x128xf32, #tpu.memory_space<hbm>>)
      tpu.yield
    }) : () -> ()
    "tpu.region"() ({
      %run_scoped3A = tpu.sem_alloc : memref<!tpu.dma_semaphore, #tpu.memory_space<semaphore_mem>>
      %dma_start3A_118 = arith.constant 0 : i32
      %dma_start3A_119 = tpu.memref_slice %arg6[%add3A_117, %dma_start3A_118] : memref<20000x16xf32, #tpu.memory_space<hbm>> -> memref<625x16xf32, #tpu.memory_space<hbm>>
      %dma_start3A_120 = arith.constant 0 : i32
      %dma_start3A_121 = tpu.memref_slice %arg16[%mul3A_2, %dma_start3A_120] : memref<10000x16xf32, #tpu.memory_space<vmem_shared>> -> memref<625x16xf32, #tpu.memory_space<vmem_shared>>
      tpu.enqueue_dma source(%dma_start3A_121 : memref<625x16xf32, #tpu.memory_space<vmem_shared>>) target(%dma_start3A_119 : memref<625x16xf32, #tpu.memory_space<hbm>>) target_semaphore(%run_scoped3A : memref<!tpu.dma_semaphore, #tpu.memory_space<semaphore_mem>>)
      %dma_wait3A_122 = arith.constant 0 : i32
      %dma_wait3A_123 = tpu.memref_slice %arg6[%add3A_117, %dma_wait3A_122] : memref<20000x16xf32, #tpu.memory_space<hbm>> -> memref<625x16xf32, #tpu.memory_space<hbm>>
      %dma_wait3A_124 = arith.constant 0 : i32
      %dma_wait3A_125 = tpu.memref_slice %arg16[%mul3A_2, %dma_wait3A_124] : memref<10000x16xf32, #tpu.memory_space<vmem_shared>> -> memref<625x16xf32, #tpu.memory_space<vmem_shared>>
      tpu.wait_dma2 semaphore(%run_scoped3A : memref<!tpu.dma_semaphore, #tpu.memory_space<semaphore_mem>>) src(%dma_wait3A_125 : memref<625x16xf32, #tpu.memory_space<vmem_shared>>) dst(%dma_wait3A_123 : memref<625x16xf32, #tpu.memory_space<hbm>>)
      tpu.yield
    }) : () -> ()
    return
  }
}

module attributes {stable_mosaic.version = 14 : i64} {
  func.func @_combine1_body(%arg0: i32, %arg1: memref<2000x128xf32, #tpu.memory_space<vmem>>, %arg2: memref<2000x128xf32, #tpu.memory_space<vmem>>, %arg3: memref<2000x16xf32, #tpu.memory_space<vmem>>, %arg4: memref<2000x16xf32, #tpu.memory_space<vmem>>, %arg5: memref<2000x128xf32, #tpu.memory_space<vmem>>, %arg6: memref<2000x16xf32, #tpu.memory_space<vmem>>, %arg7: memref<2000x1xf32, #tpu.memory_space<vmem>>) attributes {dimension_semantics = [#tpu.dimension_semantics<arbitrary>], iteration_bounds = array<i64: 5>, scalar_prefetch = 0 : i64, scratch_operands = 0 : i64, tpu.core_type = #tpu.core_type<tc>, window_params = [{transform_indices = @transform_0, window_bounds = array<i64: 2000, 128>}, {transform_indices = @transform_1, window_bounds = array<i64: 2000, 128>}, {transform_indices = @transform_2, window_bounds = array<i64: 2000, 16>}, {transform_indices = @transform_3, window_bounds = array<i64: 2000, 16>}, {transform_indices = @transform_4, window_bounds = array<i64: 2000, 128>}, {transform_indices = @transform_5, window_bounds = array<i64: 2000, 16>}, {transform_indices = @transform_6, window_bounds = array<i64: 2000, 1>}]} {
    %get3A = arith.constant 0 : index
    %get3A_0 = arith.constant 0 : index
    %get3A_1 = vector.load %arg3[%get3A, %get3A_0] : memref<2000x16xf32, #tpu.memory_space<vmem>>, vector<2000x1xf32>
    %get3A_2 = arith.constant 0 : index
    %get3A_3 = arith.constant 0 : index
    %get3A_4 = vector.load %arg4[%get3A_2, %get3A_3] : memref<2000x16xf32, #tpu.memory_space<vmem>>, vector<2000x1xf32>
    %add3A = arith.addf %get3A_1, %get3A_4 : vector<2000x1xf32>
    %max3A = arith.constant 1.000000e+00 : f32
    %max3A_5 = vector.broadcast %max3A : f32 to vector<2000x1xf32>
    %max3A_6 = arith.maximumf %add3A, %max3A_5 : vector<2000x1xf32>
    %div3A = arith.constant 1.000000e+00 : f32
    %div3A_7 = vector.broadcast %div3A : f32 to vector<2000x1xf32>
    %div3A_8 = arith.divf %div3A_7, %max3A_6 : vector<2000x1xf32>
    %get3A_9 = arith.constant 0 : index
    %get3A_10 = arith.constant 0 : index
    %get3A_11 = vector.load %arg1[%get3A_9, %get3A_10] : memref<2000x128xf32, #tpu.memory_space<vmem>>, vector<2000x128xf32>
    %get3A_12 = arith.constant 0 : index
    %get3A_13 = arith.constant 0 : index
    %get3A_14 = vector.load %arg2[%get3A_12, %get3A_13] : memref<2000x128xf32, #tpu.memory_space<vmem>>, vector<2000x128xf32>
    %add3A_15 = arith.addf %get3A_11, %get3A_14 : vector<2000x128xf32>
    %mul3A = vector.broadcast %div3A_8 : vector<2000x1xf32> to vector<2000x128xf32>
    %mul3A_16 = arith.mulf %add3A_15, %mul3A : vector<2000x128xf32>
    %swap3A = arith.constant 0 : index
    %swap3A_17 = arith.constant 0 : index
    %swap3A_18 = vector.load %arg5[%swap3A, %swap3A_17] : memref<2000x128xf32, #tpu.memory_space<vmem>>, vector<2000x128xf32>
    tpu.vector_store %arg5[%swap3A, %swap3A_17], %mul3A_16 {strides = array<i32>} : memref<2000x128xf32, #tpu.memory_space<vmem>>, vector<2000x128xf32>,
    %get3A_19 = arith.constant 0 : index
    %get3A_20 = arith.constant 0 : index
    %get3A_21 = vector.load %arg3[%get3A_19, %get3A_20] : memref<2000x16xf32, #tpu.memory_space<vmem>>, vector<2000x16xf32>
    %get3A_22 = arith.constant 0 : index
    %get3A_23 = arith.constant 0 : index
    %get3A_24 = vector.load %arg4[%get3A_22, %get3A_23] : memref<2000x16xf32, #tpu.memory_space<vmem>>, vector<2000x16xf32>
    %add3A_25 = arith.addf %get3A_21, %get3A_24 : vector<2000x16xf32>
    %mul3A_26 = vector.broadcast %div3A_8 : vector<2000x1xf32> to vector<2000x16xf32>
    %mul3A_27 = arith.mulf %add3A_25, %mul3A_26 : vector<2000x16xf32>
    %swap3A_28 = arith.constant 0 : index
    %swap3A_29 = arith.constant 0 : index
    %swap3A_30 = vector.load %arg6[%swap3A_28, %swap3A_29] : memref<2000x16xf32, #tpu.memory_space<vmem>>, vector<2000x16xf32>
    tpu.vector_store %arg6[%swap3A_28, %swap3A_29], %mul3A_27 {strides = array<i32>} : memref<2000x16xf32, #tpu.memory_space<vmem>>, vector<2000x16xf32>,
    %swap3A_31 = arith.constant 0 : index
    %swap3A_32 = arith.constant 0 : index
    %swap3A_33 = vector.load %arg7[%swap3A_31, %swap3A_32] : memref<2000x1xf32, #tpu.memory_space<vmem>>, vector<2000x1xf32>
    tpu.vector_store %arg7[%swap3A_31, %swap3A_32], %div3A_8 {strides = array<i32>} : memref<2000x1xf32, #tpu.memory_space<vmem>>, vector<2000x1xf32>,
    return
  }
  func.func @transform_0(%arg0: i32) -> (i32, i32) {
    %c0_i32 = arith.constant 0 : i32
    %c0_i32_0 = arith.constant 0 : i32
    return %arg0, %c0_i32 : i32, i32
  }
  func.func @transform_1(%arg0: i32) -> (i32, i32) {
    %add3A = arith.constant 5 : i32
    %add3A_0 = arith.addi %add3A, %arg0 : i32
    %c0_i32 = arith.constant 0 : i32
    %c0_i32_1 = arith.constant 0 : i32
    return %add3A_0, %c0_i32 : i32, i32
  }
  func.func @transform_2(%arg0: i32) -> (i32, i32) {
    %c0_i32 = arith.constant 0 : i32
    %c0_i32_0 = arith.constant 0 : i32
    return %arg0, %c0_i32 : i32, i32
  }
  func.func @transform_3(%arg0: i32) -> (i32, i32) {
    %add3A = arith.constant 5 : i32
    %add3A_0 = arith.addi %add3A, %arg0 : i32
    %c0_i32 = arith.constant 0 : i32
    %c0_i32_1 = arith.constant 0 : i32
    return %add3A_0, %c0_i32 : i32, i32
  }
  func.func @transform_4(%arg0: i32) -> (i32, i32) {
    %c0_i32 = arith.constant 0 : i32
    %c0_i32_0 = arith.constant 0 : i32
    return %arg0, %c0_i32 : i32, i32
  }
  func.func @transform_5(%arg0: i32) -> (i32, i32) {
    %c0_i32 = arith.constant 0 : i32
    %c0_i32_0 = arith.constant 0 : i32
    return %arg0, %c0_i32 : i32, i32
  }
  func.func @transform_6(%arg0: i32) -> (i32, i32) {
    %c0_i32 = arith.constant 0 : i32
    %c0_i32_0 = arith.constant 0 : i32
    return %arg0, %c0_i32 : i32, i32
  }
}

module attributes {stable_mosaic.version = 14 : i64} {
  func.func @_combine2_body(%arg0: i32, %arg1: memref<2000x128xf32, #tpu.memory_space<vmem>>, %arg2: memref<2000x128xf32, #tpu.memory_space<vmem>>, %arg3: memref<2000x16xf32, #tpu.memory_space<vmem>>, %arg4: memref<2000x16xf32, #tpu.memory_space<vmem>>, %arg5: memref<2000x1xf32, #tpu.memory_space<vmem>>, %arg6: memref<2000x128xf32, #tpu.memory_space<vmem>>, %arg7: memref<2000x16xf32, #tpu.memory_space<vmem>>) attributes {dimension_semantics = [#tpu.dimension_semantics<arbitrary>], iteration_bounds = array<i64: 5>, scalar_prefetch = 0 : i64, scratch_operands = 0 : i64, tpu.core_type = #tpu.core_type<tc>, window_params = [{transform_indices = @transform_0, window_bounds = array<i64: 2000, 128>}, {transform_indices = @transform_1, window_bounds = array<i64: 2000, 128>}, {transform_indices = @transform_2, window_bounds = array<i64: 2000, 16>}, {transform_indices = @transform_3, window_bounds = array<i64: 2000, 16>}, {transform_indices = @transform_4, window_bounds = array<i64: 2000, 1>}, {transform_indices = @transform_5, window_bounds = array<i64: 2000, 128>}, {transform_indices = @transform_6, window_bounds = array<i64: 2000, 16>}]} {
    %get3A = arith.constant 0 : index
    %get3A_0 = arith.constant 0 : index
    %get3A_1 = vector.load %arg5[%get3A, %get3A_0] : memref<2000x1xf32, #tpu.memory_space<vmem>>, vector<2000x1xf32>
    %get3A_2 = arith.constant 0 : index
    %get3A_3 = arith.constant 0 : index
    %get3A_4 = vector.load %arg1[%get3A_2, %get3A_3] : memref<2000x128xf32, #tpu.memory_space<vmem>>, vector<2000x128xf32>
    %get3A_5 = arith.constant 0 : index
    %get3A_6 = arith.constant 0 : index
    %get3A_7 = vector.load %arg2[%get3A_5, %get3A_6] : memref<2000x128xf32, #tpu.memory_space<vmem>>, vector<2000x128xf32>
    %add3A = arith.addf %get3A_4, %get3A_7 : vector<2000x128xf32>
    %mul3A = vector.broadcast %get3A_1 : vector<2000x1xf32> to vector<2000x128xf32>
    %mul3A_8 = arith.mulf %add3A, %mul3A : vector<2000x128xf32>
    %swap3A = arith.constant 0 : index
    %swap3A_9 = arith.constant 0 : index
    %swap3A_10 = vector.load %arg6[%swap3A, %swap3A_9] : memref<2000x128xf32, #tpu.memory_space<vmem>>, vector<2000x128xf32>
    tpu.vector_store %arg6[%swap3A, %swap3A_9], %mul3A_8 {strides = array<i32>} : memref<2000x128xf32, #tpu.memory_space<vmem>>, vector<2000x128xf32>,
    %get3A_11 = arith.constant 0 : index
    %get3A_12 = arith.constant 0 : index
    %get3A_13 = vector.load %arg3[%get3A_11, %get3A_12] : memref<2000x16xf32, #tpu.memory_space<vmem>>, vector<2000x16xf32>
    %get3A_14 = arith.constant 0 : index
    %get3A_15 = arith.constant 0 : index
    %get3A_16 = vector.load %arg4[%get3A_14, %get3A_15] : memref<2000x16xf32, #tpu.memory_space<vmem>>, vector<2000x16xf32>
    %add3A_17 = arith.addf %get3A_13, %get3A_16 : vector<2000x16xf32>
    %mul3A_18 = vector.broadcast %get3A_1 : vector<2000x1xf32> to vector<2000x16xf32>
    %mul3A_19 = arith.mulf %add3A_17, %mul3A_18 : vector<2000x16xf32>
    %swap3A_20 = arith.constant 0 : index
    %swap3A_21 = arith.constant 0 : index
    %swap3A_22 = vector.load %arg7[%swap3A_20, %swap3A_21] : memref<2000x16xf32, #tpu.memory_space<vmem>>, vector<2000x16xf32>
    tpu.vector_store %arg7[%swap3A_20, %swap3A_21], %mul3A_19 {strides = array<i32>} : memref<2000x16xf32, #tpu.memory_space<vmem>>, vector<2000x16xf32>,
    return
  }
  func.func @transform_0(%arg0: i32) -> (i32, i32) {
    %c0_i32 = arith.constant 0 : i32
    %c0_i32_0 = arith.constant 0 : i32
    return %arg0, %c0_i32 : i32, i32
  }
  func.func @transform_1(%arg0: i32) -> (i32, i32) {
    %add3A = arith.constant 5 : i32
    %add3A_0 = arith.addi %add3A, %arg0 : i32
    %c0_i32 = arith.constant 0 : i32
    %c0_i32_1 = arith.constant 0 : i32
    return %add3A_0, %c0_i32 : i32, i32
  }
  func.func @transform_2(%arg0: i32) -> (i32, i32) {
    %c0_i32 = arith.constant 0 : i32
    %c0_i32_0 = arith.constant 0 : i32
    return %arg0, %c0_i32 : i32, i32
  }
  func.func @transform_3(%arg0: i32) -> (i32, i32) {
    %add3A = arith.constant 5 : i32
    %add3A_0 = arith.addi %add3A, %arg0 : i32
    %c0_i32 = arith.constant 0 : i32
    %c0_i32_1 = arith.constant 0 : i32
    return %add3A_0, %c0_i32 : i32, i32
  }
  func.func @transform_4(%arg0: i32) -> (i32, i32) {
    %c0_i32 = arith.constant 0 : i32
    %c0_i32_0 = arith.constant 0 : i32
    return %arg0, %c0_i32 : i32, i32
  }
  func.func @transform_5(%arg0: i32) -> (i32, i32) {
    %c0_i32 = arith.constant 0 : i32
    %c0_i32_0 = arith.constant 0 : i32
    return %arg0, %c0_i32 : i32, i32
  }
  func.func @transform_6(%arg0: i32) -> (i32, i32) {
    %c0_i32 = arith.constant 0 : i32
    %c0_i32_0 = arith.constant 0 : i32
    return %arg0, %c0_i32 : i32, i32
  }
}

module attributes {stable_mosaic.version = 14 : i64} {
  func.func @_main01_body(%arg0: i32, %arg1: memref<2000x128xf32, #tpu.memory_space<vmem>>, %arg2: memref<2000x128xf32, #tpu.memory_space<vmem>>, %arg3: memref<2000x16xf32, #tpu.memory_space<vmem>>, %arg4: memref<4x128x128xf32, #tpu.memory_space<vmem>>, %arg5: memref<4x1x128xf32, #tpu.memory_space<vmem>>, %arg6: memref<4x128x128xf32, #tpu.memory_space<vmem>>, %arg7: memref<4x1x128xf32, #tpu.memory_space<vmem>>, %arg8: memref<4x128x128xf32, #tpu.memory_space<vmem>>, %arg9: memref<4x1x128xf32, #tpu.memory_space<vmem>>, %arg10: memref<4x128x128xf32, #tpu.memory_space<vmem>>, %arg11: memref<1x128xf32, #tpu.memory_space<vmem>>, %arg12: memref<2000x128xf32, #tpu.memory_space<vmem>>) attributes {dimension_semantics = [#tpu.dimension_semantics<arbitrary>], iteration_bounds = array<i64: 5>, scalar_prefetch = 0 : i64, scratch_operands = 0 : i64, tpu.core_type = #tpu.core_type<tc>, window_params = [{transform_indices = @transform_0, window_bounds = array<i64: 2000, 128>}, {transform_indices = @transform_1, window_bounds = array<i64: 2000, 128>}, {transform_indices = @transform_2, window_bounds = array<i64: 2000, 16>}, {pipeline_mode = #tpu.pipeline_mode<synchronous>, transform_indices = @transform_3, window_bounds = array<i64: 4, 128, 128>}, {pipeline_mode = #tpu.pipeline_mode<synchronous>, transform_indices = @transform_4, window_bounds = array<i64: 4, 1, 128>}, {pipeline_mode = #tpu.pipeline_mode<synchronous>, transform_indices = @transform_5, window_bounds = array<i64: 4, 128, 128>}, {pipeline_mode = #tpu.pipeline_mode<synchronous>, transform_indices = @transform_6, window_bounds = array<i64: 4, 1, 128>}, {pipeline_mode = #tpu.pipeline_mode<synchronous>, transform_indices = @transform_7, window_bounds = array<i64: 4, 128, 128>}, {pipeline_mode = #tpu.pipeline_mode<synchronous>, transform_indices = @transform_8, window_bounds = array<i64: 4, 1, 128>}, {pipeline_mode = #tpu.pipeline_mode<synchronous>, transform_indices = @transform_9, window_bounds = array<i64: 4, 128, 128>}, {pipeline_mode = #tpu.pipeline_mode<synchronous>, transform_indices = @transform_10, window_bounds = array<i64: 1, 128>}, {transform_indices = @transform_11, window_bounds = array<i64: 2000, 128>}]} {
    %broadcast_in_dim3A = arith.constant 0.000000e+00 : f32
    %broadcast_in_dim3A_0 = vector.broadcast %broadcast_in_dim3A : f32 to vector<2000x128xf32>
    %get3A = arith.constant 0 : index
    %get3A_1 = arith.constant 0 : index
    %get3A_2 = vector.load %arg11[%get3A, %get3A_1] : memref<1x128xf32, #tpu.memory_space<vmem>>, vector<1x128xf32>
    %add3A = vector.broadcast %get3A_2 : vector<1x128xf32> to vector<2000x128xf32>
    %add3A_3 = arith.addf %broadcast_in_dim3A_0, %add3A : vector<2000x128xf32>
    %get3A_4 = arith.constant 0 : index
    %get3A_5 = arith.constant 0 : index
    %get3A_6 = vector.load %arg1[%get3A_4, %get3A_5] : memref<2000x128xf32, #tpu.memory_space<vmem>>, vector<2000x128xf32>
    %get3A_7 = arith.constant 0 : index
    %get3A_8 = arith.constant 0 : index
    %get3A_9 = arith.constant 0 : index
    %get3A_10 = vector.load %arg4[%get3A_7, %get3A_8, %get3A_9] : memref<4x128x128xf32, #tpu.memory_space<vmem>>, vector<1x128x128xf32>
    %get3A_11 = vector.shape_cast %get3A_10 : vector<1x128x128xf32> to vector<128x128xf32>
    %dot_general3A = arith.constant dense<0.000000e+00> : vector<2000x128xf32>
    %dot_general3A_12 = tpu.matmul %get3A_6, %get3A_11, %dot_general3A {dimension_numbers = #tpu.dot_dimension_numbers<[1], [1], [0], [0], [0, 0, 1, 0], [], []>, transpose_lhs_hint = false} : vector<2000x128xf32>, vector<128x128xf32>, vector<2000x128xf32> -> vector<2000x128xf32>
    %get3A_13 = arith.constant 0 : index
    %get3A_14 = arith.constant 0 : index
    %get3A_15 = arith.constant 0 : index
    %get3A_16 = vector.load %arg5[%get3A_13, %get3A_14, %get3A_15] : memref<4x1x128xf32, #tpu.memory_space<vmem>>, vector<1x1x128xf32>
    %get3A_17 = vector.shape_cast %get3A_16 : vector<1x1x128xf32> to vector<1x128xf32>
    %add3A_18 = vector.broadcast %get3A_17 : vector<1x128xf32> to vector<2000x128xf32>
    %add3A_19 = arith.addf %dot_general3A_12, %add3A_18 : vector<2000x128xf32>
    %get3A_20 = arith.constant 0 : index
    %get3A_21 = arith.constant 0 : index
    %get3A_22 = arith.constant 0 : index
    %get3A_23 = vector.load %arg6[%get3A_20, %get3A_21, %get3A_22] : memref<4x128x128xf32, #tpu.memory_space<vmem>>, vector<1x128x128xf32>
    %get3A_24 = vector.shape_cast %get3A_23 : vector<1x128x128xf32> to vector<128x128xf32>
    %dot_general3A_25 = arith.constant dense<0.000000e+00> : vector<2000x128xf32>
    %dot_general3A_26 = tpu.matmul %add3A_19, %get3A_24, %dot_general3A_25 {dimension_numbers = #tpu.dot_dimension_numbers<[1], [1], [0], [0], [0, 0, 1, 0], [], []>, transpose_lhs_hint = false} : vector<2000x128xf32>, vector<128x128xf32>, vector<2000x128xf32> -> vector<2000x128xf32>
    %get3A_27 = arith.constant 0 : index
    %get3A_28 = arith.constant 0 : index
    %get3A_29 = arith.constant 0 : index
    %get3A_30 = vector.load %arg7[%get3A_27, %get3A_28, %get3A_29] : memref<4x1x128xf32, #tpu.memory_space<vmem>>, vector<1x1x128xf32>
    %get3A_31 = vector.shape_cast %get3A_30 : vector<1x1x128xf32> to vector<1x128xf32>
    %add3A_32 = vector.broadcast %get3A_31 : vector<1x128xf32> to vector<2000x128xf32>
    %add3A_33 = arith.addf %dot_general3A_26, %add3A_32 : vector<2000x128xf32>
    %max3A = arith.constant 0.000000e+00 : f32
    %max3A_34 = vector.broadcast %max3A : f32 to vector<2000x128xf32>
    %max3A_35 = arith.maximumf %add3A_33, %max3A_34 : vector<2000x128xf32>
    %get3A_36 = arith.constant 0 : index
    %get3A_37 = arith.constant 0 : index
    %get3A_38 = arith.constant 0 : index
    %get3A_39 = vector.load %arg8[%get3A_36, %get3A_37, %get3A_38] : memref<4x128x128xf32, #tpu.memory_space<vmem>>, vector<1x128x128xf32>
    %get3A_40 = vector.shape_cast %get3A_39 : vector<1x128x128xf32> to vector<128x128xf32>
    %dot_general3A_41 = arith.constant dense<0.000000e+00> : vector<2000x128xf32>
    %dot_general3A_42 = tpu.matmul %max3A_35, %get3A_40, %dot_general3A_41 {dimension_numbers = #tpu.dot_dimension_numbers<[1], [1], [0], [0], [0, 0, 1, 0], [], []>, transpose_lhs_hint = false} : vector<2000x128xf32>, vector<128x128xf32>, vector<2000x128xf32> -> vector<2000x128xf32>
    %get3A_43 = arith.constant 0 : index
    %get3A_44 = arith.constant 0 : index
    %get3A_45 = arith.constant 0 : index
    %get3A_46 = vector.load %arg9[%get3A_43, %get3A_44, %get3A_45] : memref<4x1x128xf32, #tpu.memory_space<vmem>>, vector<1x1x128xf32>
    %get3A_47 = vector.shape_cast %get3A_46 : vector<1x1x128xf32> to vector<1x128xf32>
    %add3A_48 = vector.broadcast %get3A_47 : vector<1x128xf32> to vector<2000x128xf32>
    %add3A_49 = arith.addf %dot_general3A_42, %add3A_48 : vector<2000x128xf32>
    %get3A_50 = arith.constant 0 : index
    %get3A_51 = arith.constant 0 : index
    %get3A_52 = arith.constant 0 : index
    %get3A_53 = vector.load %arg10[%get3A_50, %get3A_51, %get3A_52] : memref<4x128x128xf32, #tpu.memory_space<vmem>>, vector<1x128x128xf32>
    %get3A_54 = vector.shape_cast %get3A_53 : vector<1x128x128xf32> to vector<128x128xf32>
    %dot_general3A_55 = arith.constant dense<0.000000e+00> : vector<2000x128xf32>
    %dot_general3A_56 = tpu.matmul %add3A_49, %get3A_54, %dot_general3A_55 {dimension_numbers = #tpu.dot_dimension_numbers<[1], [1], [0], [0], [0, 0, 1, 0], [], []>, transpose_lhs_hint = false} : vector<2000x128xf32>, vector<128x128xf32>, vector<2000x128xf32> -> vector<2000x128xf32>
    %add3A_57 = arith.addf %add3A_3, %dot_general3A_56 : vector<2000x128xf32>
    %get3A_58 = arith.constant 0 : index
    %get3A_59 = arith.constant 0 : index
    %get3A_60 = vector.load %arg2[%get3A_58, %get3A_59] : memref<2000x128xf32, #tpu.memory_space<vmem>>, vector<2000x128xf32>
    %get3A_61 = arith.constant 0 : index
    %get3A_62 = arith.constant 0 : index
    %get3A_63 = vector.load %arg3[%get3A_61, %get3A_62] : memref<2000x16xf32, #tpu.memory_space<vmem>>, vector<2000x1xf32>
    %get3A_64 = arith.constant 1 : index
    %get3A_65 = arith.constant 0 : index
    %get3A_66 = arith.constant 0 : index
    %get3A_67 = vector.load %arg4[%get3A_64, %get3A_65, %get3A_66] : memref<4x128x128xf32, #tpu.memory_space<vmem>>, vector<1x128x128xf32>
    %get3A_68 = vector.shape_cast %get3A_67 : vector<1x128x128xf32> to vector<128x128xf32>
    %dot_general3A_69 = arith.constant dense<0.000000e+00> : vector<2000x128xf32>
    %dot_general3A_70 = tpu.matmul %get3A_60, %get3A_68, %dot_general3A_69 {dimension_numbers = #tpu.dot_dimension_numbers<[1], [1], [0], [0], [0, 0, 1, 0], [], []>, transpose_lhs_hint = false} : vector<2000x128xf32>, vector<128x128xf32>, vector<2000x128xf32> -> vector<2000x128xf32>
    %get3A_71 = arith.constant 1 : index
    %get3A_72 = arith.constant 0 : index
    %get3A_73 = arith.constant 0 : index
    %get3A_74 = vector.load %arg5[%get3A_71, %get3A_72, %get3A_73] : memref<4x1x128xf32, #tpu.memory_space<vmem>>, vector<1x1x128xf32>
    %get3A_75 = vector.shape_cast %get3A_74 : vector<1x1x128xf32> to vector<1x128xf32>
    %mul3A = vector.broadcast %get3A_63 : vector<2000x1xf32> to vector<2000x128xf32>
    %mul3A_76 = vector.broadcast %get3A_75 : vector<1x128xf32> to vector<2000x128xf32>
    %mul3A_77 = arith.mulf %mul3A, %mul3A_76 : vector<2000x128xf32>
    %add3A_78 = arith.addf %dot_general3A_70, %mul3A_77 : vector<2000x128xf32>
    %get3A_79 = arith.constant 1 : index
    %get3A_80 = arith.constant 0 : index
    %get3A_81 = arith.constant 0 : index
    %get3A_82 = vector.load %arg6[%get3A_79, %get3A_80, %get3A_81] : memref<4x128x128xf32, #tpu.memory_space<vmem>>, vector<1x128x128xf32>
    %get3A_83 = vector.shape_cast %get3A_82 : vector<1x128x128xf32> to vector<128x128xf32>
    %dot_general3A_84 = arith.constant dense<0.000000e+00> : vector<2000x128xf32>
    %dot_general3A_85 = tpu.matmul %add3A_78, %get3A_83, %dot_general3A_84 {dimension_numbers = #tpu.dot_dimension_numbers<[1], [1], [0], [0], [0, 0, 1, 0], [], []>, transpose_lhs_hint = false} : vector<2000x128xf32>, vector<128x128xf32>, vector<2000x128xf32> -> vector<2000x128xf32>
    %get3A_86 = arith.constant 1 : index
    %get3A_87 = arith.constant 0 : index
    %get3A_88 = arith.constant 0 : index
    %get3A_89 = vector.load %arg7[%get3A_86, %get3A_87, %get3A_88] : memref<4x1x128xf32, #tpu.memory_space<vmem>>, vector<1x1x128xf32>
    %get3A_90 = vector.shape_cast %get3A_89 : vector<1x1x128xf32> to vector<1x128xf32>
    %add3A_91 = vector.broadcast %get3A_90 : vector<1x128xf32> to vector<2000x128xf32>
    %add3A_92 = arith.addf %dot_general3A_85, %add3A_91 : vector<2000x128xf32>
    %max3A_93 = arith.constant 0.000000e+00 : f32
    %max3A_94 = vector.broadcast %max3A_93 : f32 to vector<2000x128xf32>
    %max3A_95 = arith.maximumf %add3A_92, %max3A_94 : vector<2000x128xf32>
    %get3A_96 = arith.constant 1 : index
    %get3A_97 = arith.constant 0 : index
    %get3A_98 = arith.constant 0 : index
    %get3A_99 = vector.load %arg8[%get3A_96, %get3A_97, %get3A_98] : memref<4x128x128xf32, #tpu.memory_space<vmem>>, vector<1x128x128xf32>
    %get3A_100 = vector.shape_cast %get3A_99 : vector<1x128x128xf32> to vector<128x128xf32>
    %dot_general3A_101 = arith.constant dense<0.000000e+00> : vector<2000x128xf32>
    %dot_general3A_102 = tpu.matmul %max3A_95, %get3A_100, %dot_general3A_101 {dimension_numbers = #tpu.dot_dimension_numbers<[1], [1], [0], [0], [0, 0, 1, 0], [], []>, transpose_lhs_hint = false} : vector<2000x128xf32>, vector<128x128xf32>, vector<2000x128xf32> -> vector<2000x128xf32>
    %get3A_103 = arith.constant 1 : index
    %get3A_104 = arith.constant 0 : index
    %get3A_105 = arith.constant 0 : index
    %get3A_106 = vector.load %arg9[%get3A_103, %get3A_104, %get3A_105] : memref<4x1x128xf32, #tpu.memory_space<vmem>>, vector<1x1x128xf32>
    %get3A_107 = vector.shape_cast %get3A_106 : vector<1x1x128xf32> to vector<1x128xf32>
    %add3A_108 = vector.broadcast %get3A_107 : vector<1x128xf32> to vector<2000x128xf32>
    %add3A_109 = arith.addf %dot_general3A_102, %add3A_108 : vector<2000x128xf32>
    %get3A_110 = arith.constant 1 : index
    %get3A_111 = arith.constant 0 : index
    %get3A_112 = arith.constant 0 : index
    %get3A_113 = vector.load %arg10[%get3A_110, %get3A_111, %get3A_112] : memref<4x128x128xf32, #tpu.memory_space<vmem>>, vector<1x128x128xf32>
    %get3A_114 = vector.shape_cast %get3A_113 : vector<1x128x128xf32> to vector<128x128xf32>
    %dot_general3A_115 = arith.constant dense<0.000000e+00> : vector<2000x128xf32>
    %dot_general3A_116 = tpu.matmul %add3A_109, %get3A_114, %dot_general3A_115 {dimension_numbers = #tpu.dot_dimension_numbers<[1], [1], [0], [0], [0, 0, 1, 0], [], []>, transpose_lhs_hint = false} : vector<2000x128xf32>, vector<128x128xf32>, vector<2000x128xf32> -> vector<2000x128xf32>
    %add3A_117 = arith.addf %add3A_57, %dot_general3A_116 : vector<2000x128xf32>
    %swap3A = arith.constant 0 : index
    %swap3A_118 = arith.constant 0 : index
    %swap3A_119 = vector.load %arg12[%swap3A, %swap3A_118] : memref<2000x128xf32, #tpu.memory_space<vmem>>, vector<2000x128xf32>
    tpu.vector_store %arg12[%swap3A, %swap3A_118], %add3A_117 {strides = array<i32>} : memref<2000x128xf32, #tpu.memory_space<vmem>>, vector<2000x128xf32>,
    return
  }
  func.func @transform_0(%arg0: i32) -> (i32, i32) {
    %c0_i32 = arith.constant 0 : i32
    %c0_i32_0 = arith.constant 0 : i32
    return %arg0, %c0_i32 : i32, i32
  }
  func.func @transform_1(%arg0: i32) -> (i32, i32) {
    %c0_i32 = arith.constant 0 : i32
    %c0_i32_0 = arith.constant 0 : i32
    return %arg0, %c0_i32 : i32, i32
  }
  func.func @transform_2(%arg0: i32) -> (i32, i32) {
    %c0_i32 = arith.constant 0 : i32
    %c0_i32_0 = arith.constant 0 : i32
    return %arg0, %c0_i32 : i32, i32
  }
  func.func @transform_3(%arg0: i32) -> (i32, i32, i32) {
    %c0_i32 = arith.constant 0 : i32
    %c0_i32_0 = arith.constant 0 : i32
    %c0_i32_1 = arith.constant 0 : i32
    %c0_i32_2 = arith.constant 0 : i32
    return %c0_i32, %c0_i32_0, %c0_i32_1 : i32, i32, i32
  }
  func.func @transform_4(%arg0: i32) -> (i32, i32, i32) {
    %c0_i32 = arith.constant 0 : i32
    %c0_i32_0 = arith.constant 0 : i32
    %c0_i32_1 = arith.constant 0 : i32
    %c0_i32_2 = arith.constant 0 : i32
    return %c0_i32, %c0_i32_0, %c0_i32_1 : i32, i32, i32
  }
  func.func @transform_5(%arg0: i32) -> (i32, i32, i32) {
    %c0_i32 = arith.constant 0 : i32
    %c0_i32_0 = arith.constant 0 : i32
    %c0_i32_1 = arith.constant 0 : i32
    %c0_i32_2 = arith.constant 0 : i32
    return %c0_i32, %c0_i32_0, %c0_i32_1 : i32, i32, i32
  }
  func.func @transform_6(%arg0: i32) -> (i32, i32, i32) {
    %c0_i32 = arith.constant 0 : i32
    %c0_i32_0 = arith.constant 0 : i32
    %c0_i32_1 = arith.constant 0 : i32
    %c0_i32_2 = arith.constant 0 : i32
    return %c0_i32, %c0_i32_0, %c0_i32_1 : i32, i32, i32
  }
  func.func @transform_7(%arg0: i32) -> (i32, i32, i32) {
    %c0_i32 = arith.constant 0 : i32
    %c0_i32_0 = arith.constant 0 : i32
    %c0_i32_1 = arith.constant 0 : i32
    %c0_i32_2 = arith.constant 0 : i32
    return %c0_i32, %c0_i32_0, %c0_i32_1 : i32, i32, i32
  }
  func.func @transform_8(%arg0: i32) -> (i32, i32, i32) {
    %c0_i32 = arith.constant 0 : i32
    %c0_i32_0 = arith.constant 0 : i32
    %c0_i32_1 = arith.constant 0 : i32
    %c0_i32_2 = arith.constant 0 : i32
    return %c0_i32, %c0_i32_0, %c0_i32_1 : i32, i32, i32
  }
  func.func @transform_9(%arg0: i32) -> (i32, i32, i32) {
    %c0_i32 = arith.constant 0 : i32
    %c0_i32_0 = arith.constant 0 : i32
    %c0_i32_1 = arith.constant 0 : i32
    %c0_i32_2 = arith.constant 0 : i32
    return %c0_i32, %c0_i32_0, %c0_i32_1 : i32, i32, i32
  }
  func.func @transform_10(%arg0: i32) -> (i32, i32) {
    %c0_i32 = arith.constant 0 : i32
    %c0_i32_0 = arith.constant 0 : i32
    %c0_i32_1 = arith.constant 0 : i32
    return %c0_i32, %c0_i32_0 : i32, i32
  }
  func.func @transform_11(%arg0: i32) -> (i32, i32) {
    %c0_i32 = arith.constant 0 : i32
    %c0_i32_0 = arith.constant 0 : i32
    return %arg0, %c0_i32 : i32, i32
  }
}

module attributes {stable_mosaic.version = 14 : i64} {
  func.func @_main2_body(%arg0: i32, %arg1: memref<2000x128xf32, #tpu.memory_space<vmem>>, %arg2: memref<2000x128xf32, #tpu.memory_space<vmem>>, %arg3: memref<2000x16xf32, #tpu.memory_space<vmem>>, %arg4: memref<4x128x128xf32, #tpu.memory_space<vmem>>, %arg5: memref<4x1x128xf32, #tpu.memory_space<vmem>>, %arg6: memref<4x128x128xf32, #tpu.memory_space<vmem>>, %arg7: memref<4x1x128xf32, #tpu.memory_space<vmem>>, %arg8: memref<4x128x128xf32, #tpu.memory_space<vmem>>, %arg9: memref<4x1x128xf32, #tpu.memory_space<vmem>>, %arg10: memref<4x128x128xf32, #tpu.memory_space<vmem>>, %arg11: memref<2000x128xf32, #tpu.memory_space<vmem>>) attributes {dimension_semantics = [#tpu.dimension_semantics<arbitrary>], iteration_bounds = array<i64: 5>, scalar_prefetch = 0 : i64, scratch_operands = 0 : i64, tpu.core_type = #tpu.core_type<tc>, window_params = [{transform_indices = @transform_0, window_bounds = array<i64: 2000, 128>}, {transform_indices = @transform_1, window_bounds = array<i64: 2000, 128>}, {transform_indices = @transform_2, window_bounds = array<i64: 2000, 16>}, {pipeline_mode = #tpu.pipeline_mode<synchronous>, transform_indices = @transform_3, window_bounds = array<i64: 4, 128, 128>}, {pipeline_mode = #tpu.pipeline_mode<synchronous>, transform_indices = @transform_4, window_bounds = array<i64: 4, 1, 128>}, {pipeline_mode = #tpu.pipeline_mode<synchronous>, transform_indices = @transform_5, window_bounds = array<i64: 4, 128, 128>}, {pipeline_mode = #tpu.pipeline_mode<synchronous>, transform_indices = @transform_6, window_bounds = array<i64: 4, 1, 128>}, {pipeline_mode = #tpu.pipeline_mode<synchronous>, transform_indices = @transform_7, window_bounds = array<i64: 4, 128, 128>}, {pipeline_mode = #tpu.pipeline_mode<synchronous>, transform_indices = @transform_8, window_bounds = array<i64: 4, 1, 128>}, {pipeline_mode = #tpu.pipeline_mode<synchronous>, transform_indices = @transform_9, window_bounds = array<i64: 4, 128, 128>}, {transform_indices = @transform_10, window_bounds = array<i64: 2000, 128>}]} {
    %get3A = arith.constant 0 : index
    %get3A_0 = arith.constant 0 : index
    %get3A_1 = vector.load %arg1[%get3A, %get3A_0] : memref<2000x128xf32, #tpu.memory_space<vmem>>, vector<2000x128xf32>
    %get3A_2 = arith.constant 0 : index
    %get3A_3 = arith.constant 0 : index
    %get3A_4 = vector.load %arg2[%get3A_2, %get3A_3] : memref<2000x128xf32, #tpu.memory_space<vmem>>, vector<2000x128xf32>
    %get3A_5 = arith.constant 0 : index
    %get3A_6 = arith.constant 0 : index
    %get3A_7 = vector.load %arg3[%get3A_5, %get3A_6] : memref<2000x16xf32, #tpu.memory_space<vmem>>, vector<2000x1xf32>
    %get3A_8 = arith.constant 2 : index
    %get3A_9 = arith.constant 0 : index
    %get3A_10 = arith.constant 0 : index
    %get3A_11 = vector.load %arg4[%get3A_8, %get3A_9, %get3A_10] : memref<4x128x128xf32, #tpu.memory_space<vmem>>, vector<1x128x128xf32>
    %get3A_12 = vector.shape_cast %get3A_11 : vector<1x128x128xf32> to vector<128x128xf32>
    %dot_general3A = arith.constant dense<0.000000e+00> : vector<2000x128xf32>
    %dot_general3A_13 = tpu.matmul %get3A_4, %get3A_12, %dot_general3A {dimension_numbers = #tpu.dot_dimension_numbers<[1], [1], [0], [0], [0, 0, 1, 0], [], []>, transpose_lhs_hint = false} : vector<2000x128xf32>, vector<128x128xf32>, vector<2000x128xf32> -> vector<2000x128xf32>
    %get3A_14 = arith.constant 2 : index
    %get3A_15 = arith.constant 0 : index
    %get3A_16 = arith.constant 0 : index
    %get3A_17 = vector.load %arg5[%get3A_14, %get3A_15, %get3A_16] : memref<4x1x128xf32, #tpu.memory_space<vmem>>, vector<1x1x128xf32>
    %get3A_18 = vector.shape_cast %get3A_17 : vector<1x1x128xf32> to vector<1x128xf32>
    %mul3A = vector.broadcast %get3A_7 : vector<2000x1xf32> to vector<2000x128xf32>
    %mul3A_19 = vector.broadcast %get3A_18 : vector<1x128xf32> to vector<2000x128xf32>
    %mul3A_20 = arith.mulf %mul3A, %mul3A_19 : vector<2000x128xf32>
    %add3A = arith.addf %dot_general3A_13, %mul3A_20 : vector<2000x128xf32>
    %get3A_21 = arith.constant 2 : index
    %get3A_22 = arith.constant 0 : index
    %get3A_23 = arith.constant 0 : index
    %get3A_24 = vector.load %arg6[%get3A_21, %get3A_22, %get3A_23] : memref<4x128x128xf32, #tpu.memory_space<vmem>>, vector<1x128x128xf32>
    %get3A_25 = vector.shape_cast %get3A_24 : vector<1x128x128xf32> to vector<128x128xf32>
    %dot_general3A_26 = arith.constant dense<0.000000e+00> : vector<2000x128xf32>
    %dot_general3A_27 = tpu.matmul %add3A, %get3A_25, %dot_general3A_26 {dimension_numbers = #tpu.dot_dimension_numbers<[1], [1], [0], [0], [0, 0, 1, 0], [], []>, transpose_lhs_hint = false} : vector<2000x128xf32>, vector<128x128xf32>, vector<2000x128xf32> -> vector<2000x128xf32>
    %get3A_28 = arith.constant 2 : index
    %get3A_29 = arith.constant 0 : index
    %get3A_30 = arith.constant 0 : index
    %get3A_31 = vector.load %arg7[%get3A_28, %get3A_29, %get3A_30] : memref<4x1x128xf32, #tpu.memory_space<vmem>>, vector<1x1x128xf32>
    %get3A_32 = vector.shape_cast %get3A_31 : vector<1x1x128xf32> to vector<1x128xf32>
    %add3A_33 = vector.broadcast %get3A_32 : vector<1x128xf32> to vector<2000x128xf32>
    %add3A_34 = arith.addf %dot_general3A_27, %add3A_33 : vector<2000x128xf32>
    %max3A = arith.constant 0.000000e+00 : f32
    %max3A_35 = vector.broadcast %max3A : f32 to vector<2000x128xf32>
    %max3A_36 = arith.maximumf %add3A_34, %max3A_35 : vector<2000x128xf32>
    %get3A_37 = arith.constant 2 : index
    %get3A_38 = arith.constant 0 : index
    %get3A_39 = arith.constant 0 : index
    %get3A_40 = vector.load %arg8[%get3A_37, %get3A_38, %get3A_39] : memref<4x128x128xf32, #tpu.memory_space<vmem>>, vector<1x128x128xf32>
    %get3A_41 = vector.shape_cast %get3A_40 : vector<1x128x128xf32> to vector<128x128xf32>
    %dot_general3A_42 = arith.constant dense<0.000000e+00> : vector<2000x128xf32>
    %dot_general3A_43 = tpu.matmul %max3A_36, %get3A_41, %dot_general3A_42 {dimension_numbers = #tpu.dot_dimension_numbers<[1], [1], [0], [0], [0, 0, 1, 0], [], []>, transpose_lhs_hint = false} : vector<2000x128xf32>, vector<128x128xf32>, vector<2000x128xf32> -> vector<2000x128xf32>
    %get3A_44 = arith.constant 2 : index
    %get3A_45 = arith.constant 0 : index
    %get3A_46 = arith.constant 0 : index
    %get3A_47 = vector.load %arg9[%get3A_44, %get3A_45, %get3A_46] : memref<4x1x128xf32, #tpu.memory_space<vmem>>, vector<1x1x128xf32>
    %get3A_48 = vector.shape_cast %get3A_47 : vector<1x1x128xf32> to vector<1x128xf32>
    %add3A_49 = vector.broadcast %get3A_48 : vector<1x128xf32> to vector<2000x128xf32>
    %add3A_50 = arith.addf %dot_general3A_43, %add3A_49 : vector<2000x128xf32>
    %get3A_51 = arith.constant 2 : index
    %get3A_52 = arith.constant 0 : index
    %get3A_53 = arith.constant 0 : index
    %get3A_54 = vector.load %arg10[%get3A_51, %get3A_52, %get3A_53] : memref<4x128x128xf32, #tpu.memory_space<vmem>>, vector<1x128x128xf32>
    %get3A_55 = vector.shape_cast %get3A_54 : vector<1x128x128xf32> to vector<128x128xf32>
    %dot_general3A_56 = arith.constant dense<0.000000e+00> : vector<2000x128xf32>
    %dot_general3A_57 = tpu.matmul %add3A_50, %get3A_55, %dot_general3A_56 {dimension_numbers = #tpu.dot_dimension_numbers<[1], [1], [0], [0], [0, 0, 1, 0], [], []>, transpose_lhs_hint = false} : vector<2000x128xf32>, vector<128x128xf32>, vector<2000x128xf32> -> vector<2000x128xf32>
    %add3A_58 = arith.addf %get3A_1, %dot_general3A_57 : vector<2000x128xf32>
    %swap3A = arith.constant 0 : index
    %swap3A_59 = arith.constant 0 : index
    %swap3A_60 = vector.load %arg11[%swap3A, %swap3A_59] : memref<2000x128xf32, #tpu.memory_space<vmem>>, vector<2000x128xf32>
    tpu.vector_store %arg11[%swap3A, %swap3A_59], %add3A_58 {strides = array<i32>} : memref<2000x128xf32, #tpu.memory_space<vmem>>, vector<2000x128xf32>,
    return
  }
  func.func @transform_0(%arg0: i32) -> (i32, i32) {
    %c0_i32 = arith.constant 0 : i32
    %c0_i32_0 = arith.constant 0 : i32
    return %arg0, %c0_i32 : i32, i32
  }
  func.func @transform_1(%arg0: i32) -> (i32, i32) {
    %c0_i32 = arith.constant 0 : i32
    %c0_i32_0 = arith.constant 0 : i32
    return %arg0, %c0_i32 : i32, i32
  }
  func.func @transform_2(%arg0: i32) -> (i32, i32) {
    %c0_i32 = arith.constant 0 : i32
    %c0_i32_0 = arith.constant 0 : i32
    return %arg0, %c0_i32 : i32, i32
  }
  func.func @transform_3(%arg0: i32) -> (i32, i32, i32) {
    %c0_i32 = arith.constant 0 : i32
    %c0_i32_0 = arith.constant 0 : i32
    %c0_i32_1 = arith.constant 0 : i32
    %c0_i32_2 = arith.constant 0 : i32
    return %c0_i32, %c0_i32_0, %c0_i32_1 : i32, i32, i32
  }
  func.func @transform_4(%arg0: i32) -> (i32, i32, i32) {
    %c0_i32 = arith.constant 0 : i32
    %c0_i32_0 = arith.constant 0 : i32
    %c0_i32_1 = arith.constant 0 : i32
    %c0_i32_2 = arith.constant 0 : i32
    return %c0_i32, %c0_i32_0, %c0_i32_1 : i32, i32, i32
  }
  func.func @transform_5(%arg0: i32) -> (i32, i32, i32) {
    %c0_i32 = arith.constant 0 : i32
    %c0_i32_0 = arith.constant 0 : i32
    %c0_i32_1 = arith.constant 0 : i32
    %c0_i32_2 = arith.constant 0 : i32
    return %c0_i32, %c0_i32_0, %c0_i32_1 : i32, i32, i32
  }
  func.func @transform_6(%arg0: i32) -> (i32, i32, i32) {
    %c0_i32 = arith.constant 0 : i32
    %c0_i32_0 = arith.constant 0 : i32
    %c0_i32_1 = arith.constant 0 : i32
    %c0_i32_2 = arith.constant 0 : i32
    return %c0_i32, %c0_i32_0, %c0_i32_1 : i32, i32, i32
  }
  func.func @transform_7(%arg0: i32) -> (i32, i32, i32) {
    %c0_i32 = arith.constant 0 : i32
    %c0_i32_0 = arith.constant 0 : i32
    %c0_i32_1 = arith.constant 0 : i32
    %c0_i32_2 = arith.constant 0 : i32
    return %c0_i32, %c0_i32_0, %c0_i32_1 : i32, i32, i32
  }
  func.func @transform_8(%arg0: i32) -> (i32, i32, i32) {
    %c0_i32 = arith.constant 0 : i32
    %c0_i32_0 = arith.constant 0 : i32
    %c0_i32_1 = arith.constant 0 : i32
    %c0_i32_2 = arith.constant 0 : i32
    return %c0_i32, %c0_i32_0, %c0_i32_1 : i32, i32, i32
  }
  func.func @transform_9(%arg0: i32) -> (i32, i32, i32) {
    %c0_i32 = arith.constant 0 : i32
    %c0_i32_0 = arith.constant 0 : i32
    %c0_i32_1 = arith.constant 0 : i32
    %c0_i32_2 = arith.constant 0 : i32
    return %c0_i32, %c0_i32_0, %c0_i32_1 : i32, i32, i32
  }
  func.func @transform_10(%arg0: i32) -> (i32, i32) {
    %c0_i32 = arith.constant 0 : i32
    %c0_i32_0 = arith.constant 0 : i32
    return %arg0, %c0_i32 : i32, i32
  }
}

module attributes {stable_mosaic.version = 14 : i64} {
  func.func @_main3_body(%arg0: i32, %arg1: memref<2000x128xf32, #tpu.memory_space<vmem>>, %arg2: memref<2000x128xf32, #tpu.memory_space<vmem>>, %arg3: memref<2000x128xf32, #tpu.memory_space<vmem>>, %arg4: memref<2000x16xf32, #tpu.memory_space<vmem>>, %arg5: memref<2000x16xf32, #tpu.memory_space<vmem>>, %arg6: memref<2000x1xf32, #tpu.memory_space<vmem>>, %arg7: memref<4x128x128xf32, #tpu.memory_space<vmem>>, %arg8: memref<4x1x128xf32, #tpu.memory_space<vmem>>, %arg9: memref<4x128x128xf32, #tpu.memory_space<vmem>>, %arg10: memref<4x1x128xf32, #tpu.memory_space<vmem>>, %arg11: memref<4x128x128xf32, #tpu.memory_space<vmem>>, %arg12: memref<4x1x128xf32, #tpu.memory_space<vmem>>, %arg13: memref<4x128x128xf32, #tpu.memory_space<vmem>>, %arg14: memref<2000x128xf32, #tpu.memory_space<vmem>>) attributes {dimension_semantics = [#tpu.dimension_semantics<arbitrary>], iteration_bounds = array<i64: 5>, scalar_prefetch = 0 : i64, scratch_operands = 0 : i64, tpu.core_type = #tpu.core_type<tc>, window_params = [{transform_indices = @transform_0, window_bounds = array<i64: 2000, 128>}, {transform_indices = @transform_1, window_bounds = array<i64: 2000, 128>}, {transform_indices = @transform_2, window_bounds = array<i64: 2000, 128>}, {transform_indices = @transform_3, window_bounds = array<i64: 2000, 16>}, {transform_indices = @transform_4, window_bounds = array<i64: 2000, 16>}, {transform_indices = @transform_5, window_bounds = array<i64: 2000, 1>}, {pipeline_mode = #tpu.pipeline_mode<synchronous>, transform_indices = @transform_6, window_bounds = array<i64: 4, 128, 128>}, {pipeline_mode = #tpu.pipeline_mode<synchronous>, transform_indices = @transform_7, window_bounds = array<i64: 4, 1, 128>}, {pipeline_mode = #tpu.pipeline_mode<synchronous>, transform_indices = @transform_8, window_bounds = array<i64: 4, 128, 128>}, {pipeline_mode = #tpu.pipeline_mode<synchronous>, transform_indices = @transform_9, window_bounds = array<i64: 4, 1, 128>}, {pipeline_mode = #tpu.pipeline_mode<synchronous>, transform_indices = @transform_10, window_bounds = array<i64: 4, 128, 128>}, {pipeline_mode = #tpu.pipeline_mode<synchronous>, transform_indices = @transform_11, window_bounds = array<i64: 4, 1, 128>}, {pipeline_mode = #tpu.pipeline_mode<synchronous>, transform_indices = @transform_12, window_bounds = array<i64: 4, 128, 128>}, {transform_indices = @transform_13, window_bounds = array<i64: 2000, 128>}]} {
    %get3A = arith.constant 0 : index
    %get3A_0 = arith.constant 0 : index
    %get3A_1 = vector.load %arg6[%get3A, %get3A_0] : memref<2000x1xf32, #tpu.memory_space<vmem>>, vector<2000x1xf32>
    %get3A_2 = arith.constant 0 : index
    %get3A_3 = arith.constant 0 : index
    %get3A_4 = vector.load %arg2[%get3A_2, %get3A_3] : memref<2000x128xf32, #tpu.memory_space<vmem>>, vector<2000x128xf32>
    %get3A_5 = arith.constant 0 : index
    %get3A_6 = arith.constant 0 : index
    %get3A_7 = vector.load %arg3[%get3A_5, %get3A_6] : memref<2000x128xf32, #tpu.memory_space<vmem>>, vector<2000x128xf32>
    %add3A = arith.addf %get3A_4, %get3A_7 : vector<2000x128xf32>
    %mul3A = vector.broadcast %get3A_1 : vector<2000x1xf32> to vector<2000x128xf32>
    %mul3A_8 = arith.mulf %add3A, %mul3A : vector<2000x128xf32>
    %get3A_9 = arith.constant 0 : index
    %get3A_10 = arith.constant 0 : index
    %get3A_11 = vector.load %arg4[%get3A_9, %get3A_10] : memref<2000x16xf32, #tpu.memory_space<vmem>>, vector<2000x1xf32>
    %get3A_12 = arith.constant 0 : index
    %get3A_13 = arith.constant 0 : index
    %get3A_14 = vector.load %arg5[%get3A_12, %get3A_13] : memref<2000x16xf32, #tpu.memory_space<vmem>>, vector<2000x1xf32>
    %add3A_15 = arith.addf %get3A_11, %get3A_14 : vector<2000x1xf32>
    %mul3A_16 = arith.mulf %add3A_15, %get3A_1 : vector<2000x1xf32>
    %get3A_17 = arith.constant 0 : index
    %get3A_18 = arith.constant 0 : index
    %get3A_19 = vector.load %arg1[%get3A_17, %get3A_18] : memref<2000x128xf32, #tpu.memory_space<vmem>>, vector<2000x128xf32>
    %get3A_20 = arith.constant 3 : index
    %get3A_21 = arith.constant 0 : index
    %get3A_22 = arith.constant 0 : index
    %get3A_23 = vector.load %arg7[%get3A_20, %get3A_21, %get3A_22] : memref<4x128x128xf32, #tpu.memory_space<vmem>>, vector<1x128x128xf32>
    %get3A_24 = vector.shape_cast %get3A_23 : vector<1x128x128xf32> to vector<128x128xf32>
    %dot_general3A = arith.constant dense<0.000000e+00> : vector<2000x128xf32>
    %dot_general3A_25 = tpu.matmul %mul3A_8, %get3A_24, %dot_general3A {dimension_numbers = #tpu.dot_dimension_numbers<[1], [1], [0], [0], [0, 0, 1, 0], [], []>, transpose_lhs_hint = false} : vector<2000x128xf32>, vector<128x128xf32>, vector<2000x128xf32> -> vector<2000x128xf32>
    %get3A_26 = arith.constant 3 : index
    %get3A_27 = arith.constant 0 : index
    %get3A_28 = arith.constant 0 : index
    %get3A_29 = vector.load %arg8[%get3A_26, %get3A_27, %get3A_28] : memref<4x1x128xf32, #tpu.memory_space<vmem>>, vector<1x1x128xf32>
    %get3A_30 = vector.shape_cast %get3A_29 : vector<1x1x128xf32> to vector<1x128xf32>
    %mul3A_31 = vector.broadcast %mul3A_16 : vector<2000x1xf32> to vector<2000x128xf32>
    %mul3A_32 = vector.broadcast %get3A_30 : vector<1x128xf32> to vector<2000x128xf32>
    %mul3A_33 = arith.mulf %mul3A_31, %mul3A_32 : vector<2000x128xf32>
    %add3A_34 = arith.addf %dot_general3A_25, %mul3A_33 : vector<2000x128xf32>
    %get3A_35 = arith.constant 3 : index
    %get3A_36 = arith.constant 0 : index
    %get3A_37 = arith.constant 0 : index
    %get3A_38 = vector.load %arg9[%get3A_35, %get3A_36, %get3A_37] : memref<4x128x128xf32, #tpu.memory_space<vmem>>, vector<1x128x128xf32>
    %get3A_39 = vector.shape_cast %get3A_38 : vector<1x128x128xf32> to vector<128x128xf32>
    %dot_general3A_40 = arith.constant dense<0.000000e+00> : vector<2000x128xf32>
    %dot_general3A_41 = tpu.matmul %add3A_34, %get3A_39, %dot_general3A_40 {dimension_numbers = #tpu.dot_dimension_numbers<[1], [1], [0], [0], [0, 0, 1, 0], [], []>, transpose_lhs_hint = false} : vector<2000x128xf32>, vector<128x128xf32>, vector<2000x128xf32> -> vector<2000x128xf32>
    %get3A_42 = arith.constant 3 : index
    %get3A_43 = arith.constant 0 : index
    %get3A_44 = arith.constant 0 : index
    %get3A_45 = vector.load %arg10[%get3A_42, %get3A_43, %get3A_44] : memref<4x1x128xf32, #tpu.memory_space<vmem>>, vector<1x1x128xf32>
    %get3A_46 = vector.shape_cast %get3A_45 : vector<1x1x128xf32> to vector<1x128xf32>
    %add3A_47 = vector.broadcast %get3A_46 : vector<1x128xf32> to vector<2000x128xf32>
    %add3A_48 = arith.addf %dot_general3A_41, %add3A_47 : vector<2000x128xf32>
    %max3A = arith.constant 0.000000e+00 : f32
    %max3A_49 = vector.broadcast %max3A : f32 to vector<2000x128xf32>
    %max3A_50 = arith.maximumf %add3A_48, %max3A_49 : vector<2000x128xf32>
    %get3A_51 = arith.constant 3 : index
    %get3A_52 = arith.constant 0 : index
    %get3A_53 = arith.constant 0 : index
    %get3A_54 = vector.load %arg11[%get3A_51, %get3A_52, %get3A_53] : memref<4x128x128xf32, #tpu.memory_space<vmem>>, vector<1x128x128xf32>
    %get3A_55 = vector.shape_cast %get3A_54 : vector<1x128x128xf32> to vector<128x128xf32>
    %dot_general3A_56 = arith.constant dense<0.000000e+00> : vector<2000x128xf32>
    %dot_general3A_57 = tpu.matmul %max3A_50, %get3A_55, %dot_general3A_56 {dimension_numbers = #tpu.dot_dimension_numbers<[1], [1], [0], [0], [0, 0, 1, 0], [], []>, transpose_lhs_hint = false} : vector<2000x128xf32>, vector<128x128xf32>, vector<2000x128xf32> -> vector<2000x128xf32>
    %get3A_58 = arith.constant 3 : index
    %get3A_59 = arith.constant 0 : index
    %get3A_60 = arith.constant 0 : index
    %get3A_61 = vector.load %arg12[%get3A_58, %get3A_59, %get3A_60] : memref<4x1x128xf32, #tpu.memory_space<vmem>>, vector<1x1x128xf32>
    %get3A_62 = vector.shape_cast %get3A_61 : vector<1x1x128xf32> to vector<1x128xf32>
    %add3A_63 = vector.broadcast %get3A_62 : vector<1x128xf32> to vector<2000x128xf32>
    %add3A_64 = arith.addf %dot_general3A_57, %add3A_63 : vector<2000x128xf32>
    %get3A_65 = arith.constant 3 : index
    %get3A_66 = arith.constant 0 : index
    %get3A_67 = arith.constant 0 : index
    %get3A_68 = vector.load %arg13[%get3A_65, %get3A_66, %get3A_67] : memref<4x128x128xf32, #tpu.memory_space<vmem>>, vector<1x128x128xf32>
    %get3A_69 = vector.shape_cast %get3A_68 : vector<1x128x128xf32> to vector<128x128xf32>
    %dot_general3A_70 = arith.constant dense<0.000000e+00> : vector<2000x128xf32>
    %dot_general3A_71 = tpu.matmul %add3A_64, %get3A_69, %dot_general3A_70 {dimension_numbers = #tpu.dot_dimension_numbers<[1], [1], [0], [0], [0, 0, 1, 0], [], []>, transpose_lhs_hint = false} : vector<2000x128xf32>, vector<128x128xf32>, vector<2000x128xf32> -> vector<2000x128xf32>
    %add3A_72 = arith.addf %get3A_19, %dot_general3A_71 : vector<2000x128xf32>
    %swap3A = arith.constant 0 : index
    %swap3A_73 = arith.constant 0 : index
    %swap3A_74 = vector.load %arg14[%swap3A, %swap3A_73] : memref<2000x128xf32, #tpu.memory_space<vmem>>, vector<2000x128xf32>
    tpu.vector_store %arg14[%swap3A, %swap3A_73], %add3A_72 {strides = array<i32>} : memref<2000x128xf32, #tpu.memory_space<vmem>>, vector<2000x128xf32>,
    return
  }
  func.func @transform_0(%arg0: i32) -> (i32, i32) {
    %c0_i32 = arith.constant 0 : i32
    %c0_i32_0 = arith.constant 0 : i32
    return %arg0, %c0_i32 : i32, i32
  }
  func.func @transform_1(%arg0: i32) -> (i32, i32) {
    %c0_i32 = arith.constant 0 : i32
    %c0_i32_0 = arith.constant 0 : i32
    return %arg0, %c0_i32 : i32, i32
  }
  func.func @transform_2(%arg0: i32) -> (i32, i32) {
    %add3A = arith.constant 5 : i32
    %add3A_0 = arith.addi %add3A, %arg0 : i32
    %c0_i32 = arith.constant 0 : i32
    %c0_i32_1 = arith.constant 0 : i32
    return %add3A_0, %c0_i32 : i32, i32
  }
  func.func @transform_3(%arg0: i32) -> (i32, i32) {
    %c0_i32 = arith.constant 0 : i32
    %c0_i32_0 = arith.constant 0 : i32
    return %arg0, %c0_i32 : i32, i32
  }
  func.func @transform_4(%arg0: i32) -> (i32, i32) {
    %add3A = arith.constant 5 : i32
    %add3A_0 = arith.addi %add3A, %arg0 : i32
    %c0_i32 = arith.constant 0 : i32
    %c0_i32_1 = arith.constant 0 : i32
    return %add3A_0, %c0_i32 : i32, i32
  }
  func.func @transform_5(%arg0: i32) -> (i32, i32) {
    %c0_i32 = arith.constant 0 : i32
    %c0_i32_0 = arith.constant 0 : i32
    return %arg0, %c0_i32 : i32, i32
  }
  func.func @transform_6(%arg0: i32) -> (i32, i32, i32) {
    %c0_i32 = arith.constant 0 : i32
    %c0_i32_0 = arith.constant 0 : i32
    %c0_i32_1 = arith.constant 0 : i32
    %c0_i32_2 = arith.constant 0 : i32
    return %c0_i32, %c0_i32_0, %c0_i32_1 : i32, i32, i32
  }
  func.func @transform_7(%arg0: i32) -> (i32, i32, i32) {
    %c0_i32 = arith.constant 0 : i32
    %c0_i32_0 = arith.constant 0 : i32
    %c0_i32_1 = arith.constant 0 : i32
    %c0_i32_2 = arith.constant 0 : i32
    return %c0_i32, %c0_i32_0, %c0_i32_1 : i32, i32, i32
  }
  func.func @transform_8(%arg0: i32) -> (i32, i32, i32) {
    %c0_i32 = arith.constant 0 : i32
    %c0_i32_0 = arith.constant 0 : i32
    %c0_i32_1 = arith.constant 0 : i32
    %c0_i32_2 = arith.constant 0 : i32
    return %c0_i32, %c0_i32_0, %c0_i32_1 : i32, i32, i32
  }
  func.func @transform_9(%arg0: i32) -> (i32, i32, i32) {
    %c0_i32 = arith.constant 0 : i32
    %c0_i32_0 = arith.constant 0 : i32
    %c0_i32_1 = arith.constant 0 : i32
    %c0_i32_2 = arith.constant 0 : i32
    return %c0_i32, %c0_i32_0, %c0_i32_1 : i32, i32, i32
  }
  func.func @transform_10(%arg0: i32) -> (i32, i32, i32) {
    %c0_i32 = arith.constant 0 : i32
    %c0_i32_0 = arith.constant 0 : i32
    %c0_i32_1 = arith.constant 0 : i32
    %c0_i32_2 = arith.constant 0 : i32
    return %c0_i32, %c0_i32_0, %c0_i32_1 : i32, i32, i32
  }
  func.func @transform_11(%arg0: i32) -> (i32, i32, i32) {
    %c0_i32 = arith.constant 0 : i32
    %c0_i32_0 = arith.constant 0 : i32
    %c0_i32_1 = arith.constant 0 : i32
    %c0_i32_2 = arith.constant 0 : i32
    return %c0_i32, %c0_i32_0, %c0_i32_1 : i32, i32, i32
  }
  func.func @transform_12(%arg0: i32) -> (i32, i32, i32) {
    %c0_i32 = arith.constant 0 : i32
    %c0_i32_0 = arith.constant 0 : i32
    %c0_i32_1 = arith.constant 0 : i32
    %c0_i32_2 = arith.constant 0 : i32
    return %c0_i32, %c0_i32_0, %c0_i32_1 : i32, i32, i32
  }
  func.func @transform_13(%arg0: i32) -> (i32, i32) {
    %c0_i32 = arith.constant 0 : i32
    %c0_i32_0 = arith.constant 0 : i32
    return %arg0, %c0_i32 : i32, i32
  }
}

</mosaic_0001>

<sc_bundles>
// kernel: kernel.10.cloned.1.call-start
scs
__scs_entry_jumppad:
0x0: {  	(pc) =	sbr.rel $0x88, $3  }
0x1: {  	(tag) =	ssettag $0x0;
	lr =	simm.s32 $0x1  }
0x2: {  	[smem:$0x3F95] =	sst lr;
	_ =	strace $0xD0000000  }
0x3: {  	_ = 	snop  }
0x4: {  	_ = 	snop  }
0x5: {  	_ = 	snop  }
0x6: {  	_ = 	snop  }
0x7: {  	_ = 	snop  }
__scs_overlays_trampoline_lowered:
0x8: {  	[smem:$0x3FA4] =	sst s0  }
0x9: {  	[smem:$0x3FA5] =	sst s1  }
0xa: {  	[smem:$0x3FA6] =	sst s2  }
0xb: {  	[smem:$0x3FA7] =	sst s3  }
0xc: {  	[smem:$0x3FA8] =	sst s4  }
0xd: {  	[smem:$0x3FA9] =	sst s5  }
0xe: {  	[smem:$0x3FAA] =	sst s6  }
0xf: {  	[smem:$0x3FAB] =	sst s7  }
0x10: {  	[smem:$0x3FAC] =	sst s8  }
0x11: {  	[smem:$0x3FAD] =	sst s9;
	s0 =	simm.s32 @!p0 $0x0  }
0x12: {  	s1 =	sld [smem:$0x3F93];
	s0 =	simm.s32 @p0 $0x1  }
0x13: {  	[smem:$0x3FAE] =	sst s0;
	s0 =	simm.s32 @!p1 $0x0  }
0x14: {  	s2 =	sld [smem:$0x3F92];
	s0 =	simm.s32 @p1 $0x1  }
0x15: {  	[smem:$0x3FAF] =	sst s0;
	s0 =	simm.s32 @!p2 $0x0  }
0x16: {  	s3 =	sld [smem:$0x3FDB];
	s0 =	simm.s32 @p2 $0x1  }
0x17: {  	s4 =	simm.s32 $0x1BF5;
	[smem:$0x3FB1] =	sst s0  }
0x18: {  	s0 =	sld [smem:$0x3F94];
	_ =	swait.ge [sflag:s4], $0x0  }
0x19: {  	s7 =	sld [smem:$0x3F95]  }
0x1a: {  	s8 =	sadd.s32 $0xFFFFE003, lr  }
0x1b: {  	s9 =	sadd.s32 $0xFFFFFEF7, lr;
	s5 =	simm.s32 $0xFFFFFFFF;
	p2 =	slt.u32 s8, $0xFFFFF086  }
0x1c: {  	p1 =	slt.u32 s9, $0xF7A;
	s5 =	simm.s32 @!p2 $0x0  }
0x1d: {  	s5 =	simm.s32 @p1 $0x1;
	p0 =	seq.s32 s7, s2  }
0x1e: {  	s7 =	smul.u32 @!p0 $0xF7A, s2;
	p2 =	seq.s32 @!p0 s5, $0x0  }
0x1f: {  	s9 =	smul.u32 $0xF7A, s1;
	s8 =	simm.s32 @!p0 $0x1BF5;
	p2 =	por !p2, p0  }
0x20: {  	[sflag:s8] =	ssyncset.s32 @!p0 $0xFFFFF086;
	s6 =	sadd.s32 @!p0 s3, s7;
	s7 =	simm.s32 @!p0 $0x108  }
0x21: {  	s3 =	sadd.s32 s3, s9;
	s6 =	sadd.s32 @!p0 $0x88, s6;
	s7 =	simm.s32 @p2 $0x1082  }
0x22: {  	[simem:s7], [sflag:s8] =	dma.local @!p0 [hbm:s6], $0xF7A  }
0x23: {  	s9 =	sor.u32 $0xD0000000, s2;
	s6 =	simm.s32 $0x108;
	_ =	swait.ge @!p0 [sflag:s8], $0x0  }
0x24: {  	s3 =	sadd.s32 $0x88, s3;
	s6 =	simm.s32 @!p1 $0x1082;
	[sflag:s4] =	ssyncset.s32 $0xFFFFF086  }
0x25: {  	[simem:s6], [sflag:s4] =	dma.local [hbm:s3], $0xF7A  }
0x26: {  	[smem:$0x3F95] =	sst s1;
	(tag) =	ssettag s2;
	_ =	strace s9  }
0x27: {  	s1 =	sld [smem:$0x3FA5]  }
0x28: {  	s2 =	sld [smem:$0x3FA6]  }
0x29: {  	s4 =	sld [smem:$0x3FA8]  }
0x2a: {  	p0 =	seq.s32 s5, $0x0;
	s5 =	sld [smem:$0x3FA9]  }
0x2b: {  	s6 =	sld [smem:$0x3FAA]  }
0x2c: {  	s7 =	sld [smem:$0x3FAB]  }
0x2d: {  	s3 =	simm.s32 $0x108;
	s8 =	sld [smem:$0x3FAC]  }
0x2e: {  	s3 =	simm.s32 @!p0 $0x1082;
	s9 =	sld [smem:$0x3FAD]  }
0x2f: {  	lr =	sadd.s32 s0, s3;
	s0 =	sld [smem:$0x3FA4]  }
0x30: {  	s3 =	sld [smem:$0x3FA7]  }
0x31: {  	[smem:$0x3FB0] =	sst s10  }
0x32: {  	s10 =	sld [smem:$0x3FAE];
	_ =	sdelay $0x3  }
0x33: {  	p0 =	seq.s32 s10, $0x1;
	s10 =	sld [smem:$0x3FB0];
	_ =	sdelay $0x3  }
0x34: {  	[smem:$0x3FB0] =	sst s10  }
0x35: {  	s10 =	sld [smem:$0x3FAF];
	_ =	sdelay $0x3  }
0x36: {  	p1 =	seq.s32 s10, $0x1;
	s10 =	sld [smem:$0x3FB0];
	_ =	sdelay $0x3  }
0x37: {  	[smem:$0x3FB0] =	sst s10  }
0x38: {  	s10 =	sld [smem:$0x3FB1]  }
0x39: {  	_ = 	snop;
	(pc) =	sbr.ind lr, $3  }
0x3a: {  	_ = 	snop  }
0x3b: {  	_ = 	snop  }
0x3c: {  	p2 =	seq.s32 s10, $0x1;
	s10 =	sld [smem:$0x3FB0]  }
0x3d: {  	_ =	shalt  }
0x3e: {  	_ =	shalt  }
0x3f: {  	_ =	shalt  }
0x40: {  	_ =	shalt  }
0x41: {  	_ =	shalt  }
0x42: {  	_ =	shalt  }
0x43: {  	_ =	shalt  }
0x44: {  	_ =	shalt  }
0x45: {  	_ =	shalt  }
0x46: {  	_ =	shalt  }
0x47: {  	_ =	shalt  }
0x48: {  	_ =	shalt  }
0x49: {  	_ =	shalt  }
0x4a: {  	_ =	shalt  }
0x4b: {  	_ =	shalt  }
0x4c: {  	_ =	shalt  }
0x4d: {  	_ =	shalt  }
0x4e: {  	_ =	shalt  }
0x4f: {  	_ =	shalt  }
0x50: {  	_ =	shalt  }
0x51: {  	_ =	shalt  }
0x52: {  	_ =	shalt  }
0x53: {  	_ =	shalt  }
0x54: {  	_ =	shalt  }
0x55: {  	_ =	shalt  }
0x56: {  	_ =	shalt  }
0x57: {  	_ =	shalt  }
0x58: {  	_ =	shalt  }
0x59: {  	_ =	shalt  }
0x5a: {  	_ =	shalt  }
0x5b: {  	_ =	shalt  }
0x5c: {  	_ =	shalt  }
0x5d: {  	_ =	shalt  }
0x5e: {  	_ =	shalt  }
0x5f: {  	_ =	shalt  }
0x60: {  	_ =	shalt  }
0x61: {  	_ =	shalt  }
0x62: {  	_ =	shalt  }
0x63: {  	_ =	shalt  }
0x64: {  	_ =	shalt  }
0x65: {  	_ =	shalt  }
0x66: {  	_ =	shalt  }
0x67: {  	_ =	shalt  }
0x68: {  	_ =	shalt  }
0x69: {  	_ =	shalt  }
0x6a: {  	_ =	shalt  }
0x6b: {  	_ =	shalt  }
0x6c: {  	_ =	shalt  }
0x6d: {  	_ =	shalt  }
0x6e: {  	_ =	shalt  }
0x6f: {  	_ =	shalt  }
0x70: {  	_ =	shalt  }
0x71: {  	_ =	shalt  }
0x72: {  	_ =	shalt  }
0x73: {  	_ =	shalt  }
0x74: {  	_ =	shalt  }
0x75: {  	_ =	shalt  }
0x76: {  	_ =	shalt  }
0x77: {  	_ =	shalt  }
0x78: {  	_ =	shalt  }
0x79: {  	_ =	shalt  }
0x7a: {  	_ =	shalt  }
0x7b: {  	_ =	shalt  }
0x7c: {  	_ =	shalt  }
0x7d: {  	_ =	shalt  }
0x7e: {  	_ =	shalt  }
0x7f: {  	_ =	shalt  }
0x80: {  	_ =	shalt  }
0x81: {  	_ =	shalt  }
0x82: {  	_ =	shalt  }
0x83: {  	_ =	shalt  }
0x84: {  	_ =	shalt  }
0x85: {  	_ =	shalt  }
0x86: {  	_ =	shalt  }
0x87: {  	_ =	shalt  }
.Lfunc_end0:
.L_simem_size_0:
called_computation_lowered:
.L_overlay_start_0:
0x88: {  	s2 =	sld [smem:$0x3FD9]  }
0x89: {  	s3 =	sld [smem:$0x3FFE];
	_ =	sdelay $0x1  }
0x8a: {  	s1 =	srdreg.scid  }
0x8b: {  	s0 =	sand.u32 $0x1, s1  }
0x8c: {  	s17 =	sshll.u32 s0, $0xA;
	s2 =	sadd.s32 s3, s2  }
0x8d: {  	s2 =	sadd.s32 s2, s17  }
0x8e: {  	[smem:$0x3FBC] =	sst s2  }
0x8f: {  	_ = 	snop  }
0x90: {  	s2 =	sld [smem:$0x3FC9]  }
0x91: {  	s18 =	sld [smem:$0x3FD0];
	(tm) =	ssettm $0x1  }
0x92: {  	s4 =	sld [smem:$0x3FFB];
	_ =	sdelay $0x3  }
0x93: {  	_ =	strace s4  }
0x94: {  	s4 =	sld [smem:$0x3FFC];
	_ =	sdelay $0x3  }
0x95: {  	_ =	strace s4  }
0x96: {  	s4 =	sld [smem:$0x3FFD];
	_ =	sdelay $0x3  }
0x97: {  	_ =	strace s4  }
0x98: {  	_ =	strace $0x8FFFFFFF  }
0x99: {  	s19 =	sld [smem:$0x3FDB];
	_ =	sdelay $0x1  }
0x9a: {  	s5 =	simm.s32 $_scs_section_size  }
0x9b: {  	s6 =	simm.s32 $_size__tile_overlayer_lowered;
	s7 =	simm.s32 $_tile_overlayer_lowered  }
0x9c: {  	s22 =	simm.s32 $0x1BFF;
	s21 =	sshll.u32 s7, $0x1;
	s4 =	sadd.s32 s5, s19  }
0x9d: {  	s8 =	simm.s32 $0x0;
	s20 =	sshll.u32 s6, $0x1;
	s6 =	sadd.s32 s21, s4  }
0x9e: {  	[timem:s8], [sflag:s22] =	dma.local [hbm:s6], s20  }
0x9f: {  	_ =	swait.ge [sflag:s22], s20  }
0xa0: {  	s5 =	ssub.s32 $0x0, s20;
	[sflag:s22] =	ssyncset.done $0x0  }
0xa1: {  	[sflag:s22] =	ssyncadd.s32 s5;
	_ =	sdelay $0x1  }
0xa2: {  	s23 =	simm.s32 $0x1B8B  }
0xa3: {  	_ =	swait.ge [sflag:s23], $0x1  }
0xa4: {  	[sflag:s23] =	ssyncset.done $0x0  }
0xa5: {  	s25 =	simm.s32 $0x1B8E;
	s24 =	sld [smem:$0x3FFE];
	[sflag:s23] =	ssyncadd.s32 $0xFFFFFFFF  }
0xa6: {  	s26 =	simm.s32 $execute0_lowered;
	[smem:$0x3FD2] =	sst s25  }
0xa7: {  	s6 =	sshll.u32 s26, $0x1;
	_ =	strace $0x80000046;
	[dreg:$0x1] =	wrdreg $0xFFFFFFFF  }
0xa8: {  	s28 =	simm.s32 $_size_execute0_lowered;
	s4 =	sadd.s32 s4, s6;
	[dreg:$0x0] =	wrdreg $0x0  }
0xa9: {  	s6 =	sshll.u32 s28, $0x1;
	[dreg:$0x2] =	wrdreg s4  }
0xaa: {  	[dreg:$0x3] =	wrdreg s6  }
0xab: {  	[dreg:$0x4] =	wrdreg $0xC0  }
0xac: {  	_ =	task [dreg:s8], $0x5FFFF  }
0xad: {  	[dreg:$0x1] =	wrdreg $0xFFFFFFFF  }
0xae: {  	[dreg:$0x0] =	wrdreg $0x60  }
0xaf: {  	[dreg:$0x2] =	wrdreg s2  }
0xb0: {  	[dreg:$0x3] =	wrdreg s24  }
0xb1: {  	[dreg:$0x4] =	wrdreg s18  }
0xb2: {  	[dreg:$0x5] =	wrdreg $0x90A00  }
0xb3: {  	[dreg:$0x6] =	wrdreg $0x1C9200  }
0xb4: {  	[dreg:$0x7] =	wrdreg $0x9  }
0xb5: {  	_ =	task.clear_ibuf [dreg:s8], $0x8FFFF;
	_ =	strace $0x90000046  }
0xb6: {  	s29 =	simm.s32 $0x9;
	_ =	strace $0x80000048  }
0xb7: {  	_ =	swait.ge [sflag:s29], $0x1  }
0xb8: {  	[sflag:s29] =	ssyncadd.s32 $0xFFFFFFFF  }
0xb9: {  	_ =	strace $0x90000048  }
0xba: {  	_ =	sfence  }
0xbb: {  	s30 =	sld [smem:$0x0];
	_ =	sdelay $0x2  }
0xbc: {  	s31 =	sshll.u32 s1, $0xD;
	s1 =	sshrl.u32 s1, $0x2  }
0xbd: {  	s3 =	sand.u32 $0x4000, s31;
	s1 =	sadd.s32 s1, s30  }
0xbe: {  	s0 =	sor.u32 s3, s0;
	s1 =	sshll.u32 s1, $0x11  }
0xbf: {  	s0 =	sor.u32 s1, s0  }
0xc0: {  	s0 =	sadd.s32 $0x8F2B, s0  }
0xc1: {  	[sflag:s0] =	ssyncadd.remote.s32 $0x1  }
0xc2: {  	_ =	sfence.sel $0xFFFF  }
0xc3: {  	[dreg:$0x0] =	wrdreg $0xFFFFFFFF;
	(pc) =	sbr.abs _section_cstart, $3  }
0xc4: {  	[dreg:$0x1] =	wrdreg $0xFFFFFFFF  }
0xc5: {  	_ =	task.clear_ibuf [dreg:s8], $0x2FFFF;
	_ =	strace $0x9FFFFFFF  }
0xc6: {  	(tm) =	ssettm $0x7FFFFFFF  }
0xc7: {  	_ =	shalt  }
tec
execute0_lowered:
.L_overlay_start_1:
0x0: {  	(tag) =	ssettag $0x1  }
0x1: {  	s1 =	rddreg [dreg:$0x0]  }
0x2: {  	s0 =	rddreg [dreg:$0x1]  }
0x3: {  	s2 =	rddreg [dreg:$0x2]  }
0x4: {  	s3 =	rddreg [dreg:$0x3]  }
0x5: {  	s4 =	rddreg [dreg:$0x4];
	s6 =	srdreg.scid  }
0x6: {  	s17 =	stileid.u32;
	s5 =	simm.s32 $0x0;
	s29 =	simm.s32 $0x400  }
0x7: {  	s30 =	simm.s32 $0x7;
	s31 =	simm.s32 $0x8100;
	s28 =	simm.s32 $0x380  }
0x8: {  	s7 =	sand.u32 $0x1, s6;
	s8 =	smul.u32 $0x271, s17;
	[smem:$0x7FF] =	sst s5  }
0x9: {  	s6 =	sadd.s32 $0x5A00, s0;
	s10 =	sadd.s32 $0xAA00, s0;
	s13 =	smul.u32 $0x4E200, s17  }
0xa: {  	s15 =	sshll.u32 s17, $0x1;
	s16 =	smul.u32 $0x9C40, s17;
	s12 =	ssub.s32 $0x2, s7  }
0xb: {  	s9 =	smul.u32 $0x2710, s7;
	_ =	strace $0x80000047;
	s14 =	sshrl.u32 s12, $0x1  }
0xc: {  	s13 =	sshrl.u32 s13, $0x2;
	s24 =	sshrl.u32 s16, $0x2;
	s25 =	sadd.s32 $0x7D, s8  }
0xd: {  	s18 =	sadd.s32 $0xFA, s8;
	s20 =	sadd.s32 $0x177, s8;
	s9 =	sadd.s32 s8, s9  }
0xe: {  	s13 =	sadd.s32 s13, s3;
	s26 =	sadd.s32 s24, s4;
	s16 =	sshll.u32 s25, $0x4  }
0xf: {  	s19 =	sshll.u32 s18, $0x7;
	s21 =	sshll.u32 s18, $0x4;
	s22 =	sshll.u32 s20, $0x7  }
0x10: {  	s24 =	smul.u32 $0xA000, s17;
	s8 =	sadd.s32 $0x1F4, s8;
	[dreg:$0x6] =	wrdreg s13  }
0x11: {  	s11 =	sshll.u32 s9, $0x4;
	[dreg:$0x7] =	wrdreg s26;
	s23 =	sadd.s32 s22, s3  }
0x12: {  	s26 =	sshll.u32 s8, $0x7;
	s8 =	sshll.u32 s8, $0x4;
	s18 =	sshll.u32 s9, $0x1  }
0x13: {  	s9 =	simm.s32 $0x300;
	s0 =	sadd.s32 s11, s0;
	s11 =	ssub.s32 s12, s14  }
0x14: {  	s12 =	sor.u32 s7, s15;
	s14 =	sshll.u32 s25, $0x7;
	[dreg:$0xc] =	wrdreg s23  }
0x15: {  	s25 =	sshll.u32 s20, $0x4;
	s7 =	smul.u32 $0x5000, s7;
	s8 =	sadd.s32 s8, s4  }
0x16: {  	s2 =	sadd.s32 s2, s18;
	s18 =	simm.s32 $0x3;
	[dreg:$0xf] =	wrdreg s8  }
0x17: {  	s13 =	sadd.s32 s14, s3;
	s14 =	sadd.s32 s25, s4;
	[dreg:$0x11] =	wrdreg s2  }
0x18: {  	s12 =	smul.u32 $0x5000, s12;
	s0 =	sadd.s32 $0x1EA00, s0;
	[dreg:$0x8] =	wrdreg s13  }
0x19: {  	s8 =	simm.s32 $0x0;
	s13 =	sadd.s32 s16, s4;
	[dreg:$0xd] =	wrdreg s14  }
0x1a: {  	s14 =	sadd.s32 s26, s3;
	s7 =	sadd.s32 s7, s24;
	[dreg:$0x13] =	wrdreg s0  }
0x1b: {  	s24 =	smax.u32 s11, $0x1;
	s0 =	simm.s32 $0x100;
	[dreg:$0x9] =	wrdreg s13  }
0x1c: {  	s11 =	simm.s32 $0x7D;
	s13 =	sadd.s32 s19, s3;
	[dreg:$0xe] =	wrdreg s14  }
0x1d: {  	s15 =	sshrl.u32 s12, $0x3;
	s16 =	sor.u32 $0x700, s7;
	s20 =	sor.u32 $0x600, s7  }
0x1e: {  	[dreg:$0x14] =	wrdreg s24;
	s12 =	simm.s32 $0x2;
	s14 =	simm.s32 $0x88D0  }
0x1f: {  	s24 =	simm.s32 $0x180;
	[dreg:$0xa] =	wrdreg s13;
	s13 =	sadd.s32 s21, s4  }
0x20: {  	s17 =	sadd.s32 s10, s15;
	s19 =	sshrl.u32 s16, $0x3;
	s2 =	sshrl.u32 s20, $0x3  }
0x21: {  	s21 =	sor.u32 $0x500, s7;
	s7 =	sor.u32 $0x400, s7;
	s15 =	simm.s32 $0x5  }
0x22: {  	s16 =	simm.s32 $0x80;
	[dreg:$0xb] =	wrdreg s13;
	s19 =	sadd.s32 s19, s10  }
0x23: {  	s20 =	sadd.s32 s2, s10;
	s22 =	sshrl.u32 s21, $0x3;
	s7 =	sshrl.u32 s7, $0x3  }
.Ltmp0:
0x24: {  	s23 =	sadd.s32 $0x20, s17;
	[dreg:$0x10] =	wrdreg s17;
	(pc) =	sbr.rel .LBB2_1-.Ltmp0, $4  }
0x25: {  	s25 =	sadd.s32 $0x40, s17;
	s26 =	sadd.s32 $0x60, s17;
	[dreg:$0x12] =	wrdreg s23  }
0x26: {  	s2 =	simm.s32 $0x200;
	s13 =	simm.s32 $0x4280;
	[dreg:$0x15] =	wrdreg s25  }
0x27: {  	s21 =	sadd.s32 s22, s10;
	s22 =	sadd.s32 s7, s10;
	[dreg:$0x16] =	wrdreg s26  }
0x28: {  	v0 =	vimm.f32 $0.0e+00;
	s23 =	simm.s32 $0x6;
	s25 =	simm.s32 $0x4;
	s26 =	simm.s32 $0x280  }
.LBB2_6:
0x29: {  	s7 =	stileid.u32;
	[bflag:$0x0] =	sbarrier.arrive $0xFFFF  }
0x2a: {  	s7 =	sshll.u32 s7, $0x6;
	s8 =	rddreg [dreg:$0x6]  }
0x2b: {  	s10 =	rddreg [dreg:$0x13];
	s7 =	sor.u32 $0x1C07, s7;
	s8 =	sshrl.u32 s8, $0x3  }
0x2c: {  	[hbm:s10], [sflag:s7] =	dma.local [spmem:s8], $0x2710  }
0x2d: {  	_ =	swait.ge [sflag:s30], $0x2710  }
0x2e: {  	[sflag:s30] =	ssyncset.done $0x0;
	s10 =	rddreg [dreg:$0x7]  }
0x2f: {  	s17 =	rddreg [dreg:$0x11];
	[sflag:s30] =	ssyncadd.s32 $0xFFFFD8F0;
	s8 =	sshrl.u32 s10, $0x3  }
0x30: {  	[hbm:s17], [sflag:s7] =	dma.local [spmem:s8], $0x4E2  }
0x31: {  	_ =	swait.ge [sflag:s30], $0x4E2  }
0x32: {  	s10 =	rddreg [dreg:$0x17]  }
0x33: {  	s17 =	rddreg [dreg:$0x14];
	s8 =	sadd.s32 $0x1, s10  }
0x34: {  	p0 =	sne.s32 s8, s17  }
.Ltmp1:
0x35: {  	_ = 	snop;
	(pc) =	sbr.rel @!p0 .LBB2_7-.Ltmp1, $3  }
0x36: {  	_ =	sdelay $0x1  }
0x37: {  	[sflag:s30] =	ssyncset.done $0x0  }
0x38: {  	[sflag:s30] =	ssyncadd.s32 $0xFFFFFB1E  }
.LBB2_1:
0x39: {  	s10 =	simm.s32 $0x440  }
0x3a: {  	[tilespmem:s10+$0xFFFFFFD0] =	vst v0  }
0x3b: {  	[tilespmem:s10+$0xFFFFFFE0] =	vst v0  }
0x3c: {  	[tilespmem:s10+$0xFFFFFFF0] =	vst v0  }
0x3d: {  	[tilespmem:s10+$0x0] =	vst v0  }
0x3e: {  	[tilespmem:s10+$0x10] =	vst v0  }
0x3f: {  	[tilespmem:s10+$0x20] =	vst v0  }
0x40: {  	[tilespmem:s10+$0x30] =	vst v0  }
0x41: {  	[dreg:$0x17] =	wrdreg s8;
	s8 =	simm.s32 $0x0;
	s7 =	simm.s32 $0x40;
	[tilespmem:s10+$0xFFFFFFC0] =	vst v0  }
.LBB2_2:
0x42: {  	p0 =	sne.s32 s7, $0x1F00;
	[tilespmem:s8+$0x8100] =	vst v0;
	s10 =	sadd.s32 $0x80, s10  }
0x43: {  	[tilespmem:s10+$0xFFFFFFD0] =	vst v0  }
0x44: {  	[tilespmem:s10+$0xFFFFFFE0] =	vst v0  }
0x45: {  	[tilespmem:s10+$0xFFFFFFF0] =	vst v0  }
.Ltmp2:
0x46: {  	[tilespmem:s10+$0x0] =	vst v0;
	(pc) =	sbr.rel @p0 .LBB2_2-.Ltmp2, $4  }
0x47: {  	[tilespmem:s10+$0x10] =	vst v0  }
0x48: {  	[tilespmem:s10+$0x20] =	vst v0  }
0x49: {  	[tilespmem:s10+$0x30] =	vst v0  }
0x4a: {  	s8 =	sshra.s32 s7, $0x2;
	s7 =	sadd.s32 $0x40, s7;
	[tilespmem:s10+$0xFFFFFFC0] =	vst v0  }
0x4b: {  	[tilespmem:s8+$0x8100] =	vst v0;
	s7 =	rddreg [dreg:$0x6]  }
0x4c: {  	[spmem:s7] =	stream.linear.scatter [tilespmem:s29], [sflag:$0x7], $0x3E80, $0x38;
	[tilespmem:$0x1F030] =	vst v63  }
0x4d: {  	_ =	swait.ge [sflag:s30], $0x3E80  }
0x4e: {  	[sflag:s30] =	ssyncset.done $0x0  }
0x4f: {  	s17 =	rddreg [dreg:$0x7];
	[sflag:s30] =	ssyncadd.s32 $0xFFFFC180  }
0x50: {  	[spmem:s17] =	stream.linear.scatter [tilespmem:s31], [sflag:$0x7], $0x7D0, $0x38;
	[tilespmem:$0x1F030] =	vst v63  }
0x51: {  	_ =	swait.ge [sflag:s30], $0x7D0  }
0x52: {  	[sflag:s30] =	ssyncset.done $0x0  }
0x53: {  	s8 =	rddreg [dreg:$0x8];
	[sflag:s30] =	ssyncadd.s32 $0xFFFFF830  }
0x54: {  	[spmem:s8] =	stream.linear.scatter [tilespmem:s29], [sflag:$0x7], $0x3E80, $0x38;
	[tilespmem:$0x1F030] =	vst v63  }
0x55: {  	_ =	swait.ge [sflag:s30], $0x3E80  }
0x56: {  	[sflag:s30] =	ssyncset.done $0x0  }
0x57: {  	s10 =	rddreg [dreg:$0x9];
	[sflag:s30] =	ssyncadd.s32 $0xFFFFC180  }
0x58: {  	[spmem:s10] =	stream.linear.scatter [tilespmem:s31], [sflag:$0x7], $0x7D0, $0x38;
	[tilespmem:$0x1F030] =	vst v63  }
0x59: {  	_ =	swait.ge [sflag:s30], $0x7D0  }
0x5a: {  	[sflag:s30] =	ssyncset.done $0x0  }
0x5b: {  	s17 =	rddreg [dreg:$0xa];
	[sflag:s30] =	ssyncadd.s32 $0xFFFFF830  }
0x5c: {  	[spmem:s17] =	stream.linear.scatter [tilespmem:s29], [sflag:$0x7], $0x3E80, $0x38;
	[tilespmem:$0x1F030] =	vst v63  }
0x5d: {  	_ =	swait.ge [sflag:s30], $0x3E80  }
0x5e: {  	[sflag:s30] =	ssyncset.done $0x0  }
0x5f: {  	s8 =	rddreg [dreg:$0xb];
	[sflag:s30] =	ssyncadd.s32 $0xFFFFC180  }
0x60: {  	[spmem:s8] =	stream.linear.scatter [tilespmem:s31], [sflag:$0x7], $0x7D0, $0x38;
	[tilespmem:$0x1F030] =	vst v63  }
0x61: {  	_ =	swait.ge [sflag:s30], $0x7D0  }
0x62: {  	[sflag:s30] =	ssyncset.done $0x0  }
0x63: {  	s10 =	rddreg [dreg:$0xc];
	[sflag:s30] =	ssyncadd.s32 $0xFFFFF830  }
0x64: {  	[spmem:s10] =	stream.linear.scatter [tilespmem:s29], [sflag:$0x7], $0x3E80, $0x38;
	[tilespmem:$0x1F030] =	vst v63  }
0x65: {  	_ =	swait.ge [sflag:s30], $0x3E80  }
0x66: {  	[sflag:s30] =	ssyncset.done $0x0  }
0x67: {  	s17 =	rddreg [dreg:$0xd];
	[sflag:s30] =	ssyncadd.s32 $0xFFFFC180  }
0x68: {  	[spmem:s17] =	stream.linear.scatter [tilespmem:s31], [sflag:$0x7], $0x7D0, $0x38;
	[tilespmem:$0x1F030] =	vst v63  }
0x69: {  	_ =	swait.ge [sflag:s30], $0x7D0  }
0x6a: {  	[sflag:s30] =	ssyncset.done $0x0  }
0x6b: {  	s8 =	rddreg [dreg:$0xe];
	[sflag:s30] =	ssyncadd.s32 $0xFFFFF830  }
0x6c: {  	[spmem:s8] =	stream.linear.scatter [tilespmem:s29], [sflag:$0x7], $0x3E80, $0x38;
	[tilespmem:$0x1F030] =	vst v63  }
0x6d: {  	_ =	swait.ge [sflag:s30], $0x3E80  }
0x6e: {  	[sflag:s30] =	ssyncset.done $0x0  }
0x6f: {  	s10 =	rddreg [dreg:$0xf];
	[sflag:s30] =	ssyncadd.s32 $0xFFFFC180  }
0x70: {  	[spmem:s10] =	stream.linear.scatter [tilespmem:s31], [sflag:$0x7], $0x7D0, $0x38;
	[tilespmem:$0x1F030] =	vst v63  }
0x71: {  	_ =	swait.ge [sflag:s30], $0x7D0  }
0x72: {  	[sflag:s30] =	ssyncset.done $0x0  }
0x73: {  	[sflag:s30] =	ssyncadd.s32 $0xFFFFF830  }
0x74: {  	[bflag:$0x0] =	sbarrier.arrive $0xFFFF  }
0x75: {  	s10 =	simm.s32 $0x0;
	s17 =	rddreg [dreg:$0x10]  }
0x76: {  	[tilespmem:s10], [sflag:$0x1] =	stream.linear.gather [hbm4b:s17+s10], $0x100, $0x38;
	[tilespmem:$0x1F030] =	vst v63  }
0x77: {  	s8 =	rddreg [dreg:$0x12]  }
0x78: {  	[tilespmem:s0], [sflag:$0x2] =	stream.linear.gather [hbm4b:s8+s10], $0x100, $0x38;
	[tilespmem:$0x1F030] =	vst v63  }
0x79: {  	s17 =	rddreg [dreg:$0x15]  }
0x7a: {  	[tilespmem:s2], [sflag:$0x3] =	stream.linear.gather [hbm4b:s17+s10], $0x100, $0x38;
	[tilespmem:$0x1F030] =	vst v63  }
0x7b: {  	s8 =	rddreg [dreg:$0x16];
	s17 =	simm.s32 $0x1  }
0x7c: {  	[tilespmem:s9], [sflag:$0x4] =	stream.linear.gather [hbm4b:s8+s10], $0x100, $0x38;
	[tilespmem:$0x1F030] =	vst v63  }
0x7d: {  	_ =	swait.ge [sflag:s17], $0x100  }
0x7e: {  	[sflag:s17] =	ssyncset.done $0x0  }
0x7f: {  	[sflag:s17] =	ssyncadd.s32 $0xFFFFFF00  }
0x80: {  	[tilespmem:s29], [sflag:$0x5] =	stream.indirect.gather [hbm4b:s1+s11], $0x80, s10, s11, $0xb8;
	[tilespmem:$0x1F030] =	vst v63  }
0x81: {  	_ = 	snop  }
0x82: {  	[tilespmem:s31], [sflag:$0x5] =	stream.indirect.gather [hbm4b:s6+s11], $0x10, s10, s11, $0xb8;
	[tilespmem:$0x1F030] =	vst v63  }
0x83: {  	_ =	swait.ge [sflag:s12], $0x100  }
0x84: {  	[sflag:s12] =	ssyncset.done $0x0  }
0x85: {  	[sflag:s12] =	ssyncadd.s32 $0xFFFFFF00  }
0x86: {  	[tilespmem:s13], [sflag:$0x6] =	stream.indirect.gather [hbm4b:s1+s11], $0x80, s0, s11, $0xb8;
	[tilespmem:$0x1F030] =	vst v63  }
0x87: {  	_ = 	snop  }
0x88: {  	[tilespmem:s14], [sflag:$0x6] =	stream.indirect.gather [hbm4b:s6+s11], $0x10, s0, s11, $0xb8;
	[tilespmem:$0x1F030] =	vst v63  }
.LBB2_4:
0x89: {  	_ =	swait.ge [sflag:s15], $0x3E80  }
0x8a: {  	[sflag:s15] =	ssyncset.done $0x0  }
0x8b: {  	[sflag:s15] =	ssyncadd.s32 $0xFFFFC180  }
0x8c: {  	_ =	swait.ge [sflag:s15], $0x7D0  }
0x8d: {  	[sflag:s15] =	ssyncset.done $0x0  }
0x8e: {  	[sflag:s15] =	ssyncadd.s32 $0xFFFFF830  }
0x8f: {  	[spmem:s3] =	stream.indirect.scatter.add.f32 [tilespmem:s29], [sflag:$0x7], $0x80, s16, s11, $0xb8;
	[tilespmem:$0x1F030] =	vst v63  }
0x90: {  	_ =	swait.ge [sflag:s30], $0x3E80  }
0x91: {  	[sflag:s30] =	ssyncset.done $0x0  }
0x92: {  	[sflag:s30] =	ssyncadd.s32 $0xFFFFC180  }
0x93: {  	[spmem:s4] =	stream.indirect.scatter.add.f32 [tilespmem:s31], [sflag:$0x7], $0x10, s16, s11, $0xb8;
	[tilespmem:$0x1F030] =	vst v63  }
0x94: {  	_ =	swait.ge [sflag:s30], $0x7D0  }
0x95: {  	p0 =	seq.s32 s10, $0x980;
	[sflag:s30] =	ssyncset.done $0x0  }
0x96: {  	s7 =	sadd.s32 @!p0 s10, s22;
	s8 =	simm.s32 @!p0 $0x0;
	[sflag:s30] =	ssyncadd.s32 $0xFFFFF830  }
0x97: {  	[tilespmem:s8], [sflag:$0x1] =	stream.linear.gather @!p0 [hbm4b:s7+s8], $0x100, $0x38;
	[tilespmem:$0x1F030] =	vst v63  }
0x98: {  	_ =	swait.ge [sflag:s18], $0x100  }
0x99: {  	[sflag:s18] =	ssyncset.done $0x0  }
0x9a: {  	[sflag:s18] =	ssyncadd.s32 $0xFFFFFF00  }
0x9b: {  	[tilespmem:s29], [sflag:$0x5] =	stream.indirect.gather [hbm4b:s1+s11], $0x80, s2, s11, $0xb8;
	[tilespmem:$0x1F030] =	vst v63  }
0x9c: {  	_ = 	snop  }
0x9d: {  	[tilespmem:s31], [sflag:$0x5] =	stream.indirect.gather [hbm4b:s6+s11], $0x10, s2, s11, $0xb8;
	[tilespmem:$0x1F030] =	vst v63  }
0x9e: {  	_ =	swait.ge [sflag:s23], $0x3E80  }
0x9f: {  	[sflag:s23] =	ssyncset.done $0x0  }
0xa0: {  	[sflag:s23] =	ssyncadd.s32 $0xFFFFC180  }
0xa1: {  	_ =	swait.ge [sflag:s23], $0x7D0  }
0xa2: {  	[sflag:s23] =	ssyncset.done $0x0  }
0xa3: {  	[sflag:s23] =	ssyncadd.s32 $0xFFFFF830  }
0xa4: {  	[spmem:s3] =	stream.indirect.scatter.add.f32 [tilespmem:s13], [sflag:$0x7], $0x80, s24, s11, $0xb8;
	[tilespmem:$0x1F030] =	vst v63  }
0xa5: {  	_ =	swait.ge [sflag:s30], $0x3E80  }
0xa6: {  	[sflag:s30] =	ssyncset.done $0x0  }
0xa7: {  	[sflag:s30] =	ssyncadd.s32 $0xFFFFC180  }
0xa8: {  	[spmem:s4] =	stream.indirect.scatter.add.f32 [tilespmem:s14], [sflag:$0x7], $0x10, s24, s11, $0xb8;
	[tilespmem:$0x1F030] =	vst v63  }
0xa9: {  	_ =	swait.ge [sflag:s30], $0x7D0  }
0xaa: {  	[sflag:s30] =	ssyncset.done $0x0  }
0xab: {  	s17 =	simm.s32 @!p0 $0x100;
	s7 =	sadd.s32 @!p0 s10, s21;
	[sflag:s30] =	ssyncadd.s32 $0xFFFFF830  }
0xac: {  	[tilespmem:s17], [sflag:$0x2] =	stream.linear.gather @!p0 [hbm4b:s7+s8], $0x100, $0x38;
	[tilespmem:$0x1F030] =	vst v63  }
0xad: {  	_ =	swait.ge [sflag:s25], $0x100  }
0xae: {  	[sflag:s25] =	ssyncset.done $0x0  }
0xaf: {  	[sflag:s25] =	ssyncadd.s32 $0xFFFFFF00  }
0xb0: {  	[tilespmem:s13], [sflag:$0x6] =	stream.indirect.gather [hbm4b:s1+s11], $0x80, s9, s11, $0xb8;
	[tilespmem:$0x1F030] =	vst v63  }
0xb1: {  	_ = 	snop  }
0xb2: {  	[tilespmem:s14], [sflag:$0x6] =	stream.indirect.gather [hbm4b:s6+s11], $0x10, s9, s11, $0xb8;
	[tilespmem:$0x1F030] =	vst v63  }
0xb3: {  	_ =	swait.ge [sflag:s15], $0x3E80  }
0xb4: {  	[sflag:s15] =	ssyncset.done $0x0  }
0xb5: {  	[sflag:s15] =	ssyncadd.s32 $0xFFFFC180  }
0xb6: {  	_ =	swait.ge [sflag:s15], $0x7D0  }
0xb7: {  	[sflag:s15] =	ssyncset.done $0x0  }
0xb8: {  	[sflag:s15] =	ssyncadd.s32 $0xFFFFF830  }
0xb9: {  	[spmem:s3] =	stream.indirect.scatter.add.f32 [tilespmem:s29], [sflag:$0x7], $0x80, s26, s11, $0xb8;
	[tilespmem:$0x1F030] =	vst v63  }
0xba: {  	_ =	swait.ge [sflag:s30], $0x3E80  }
0xbb: {  	[sflag:s30] =	ssyncset.done $0x0  }
0xbc: {  	[sflag:s30] =	ssyncadd.s32 $0xFFFFC180  }
0xbd: {  	[spmem:s4] =	stream.indirect.scatter.add.f32 [tilespmem:s31], [sflag:$0x7], $0x10, s26, s11, $0xb8;
	[tilespmem:$0x1F030] =	vst v63  }
0xbe: {  	_ =	swait.ge [sflag:s30], $0x7D0  }
0xbf: {  	[sflag:s30] =	ssyncset.done $0x0  }
0xc0: {  	s7 =	sadd.s32 @!p0 s10, s20;
	s17 =	simm.s32 @!p0 $0x200;
	[sflag:s30] =	ssyncadd.s32 $0xFFFFF830  }
0xc1: {  	[tilespmem:s17], [sflag:$0x3] =	stream.linear.gather @!p0 [hbm4b:s7+s8], $0x100, $0x38;
	[tilespmem:$0x1F030] =	vst v63  }
0xc2: {  	s7 =	simm.s32 @!p0 $0x1  }
0xc3: {  	_ =	swait.ge @!p0 [sflag:s7], $0x100  }
0xc4: {  	[sflag:s7] =	ssyncset.done @!p0 $0x0  }
0xc5: {  	s17 =	simm.s32 @!p0 $0x400;
	[sflag:s7] =	ssyncadd.s32 @!p0 $0xFFFFFF00;
	s7 =	simm.s32 @!p0 $0x7D  }
0xc6: {  	[tilespmem:s17], [sflag:$0x5] =	stream.indirect.gather @!p0 [hbm4b:s1+s7], $0x80, s8, s7, $0xb8;
	[tilespmem:$0x1F030] =	vst v63  }
0xc7: {  	s17 =	simm.s32 @!p0 $0x8100  }
0xc8: {  	[tilespmem:s17], [sflag:$0x5] =	stream.indirect.gather @!p0 [hbm4b:s6+s7], $0x10, s8, s7, $0xb8;
	[tilespmem:$0x1F030] =	vst v63  }
0xc9: {  	_ =	swait.ge [sflag:s23], $0x3E80  }
0xca: {  	[sflag:s23] =	ssyncset.done $0x0  }
0xcb: {  	[sflag:s23] =	ssyncadd.s32 $0xFFFFC180  }
0xcc: {  	_ =	swait.ge [sflag:s23], $0x7D0  }
0xcd: {  	[sflag:s23] =	ssyncset.done $0x0  }
0xce: {  	[sflag:s23] =	ssyncadd.s32 $0xFFFFF830  }
0xcf: {  	[spmem:s3] =	stream.indirect.scatter.add.f32 [tilespmem:s13], [sflag:$0x7], $0x80, s28, s11, $0xb8;
	[tilespmem:$0x1F030] =	vst v63  }
0xd0: {  	_ =	swait.ge [sflag:s30], $0x3E80  }
0xd1: {  	[sflag:s30] =	ssyncset.done $0x0  }
.Ltmp3:
0xd2: {  	[sflag:s30] =	ssyncadd.s32 $0xFFFFC180;
	(pc) =	sbr.rel @p0 .LBB2_6-.Ltmp3, $4  }
0xd3: {  	[spmem:s4] =	stream.indirect.scatter.add.f32 [tilespmem:s14], [sflag:$0x7], $0x10, s28, s11, $0xb8;
	[tilespmem:$0x1F030] =	vst v63  }
0xd4: {  	_ =	swait.ge [sflag:s30], $0x7D0  }
0xd5: {  	[sflag:s30] =	ssyncset.done $0x0  }
0xd6: {  	[sflag:s30] =	ssyncadd.s32 $0xFFFFF830  }
0xd7: {  	s7 =	sadd.s32 s10, s19  }
0xd8: {  	[tilespmem:s9], [sflag:$0x4] =	stream.linear.gather [hbm4b:s7+s5], $0x100, $0x38;
	[tilespmem:$0x1F030] =	vst v63  }
0xd9: {  	_ =	swait.ge [sflag:s12], $0x100  }
.Ltmp4:
0xda: {  	[sflag:s12] =	ssyncset.done $0x0;
	(pc) =	sbr.rel .LBB2_4-.Ltmp4, $4  }
0xdb: {  	[sflag:s12] =	ssyncadd.s32 $0xFFFFFF00  }
0xdc: {  	[tilespmem:s13], [sflag:$0x6] =	stream.indirect.gather [hbm4b:s1+s11], $0x80, s0, s11, $0xb8;
	[tilespmem:$0x1F030] =	vst v63  }
0xdd: {  	s10 =	sadd.s32 $0x80, s10  }
0xde: {  	[tilespmem:s14], [sflag:$0x6] =	stream.indirect.gather [hbm4b:s6+s11], $0x10, s0, s11, $0xb8;
	[tilespmem:$0x1F030] =	vst v63  }
.LBB2_7:
0xdf: {  	_ =	sfence.sel $0x180000  }
0xe0: {  	[bflag:$0x0] =	sbarrier.arrive $0xFFFF  }
0xe1: {  	_ =	strace $0x90000047  }
0xe2: {  	s0 =	stileid.u32;
	[bflag:$0x2] =	sbarrier.arrive $0xFFFF  }
0xe3: {  	p0 =	sne.s32 s0, $0x0;
	s0 =	rddreg [dreg:$0x5]  }
0xe4: {  	s0 =	sadd.s32 @!p0 $0x100000, s0  }
0xe5: {  	[sflag:s0] =	ssyncadd.tile.s32 @!p0 $0x1;
	_ =	shalt  }
.Lfunc_end2:
_tile_overlayer_lowered:
.L_overlay_start_2:
0xe6: {  	(tag) =	ssettag $0x2  }
0xe7: {  	s0 =	rddreg [dreg:$0x0];
	s2 =	stileid.u32  }
0xe8: {  	s1 =	rddreg [dreg:$0x1];
	p0 =	sne.s32 s2, $0x0  }
0xe9: {  	s3 =	rddreg [dreg:$0x2];
	[bflag:$0x3] =	sbarrier.arrive $0xFFFF;
	s2 =	simm.s32 @!p0 $0x1C07  }
0xea: {  	[timem:s3], [sflag:s2] =	dma.local @!p0 [hbm:s0], s1  }
0xeb: {  	s0 =	simm.s32 @!p0 $0x7  }
0xec: {  	_ =	swait.ge @!p0 [sflag:s0], s1  }
0xed: {  	s1 =	ssub.s32 @!p0 $0x0, s1;
	[sflag:s0] =	ssyncset.done @!p0 $0x0  }
0xee: {  	[sflag:s0] =	ssyncadd.s32 @!p0 s1  }
0xef: {  	[bflag:$0x3] =	sbarrier.arrive $0xFFFF  }
0xf0: {  	_ =	shalt  }

// kernel: kernel.13.cloned.1.call-start
scs
__scs_entry_jumppad:
0x0: {  	(pc) =	sbr.rel $0x88, $3  }
0x1: {  	(tag) =	ssettag $0x0;
	lr =	simm.s32 $0x1  }
0x2: {  	[smem:$0x3F95] =	sst lr;
	_ =	strace $0xD0000000  }
0x3: {  	_ = 	snop  }
0x4: {  	_ = 	snop  }
0x5: {  	_ = 	snop  }
0x6: {  	_ = 	snop  }
0x7: {  	_ = 	snop  }
__scs_overlays_trampoline_lowered:
0x8: {  	[smem:$0x3FA4] =	sst s0  }
0x9: {  	[smem:$0x3FA5] =	sst s1  }
0xa: {  	[smem:$0x3FA6] =	sst s2  }
0xb: {  	[smem:$0x3FA7] =	sst s3  }
0xc: {  	[smem:$0x3FA8] =	sst s4  }
0xd: {  	[smem:$0x3FA9] =	sst s5  }
0xe: {  	[smem:$0x3FAA] =	sst s6  }
0xf: {  	[smem:$0x3FAB] =	sst s7  }
0x10: {  	[smem:$0x3FAC] =	sst s8  }
0x11: {  	[smem:$0x3FAD] =	sst s9;
	s0 =	simm.s32 @!p0 $0x0  }
0x12: {  	s1 =	sld [smem:$0x3F93];
	s0 =	simm.s32 @p0 $0x1  }
0x13: {  	[smem:$0x3FAE] =	sst s0;
	s0 =	simm.s32 @!p1 $0x0  }
0x14: {  	s2 =	sld [smem:$0x3F92];
	s0 =	simm.s32 @p1 $0x1  }
0x15: {  	[smem:$0x3FAF] =	sst s0;
	s0 =	simm.s32 @!p2 $0x0  }
0x16: {  	s3 =	sld [smem:$0x3FDB];
	s0 =	simm.s32 @p2 $0x1  }
0x17: {  	s4 =	simm.s32 $0x1BF5;
	[smem:$0x3FB1] =	sst s0  }
0x18: {  	s0 =	sld [smem:$0x3F94];
	_ =	swait.ge [sflag:s4], $0x0  }
0x19: {  	s7 =	sld [smem:$0x3F95]  }
0x1a: {  	s8 =	sadd.s32 $0xFFFFE003, lr  }
0x1b: {  	s9 =	sadd.s32 $0xFFFFFEF7, lr;
	s5 =	simm.s32 $0xFFFFFFFF;
	p2 =	slt.u32 s8, $0xFFFFF086  }
0x1c: {  	p1 =	slt.u32 s9, $0xF7A;
	s5 =	simm.s32 @!p2 $0x0  }
0x1d: {  	s5 =	simm.s32 @p1 $0x1;
	p0 =	seq.s32 s7, s2  }
0x1e: {  	s7 =	smul.u32 @!p0 $0xF7A, s2;
	p2 =	seq.s32 @!p0 s5, $0x0  }
0x1f: {  	s9 =	smul.u32 $0xF7A, s1;
	s8 =	simm.s32 @!p0 $0x1BF5;
	p2 =	por !p2, p0  }
0x20: {  	[sflag:s8] =	ssyncset.s32 @!p0 $0xFFFFF086;
	s6 =	sadd.s32 @!p0 s3, s7;
	s7 =	simm.s32 @!p0 $0x108  }
0x21: {  	s3 =	sadd.s32 s3, s9;
	s6 =	sadd.s32 @!p0 $0x88, s6;
	s7 =	simm.s32 @p2 $0x1082  }
0x22: {  	[simem:s7], [sflag:s8] =	dma.local @!p0 [hbm:s6], $0xF7A  }
0x23: {  	s9 =	sor.u32 $0xD0000000, s2;
	s6 =	simm.s32 $0x108;
	_ =	swait.ge @!p0 [sflag:s8], $0x0  }
0x24: {  	s3 =	sadd.s32 $0x88, s3;
	s6 =	simm.s32 @!p1 $0x1082;
	[sflag:s4] =	ssyncset.s32 $0xFFFFF086  }
0x25: {  	[simem:s6], [sflag:s4] =	dma.local [hbm:s3], $0xF7A  }
0x26: {  	[smem:$0x3F95] =	sst s1;
	(tag) =	ssettag s2;
	_ =	strace s9  }
0x27: {  	s1 =	sld [smem:$0x3FA5]  }
0x28: {  	s2 =	sld [smem:$0x3FA6]  }
0x29: {  	s4 =	sld [smem:$0x3FA8]  }
0x2a: {  	p0 =	seq.s32 s5, $0x0;
	s5 =	sld [smem:$0x3FA9]  }
0x2b: {  	s6 =	sld [smem:$0x3FAA]  }
0x2c: {  	s7 =	sld [smem:$0x3FAB]  }
0x2d: {  	s3 =	simm.s32 $0x108;
	s8 =	sld [smem:$0x3FAC]  }
0x2e: {  	s3 =	simm.s32 @!p0 $0x1082;
	s9 =	sld [smem:$0x3FAD]  }
0x2f: {  	lr =	sadd.s32 s0, s3;
	s0 =	sld [smem:$0x3FA4]  }
0x30: {  	s3 =	sld [smem:$0x3FA7]  }
0x31: {  	[smem:$0x3FB0] =	sst s10  }
0x32: {  	s10 =	sld [smem:$0x3FAE];
	_ =	sdelay $0x3  }
0x33: {  	p0 =	seq.s32 s10, $0x1;
	s10 =	sld [smem:$0x3FB0];
	_ =	sdelay $0x3  }
0x34: {  	[smem:$0x3FB0] =	sst s10  }
0x35: {  	s10 =	sld [smem:$0x3FAF];
	_ =	sdelay $0x3  }
0x36: {  	p1 =	seq.s32 s10, $0x1;
	s10 =	sld [smem:$0x3FB0];
	_ =	sdelay $0x3  }
0x37: {  	[smem:$0x3FB0] =	sst s10  }
0x38: {  	s10 =	sld [smem:$0x3FB1]  }
0x39: {  	_ = 	snop;
	(pc) =	sbr.ind lr, $3  }
0x3a: {  	_ = 	snop  }
0x3b: {  	_ = 	snop  }
0x3c: {  	p2 =	seq.s32 s10, $0x1;
	s10 =	sld [smem:$0x3FB0]  }
0x3d: {  	_ =	shalt  }
0x3e: {  	_ =	shalt  }
0x3f: {  	_ =	shalt  }
0x40: {  	_ =	shalt  }
0x41: {  	_ =	shalt  }
0x42: {  	_ =	shalt  }
0x43: {  	_ =	shalt  }
0x44: {  	_ =	shalt  }
0x45: {  	_ =	shalt  }
0x46: {  	_ =	shalt  }
0x47: {  	_ =	shalt  }
0x48: {  	_ =	shalt  }
0x49: {  	_ =	shalt  }
0x4a: {  	_ =	shalt  }
0x4b: {  	_ =	shalt  }
0x4c: {  	_ =	shalt  }
0x4d: {  	_ =	shalt  }
0x4e: {  	_ =	shalt  }
0x4f: {  	_ =	shalt  }
0x50: {  	_ =	shalt  }
0x51: {  	_ =	shalt  }
0x52: {  	_ =	shalt  }
0x53: {  	_ =	shalt  }
0x54: {  	_ =	shalt  }
0x55: {  	_ =	shalt  }
0x56: {  	_ =	shalt  }
0x57: {  	_ =	shalt  }
0x58: {  	_ =	shalt  }
0x59: {  	_ =	shalt  }
0x5a: {  	_ =	shalt  }
0x5b: {  	_ =	shalt  }
0x5c: {  	_ =	shalt  }
0x5d: {  	_ =	shalt  }
0x5e: {  	_ =	shalt  }
0x5f: {  	_ =	shalt  }
0x60: {  	_ =	shalt  }
0x61: {  	_ =	shalt  }
0x62: {  	_ =	shalt  }
0x63: {  	_ =	shalt  }
0x64: {  	_ =	shalt  }
0x65: {  	_ =	shalt  }
0x66: {  	_ =	shalt  }
0x67: {  	_ =	shalt  }
0x68: {  	_ =	shalt  }
0x69: {  	_ =	shalt  }
0x6a: {  	_ =	shalt  }
0x6b: {  	_ =	shalt  }
0x6c: {  	_ =	shalt  }
0x6d: {  	_ =	shalt  }
0x6e: {  	_ =	shalt  }
0x6f: {  	_ =	shalt  }
0x70: {  	_ =	shalt  }
0x71: {  	_ =	shalt  }
0x72: {  	_ =	shalt  }
0x73: {  	_ =	shalt  }
0x74: {  	_ =	shalt  }
0x75: {  	_ =	shalt  }
0x76: {  	_ =	shalt  }
0x77: {  	_ =	shalt  }
0x78: {  	_ =	shalt  }
0x79: {  	_ =	shalt  }
0x7a: {  	_ =	shalt  }
0x7b: {  	_ =	shalt  }
0x7c: {  	_ =	shalt  }
0x7d: {  	_ =	shalt  }
0x7e: {  	_ =	shalt  }
0x7f: {  	_ =	shalt  }
0x80: {  	_ =	shalt  }
0x81: {  	_ =	shalt  }
0x82: {  	_ =	shalt  }
0x83: {  	_ =	shalt  }
0x84: {  	_ =	shalt  }
0x85: {  	_ =	shalt  }
0x86: {  	_ =	shalt  }
0x87: {  	_ =	shalt  }
.Lfunc_end0:
.L_simem_size_0:
called_computation.1_lowered:
.L_overlay_start_0:
0x88: {  	s2 =	sld [smem:$0x3FD9]  }
0x89: {  	s3 =	sld [smem:$0x3FFE];
	_ =	sdelay $0x1  }
0x8a: {  	s1 =	srdreg.scid  }
0x8b: {  	s0 =	sand.u32 $0x1, s1  }
0x8c: {  	s17 =	sshll.u32 s0, $0xA;
	s2 =	sadd.s32 s3, s2  }
0x8d: {  	s2 =	sadd.s32 s2, s17  }
0x8e: {  	[smem:$0x3FBC] =	sst s2  }
0x8f: {  	_ = 	snop  }
0x90: {  	s2 =	sld [smem:$0x3FD0];
	(tm) =	ssettm $0x1  }
0x91: {  	s18 =	sld [smem:$0x3FFB];
	_ =	sdelay $0x3  }
0x92: {  	_ =	strace s18  }
0x93: {  	s3 =	sld [smem:$0x3FFC];
	_ =	sdelay $0x3  }
0x94: {  	_ =	strace s3  }
0x95: {  	s3 =	sld [smem:$0x3FFD];
	_ =	sdelay $0x3  }
0x96: {  	_ =	strace s3  }
0x97: {  	_ =	strace $0x8FFFFFFF  }
0x98: {  	s19 =	sld [smem:$0x3FDB];
	_ =	sdelay $0x1  }
0x99: {  	s4 =	simm.s32 $_scs_section_size  }
0x9a: {  	s5 =	simm.s32 $_size__tile_overlayer_lowered;
	s6 =	simm.s32 $_tile_overlayer_lowered  }
0x9b: {  	s22 =	simm.s32 $0x1BFF;
	s21 =	sshll.u32 s6, $0x1;
	s3 =	sadd.s32 s4, s19  }
0x9c: {  	s7 =	simm.s32 $0x0;
	s20 =	sshll.u32 s5, $0x1;
	s5 =	sadd.s32 s21, s3  }
0x9d: {  	[timem:s7], [sflag:s22] =	dma.local [hbm:s5], s20  }
0x9e: {  	_ =	swait.ge [sflag:s22], s20  }
0x9f: {  	s4 =	ssub.s32 $0x0, s20;
	[sflag:s22] =	ssyncset.done $0x0  }
0xa0: {  	[sflag:s22] =	ssyncadd.s32 s4;
	_ =	sdelay $0x1  }
0xa1: {  	s23 =	simm.s32 $0x1B8B  }
0xa2: {  	_ =	swait.ge [sflag:s23], $0x1  }
0xa3: {  	[sflag:s23] =	ssyncset.done $0x0  }
0xa4: {  	s25 =	simm.s32 $0x1B8E;
	s24 =	sld [smem:$0x3FFE];
	[sflag:s23] =	ssyncadd.s32 $0xFFFFFFFF  }
0xa5: {  	s26 =	simm.s32 $execute0_lowered;
	[smem:$0x3FD2] =	sst s25  }
0xa6: {  	s5 =	sshll.u32 s26, $0x1;
	_ =	strace $0x80000049;
	[dreg:$0x1] =	wrdreg $0xFFFFFFFF  }
0xa7: {  	s28 =	simm.s32 $_size_execute0_lowered;
	s3 =	sadd.s32 s3, s5;
	[dreg:$0x0] =	wrdreg $0x0  }
0xa8: {  	s5 =	sshll.u32 s28, $0x1;
	[dreg:$0x2] =	wrdreg s3  }
0xa9: {  	[dreg:$0x3] =	wrdreg s5  }
0xaa: {  	[dreg:$0x4] =	wrdreg $0xC0  }
0xab: {  	_ =	task [dreg:s7], $0x5FFFF  }
0xac: {  	[dreg:$0x1] =	wrdreg $0xFFFFFFFF  }
0xad: {  	[dreg:$0x0] =	wrdreg $0x60  }
0xae: {  	[dreg:$0x2] =	wrdreg s2  }
0xaf: {  	[dreg:$0x3] =	wrdreg s24  }
0xb0: {  	[dreg:$0x4] =	wrdreg $0x90A00  }
0xb1: {  	[dreg:$0x5] =	wrdreg $0x1C9200  }
0xb2: {  	[dreg:$0x6] =	wrdreg $0x9  }
0xb3: {  	_ =	task.clear_ibuf [dreg:s7], $0x7FFFF;
	_ =	strace $0x90000049  }
0xb4: {  	s29 =	simm.s32 $0x9;
	_ =	strace $0x8000004B  }
0xb5: {  	_ =	swait.ge [sflag:s29], $0x1  }
0xb6: {  	[sflag:s29] =	ssyncadd.s32 $0xFFFFFFFF  }
0xb7: {  	_ =	strace $0x9000004B  }
0xb8: {  	_ =	sfence  }
0xb9: {  	s30 =	sld [smem:$0x0];
	_ =	sdelay $0x2  }
0xba: {  	s31 =	sshll.u32 s1, $0xD;
	s1 =	sshrl.u32 s1, $0x2  }
0xbb: {  	s3 =	sand.u32 $0x4000, s31;
	s1 =	sadd.s32 s1, s30  }
0xbc: {  	s0 =	sor.u32 s3, s0;
	s1 =	sshll.u32 s1, $0x11  }
0xbd: {  	s0 =	sor.u32 s1, s0  }
0xbe: {  	s0 =	sadd.s32 $0x8F2B, s0  }
0xbf: {  	[sflag:s0] =	ssyncadd.remote.s32 $0x1  }
0xc0: {  	_ =	sfence.sel $0xFFFF  }
0xc1: {  	[dreg:$0x0] =	wrdreg $0xFFFFFFFF;
	(pc) =	sbr.abs _section_cstart, $3  }
0xc2: {  	[dreg:$0x1] =	wrdreg $0xFFFFFFFF  }
0xc3: {  	_ =	task.clear_ibuf [dreg:s7], $0x2FFFF;
	_ =	strace $0x9FFFFFFF  }
0xc4: {  	(tm) =	ssettm $0x7FFFFFFF  }
0xc5: {  	_ =	shalt  }
tec
execute0_lowered:
.L_overlay_start_1:
0x0: {  	(tag) =	ssettag $0x1  }
0x1: {  	s1 =	rddreg [dreg:$0x0]  }
0x2: {  	s0 =	rddreg [dreg:$0x1]  }
0x3: {  	s3 =	rddreg [dreg:$0x2];
	s2 =	srdreg.scid  }
0x4: {  	s15 =	stileid.u32;
	s4 =	rddreg [dreg:$0x3]  }
0x5: {  	s5 =	simm.s32 $0x0;
	s29 =	simm.s32 $0x400;
	s7 =	smul.u32 $0x271, s15  }
0x6: {  	s30 =	simm.s32 $0x7;
	s31 =	simm.s32 $0x8100;
	s12 =	smul.u32 $0x4E200, s15  }
0x7: {  	s28 =	simm.s32 $0x380;
	s2 =	sand.u32 $0x1, s2;
	s14 =	smul.u32 $0x9C40, s15  }
0x8: {  	[smem:$0x7FF] =	sst s5;
	s9 =	sadd.s32 $0xAA00, s0;
	s24 =	smul.u32 $0xA000, s15  }
0x9: {  	s25 =	sshll.u32 s15, $0x1;
	s6 =	smul.u32 $0x2710, s2;
	s11 =	ssub.s32 $0x2, s2  }
0xa: {  	_ =	strace $0x8000004A;
	s13 =	sshrl.u32 s11, $0x1;
	s12 =	sshrl.u32 s12, $0x2  }
0xb: {  	s26 =	sshrl.u32 s14, $0x2;
	s16 =	sadd.s32 $0x7D, s7;
	s19 =	sadd.s32 $0xFA, s7  }
0xc: {  	s22 =	sadd.s32 $0x177, s7;
	s8 =	sadd.s32 s7, s6;
	s6 =	sadd.s32 $0x5A00, s0  }
0xd: {  	s17 =	sadd.s32 s12, s3;
	s14 =	sadd.s32 s26, s4;
	s18 =	sshll.u32 s16, $0x7  }
0xe: {  	s12 =	sshll.u32 s16, $0x4;
	s20 =	sshll.u32 s19, $0x7;
	s21 =	sshll.u32 s19, $0x4  }
0xf: {  	s23 =	sshll.u32 s22, $0x7;
	s7 =	sadd.s32 $0x1F4, s7;
	s10 =	sshll.u32 s8, $0x4  }
0x10: {  	s8 =	sshll.u32 s8, $0x1;
	[dreg:$0x6] =	wrdreg s14;
	s12 =	sadd.s32 s12, s4  }
0x11: {  	s26 =	sshll.u32 s7, $0x7;
	s7 =	sshll.u32 s7, $0x4;
	s14 =	simm.s32 $0x88D0  }
0x12: {  	[dreg:$0x5] =	wrdreg s17;
	s10 =	sadd.s32 s10, s0;
	s0 =	sadd.s32 s8, s0  }
0x13: {  	s8 =	ssub.s32 s11, s13;
	s13 =	sadd.s32 s18, s3;
	[dreg:$0x8] =	wrdreg s12  }
0x14: {  	s11 =	sor.u32 s2, s25;
	s12 =	sadd.s32 s20, s3;
	[dreg:$0x7] =	wrdreg s13  }
0x15: {  	s2 =	smul.u32 $0x5000, s2;
	s7 =	sadd.s32 s7, s4;
	[dreg:$0x9] =	wrdreg s12  }
0x16: {  	s25 =	sshll.u32 s22, $0x4;
	s12 =	sadd.s32 s21, s4;
	[dreg:$0xe] =	wrdreg s7  }
0x17: {  	s11 =	smul.u32 $0x5000, s11;
	s13 =	sadd.s32 s26, s3;
	[dreg:$0xa] =	wrdreg s12  }
0x18: {  	s0 =	sadd.s32 $0x6CE00, s0;
	s12 =	sadd.s32 s23, s3;
	[dreg:$0xd] =	wrdreg s13  }
0x19: {  	s2 =	sadd.s32 s2, s24;
	s23 =	sadd.s32 $0x76C00, s10;
	[dreg:$0x12] =	wrdreg s0  }
0x1a: {  	s24 =	smax.u32 s8, $0x1;
	s0 =	simm.s32 $0x200;
	s13 =	simm.s32 $0x4280  }
0x1b: {  	s8 =	simm.s32 $0x0;
	[dreg:$0xb] =	wrdreg s12;
	s12 =	sadd.s32 s25, s4  }
0x1c: {  	s11 =	sshrl.u32 s11, $0x3;
	s15 =	sor.u32 $0x700, s2;
	s20 =	sor.u32 $0x600, s2  }
0x1d: {  	s21 =	sor.u32 $0x500, s2;
	s2 =	sor.u32 $0x400, s2;
	[dreg:$0x11] =	wrdreg s23  }
0x1e: {  	[dreg:$0x13] =	wrdreg s24;
	s23 =	simm.s32 $0x6;
	s24 =	simm.s32 $0x180  }
0x1f: {  	[dreg:$0xc] =	wrdreg s12;
	s16 =	sadd.s32 s9, s11;
	s19 =	sshrl.u32 s15, $0x3  }
0x20: {  	s7 =	sshrl.u32 s20, $0x3;
	s11 =	sshrl.u32 s21, $0x3;
	s2 =	sshrl.u32 s2, $0x3  }
0x21: {  	s12 =	simm.s32 $0x2;
	s15 =	simm.s32 $0x5;
	s18 =	sadd.s32 s19, s9  }
0x22: {  	s19 =	sadd.s32 s7, s9;
	s20 =	sadd.s32 s11, s9;
	s21 =	sadd.s32 s2, s9  }
.Ltmp0:
0x23: {  	s22 =	sadd.s32 $0x20, s16;
	[dreg:$0xf] =	wrdreg s16;
	(pc) =	sbr.rel .LBB2_1-.Ltmp0, $4  }
0x24: {  	s25 =	sadd.s32 $0x40, s16;
	s26 =	sadd.s32 $0x60, s16;
	[dreg:$0x10] =	wrdreg s22  }
0x25: {  	s2 =	simm.s32 $0x100;
	s9 =	simm.s32 $0x300;
	[dreg:$0x14] =	wrdreg s25  }
0x26: {  	s11 =	simm.s32 $0x7D;
	s16 =	simm.s32 $0x80;
	[dreg:$0x15] =	wrdreg s26  }
0x27: {  	v0 =	vimm.f32 $0.0e+00;
	s22 =	simm.s32 $0x3;
	s25 =	simm.s32 $0x4;
	s26 =	simm.s32 $0x280  }
.LBB2_6:
0x28: {  	s7 =	stileid.u32;
	[bflag:$0x0] =	sbarrier.arrive $0xFFFF  }
0x29: {  	s7 =	sshll.u32 s7, $0x6;
	s17 =	rddreg [dreg:$0x5]  }
0x2a: {  	s10 =	rddreg [dreg:$0x11];
	s7 =	sor.u32 $0x1C07, s7;
	s8 =	sshrl.u32 s17, $0x3  }
0x2b: {  	[hbm:s10], [sflag:s7] =	dma.local [spmem:s8], $0x2710  }
0x2c: {  	_ =	swait.ge [sflag:s30], $0x2710  }
0x2d: {  	[sflag:s30] =	ssyncset.done $0x0;
	s10 =	rddreg [dreg:$0x6]  }
0x2e: {  	[sflag:s30] =	ssyncadd.s32 $0xFFFFD8F0;
	s8 =	sshrl.u32 s10, $0x3;
	s10 =	rddreg [dreg:$0x12]  }
0x2f: {  	[hbm:s10], [sflag:s7] =	dma.local [spmem:s8], $0x4E2  }
0x30: {  	_ =	swait.ge [sflag:s30], $0x4E2  }
0x31: {  	s7 =	rddreg [dreg:$0x16]  }
0x32: {  	s10 =	rddreg [dreg:$0x13];
	s8 =	sadd.s32 $0x1, s7  }
0x33: {  	p0 =	sne.s32 s8, s10  }
.Ltmp1:
0x34: {  	_ = 	snop;
	(pc) =	sbr.rel @!p0 .LBB2_7-.Ltmp1, $3  }
0x35: {  	_ =	sdelay $0x1  }
0x36: {  	[sflag:s30] =	ssyncset.done $0x0  }
0x37: {  	[sflag:s30] =	ssyncadd.s32 $0xFFFFFB1E  }
.LBB2_1:
0x38: {  	s10 =	simm.s32 $0x440  }
0x39: {  	[tilespmem:s10+$0xFFFFFFD0] =	vst v0  }
0x3a: {  	[tilespmem:s10+$0xFFFFFFE0] =	vst v0  }
0x3b: {  	[tilespmem:s10+$0xFFFFFFF0] =	vst v0  }
0x3c: {  	[tilespmem:s10+$0x0] =	vst v0  }
0x3d: {  	[tilespmem:s10+$0x10] =	vst v0  }
0x3e: {  	[tilespmem:s10+$0x20] =	vst v0  }
0x3f: {  	[tilespmem:s10+$0x30] =	vst v0  }
0x40: {  	[dreg:$0x16] =	wrdreg s8;
	s8 =	simm.s32 $0x0;
	s7 =	simm.s32 $0x40;
	[tilespmem:s10+$0xFFFFFFC0] =	vst v0  }
.LBB2_2:
0x41: {  	p0 =	sne.s32 s7, $0x1F00;
	[tilespmem:s8+$0x8100] =	vst v0;
	s10 =	sadd.s32 $0x80, s10  }
0x42: {  	[tilespmem:s10+$0xFFFFFFD0] =	vst v0  }
0x43: {  	[tilespmem:s10+$0xFFFFFFE0] =	vst v0  }
0x44: {  	[tilespmem:s10+$0xFFFFFFF0] =	vst v0  }
.Ltmp2:
0x45: {  	[tilespmem:s10+$0x0] =	vst v0;
	(pc) =	sbr.rel @p0 .LBB2_2-.Ltmp2, $4  }
0x46: {  	[tilespmem:s10+$0x10] =	vst v0  }
0x47: {  	[tilespmem:s10+$0x20] =	vst v0  }
0x48: {  	[tilespmem:s10+$0x30] =	vst v0  }
0x49: {  	s8 =	sshra.s32 s7, $0x2;
	s7 =	sadd.s32 $0x40, s7;
	[tilespmem:s10+$0xFFFFFFC0] =	vst v0  }
0x4a: {  	[tilespmem:s8+$0x8100] =	vst v0  }
0x4b: {  	[spmem:s17] =	stream.linear.scatter [tilespmem:s29], [sflag:$0x7], $0x3E80, $0x38;
	[tilespmem:$0x1F030] =	vst v63  }
0x4c: {  	_ =	swait.ge [sflag:s30], $0x3E80  }
0x4d: {  	[sflag:s30] =	ssyncset.done $0x0  }
0x4e: {  	s7 =	rddreg [dreg:$0x6];
	[sflag:s30] =	ssyncadd.s32 $0xFFFFC180  }
0x4f: {  	[spmem:s7] =	stream.linear.scatter [tilespmem:s31], [sflag:$0x7], $0x7D0, $0x38;
	[tilespmem:$0x1F030] =	vst v63  }
0x50: {  	_ =	swait.ge [sflag:s30], $0x7D0  }
0x51: {  	[sflag:s30] =	ssyncset.done $0x0  }
0x52: {  	s8 =	rddreg [dreg:$0x7];
	[sflag:s30] =	ssyncadd.s32 $0xFFFFF830  }
0x53: {  	[spmem:s8] =	stream.linear.scatter [tilespmem:s29], [sflag:$0x7], $0x3E80, $0x38;
	[tilespmem:$0x1F030] =	vst v63  }
0x54: {  	_ =	swait.ge [sflag:s30], $0x3E80  }
0x55: {  	[sflag:s30] =	ssyncset.done $0x0  }
0x56: {  	s10 =	rddreg [dreg:$0x8];
	[sflag:s30] =	ssyncadd.s32 $0xFFFFC180  }
0x57: {  	[spmem:s10] =	stream.linear.scatter [tilespmem:s31], [sflag:$0x7], $0x7D0, $0x38;
	[tilespmem:$0x1F030] =	vst v63  }
0x58: {  	_ =	swait.ge [sflag:s30], $0x7D0  }
0x59: {  	[sflag:s30] =	ssyncset.done $0x0  }
0x5a: {  	s17 =	rddreg [dreg:$0x9];
	[sflag:s30] =	ssyncadd.s32 $0xFFFFF830  }
0x5b: {  	[spmem:s17] =	stream.linear.scatter [tilespmem:s29], [sflag:$0x7], $0x3E80, $0x38;
	[tilespmem:$0x1F030] =	vst v63  }
0x5c: {  	_ =	swait.ge [sflag:s30], $0x3E80  }
0x5d: {  	[sflag:s30] =	ssyncset.done $0x0  }
0x5e: {  	s8 =	rddreg [dreg:$0xa];
	[sflag:s30] =	ssyncadd.s32 $0xFFFFC180  }
0x5f: {  	[spmem:s8] =	stream.linear.scatter [tilespmem:s31], [sflag:$0x7], $0x7D0, $0x38;
	[tilespmem:$0x1F030] =	vst v63  }
0x60: {  	_ =	swait.ge [sflag:s30], $0x7D0  }
0x61: {  	[sflag:s30] =	ssyncset.done $0x0  }
0x62: {  	s10 =	rddreg [dreg:$0xb];
	[sflag:s30] =	ssyncadd.s32 $0xFFFFF830  }
0x63: {  	[spmem:s10] =	stream.linear.scatter [tilespmem:s29], [sflag:$0x7], $0x3E80, $0x38;
	[tilespmem:$0x1F030] =	vst v63  }
0x64: {  	_ =	swait.ge [sflag:s30], $0x3E80  }
0x65: {  	[sflag:s30] =	ssyncset.done $0x0  }
0x66: {  	s17 =	rddreg [dreg:$0xc];
	[sflag:s30] =	ssyncadd.s32 $0xFFFFC180  }
0x67: {  	[spmem:s17] =	stream.linear.scatter [tilespmem:s31], [sflag:$0x7], $0x7D0, $0x38;
	[tilespmem:$0x1F030] =	vst v63  }
0x68: {  	_ =	swait.ge [sflag:s30], $0x7D0  }
0x69: {  	[sflag:s30] =	ssyncset.done $0x0  }
0x6a: {  	s8 =	rddreg [dreg:$0xd];
	[sflag:s30] =	ssyncadd.s32 $0xFFFFF830  }
0x6b: {  	[spmem:s8] =	stream.linear.scatter [tilespmem:s29], [sflag:$0x7], $0x3E80, $0x38;
	[tilespmem:$0x1F030] =	vst v63  }
0x6c: {  	_ =	swait.ge [sflag:s30], $0x3E80  }
0x6d: {  	[sflag:s30] =	ssyncset.done $0x0  }
0x6e: {  	s10 =	rddreg [dreg:$0xe];
	[sflag:s30] =	ssyncadd.s32 $0xFFFFC180  }
0x6f: {  	[spmem:s10] =	stream.linear.scatter [tilespmem:s31], [sflag:$0x7], $0x7D0, $0x38;
	[tilespmem:$0x1F030] =	vst v63  }
0x70: {  	_ =	swait.ge [sflag:s30], $0x7D0  }
0x71: {  	[sflag:s30] =	ssyncset.done $0x0  }
0x72: {  	[sflag:s30] =	ssyncadd.s32 $0xFFFFF830  }
0x73: {  	[bflag:$0x0] =	sbarrier.arrive $0xFFFF  }
0x74: {  	s10 =	simm.s32 $0x0;
	s17 =	rddreg [dreg:$0xf]  }
0x75: {  	[tilespmem:s10], [sflag:$0x1] =	stream.linear.gather [hbm4b:s17+s10], $0x100, $0x38;
	[tilespmem:$0x1F030] =	vst v63  }
0x76: {  	s8 =	rddreg [dreg:$0x10]  }
0x77: {  	[tilespmem:s2], [sflag:$0x2] =	stream.linear.gather [hbm4b:s8+s10], $0x100, $0x38;
	[tilespmem:$0x1F030] =	vst v63  }
0x78: {  	s17 =	rddreg [dreg:$0x14]  }
0x79: {  	[tilespmem:s0], [sflag:$0x3] =	stream.linear.gather [hbm4b:s17+s10], $0x100, $0x38;
	[tilespmem:$0x1F030] =	vst v63  }
0x7a: {  	s8 =	rddreg [dreg:$0x15];
	s17 =	simm.s32 $0x1  }
0x7b: {  	[tilespmem:s9], [sflag:$0x4] =	stream.linear.gather [hbm4b:s8+s10], $0x100, $0x38;
	[tilespmem:$0x1F030] =	vst v63  }
0x7c: {  	_ =	swait.ge [sflag:s17], $0x100  }
0x7d: {  	[sflag:s17] =	ssyncset.done $0x0  }
0x7e: {  	[sflag:s17] =	ssyncadd.s32 $0xFFFFFF00  }
0x7f: {  	[tilespmem:s29], [sflag:$0x5] =	stream.indirect.gather [hbm4b:s1+s11], $0x80, s10, s11, $0xb8;
	[tilespmem:$0x1F030] =	vst v63  }
0x80: {  	_ = 	snop  }
0x81: {  	[tilespmem:s31], [sflag:$0x5] =	stream.indirect.gather [hbm4b:s6+s11], $0x10, s10, s11, $0xb8;
	[tilespmem:$0x1F030] =	vst v63  }
0x82: {  	_ =	swait.ge [sflag:s12], $0x100  }
0x83: {  	[sflag:s12] =	ssyncset.done $0x0  }
0x84: {  	[sflag:s12] =	ssyncadd.s32 $0xFFFFFF00  }
0x85: {  	[tilespmem:s13], [sflag:$0x6] =	stream.indirect.gather [hbm4b:s1+s11], $0x80, s2, s11, $0xb8;
	[tilespmem:$0x1F030] =	vst v63  }
0x86: {  	_ = 	snop  }
0x87: {  	[tilespmem:s14], [sflag:$0x6] =	stream.indirect.gather [hbm4b:s6+s11], $0x10, s2, s11, $0xb8;
	[tilespmem:$0x1F030] =	vst v63  }
.LBB2_4:
0x88: {  	_ =	swait.ge [sflag:s15], $0x3E80  }
0x89: {  	[sflag:s15] =	ssyncset.done $0x0  }
0x8a: {  	[sflag:s15] =	ssyncadd.s32 $0xFFFFC180  }
0x8b: {  	_ =	swait.ge [sflag:s15], $0x7D0  }
0x8c: {  	[sflag:s15] =	ssyncset.done $0x0  }
0x8d: {  	[sflag:s15] =	ssyncadd.s32 $0xFFFFF830  }
0x8e: {  	[spmem:s3] =	stream.indirect.scatter.add.f32 [tilespmem:s29], [sflag:$0x7], $0x80, s16, s11, $0xb8;
	[tilespmem:$0x1F030] =	vst v63  }
0x8f: {  	_ =	swait.ge [sflag:s30], $0x3E80  }
0x90: {  	[sflag:s30] =	ssyncset.done $0x0  }
0x91: {  	[sflag:s30] =	ssyncadd.s32 $0xFFFFC180  }
0x92: {  	[spmem:s4] =	stream.indirect.scatter.add.f32 [tilespmem:s31], [sflag:$0x7], $0x10, s16, s11, $0xb8;
	[tilespmem:$0x1F030] =	vst v63  }
0x93: {  	_ =	swait.ge [sflag:s30], $0x7D0  }
0x94: {  	p0 =	seq.s32 s10, $0x980;
	[sflag:s30] =	ssyncset.done $0x0  }
0x95: {  	s7 =	sadd.s32 @!p0 s10, s21;
	s8 =	simm.s32 @!p0 $0x0;
	[sflag:s30] =	ssyncadd.s32 $0xFFFFF830  }
0x96: {  	[tilespmem:s8], [sflag:$0x1] =	stream.linear.gather @!p0 [hbm4b:s7+s8], $0x100, $0x38;
	[tilespmem:$0x1F030] =	vst v63  }
0x97: {  	_ =	swait.ge [sflag:s22], $0x100  }
0x98: {  	[sflag:s22] =	ssyncset.done $0x0  }
0x99: {  	[sflag:s22] =	ssyncadd.s32 $0xFFFFFF00  }
0x9a: {  	[tilespmem:s29], [sflag:$0x5] =	stream.indirect.gather [hbm4b:s1+s11], $0x80, s0, s11, $0xb8;
	[tilespmem:$0x1F030] =	vst v63  }
0x9b: {  	_ = 	snop  }
0x9c: {  	[tilespmem:s31], [sflag:$0x5] =	stream.indirect.gather [hbm4b:s6+s11], $0x10, s0, s11, $0xb8;
	[tilespmem:$0x1F030] =	vst v63  }
0x9d: {  	_ =	swait.ge [sflag:s23], $0x3E80  }
0x9e: {  	[sflag:s23] =	ssyncset.done $0x0  }
0x9f: {  	[sflag:s23] =	ssyncadd.s32 $0xFFFFC180  }
0xa0: {  	_ =	swait.ge [sflag:s23], $0x7D0  }
0xa1: {  	[sflag:s23] =	ssyncset.done $0x0  }
0xa2: {  	[sflag:s23] =	ssyncadd.s32 $0xFFFFF830  }
0xa3: {  	[spmem:s3] =	stream.indirect.scatter.add.f32 [tilespmem:s13], [sflag:$0x7], $0x80, s24, s11, $0xb8;
	[tilespmem:$0x1F030] =	vst v63  }
0xa4: {  	_ =	swait.ge [sflag:s30], $0x3E80  }
0xa5: {  	[sflag:s30] =	ssyncset.done $0x0  }
0xa6: {  	[sflag:s30] =	ssyncadd.s32 $0xFFFFC180  }
0xa7: {  	[spmem:s4] =	stream.indirect.scatter.add.f32 [tilespmem:s14], [sflag:$0x7], $0x10, s24, s11, $0xb8;
	[tilespmem:$0x1F030] =	vst v63  }
0xa8: {  	_ =	swait.ge [sflag:s30], $0x7D0  }
0xa9: {  	[sflag:s30] =	ssyncset.done $0x0  }
0xaa: {  	s17 =	simm.s32 @!p0 $0x100;
	s7 =	sadd.s32 @!p0 s10, s20;
	[sflag:s30] =	ssyncadd.s32 $0xFFFFF830  }
0xab: {  	[tilespmem:s17], [sflag:$0x2] =	stream.linear.gather @!p0 [hbm4b:s7+s8], $0x100, $0x38;
	[tilespmem:$0x1F030] =	vst v63  }
0xac: {  	_ =	swait.ge [sflag:s25], $0x100  }
0xad: {  	[sflag:s25] =	ssyncset.done $0x0  }
0xae: {  	[sflag:s25] =	ssyncadd.s32 $0xFFFFFF00  }
0xaf: {  	[tilespmem:s13], [sflag:$0x6] =	stream.indirect.gather [hbm4b:s1+s11], $0x80, s9, s11, $0xb8;
	[tilespmem:$0x1F030] =	vst v63  }
0xb0: {  	_ = 	snop  }
0xb1: {  	[tilespmem:s14], [sflag:$0x6] =	stream.indirect.gather [hbm4b:s6+s11], $0x10, s9, s11, $0xb8;
	[tilespmem:$0x1F030] =	vst v63  }
0xb2: {  	_ =	swait.ge [sflag:s15], $0x3E80  }
0xb3: {  	[sflag:s15] =	ssyncset.done $0x0  }
0xb4: {  	[sflag:s15] =	ssyncadd.s32 $0xFFFFC180  }
0xb5: {  	_ =	swait.ge [sflag:s15], $0x7D0  }
0xb6: {  	[sflag:s15] =	ssyncset.done $0x0  }
0xb7: {  	[sflag:s15] =	ssyncadd.s32 $0xFFFFF830  }
0xb8: {  	[spmem:s3] =	stream.indirect.scatter.add.f32 [tilespmem:s29], [sflag:$0x7], $0x80, s26, s11, $0xb8;
	[tilespmem:$0x1F030] =	vst v63  }
0xb9: {  	_ =	swait.ge [sflag:s30], $0x3E80  }
0xba: {  	[sflag:s30] =	ssyncset.done $0x0  }
0xbb: {  	[sflag:s30] =	ssyncadd.s32 $0xFFFFC180  }
0xbc: {  	[spmem:s4] =	stream.indirect.scatter.add.f32 [tilespmem:s31], [sflag:$0x7], $0x10, s26, s11, $0xb8;
	[tilespmem:$0x1F030] =	vst v63  }
0xbd: {  	_ =	swait.ge [sflag:s30], $0x7D0  }
0xbe: {  	[sflag:s30] =	ssyncset.done $0x0  }
0xbf: {  	s7 =	sadd.s32 @!p0 s10, s19;
	s17 =	simm.s32 @!p0 $0x200;
	[sflag:s30] =	ssyncadd.s32 $0xFFFFF830  }
0xc0: {  	[tilespmem:s17], [sflag:$0x3] =	stream.linear.gather @!p0 [hbm4b:s7+s8], $0x100, $0x38;
	[tilespmem:$0x1F030] =	vst v63  }
0xc1: {  	s7 =	simm.s32 @!p0 $0x1  }
0xc2: {  	_ =	swait.ge @!p0 [sflag:s7], $0x100  }
0xc3: {  	[sflag:s7] =	ssyncset.done @!p0 $0x0  }
0xc4: {  	s17 =	simm.s32 @!p0 $0x400;
	[sflag:s7] =	ssyncadd.s32 @!p0 $0xFFFFFF00;
	s7 =	simm.s32 @!p0 $0x7D  }
0xc5: {  	[tilespmem:s17], [sflag:$0x5] =	stream.indirect.gather @!p0 [hbm4b:s1+s7], $0x80, s8, s7, $0xb8;
	[tilespmem:$0x1F030] =	vst v63  }
0xc6: {  	s17 =	simm.s32 @!p0 $0x8100  }
0xc7: {  	[tilespmem:s17], [sflag:$0x5] =	stream.indirect.gather @!p0 [hbm4b:s6+s7], $0x10, s8, s7, $0xb8;
	[tilespmem:$0x1F030] =	vst v63  }
0xc8: {  	_ =	swait.ge [sflag:s23], $0x3E80  }
0xc9: {  	[sflag:s23] =	ssyncset.done $0x0  }
0xca: {  	[sflag:s23] =	ssyncadd.s32 $0xFFFFC180  }
0xcb: {  	_ =	swait.ge [sflag:s23], $0x7D0  }
0xcc: {  	[sflag:s23] =	ssyncset.done $0x0  }
0xcd: {  	[sflag:s23] =	ssyncadd.s32 $0xFFFFF830  }
0xce: {  	[spmem:s3] =	stream.indirect.scatter.add.f32 [tilespmem:s13], [sflag:$0x7], $0x80, s28, s11, $0xb8;
	[tilespmem:$0x1F030] =	vst v63  }
0xcf: {  	_ =	swait.ge [sflag:s30], $0x3E80  }
0xd0: {  	[sflag:s30] =	ssyncset.done $0x0  }
.Ltmp3:
0xd1: {  	[sflag:s30] =	ssyncadd.s32 $0xFFFFC180;
	(pc) =	sbr.rel @p0 .LBB2_6-.Ltmp3, $4  }
0xd2: {  	[spmem:s4] =	stream.indirect.scatter.add.f32 [tilespmem:s14], [sflag:$0x7], $0x10, s28, s11, $0xb8;
	[tilespmem:$0x1F030] =	vst v63  }
0xd3: {  	_ =	swait.ge [sflag:s30], $0x7D0  }
0xd4: {  	[sflag:s30] =	ssyncset.done $0x0  }
0xd5: {  	[sflag:s30] =	ssyncadd.s32 $0xFFFFF830  }
0xd6: {  	s7 =	sadd.s32 s10, s18  }
0xd7: {  	[tilespmem:s9], [sflag:$0x4] =	stream.linear.gather [hbm4b:s7+s5], $0x100, $0x38;
	[tilespmem:$0x1F030] =	vst v63  }
0xd8: {  	_ =	swait.ge [sflag:s12], $0x100  }
.Ltmp4:
0xd9: {  	[sflag:s12] =	ssyncset.done $0x0;
	(pc) =	sbr.rel .LBB2_4-.Ltmp4, $4  }
0xda: {  	[sflag:s12] =	ssyncadd.s32 $0xFFFFFF00  }
0xdb: {  	[tilespmem:s13], [sflag:$0x6] =	stream.indirect.gather [hbm4b:s1+s11], $0x80, s2, s11, $0xb8;
	[tilespmem:$0x1F030] =	vst v63  }
0xdc: {  	s10 =	sadd.s32 $0x80, s10  }
0xdd: {  	[tilespmem:s14], [sflag:$0x6] =	stream.indirect.gather [hbm4b:s6+s11], $0x10, s2, s11, $0xb8;
	[tilespmem:$0x1F030] =	vst v63  }
.LBB2_7:
0xde: {  	_ =	sfence.sel $0x180000  }
0xdf: {  	[bflag:$0x0] =	sbarrier.arrive $0xFFFF  }
0xe0: {  	_ =	strace $0x9000004A  }
0xe1: {  	s0 =	stileid.u32;
	[bflag:$0x2] =	sbarrier.arrive $0xFFFF  }
0xe2: {  	p0 =	sne.s32 s0, $0x0;
	s0 =	rddreg [dreg:$0x4]  }
0xe3: {  	s0 =	sadd.s32 @!p0 $0x100000, s0  }
0xe4: {  	[sflag:s0] =	ssyncadd.tile.s32 @!p0 $0x1;
	_ =	shalt  }
.Lfunc_end2:
_tile_overlayer_lowered:
.L_overlay_start_2:
0xe5: {  	(tag) =	ssettag $0x2  }
0xe6: {  	s0 =	rddreg [dreg:$0x0];
	s2 =	stileid.u32  }
0xe7: {  	s1 =	rddreg [dreg:$0x1];
	p0 =	sne.s32 s2, $0x0  }
0xe8: {  	s3 =	rddreg [dreg:$0x2];
	[bflag:$0x3] =	sbarrier.arrive $0xFFFF;
	s2 =	simm.s32 @!p0 $0x1C07  }
0xe9: {  	[timem:s3], [sflag:s2] =	dma.local @!p0 [hbm:s0], s1  }
0xea: {  	s0 =	simm.s32 @!p0 $0x7  }
0xeb: {  	_ =	swait.ge @!p0 [sflag:s0], s1  }
0xec: {  	s1 =	ssub.s32 @!p0 $0x0, s1;
	[sflag:s0] =	ssyncset.done @!p0 $0x0  }
0xed: {  	[sflag:s0] =	ssyncadd.s32 @!p0 s1  }
0xee: {  	[bflag:$0x3] =	sbarrier.arrive $0xFFFF  }
0xef: {  	_ =	shalt  }

// kernel: kernel.16.cloned.1.call-start
scs
__scs_entry_jumppad:
0x0: {  	(pc) =	sbr.rel $0x88, $3  }
0x1: {  	(tag) =	ssettag $0x0;
	lr =	simm.s32 $0x1  }
0x2: {  	[smem:$0x3F95] =	sst lr;
	_ =	strace $0xD0000000  }
0x3: {  	_ = 	snop  }
0x4: {  	_ = 	snop  }
0x5: {  	_ = 	snop  }
0x6: {  	_ = 	snop  }
0x7: {  	_ = 	snop  }
__scs_overlays_trampoline_lowered:
0x8: {  	[smem:$0x3FA4] =	sst s0  }
0x9: {  	[smem:$0x3FA5] =	sst s1  }
0xa: {  	[smem:$0x3FA6] =	sst s2  }
0xb: {  	[smem:$0x3FA7] =	sst s3  }
0xc: {  	[smem:$0x3FA8] =	sst s4  }
0xd: {  	[smem:$0x3FA9] =	sst s5  }
0xe: {  	[smem:$0x3FAA] =	sst s6  }
0xf: {  	[smem:$0x3FAB] =	sst s7  }
0x10: {  	[smem:$0x3FAC] =	sst s8  }
0x11: {  	[smem:$0x3FAD] =	sst s9;
	s0 =	simm.s32 @!p0 $0x0  }
0x12: {  	s1 =	sld [smem:$0x3F93];
	s0 =	simm.s32 @p0 $0x1  }
0x13: {  	[smem:$0x3FAE] =	sst s0;
	s0 =	simm.s32 @!p1 $0x0  }
0x14: {  	s2 =	sld [smem:$0x3F92];
	s0 =	simm.s32 @p1 $0x1  }
0x15: {  	[smem:$0x3FAF] =	sst s0;
	s0 =	simm.s32 @!p2 $0x0  }
0x16: {  	s3 =	sld [smem:$0x3FDB];
	s0 =	simm.s32 @p2 $0x1  }
0x17: {  	s4 =	simm.s32 $0x1BF5;
	[smem:$0x3FB1] =	sst s0  }
0x18: {  	s0 =	sld [smem:$0x3F94];
	_ =	swait.ge [sflag:s4], $0x0  }
0x19: {  	s7 =	sld [smem:$0x3F95]  }
0x1a: {  	s8 =	sadd.s32 $0xFFFFE003, lr  }
0x1b: {  	s9 =	sadd.s32 $0xFFFFFEF7, lr;
	s5 =	simm.s32 $0xFFFFFFFF;
	p2 =	slt.u32 s8, $0xFFFFF086  }
0x1c: {  	p1 =	slt.u32 s9, $0xF7A;
	s5 =	simm.s32 @!p2 $0x0  }
0x1d: {  	s5 =	simm.s32 @p1 $0x1;
	p0 =	seq.s32 s7, s2  }
0x1e: {  	s7 =	smul.u32 @!p0 $0xF7A, s2;
	p2 =	seq.s32 @!p0 s5, $0x0  }
0x1f: {  	s9 =	smul.u32 $0xF7A, s1;
	s8 =	simm.s32 @!p0 $0x1BF5;
	p2 =	por !p2, p0  }
0x20: {  	[sflag:s8] =	ssyncset.s32 @!p0 $0xFFFFF086;
	s6 =	sadd.s32 @!p0 s3, s7;
	s7 =	simm.s32 @!p0 $0x108  }
0x21: {  	s3 =	sadd.s32 s3, s9;
	s6 =	sadd.s32 @!p0 $0x88, s6;
	s7 =	simm.s32 @p2 $0x1082  }
0x22: {  	[simem:s7], [sflag:s8] =	dma.local @!p0 [hbm:s6], $0xF7A  }
0x23: {  	s9 =	sor.u32 $0xD0000000, s2;
	s6 =	simm.s32 $0x108;
	_ =	swait.ge @!p0 [sflag:s8], $0x0  }
0x24: {  	s3 =	sadd.s32 $0x88, s3;
	s6 =	simm.s32 @!p1 $0x1082;
	[sflag:s4] =	ssyncset.s32 $0xFFFFF086  }
0x25: {  	[simem:s6], [sflag:s4] =	dma.local [hbm:s3], $0xF7A  }
0x26: {  	[smem:$0x3F95] =	sst s1;
	(tag) =	ssettag s2;
	_ =	strace s9  }
0x27: {  	s1 =	sld [smem:$0x3FA5]  }
0x28: {  	s2 =	sld [smem:$0x3FA6]  }
0x29: {  	s4 =	sld [smem:$0x3FA8]  }
0x2a: {  	p0 =	seq.s32 s5, $0x0;
	s5 =	sld [smem:$0x3FA9]  }
0x2b: {  	s6 =	sld [smem:$0x3FAA]  }
0x2c: {  	s7 =	sld [smem:$0x3FAB]  }
0x2d: {  	s3 =	simm.s32 $0x108;
	s8 =	sld [smem:$0x3FAC]  }
0x2e: {  	s3 =	simm.s32 @!p0 $0x1082;
	s9 =	sld [smem:$0x3FAD]  }
0x2f: {  	lr =	sadd.s32 s0, s3;
	s0 =	sld [smem:$0x3FA4]  }
0x30: {  	s3 =	sld [smem:$0x3FA7]  }
0x31: {  	[smem:$0x3FB0] =	sst s10  }
0x32: {  	s10 =	sld [smem:$0x3FAE];
	_ =	sdelay $0x3  }
0x33: {  	p0 =	seq.s32 s10, $0x1;
	s10 =	sld [smem:$0x3FB0];
	_ =	sdelay $0x3  }
0x34: {  	[smem:$0x3FB0] =	sst s10  }
0x35: {  	s10 =	sld [smem:$0x3FAF];
	_ =	sdelay $0x3  }
0x36: {  	p1 =	seq.s32 s10, $0x1;
	s10 =	sld [smem:$0x3FB0];
	_ =	sdelay $0x3  }
0x37: {  	[smem:$0x3FB0] =	sst s10  }
0x38: {  	s10 =	sld [smem:$0x3FB1]  }
0x39: {  	_ = 	snop;
	(pc) =	sbr.ind lr, $3  }
0x3a: {  	_ = 	snop  }
0x3b: {  	_ = 	snop  }
0x3c: {  	p2 =	seq.s32 s10, $0x1;
	s10 =	sld [smem:$0x3FB0]  }
0x3d: {  	_ =	shalt  }
0x3e: {  	_ =	shalt  }
0x3f: {  	_ =	shalt  }
0x40: {  	_ =	shalt  }
0x41: {  	_ =	shalt  }
0x42: {  	_ =	shalt  }
0x43: {  	_ =	shalt  }
0x44: {  	_ =	shalt  }
0x45: {  	_ =	shalt  }
0x46: {  	_ =	shalt  }
0x47: {  	_ =	shalt  }
0x48: {  	_ =	shalt  }
0x49: {  	_ =	shalt  }
0x4a: {  	_ =	shalt  }
0x4b: {  	_ =	shalt  }
0x4c: {  	_ =	shalt  }
0x4d: {  	_ =	shalt  }
0x4e: {  	_ =	shalt  }
0x4f: {  	_ =	shalt  }
0x50: {  	_ =	shalt  }
0x51: {  	_ =	shalt  }
0x52: {  	_ =	shalt  }
0x53: {  	_ =	shalt  }
0x54: {  	_ =	shalt  }
0x55: {  	_ =	shalt  }
0x56: {  	_ =	shalt  }
0x57: {  	_ =	shalt  }
0x58: {  	_ =	shalt  }
0x59: {  	_ =	shalt  }
0x5a: {  	_ =	shalt  }
0x5b: {  	_ =	shalt  }
0x5c: {  	_ =	shalt  }
0x5d: {  	_ =	shalt  }
0x5e: {  	_ =	shalt  }
0x5f: {  	_ =	shalt  }
0x60: {  	_ =	shalt  }
0x61: {  	_ =	shalt  }
0x62: {  	_ =	shalt  }
0x63: {  	_ =	shalt  }
0x64: {  	_ =	shalt  }
0x65: {  	_ =	shalt  }
0x66: {  	_ =	shalt  }
0x67: {  	_ =	shalt  }
0x68: {  	_ =	shalt  }
0x69: {  	_ =	shalt  }
0x6a: {  	_ =	shalt  }
0x6b: {  	_ =	shalt  }
0x6c: {  	_ =	shalt  }
0x6d: {  	_ =	shalt  }
0x6e: {  	_ =	shalt  }
0x6f: {  	_ =	shalt  }
0x70: {  	_ =	shalt  }
0x71: {  	_ =	shalt  }
0x72: {  	_ =	shalt  }
0x73: {  	_ =	shalt  }
0x74: {  	_ =	shalt  }
0x75: {  	_ =	shalt  }
0x76: {  	_ =	shalt  }
0x77: {  	_ =	shalt  }
0x78: {  	_ =	shalt  }
0x79: {  	_ =	shalt  }
0x7a: {  	_ =	shalt  }
0x7b: {  	_ =	shalt  }
0x7c: {  	_ =	shalt  }
0x7d: {  	_ =	shalt  }
0x7e: {  	_ =	shalt  }
0x7f: {  	_ =	shalt  }
0x80: {  	_ =	shalt  }
0x81: {  	_ =	shalt  }
0x82: {  	_ =	shalt  }
0x83: {  	_ =	shalt  }
0x84: {  	_ =	shalt  }
0x85: {  	_ =	shalt  }
0x86: {  	_ =	shalt  }
0x87: {  	_ =	shalt  }
.Lfunc_end0:
.L_simem_size_0:
called_computation.2_lowered:
.L_overlay_start_0:
0x88: {  	s2 =	sld [smem:$0x3FD9]  }
0x89: {  	s3 =	sld [smem:$0x3FFE];
	_ =	sdelay $0x1  }
0x8a: {  	s1 =	srdreg.scid  }
0x8b: {  	s0 =	sand.u32 $0x1, s1  }
0x8c: {  	s16 =	sshll.u32 s0, $0xA;
	s2 =	sadd.s32 s3, s2  }
0x8d: {  	s2 =	sadd.s32 s2, s16  }
0x8e: {  	[smem:$0x3FBC] =	sst s2  }
0x8f: {  	_ = 	snop  }
0x90: {  	(tm) =	ssettm $0x1  }
0x91: {  	s17 =	sld [smem:$0x3FFB];
	_ =	sdelay $0x3  }
0x92: {  	_ =	strace s17  }
0x93: {  	s2 =	sld [smem:$0x3FFC];
	_ =	sdelay $0x3  }
0x94: {  	_ =	strace s2  }
0x95: {  	s2 =	sld [smem:$0x3FFD];
	_ =	sdelay $0x3  }
0x96: {  	_ =	strace s2  }
0x97: {  	_ =	strace $0x8FFFFFFF  }
0x98: {  	s18 =	sld [smem:$0x3FDB];
	_ =	sdelay $0x1  }
0x99: {  	s19 =	simm.s32 $_scs_section_size  }
0x9a: {  	s4 =	simm.s32 $_size__tile_overlayer_lowered;
	s5 =	simm.s32 $_tile_overlayer_lowered  }
0x9b: {  	s22 =	simm.s32 $0x1BFF;
	s21 =	sshll.u32 s5, $0x1;
	s2 =	sadd.s32 s19, s18  }
0x9c: {  	s6 =	simm.s32 $0x0;
	s20 =	sshll.u32 s4, $0x1;
	s4 =	sadd.s32 s21, s2  }
0x9d: {  	[timem:s6], [sflag:s22] =	dma.local [hbm:s4], s20  }
0x9e: {  	_ =	swait.ge [sflag:s22], s20  }
0x9f: {  	s3 =	ssub.s32 $0x0, s20;
	[sflag:s22] =	ssyncset.done $0x0  }
0xa0: {  	[sflag:s22] =	ssyncadd.s32 s3;
	_ =	sdelay $0x1  }
0xa1: {  	s23 =	simm.s32 $0x1B8B  }
0xa2: {  	_ =	swait.ge [sflag:s23], $0x1  }
0xa3: {  	[sflag:s23] =	ssyncset.done $0x0  }
0xa4: {  	s25 =	simm.s32 $0x1B8E;
	s24 =	sld [smem:$0x3FFE];
	[sflag:s23] =	ssyncadd.s32 $0xFFFFFFFF  }
0xa5: {  	s26 =	simm.s32 $execute0_lowered;
	[smem:$0x3FD2] =	sst s25  }
0xa6: {  	s4 =	sshll.u32 s26, $0x1;
	_ =	strace $0x8000004C;
	[dreg:$0x1] =	wrdreg $0xFFFFFFFF  }
0xa7: {  	s28 =	simm.s32 $_size_execute0_lowered;
	s2 =	sadd.s32 s2, s4;
	[dreg:$0x0] =	wrdreg $0x0  }
0xa8: {  	s4 =	sshll.u32 s28, $0x1;
	[dreg:$0x2] =	wrdreg s2  }
0xa9: {  	[dreg:$0x3] =	wrdreg s4  }
0xaa: {  	[dreg:$0x4] =	wrdreg $0xC0  }
0xab: {  	_ =	task [dreg:s6], $0x5FFFF  }
0xac: {  	[dreg:$0x1] =	wrdreg $0xFFFFFFFF  }
0xad: {  	[dreg:$0x0] =	wrdreg $0x60  }
0xae: {  	[dreg:$0x2] =	wrdreg s24  }
0xaf: {  	[dreg:$0x3] =	wrdreg $0x90A00  }
0xb0: {  	[dreg:$0x4] =	wrdreg $0x1C9200  }
0xb1: {  	[dreg:$0x5] =	wrdreg $0x9  }
0xb2: {  	_ =	task.clear_ibuf [dreg:s6], $0x6FFFF;
	_ =	strace $0x9000004C  }
0xb3: {  	s29 =	simm.s32 $0x9;
	_ =	strace $0x8000004E  }
0xb4: {  	_ =	swait.ge [sflag:s29], $0x1  }
0xb5: {  	[sflag:s29] =	ssyncadd.s32 $0xFFFFFFFF  }
0xb6: {  	_ =	strace $0x9000004E  }
0xb7: {  	_ =	sfence  }
0xb8: {  	s30 =	sld [smem:$0x0];
	_ =	sdelay $0x2  }
0xb9: {  	s31 =	sshll.u32 s1, $0xD;
	s1 =	sshrl.u32 s1, $0x2  }
0xba: {  	s3 =	sand.u32 $0x4000, s31;
	s1 =	sadd.s32 s1, s30  }
0xbb: {  	s0 =	sor.u32 s3, s0;
	s1 =	sshll.u32 s1, $0x11  }
0xbc: {  	s0 =	sor.u32 s1, s0  }
0xbd: {  	s0 =	sadd.s32 $0x8F2B, s0  }
0xbe: {  	[sflag:s0] =	ssyncadd.remote.s32 $0x1  }
0xbf: {  	_ =	sfence.sel $0xFFFF  }
0xc0: {  	[dreg:$0x0] =	wrdreg $0xFFFFFFFF;
	(pc) =	sbr.abs _section_cstart, $3  }
0xc1: {  	[dreg:$0x1] =	wrdreg $0xFFFFFFFF  }
0xc2: {  	_ =	task.clear_ibuf [dreg:s6], $0x2FFFF;
	_ =	strace $0x9FFFFFFF  }
0xc3: {  	(tm) =	ssettm $0x7FFFFFFF  }
tec
execute0_lowered:
.L_overlay_start_1:
0x0: {  	(tag) =	ssettag $0x1  }
0x1: {  	s0 =	rddreg [dreg:$0x0]  }
0x2: {  	s2 =	rddreg [dreg:$0x1];
	s1 =	srdreg.scid  }
0x3: {  	s15 =	stileid.u32;
	s3 =	rddreg [dreg:$0x2];
	s4 =	simm.s32 $0x0  }
0x4: {  	s29 =	simm.s32 $0x400;
	s30 =	simm.s32 $0x7;
	s7 =	smul.u32 $0x271, s15  }
0x5: {  	s31 =	simm.s32 $0x8100;
	s28 =	simm.s32 $0x380;
	s12 =	smul.u32 $0x4E200, s15  }
0x6: {  	s1 =	sand.u32 $0x1, s1;
	[smem:$0x7FF] =	sst s4;
	s14 =	smul.u32 $0x9C40, s15  }
0x7: {  	s5 =	sadd.s32 $0x6CE00, s0;
	s9 =	sadd.s32 $0xAA00, s0;
	s24 =	smul.u32 $0xA000, s15  }
0x8: {  	s25 =	sshll.u32 s15, $0x1;
	s6 =	smul.u32 $0x2710, s1;
	s11 =	ssub.s32 $0x2, s1  }
0x9: {  	_ =	strace $0x8000004D;
	s13 =	sshrl.u32 s11, $0x1;
	s12 =	sshrl.u32 s12, $0x2  }
0xa: {  	s26 =	sshrl.u32 s14, $0x2;
	s16 =	sadd.s32 $0x7D, s7;
	s19 =	sadd.s32 $0xFA, s7  }
0xb: {  	s22 =	sadd.s32 $0x177, s7;
	s8 =	sadd.s32 s7, s6;
	s6 =	sadd.s32 $0x5A00, s0  }
0xc: {  	s17 =	sadd.s32 s12, s2;
	s14 =	sadd.s32 s26, s3;
	s18 =	sshll.u32 s16, $0x7  }
0xd: {  	s12 =	sshll.u32 s16, $0x4;
	s20 =	sshll.u32 s19, $0x7;
	s21 =	sshll.u32 s19, $0x4  }
0xe: {  	s23 =	sshll.u32 s22, $0x7;
	s7 =	sadd.s32 $0x1F4, s7;
	s10 =	sshll.u32 s8, $0x4  }
0xf: {  	s8 =	sshll.u32 s8, $0x1;
	[dreg:$0x5] =	wrdreg s14;
	s12 =	sadd.s32 s12, s3  }
0x10: {  	s26 =	sshll.u32 s7, $0x7;
	s7 =	sshll.u32 s7, $0x4;
	s14 =	simm.s32 $0x88D0  }
0x11: {  	[dreg:$0x4] =	wrdreg s17;
	s10 =	sadd.s32 s10, s0;
	s0 =	sadd.s32 s8, s0  }
0x12: {  	s8 =	ssub.s32 s11, s13;
	s13 =	sadd.s32 s18, s2;
	[dreg:$0x7] =	wrdreg s12  }
0x13: {  	s11 =	sor.u32 s1, s25;
	s12 =	sadd.s32 s20, s2;
	[dreg:$0x6] =	wrdreg s13  }
0x14: {  	s1 =	smul.u32 $0x5000, s1;
	s7 =	sadd.s32 s7, s3;
	[dreg:$0x8] =	wrdreg s12  }
0x15: {  	s25 =	sshll.u32 s22, $0x4;
	s12 =	sadd.s32 s21, s3;
	[dreg:$0xd] =	wrdreg s7  }
0x16: {  	s11 =	smul.u32 $0x5000, s11;
	s13 =	sadd.s32 s26, s2;
	[dreg:$0x9] =	wrdreg s12  }
0x17: {  	s0 =	sadd.s32 $0xBB200, s0;
	s12 =	sadd.s32 s23, s2;
	[dreg:$0xc] =	wrdreg s13  }
0x18: {  	s1 =	sadd.s32 s1, s24;
	s23 =	sadd.s32 $0xC5000, s10;
	[dreg:$0x11] =	wrdreg s0  }
0x19: {  	s24 =	smax.u32 s8, $0x1;
	s0 =	simm.s32 $0x200;
	s13 =	simm.s32 $0x4280  }
0x1a: {  	s8 =	simm.s32 $0x0;
	[dreg:$0xa] =	wrdreg s12;
	s12 =	sadd.s32 s25, s3  }
0x1b: {  	s11 =	sshrl.u32 s11, $0x3;
	s15 =	sor.u32 $0x700, s1;
	s20 =	sor.u32 $0x600, s1  }
0x1c: {  	s21 =	sor.u32 $0x500, s1;
	s1 =	sor.u32 $0x400, s1;
	[dreg:$0x10] =	wrdreg s23  }
0x1d: {  	[dreg:$0x12] =	wrdreg s24;
	s23 =	simm.s32 $0x6;
	s24 =	simm.s32 $0x180  }
0x1e: {  	[dreg:$0xb] =	wrdreg s12;
	s16 =	sadd.s32 s9, s11;
	s19 =	sshrl.u32 s15, $0x3  }
0x1f: {  	s7 =	sshrl.u32 s20, $0x3;
	s11 =	sshrl.u32 s21, $0x3;
	s1 =	sshrl.u32 s1, $0x3  }
0x20: {  	s12 =	simm.s32 $0x2;
	s15 =	simm.s32 $0x5;
	s18 =	sadd.s32 s19, s9  }
0x21: {  	s19 =	sadd.s32 s7, s9;
	s20 =	sadd.s32 s11, s9;
	s21 =	sadd.s32 s1, s9  }
.Ltmp0:
0x22: {  	s22 =	sadd.s32 $0x20, s16;
	[dreg:$0xe] =	wrdreg s16;
	(pc) =	sbr.rel .LBB2_1-.Ltmp0, $4  }
0x23: {  	s25 =	sadd.s32 $0x40, s16;
	s26 =	sadd.s32 $0x60, s16;
	[dreg:$0xf] =	wrdreg s22  }
0x24: {  	s1 =	simm.s32 $0x100;
	s9 =	simm.s32 $0x300;
	[dreg:$0x13] =	wrdreg s25  }
0x25: {  	s11 =	simm.s32 $0x7D;
	s16 =	simm.s32 $0x80;
	[dreg:$0x14] =	wrdreg s26  }
0x26: {  	v0 =	vimm.f32 $0.0e+00;
	s22 =	simm.s32 $0x3;
	s25 =	simm.s32 $0x4;
	s26 =	simm.s32 $0x280  }
.LBB2_6:
0x27: {  	s7 =	stileid.u32;
	[bflag:$0x0] =	sbarrier.arrive $0xFFFF  }
0x28: {  	s7 =	sshll.u32 s7, $0x6;
	s17 =	rddreg [dreg:$0x4]  }
0x29: {  	s10 =	rddreg [dreg:$0x10];
	s7 =	sor.u32 $0x1C07, s7;
	s8 =	sshrl.u32 s17, $0x3  }
0x2a: {  	[hbm:s10], [sflag:s7] =	dma.local [spmem:s8], $0x2710  }
0x2b: {  	_ =	swait.ge [sflag:s30], $0x2710  }
0x2c: {  	[sflag:s30] =	ssyncset.done $0x0;
	s10 =	rddreg [dreg:$0x5]  }
0x2d: {  	[sflag:s30] =	ssyncadd.s32 $0xFFFFD8F0;
	s8 =	sshrl.u32 s10, $0x3;
	s10 =	rddreg [dreg:$0x11]  }
0x2e: {  	[hbm:s10], [sflag:s7] =	dma.local [spmem:s8], $0x4E2  }
0x2f: {  	_ =	swait.ge [sflag:s30], $0x4E2  }
0x30: {  	s7 =	rddreg [dreg:$0x15]  }
0x31: {  	s10 =	rddreg [dreg:$0x12];
	s8 =	sadd.s32 $0x1, s7  }
0x32: {  	p0 =	sne.s32 s8, s10  }
.Ltmp1:
0x33: {  	_ = 	snop;
	(pc) =	sbr.rel @!p0 .LBB2_7-.Ltmp1, $3  }
0x34: {  	_ =	sdelay $0x1  }
0x35: {  	[sflag:s30] =	ssyncset.done $0x0  }
0x36: {  	[sflag:s30] =	ssyncadd.s32 $0xFFFFFB1E  }
.LBB2_1:
0x37: {  	s10 =	simm.s32 $0x440  }
0x38: {  	[tilespmem:s10+$0xFFFFFFD0] =	vst v0  }
0x39: {  	[tilespmem:s10+$0xFFFFFFE0] =	vst v0  }
0x3a: {  	[tilespmem:s10+$0xFFFFFFF0] =	vst v0  }
0x3b: {  	[tilespmem:s10+$0x0] =	vst v0  }
0x3c: {  	[tilespmem:s10+$0x10] =	vst v0  }
0x3d: {  	[tilespmem:s10+$0x20] =	vst v0  }
0x3e: {  	[tilespmem:s10+$0x30] =	vst v0  }
0x3f: {  	[dreg:$0x15] =	wrdreg s8;
	s8 =	simm.s32 $0x0;
	s7 =	simm.s32 $0x40;
	[tilespmem:s10+$0xFFFFFFC0] =	vst v0  }
.LBB2_2:
0x40: {  	p0 =	sne.s32 s7, $0x1F00;
	[tilespmem:s8+$0x8100] =	vst v0;
	s10 =	sadd.s32 $0x80, s10  }
0x41: {  	[tilespmem:s10+$0xFFFFFFD0] =	vst v0  }
0x42: {  	[tilespmem:s10+$0xFFFFFFE0] =	vst v0  }
0x43: {  	[tilespmem:s10+$0xFFFFFFF0] =	vst v0  }
.Ltmp2:
0x44: {  	[tilespmem:s10+$0x0] =	vst v0;
	(pc) =	sbr.rel @p0 .LBB2_2-.Ltmp2, $4  }
0x45: {  	[tilespmem:s10+$0x10] =	vst v0  }
0x46: {  	[tilespmem:s10+$0x20] =	vst v0  }
0x47: {  	[tilespmem:s10+$0x30] =	vst v0  }
0x48: {  	s8 =	sshra.s32 s7, $0x2;
	s7 =	sadd.s32 $0x40, s7;
	[tilespmem:s10+$0xFFFFFFC0] =	vst v0  }
0x49: {  	[tilespmem:s8+$0x8100] =	vst v0  }
0x4a: {  	[spmem:s17] =	stream.linear.scatter [tilespmem:s29], [sflag:$0x7], $0x3E80, $0x38;
	[tilespmem:$0x1F030] =	vst v63  }
0x4b: {  	_ =	swait.ge [sflag:s30], $0x3E80  }
0x4c: {  	[sflag:s30] =	ssyncset.done $0x0  }
0x4d: {  	s7 =	rddreg [dreg:$0x5];
	[sflag:s30] =	ssyncadd.s32 $0xFFFFC180  }
0x4e: {  	[spmem:s7] =	stream.linear.scatter [tilespmem:s31], [sflag:$0x7], $0x7D0, $0x38;
	[tilespmem:$0x1F030] =	vst v63  }
0x4f: {  	_ =	swait.ge [sflag:s30], $0x7D0  }
0x50: {  	[sflag:s30] =	ssyncset.done $0x0  }
0x51: {  	s8 =	rddreg [dreg:$0x6];
	[sflag:s30] =	ssyncadd.s32 $0xFFFFF830  }
0x52: {  	[spmem:s8] =	stream.linear.scatter [tilespmem:s29], [sflag:$0x7], $0x3E80, $0x38;
	[tilespmem:$0x1F030] =	vst v63  }
0x53: {  	_ =	swait.ge [sflag:s30], $0x3E80  }
0x54: {  	[sflag:s30] =	ssyncset.done $0x0  }
0x55: {  	s10 =	rddreg [dreg:$0x7];
	[sflag:s30] =	ssyncadd.s32 $0xFFFFC180  }
0x56: {  	[spmem:s10] =	stream.linear.scatter [tilespmem:s31], [sflag:$0x7], $0x7D0, $0x38;
	[tilespmem:$0x1F030] =	vst v63  }
0x57: {  	_ =	swait.ge [sflag:s30], $0x7D0  }
0x58: {  	[sflag:s30] =	ssyncset.done $0x0  }
0x59: {  	s17 =	rddreg [dreg:$0x8];
	[sflag:s30] =	ssyncadd.s32 $0xFFFFF830  }
0x5a: {  	[spmem:s17] =	stream.linear.scatter [tilespmem:s29], [sflag:$0x7], $0x3E80, $0x38;
	[tilespmem:$0x1F030] =	vst v63  }
0x5b: {  	_ =	swait.ge [sflag:s30], $0x3E80  }
0x5c: {  	[sflag:s30] =	ssyncset.done $0x0  }
0x5d: {  	s8 =	rddreg [dreg:$0x9];
	[sflag:s30] =	ssyncadd.s32 $0xFFFFC180  }
0x5e: {  	[spmem:s8] =	stream.linear.scatter [tilespmem:s31], [sflag:$0x7], $0x7D0, $0x38;
	[tilespmem:$0x1F030] =	vst v63  }
0x5f: {  	_ =	swait.ge [sflag:s30], $0x7D0  }
0x60: {  	[sflag:s30] =	ssyncset.done $0x0  }
0x61: {  	s10 =	rddreg [dreg:$0xa];
	[sflag:s30] =	ssyncadd.s32 $0xFFFFF830  }
0x62: {  	[spmem:s10] =	stream.linear.scatter [tilespmem:s29], [sflag:$0x7], $0x3E80, $0x38;
	[tilespmem:$0x1F030] =	vst v63  }
0x63: {  	_ =	swait.ge [sflag:s30], $0x3E80  }
0x64: {  	[sflag:s30] =	ssyncset.done $0x0  }
0x65: {  	s17 =	rddreg [dreg:$0xb];
	[sflag:s30] =	ssyncadd.s32 $0xFFFFC180  }
0x66: {  	[spmem:s17] =	stream.linear.scatter [tilespmem:s31], [sflag:$0x7], $0x7D0, $0x38;
	[tilespmem:$0x1F030] =	vst v63  }
0x67: {  	_ =	swait.ge [sflag:s30], $0x7D0  }
0x68: {  	[sflag:s30] =	ssyncset.done $0x0  }
0x69: {  	s8 =	rddreg [dreg:$0xc];
	[sflag:s30] =	ssyncadd.s32 $0xFFFFF830  }
0x6a: {  	[spmem:s8] =	stream.linear.scatter [tilespmem:s29], [sflag:$0x7], $0x3E80, $0x38;
	[tilespmem:$0x1F030] =	vst v63  }
0x6b: {  	_ =	swait.ge [sflag:s30], $0x3E80  }
0x6c: {  	[sflag:s30] =	ssyncset.done $0x0  }
0x6d: {  	s10 =	rddreg [dreg:$0xd];
	[sflag:s30] =	ssyncadd.s32 $0xFFFFC180  }
0x6e: {  	[spmem:s10] =	stream.linear.scatter [tilespmem:s31], [sflag:$0x7], $0x7D0, $0x38;
	[tilespmem:$0x1F030] =	vst v63  }
0x6f: {  	_ =	swait.ge [sflag:s30], $0x7D0  }
0x70: {  	[sflag:s30] =	ssyncset.done $0x0  }
0x71: {  	[sflag:s30] =	ssyncadd.s32 $0xFFFFF830  }
0x72: {  	[bflag:$0x0] =	sbarrier.arrive $0xFFFF  }
0x73: {  	s10 =	simm.s32 $0x0;
	s17 =	rddreg [dreg:$0xe]  }
0x74: {  	[tilespmem:s10], [sflag:$0x1] =	stream.linear.gather [hbm4b:s17+s10], $0x100, $0x38;
	[tilespmem:$0x1F030] =	vst v63  }
0x75: {  	s8 =	rddreg [dreg:$0xf]  }
0x76: {  	[tilespmem:s1], [sflag:$0x2] =	stream.linear.gather [hbm4b:s8+s10], $0x100, $0x38;
	[tilespmem:$0x1F030] =	vst v63  }
0x77: {  	s17 =	rddreg [dreg:$0x13]  }
0x78: {  	[tilespmem:s0], [sflag:$0x3] =	stream.linear.gather [hbm4b:s17+s10], $0x100, $0x38;
	[tilespmem:$0x1F030] =	vst v63  }
0x79: {  	s8 =	rddreg [dreg:$0x14];
	s17 =	simm.s32 $0x1  }
0x7a: {  	[tilespmem:s9], [sflag:$0x4] =	stream.linear.gather [hbm4b:s8+s10], $0x100, $0x38;
	[tilespmem:$0x1F030] =	vst v63  }
0x7b: {  	_ =	swait.ge [sflag:s17], $0x100  }
0x7c: {  	[sflag:s17] =	ssyncset.done $0x0  }
0x7d: {  	[sflag:s17] =	ssyncadd.s32 $0xFFFFFF00  }
0x7e: {  	[tilespmem:s29], [sflag:$0x5] =	stream.indirect.gather [hbm4b:s5+s11], $0x80, s10, s11, $0xb8;
	[tilespmem:$0x1F030] =	vst v63  }
0x7f: {  	_ = 	snop  }
0x80: {  	[tilespmem:s31], [sflag:$0x5] =	stream.indirect.gather [hbm4b:s6+s11], $0x10, s10, s11, $0xb8;
	[tilespmem:$0x1F030] =	vst v63  }
0x81: {  	_ =	swait.ge [sflag:s12], $0x100  }
0x82: {  	[sflag:s12] =	ssyncset.done $0x0  }
0x83: {  	[sflag:s12] =	ssyncadd.s32 $0xFFFFFF00  }
0x84: {  	[tilespmem:s13], [sflag:$0x6] =	stream.indirect.gather [hbm4b:s5+s11], $0x80, s1, s11, $0xb8;
	[tilespmem:$0x1F030] =	vst v63  }
0x85: {  	_ = 	snop  }
0x86: {  	[tilespmem:s14], [sflag:$0x6] =	stream.indirect.gather [hbm4b:s6+s11], $0x10, s1, s11, $0xb8;
	[tilespmem:$0x1F030] =	vst v63  }
.LBB2_4:
0x87: {  	_ =	swait.ge [sflag:s15], $0x3E80  }
0x88: {  	[sflag:s15] =	ssyncset.done $0x0  }
0x89: {  	[sflag:s15] =	ssyncadd.s32 $0xFFFFC180  }
0x8a: {  	_ =	swait.ge [sflag:s15], $0x7D0  }
0x8b: {  	[sflag:s15] =	ssyncset.done $0x0  }
0x8c: {  	[sflag:s15] =	ssyncadd.s32 $0xFFFFF830  }
0x8d: {  	[spmem:s2] =	stream.indirect.scatter.add.f32 [tilespmem:s29], [sflag:$0x7], $0x80, s16, s11, $0xb8;
	[tilespmem:$0x1F030] =	vst v63  }
0x8e: {  	_ =	swait.ge [sflag:s30], $0x3E80  }
0x8f: {  	[sflag:s30] =	ssyncset.done $0x0  }
0x90: {  	[sflag:s30] =	ssyncadd.s32 $0xFFFFC180  }
0x91: {  	[spmem:s3] =	stream.indirect.scatter.add.f32 [tilespmem:s31], [sflag:$0x7], $0x10, s16, s11, $0xb8;
	[tilespmem:$0x1F030] =	vst v63  }
0x92: {  	_ =	swait.ge [sflag:s30], $0x7D0  }
0x93: {  	p0 =	seq.s32 s10, $0x980;
	[sflag:s30] =	ssyncset.done $0x0  }
0x94: {  	s7 =	sadd.s32 @!p0 s10, s21;
	s8 =	simm.s32 @!p0 $0x0;
	[sflag:s30] =	ssyncadd.s32 $0xFFFFF830  }
0x95: {  	[tilespmem:s8], [sflag:$0x1] =	stream.linear.gather @!p0 [hbm4b:s7+s8], $0x100, $0x38;
	[tilespmem:$0x1F030] =	vst v63  }
0x96: {  	_ =	swait.ge [sflag:s22], $0x100  }
0x97: {  	[sflag:s22] =	ssyncset.done $0x0  }
0x98: {  	[sflag:s22] =	ssyncadd.s32 $0xFFFFFF00  }
0x99: {  	[tilespmem:s29], [sflag:$0x5] =	stream.indirect.gather [hbm4b:s5+s11], $0x80, s0, s11, $0xb8;
	[tilespmem:$0x1F030] =	vst v63  }
0x9a: {  	_ = 	snop  }
0x9b: {  	[tilespmem:s31], [sflag:$0x5] =	stream.indirect.gather [hbm4b:s6+s11], $0x10, s0, s11, $0xb8;
	[tilespmem:$0x1F030] =	vst v63  }
0x9c: {  	_ =	swait.ge [sflag:s23], $0x3E80  }
0x9d: {  	[sflag:s23] =	ssyncset.done $0x0  }
0x9e: {  	[sflag:s23] =	ssyncadd.s32 $0xFFFFC180  }
0x9f: {  	_ =	swait.ge [sflag:s23], $0x7D0  }
0xa0: {  	[sflag:s23] =	ssyncset.done $0x0  }
0xa1: {  	[sflag:s23] =	ssyncadd.s32 $0xFFFFF830  }
0xa2: {  	[spmem:s2] =	stream.indirect.scatter.add.f32 [tilespmem:s13], [sflag:$0x7], $0x80, s24, s11, $0xb8;
	[tilespmem:$0x1F030] =	vst v63  }
0xa3: {  	_ =	swait.ge [sflag:s30], $0x3E80  }
0xa4: {  	[sflag:s30] =	ssyncset.done $0x0  }
0xa5: {  	[sflag:s30] =	ssyncadd.s32 $0xFFFFC180  }
0xa6: {  	[spmem:s3] =	stream.indirect.scatter.add.f32 [tilespmem:s14], [sflag:$0x7], $0x10, s24, s11, $0xb8;
	[tilespmem:$0x1F030] =	vst v63  }
0xa7: {  	_ =	swait.ge [sflag:s30], $0x7D0  }
0xa8: {  	[sflag:s30] =	ssyncset.done $0x0  }
0xa9: {  	s17 =	simm.s32 @!p0 $0x100;
	s7 =	sadd.s32 @!p0 s10, s20;
	[sflag:s30] =	ssyncadd.s32 $0xFFFFF830  }
0xaa: {  	[tilespmem:s17], [sflag:$0x2] =	stream.linear.gather @!p0 [hbm4b:s7+s8], $0x100, $0x38;
	[tilespmem:$0x1F030] =	vst v63  }
0xab: {  	_ =	swait.ge [sflag:s25], $0x100  }
0xac: {  	[sflag:s25] =	ssyncset.done $0x0  }
0xad: {  	[sflag:s25] =	ssyncadd.s32 $0xFFFFFF00  }
0xae: {  	[tilespmem:s13], [sflag:$0x6] =	stream.indirect.gather [hbm4b:s5+s11], $0x80, s9, s11, $0xb8;
	[tilespmem:$0x1F030] =	vst v63  }
0xaf: {  	_ = 	snop  }
0xb0: {  	[tilespmem:s14], [sflag:$0x6] =	stream.indirect.gather [hbm4b:s6+s11], $0x10, s9, s11, $0xb8;
	[tilespmem:$0x1F030] =	vst v63  }
0xb1: {  	_ =	swait.ge [sflag:s15], $0x3E80  }
0xb2: {  	[sflag:s15] =	ssyncset.done $0x0  }
0xb3: {  	[sflag:s15] =	ssyncadd.s32 $0xFFFFC180  }
0xb4: {  	_ =	swait.ge [sflag:s15], $0x7D0  }
0xb5: {  	[sflag:s15] =	ssyncset.done $0x0  }
0xb6: {  	[sflag:s15] =	ssyncadd.s32 $0xFFFFF830  }
0xb7: {  	[spmem:s2] =	stream.indirect.scatter.add.f32 [tilespmem:s29], [sflag:$0x7], $0x80, s26, s11, $0xb8;
	[tilespmem:$0x1F030] =	vst v63  }
0xb8: {  	_ =	swait.ge [sflag:s30], $0x3E80  }
0xb9: {  	[sflag:s30] =	ssyncset.done $0x0  }
0xba: {  	[sflag:s30] =	ssyncadd.s32 $0xFFFFC180  }
0xbb: {  	[spmem:s3] =	stream.indirect.scatter.add.f32 [tilespmem:s31], [sflag:$0x7], $0x10, s26, s11, $0xb8;
	[tilespmem:$0x1F030] =	vst v63  }
0xbc: {  	_ =	swait.ge [sflag:s30], $0x7D0  }
0xbd: {  	[sflag:s30] =	ssyncset.done $0x0  }
0xbe: {  	s7 =	sadd.s32 @!p0 s10, s19;
	s17 =	simm.s32 @!p0 $0x200;
	[sflag:s30] =	ssyncadd.s32 $0xFFFFF830  }
0xbf: {  	[tilespmem:s17], [sflag:$0x3] =	stream.linear.gather @!p0 [hbm4b:s7+s8], $0x100, $0x38;
	[tilespmem:$0x1F030] =	vst v63  }
0xc0: {  	s7 =	simm.s32 @!p0 $0x1  }
0xc1: {  	_ =	swait.ge @!p0 [sflag:s7], $0x100  }
0xc2: {  	[sflag:s7] =	ssyncset.done @!p0 $0x0  }
0xc3: {  	s17 =	simm.s32 @!p0 $0x400;
	[sflag:s7] =	ssyncadd.s32 @!p0 $0xFFFFFF00;
	s7 =	simm.s32 @!p0 $0x7D  }
0xc4: {  	[tilespmem:s17], [sflag:$0x5] =	stream.indirect.gather @!p0 [hbm4b:s5+s7], $0x80, s8, s7, $0xb8;
	[tilespmem:$0x1F030] =	vst v63  }
0xc5: {  	s17 =	simm.s32 @!p0 $0x8100  }
0xc6: {  	[tilespmem:s17], [sflag:$0x5] =	stream.indirect.gather @!p0 [hbm4b:s6+s7], $0x10, s8, s7, $0xb8;
	[tilespmem:$0x1F030] =	vst v63  }
0xc7: {  	_ =	swait.ge [sflag:s23], $0x3E80  }
0xc8: {  	[sflag:s23] =	ssyncset.done $0x0  }
0xc9: {  	[sflag:s23] =	ssyncadd.s32 $0xFFFFC180  }
0xca: {  	_ =	swait.ge [sflag:s23], $0x7D0  }
0xcb: {  	[sflag:s23] =	ssyncset.done $0x0  }
0xcc: {  	[sflag:s23] =	ssyncadd.s32 $0xFFFFF830  }
0xcd: {  	[spmem:s2] =	stream.indirect.scatter.add.f32 [tilespmem:s13], [sflag:$0x7], $0x80, s28, s11, $0xb8;
	[tilespmem:$0x1F030] =	vst v63  }
0xce: {  	_ =	swait.ge [sflag:s30], $0x3E80  }
0xcf: {  	[sflag:s30] =	ssyncset.done $0x0  }
.Ltmp3:
0xd0: {  	[sflag:s30] =	ssyncadd.s32 $0xFFFFC180;
	(pc) =	sbr.rel @p0 .LBB2_6-.Ltmp3, $4  }
0xd1: {  	[spmem:s3] =	stream.indirect.scatter.add.f32 [tilespmem:s14], [sflag:$0x7], $0x10, s28, s11, $0xb8;
	[tilespmem:$0x1F030] =	vst v63  }
0xd2: {  	_ =	swait.ge [sflag:s30], $0x7D0  }
0xd3: {  	[sflag:s30] =	ssyncset.done $0x0  }
0xd4: {  	[sflag:s30] =	ssyncadd.s32 $0xFFFFF830  }
0xd5: {  	s7 =	sadd.s32 s10, s18  }
0xd6: {  	[tilespmem:s9], [sflag:$0x4] =	stream.linear.gather [hbm4b:s7+s4], $0x100, $0x38;
	[tilespmem:$0x1F030] =	vst v63  }
0xd7: {  	_ =	swait.ge [sflag:s12], $0x100  }
.Ltmp4:
0xd8: {  	[sflag:s12] =	ssyncset.done $0x0;
	(pc) =	sbr.rel .LBB2_4-.Ltmp4, $4  }
0xd9: {  	[sflag:s12] =	ssyncadd.s32 $0xFFFFFF00  }
0xda: {  	[tilespmem:s13], [sflag:$0x6] =	stream.indirect.gather [hbm4b:s5+s11], $0x80, s1, s11, $0xb8;
	[tilespmem:$0x1F030] =	vst v63  }
0xdb: {  	s10 =	sadd.s32 $0x80, s10  }
0xdc: {  	[tilespmem:s14], [sflag:$0x6] =	stream.indirect.gather [hbm4b:s6+s11], $0x10, s1, s11, $0xb8;
	[tilespmem:$0x1F030] =	vst v63  }
.LBB2_7:
0xdd: {  	_ =	sfence.sel $0x180000  }
0xde: {  	[bflag:$0x0] =	sbarrier.arrive $0xFFFF  }
0xdf: {  	_ =	strace $0x9000004D  }
0xe0: {  	s0 =	stileid.u32;
	[bflag:$0x2] =	sbarrier.arrive $0xFFFF  }
0xe1: {  	p0 =	sne.s32 s0, $0x0;
	s0 =	rddreg [dreg:$0x3]  }
0xe2: {  	s0 =	sadd.s32 @!p0 $0x100000, s0  }
0xe3: {  	[sflag:s0] =	ssyncadd.tile.s32 @!p0 $0x1;
	_ =	shalt  }
.Lfunc_end2:
_tile_overlayer_lowered:
.L_overlay_start_2:
0xe4: {  	(tag) =	ssettag $0x2  }
0xe5: {  	s0 =	rddreg [dreg:$0x0];
	s2 =	stileid.u32  }
0xe6: {  	s1 =	rddreg [dreg:$0x1];
	p0 =	sne.s32 s2, $0x0  }
0xe7: {  	s3 =	rddreg [dreg:$0x2];
	[bflag:$0x3] =	sbarrier.arrive $0xFFFF;
	s2 =	simm.s32 @!p0 $0x1C07  }
0xe8: {  	[timem:s3], [sflag:s2] =	dma.local @!p0 [hbm:s0], s1  }
0xe9: {  	s0 =	simm.s32 @!p0 $0x7  }
0xea: {  	_ =	swait.ge @!p0 [sflag:s0], s1  }
0xeb: {  	s1 =	ssub.s32 @!p0 $0x0, s1;
	[sflag:s0] =	ssyncset.done @!p0 $0x0  }
0xec: {  	[sflag:s0] =	ssyncadd.s32 @!p0 s1  }
0xed: {  	[bflag:$0x3] =	sbarrier.arrive $0xFFFF  }
0xee: {  	_ =	shalt  }

</sc_bundles>
